<compile_context>
chip_gen: v7x
topology: tpu7x:2x2x1
jax: 0.10.2.dev20260603
libtpu: 0.0.44.dev20260713+nightly
codegen_flags: <defaults>
</compile_context>

<pallas_src>
import jax
import jax.numpy as jnp
from jax import lax
from jax.experimental import pallas as pl
from jax.experimental.pallas import tpu as pltpu
from jax.experimental.pallas import tpu_sc as plsc

N_MESHES = 16
V_PER = 2048
F_PER = 4096
D_FEAT = 128

NC = 2
NS = 16

F_TOTAL = N_MESHES * F_PER
R_TOTAL = F_TOTAL * 3
CHUNK = 128
NQ = F_TOTAL // CHUNK
NBUF = 4
LOOKAHEAD = NBUF // 2
PHASES = 4
SLABS = 2
SLAB_ROWS = SLABS * V_PER
CPW = 4
CPP = 3 * CPW
IDX_PP = CPP * CHUNK


def _gather_body(fidx_hbm, feats_hbm, out_hbm, idx_v, rows_v, slab_sh, *sems):
    gsems = sems[:NBUF]
    wsems = sems[NBUF:2 * NBUF]
    core = lax.axis_index("c")
    sub = lax.axis_index("s")
    bufs = tuple(rows_v.at[i] for i in range(NBUF))

    for t in range(PHASES):
        slab_row0 = (core * 8 + t * SLABS) * V_PER
        pltpu.sync_copy(
            feats_hbm.at[pl.ds(slab_row0 + sub * (SLAB_ROWS // NS),
                               SLAB_ROWS // NS)],
            slab_sh.at[pl.ds(sub * (SLAB_ROWS // NS), SLAB_ROWS // NS)])
        plsc.subcore_barrier()

        qbase = core * (PHASES * NS * CPW) + t * (NS * CPW) + sub * CPW

        for p in range(3):
            pltpu.sync_copy(
                fidx_hbm.at[pl.ds((p * NQ + qbase) * CHUNK, CPW * CHUNK)],
                idx_v.at[pl.ds(p * CPW * CHUNK, CPW * CHUNK)])

        offv = jnp.full((16,), (sub // 8) * V_PER, dtype=jnp.int32)

        def _prep(i, carry):
            idx_v[pl.ds(i * 16, 16)] = idx_v[pl.ds(i * 16, 16)] + offv
            return carry

        lax.fori_loop(0, IDX_PP // 16, _prep, 0)

        def _gather(i, b):
            return pltpu.make_async_copy(
                slab_sh.at[idx_v.at[pl.ds(i * CHUNK, CHUNK)]],
                bufs[b], gsems[b])

        def _write(i, b):
            p = i // CPW
            k = p * NQ + qbase + (i % CPW)
            return pltpu.make_async_copy(
                bufs[b], out_hbm.at[pl.ds(k * CHUNK, CHUNK)], wsems[b])

        for i in range(LOOKAHEAD):
            _gather(i, i).start()

        def _outer(g, carry):
            for b in range(NBUF):
                i = NBUF * g + b
                _gather(i, b).wait()
                _write(i, b).start()

                nb = (b + LOOKAHEAD) % NBUF

                @pl.when(i >= LOOKAHEAD)
                def _():
                    _write(i - LOOKAHEAD, nb).wait()

                @pl.when(i + LOOKAHEAD < CPP)
                def _():
                    _gather(i + LOOKAHEAD, nb).start()
            return carry

        lax.fori_loop(0, CPP // NBUF, _outer, 0)
        for i in range(CPP - LOOKAHEAD, CPP):
            _write(i, i % NBUF).wait()
        plsc.subcore_barrier()


@jax.jit
def _gather_rows(fidx, feats):
    mesh = plsc.VectorSubcoreMesh(core_axis_name="c", subcore_axis_name="s")
    return pl.kernel(
        _gather_body,
        mesh=mesh,
        out_type=jax.ShapeDtypeStruct((R_TOTAL, D_FEAT), jnp.float32),
        scratch_types=[
            pltpu.VMEM((IDX_PP,), jnp.int32),
            pltpu.VMEM((NBUF, CHUNK, D_FEAT), jnp.float32),
            pltpu.VMEM_SHARED((SLAB_ROWS, D_FEAT), jnp.float32),
        ] + [pltpu.SemaphoreType.DMA] * (2 * NBUF),
    )(fidx, feats)


def _ranges_body(v_ref, out_ref):
    i = pl.program_id(0)
    v = v_ref[...]
    r = jnp.max(v, axis=0) - jnp.min(v, axis=0)
    out_ref[pl.ds(i, 1), :] = r[None, :]


@jax.jit
def _ranges(verts):
    return pl.pallas_call(
        _ranges_body,
        grid=(N_MESHES,),
        in_specs=[pl.BlockSpec((V_PER, 3), lambda i: (i, 0))],
        out_specs=pl.BlockSpec((N_MESHES, 3), lambda i: (0, 0)),
        out_shape=jax.ShapeDtypeStruct((N_MESHES, 3), jnp.float32),
    )(verts)


def kernel(verts, faces, feats):
    fidx = faces.T.reshape(-1)
    rows = _gather_rows(fidx, feats)
    feats_from_faces = rows.reshape(3, F_TOTAL, D_FEAT).transpose(1, 0, 2)
    ranges = _ranges(verts)
    return feats_from_faces, ranges

# --- scband reference (transcript-rebuilt; emitter-appended) ---
"""Pipeline reference for scband-meshes-80281528697031 (READ-ONLY COPY).

The authoritative reference and input builder live on the scoring server;
editing this copy changes nothing except your own understanding.
"""

import jax, jax.numpy as jnp
import numpy as np

N_MESHES = 16
V_PER = 2048
F_PER = 4096
D_FEAT = 128


def setup_inputs(seed: int = 0) -> dict:
    key = jax.random.key(seed)
    k1, k2, k3 = jax.random.split(key, 3)
    verts = jax.random.normal(k1, (N_MESHES * V_PER, 3), dtype=jnp.float32)
    faces = jax.random.randint(k2, (N_MESHES * F_PER, 3), 0, V_PER, dtype=jnp.int32)
    feats = jax.random.normal(k3, (N_MESHES * V_PER, D_FEAT), dtype=jnp.float32)
    return {"verts": verts, "faces": faces, "feats": feats}


def reference(verts, faces, feats):
    # Meshes.__init__ packs ragged per-mesh tensors; here all meshes have equal
    # counts (ragged structure encoded by verts_counts_acc_from_0 offsets).
    # mask_verts_not_padded: all-True since every mesh has V_PER verts.
    mesh_ids_verts = jnp.repeat(jnp.arange(N_MESHES), V_PER)
    # feats_from_faces: per-mesh gather feats[faces] with packed-vertex offsets
    # (equivalent to cat([get_feats_with_mesh_id(i)[get_faces_with_mesh_id(i)]]))
    face_offsets = (jnp.repeat(jnp.arange(N_MESHES), F_PER) * V_PER)[:, None]
    faces_global = faces + face_offsets  # [F_total, 3]
    feats_from_faces = jnp.take(feats, faces_global, axis=0)  # [F_total, 3, D]
    # get_limits / get_ranges: per-mesh min/max over verts (segment reduce)
    vmax = jax.ops.segment_max(verts, mesh_ids_verts, num_segments=N_MESHES)
    vmin = -jax.ops.segment_max(-verts, mesh_ids_verts, num_segments=N_MESHES)
    ranges = vmax - vmin  # [N_MESHES, 3]
    return feats_from_faces, ranges

if __name__ == "__main__":
    import jax
    _d = setup_inputs()
    print(jax.jit(kernel)(*tuple(_d.values())))

</pallas_src>

<mosaic_0001>
#map = affine_map<(d0, d1) -> (0)>
#map1 = affine_map<(d0, d1) -> (0, 0)>
module attributes {stable_mosaic.version = 14 : i64} {
  func.func @_gather_body(%arg0: i32, %arg1: i32, %arg2: memref<196608xi32, #tpu.memory_space<hbm>>, %arg3: memref<32768x128xf32, #tpu.memory_space<hbm>>, %arg4: memref<196608x128xf32, #tpu.memory_space<hbm>>, %arg5: memref<1536xi32, #tpu.memory_space<vmem>>, %arg6: memref<4x128x128xf32, #tpu.memory_space<vmem>>, %arg7: memref<4096x128xf32, #tpu.memory_space<vmem_shared>>, %arg8: memref<!tpu.dma_semaphore, #tpu.memory_space<semaphore_mem>>, %arg9: memref<!tpu.dma_semaphore, #tpu.memory_space<semaphore_mem>>, %arg10: memref<!tpu.dma_semaphore, #tpu.memory_space<semaphore_mem>>, %arg11: memref<!tpu.dma_semaphore, #tpu.memory_space<semaphore_mem>>, %arg12: memref<!tpu.dma_semaphore, #tpu.memory_space<semaphore_mem>>, %arg13: memref<!tpu.dma_semaphore, #tpu.memory_space<semaphore_mem>>, %arg14: memref<!tpu.dma_semaphore, #tpu.memory_space<semaphore_mem>>, %arg15: memref<!tpu.dma_semaphore, #tpu.memory_space<semaphore_mem>>) attributes {dimension_semantics = [#tpu.dimension_semantics<core_parallel>, #tpu.dimension_semantics<subcore_parallel>], iteration_bounds = array<i64: 2, 16>, scalar_prefetch = 0 : i64, scratch_operands = 11 : i64, tpu.core_type = #tpu.core_type<sc_vector_subcore>, window_params = [{transform_indices = #map}, {transform_indices = #map1}, {transform_indices = #map1}]} {
    %mul3A = arith.constant 8 : i32
    %mul3A_0 = arith.muli %arg0, %mul3A : i32
    %add3A = arith.constant 0 : i32
    %add3A_1 = arith.addi %mul3A_0, %add3A : i32
    %mul3A_2 = arith.constant 2048 : i32
    %mul3A_3 = arith.muli %add3A_1, %mul3A_2 : i32
    %mul3A_4 = arith.constant 256 : i32
    %mul3A_5 = arith.muli %arg1, %mul3A_4 : i32
    %add3A_6 = arith.addi %mul3A_3, %mul3A_5 : i32
    %mul3A_7 = arith.constant 256 : i32
    %mul3A_8 = arith.muli %arg1, %mul3A_7 : i32
    "tpu.region"() ({
      %run_scoped3A = tpu.sem_alloc : memref<!tpu.dma_semaphore, #tpu.memory_space<semaphore_mem>>
      %dma_start3A_517 = arith.constant 0 : i32
      %dma_start3A_518 = tpu.memref_slice %arg7[%mul3A_8, %dma_start3A_517] : memref<4096x128xf32, #tpu.memory_space<vmem_shared>> -> memref<256x128xf32, #tpu.memory_space<vmem_shared>>
      %dma_start3A_519 = arith.constant 0 : i32
      %dma_start3A_520 = tpu.memref_slice %arg3[%add3A_6, %dma_start3A_519] : memref<32768x128xf32, #tpu.memory_space<hbm>> -> memref<256x128xf32, #tpu.memory_space<hbm>>
      tpu.enqueue_dma source(%dma_start3A_520 : memref<256x128xf32, #tpu.memory_space<hbm>>) target(%dma_start3A_518 : memref<256x128xf32, #tpu.memory_space<vmem_shared>>) target_semaphore(%run_scoped3A : memref<!tpu.dma_semaphore, #tpu.memory_space<semaphore_mem>>)
      %dma_wait3A_521 = arith.constant 0 : i32
      %dma_wait3A_522 = tpu.memref_slice %arg7[%mul3A_8, %dma_wait3A_521] : memref<4096x128xf32, #tpu.memory_space<vmem_shared>> -> memref<256x128xf32, #tpu.memory_space<vmem_shared>>
      %dma_wait3A_523 = arith.constant 0 : i32
      %dma_wait3A_524 = tpu.memref_slice %arg3[%add3A_6, %dma_wait3A_523] : memref<32768x128xf32, #tpu.memory_space<hbm>> -> memref<256x128xf32, #tpu.memory_space<hbm>>
      tpu.wait_dma2 semaphore(%run_scoped3A : memref<!tpu.dma_semaphore, #tpu.memory_space<semaphore_mem>>) src(%dma_wait3A_524 : memref<256x128xf32, #tpu.memory_space<hbm>>) dst(%dma_wait3A_522 : memref<256x128xf32, #tpu.memory_space<vmem_shared>>)
      tpu.yield
    }) : () -> ()
    %barrier3A = arith.constant 0 : index
    tpu.barrier barrier_id(%barrier3A)
    %mul3A_9 = arith.constant 256 : i32
    %mul3A_10 = arith.muli %arg0, %mul3A_9 : i32
    %add3A_11 = arith.constant 0 : i32
    %add3A_12 = arith.addi %mul3A_10, %add3A_11 : i32
    %mul3A_13 = arith.constant 4 : i32
    %mul3A_14 = arith.muli %arg1, %mul3A_13 : i32
    %add3A_15 = arith.addi %add3A_12, %mul3A_14 : i32
    %add3A_16 = arith.constant 0 : i32
    %add3A_17 = arith.addi %add3A_16, %add3A_15 : i32
    %mul3A_18 = arith.constant 128 : i32
    %mul3A_19 = arith.muli %add3A_17, %mul3A_18 : i32
    "tpu.region"() ({
      %run_scoped3A = tpu.sem_alloc : memref<!tpu.dma_semaphore, #tpu.memory_space<semaphore_mem>>
      %dma_start3A_517 = arith.constant 0 : i32
      %dma_start3A_518 = tpu.memref_slice %arg5[%dma_start3A_517] : memref<1536xi32, #tpu.memory_space<vmem>> -> memref<512xi32, #tpu.memory_space<vmem>>
      %dma_start3A_519 = tpu.memref_slice %arg2[%mul3A_19] : memref<196608xi32, #tpu.memory_space<hbm>> -> memref<512xi32, #tpu.memory_space<hbm>>
      %dma_start3A_520 = arith.constant 0 : i32
      %dma_start3A_521 = tpu.memref_slice %arg5[%dma_start3A_520] : memref<1536xi32, #tpu.memory_space<vmem>> -> memref<512xi32, #tpu.memory_space<vmem>>
      %dma_start3A_522 = tpu.memref_slice %arg2[%mul3A_19] : memref<196608xi32, #tpu.memory_space<hbm>> -> memref<512xi32, #tpu.memory_space<hbm>>
      tpu.enqueue_dma source(%dma_start3A_522 : memref<512xi32, #tpu.memory_space<hbm>>) target(%dma_start3A_521 : memref<512xi32, #tpu.memory_space<vmem>>) target_semaphore(%run_scoped3A : memref<!tpu.dma_semaphore, #tpu.memory_space<semaphore_mem>>)
      %dma_wait3A_523 = arith.constant 0 : i32
      %dma_wait3A_524 = tpu.memref_slice %arg5[%dma_wait3A_523] : memref<1536xi32, #tpu.memory_space<vmem>> -> memref<512xi32, #tpu.memory_space<vmem>>
      %dma_wait3A_525 = tpu.memref_slice %arg2[%mul3A_19] : memref<196608xi32, #tpu.memory_space<hbm>> -> memref<512xi32, #tpu.memory_space<hbm>>
      %dma_wait3A_526 = arith.constant 0 : i32
      %dma_wait3A_527 = tpu.memref_slice %arg5[%dma_wait3A_526] : memref<1536xi32, #tpu.memory_space<vmem>> -> memref<512xi32, #tpu.memory_space<vmem>>
      %dma_wait3A_528 = tpu.memref_slice %arg2[%mul3A_19] : memref<196608xi32, #tpu.memory_space<hbm>> -> memref<512xi32, #tpu.memory_space<hbm>>
      tpu.wait_dma2 semaphore(%run_scoped3A : memref<!tpu.dma_semaphore, #tpu.memory_space<semaphore_mem>>) src(%dma_wait3A_528 : memref<512xi32, #tpu.memory_space<hbm>>) dst(%dma_wait3A_527 : memref<512xi32, #tpu.memory_space<vmem>>)
      tpu.yield
    }) : () -> ()
    %add3A_20 = arith.constant 512 : i32
    %add3A_21 = arith.addi %add3A_20, %add3A_15 : i32
    %mul3A_22 = arith.constant 128 : i32
    %mul3A_23 = arith.muli %add3A_21, %mul3A_22 : i32
    "tpu.region"() ({
      %run_scoped3A = tpu.sem_alloc : memref<!tpu.dma_semaphore, #tpu.memory_space<semaphore_mem>>
      %dma_start3A_517 = arith.constant 512 : i32
      %dma_start3A_518 = tpu.memref_slice %arg5[%dma_start3A_517] : memref<1536xi32, #tpu.memory_space<vmem>> -> memref<512xi32, #tpu.memory_space<vmem>>
      %dma_start3A_519 = tpu.memref_slice %arg2[%mul3A_23] : memref<196608xi32, #tpu.memory_space<hbm>> -> memref<512xi32, #tpu.memory_space<hbm>>
      %dma_start3A_520 = arith.constant 512 : i32
      %dma_start3A_521 = tpu.memref_slice %arg5[%dma_start3A_520] : memref<1536xi32, #tpu.memory_space<vmem>> -> memref<512xi32, #tpu.memory_space<vmem>>
      %dma_start3A_522 = tpu.memref_slice %arg2[%mul3A_23] : memref<196608xi32, #tpu.memory_space<hbm>> -> memref<512xi32, #tpu.memory_space<hbm>>
      tpu.enqueue_dma source(%dma_start3A_522 : memref<512xi32, #tpu.memory_space<hbm>>) target(%dma_start3A_521 : memref<512xi32, #tpu.memory_space<vmem>>) target_semaphore(%run_scoped3A : memref<!tpu.dma_semaphore, #tpu.memory_space<semaphore_mem>>)
      %dma_wait3A_523 = arith.constant 512 : i32
      %dma_wait3A_524 = tpu.memref_slice %arg5[%dma_wait3A_523] : memref<1536xi32, #tpu.memory_space<vmem>> -> memref<512xi32, #tpu.memory_space<vmem>>
      %dma_wait3A_525 = tpu.memref_slice %arg2[%mul3A_23] : memref<196608xi32, #tpu.memory_space<hbm>> -> memref<512xi32, #tpu.memory_space<hbm>>
      %dma_wait3A_526 = arith.constant 512 : i32
      %dma_wait3A_527 = tpu.memref_slice %arg5[%dma_wait3A_526] : memref<1536xi32, #tpu.memory_space<vmem>> -> memref<512xi32, #tpu.memory_space<vmem>>
      %dma_wait3A_528 = tpu.memref_slice %arg2[%mul3A_23] : memref<196608xi32, #tpu.memory_space<hbm>> -> memref<512xi32, #tpu.memory_space<hbm>>
      tpu.wait_dma2 semaphore(%run_scoped3A : memref<!tpu.dma_semaphore, #tpu.memory_space<semaphore_mem>>) src(%dma_wait3A_528 : memref<512xi32, #tpu.memory_space<hbm>>) dst(%dma_wait3A_527 : memref<512xi32, #tpu.memory_space<vmem>>)
      tpu.yield
    }) : () -> ()
    %add3A_24 = arith.constant 1024 : i32
    %add3A_25 = arith.addi %add3A_24, %add3A_15 : i32
    %mul3A_26 = arith.constant 128 : i32
    %mul3A_27 = arith.muli %add3A_25, %mul3A_26 : i32
    "tpu.region"() ({
      %run_scoped3A = tpu.sem_alloc : memref<!tpu.dma_semaphore, #tpu.memory_space<semaphore_mem>>
      %dma_start3A_517 = arith.constant 1024 : i32
      %dma_start3A_518 = tpu.memref_slice %arg5[%dma_start3A_517] : memref<1536xi32, #tpu.memory_space<vmem>> -> memref<512xi32, #tpu.memory_space<vmem>>
      %dma_start3A_519 = tpu.memref_slice %arg2[%mul3A_27] : memref<196608xi32, #tpu.memory_space<hbm>> -> memref<512xi32, #tpu.memory_space<hbm>>
      %dma_start3A_520 = arith.constant 1024 : i32
      %dma_start3A_521 = tpu.memref_slice %arg5[%dma_start3A_520] : memref<1536xi32, #tpu.memory_space<vmem>> -> memref<512xi32, #tpu.memory_space<vmem>>
      %dma_start3A_522 = tpu.memref_slice %arg2[%mul3A_27] : memref<196608xi32, #tpu.memory_space<hbm>> -> memref<512xi32, #tpu.memory_space<hbm>>
      tpu.enqueue_dma source(%dma_start3A_522 : memref<512xi32, #tpu.memory_space<hbm>>) target(%dma_start3A_521 : memref<512xi32, #tpu.memory_space<vmem>>) target_semaphore(%run_scoped3A : memref<!tpu.dma_semaphore, #tpu.memory_space<semaphore_mem>>)
      %dma_wait3A_523 = arith.constant 1024 : i32
      %dma_wait3A_524 = tpu.memref_slice %arg5[%dma_wait3A_523] : memref<1536xi32, #tpu.memory_space<vmem>> -> memref<512xi32, #tpu.memory_space<vmem>>
      %dma_wait3A_525 = tpu.memref_slice %arg2[%mul3A_27] : memref<196608xi32, #tpu.memory_space<hbm>> -> memref<512xi32, #tpu.memory_space<hbm>>
      %dma_wait3A_526 = arith.constant 1024 : i32
      %dma_wait3A_527 = tpu.memref_slice %arg5[%dma_wait3A_526] : memref<1536xi32, #tpu.memory_space<vmem>> -> memref<512xi32, #tpu.memory_space<vmem>>
      %dma_wait3A_528 = tpu.memref_slice %arg2[%mul3A_27] : memref<196608xi32, #tpu.memory_space<hbm>> -> memref<512xi32, #tpu.memory_space<hbm>>
      tpu.wait_dma2 semaphore(%run_scoped3A : memref<!tpu.dma_semaphore, #tpu.memory_space<semaphore_mem>>) src(%dma_wait3A_528 : memref<512xi32, #tpu.memory_space<hbm>>) dst(%dma_wait3A_527 : memref<512xi32, #tpu.memory_space<vmem>>)
      tpu.yield
    }) : () -> ()
    %jit3A = arith.constant 8 : i32
    %div3A = arith.divsi %arg1, %jit3A : i32
    %sign3A = arith.constant 0 : i32
    %sign3A_28 = arith.cmpi sgt, %arg1, %sign3A : i32
    %sign3A_29 = arith.extui %sign3A_28 : i1 to i32
    %sign3A_30 = arith.constant 0 : i32
    %sign3A_31 = arith.cmpi slt, %arg1, %sign3A_30 : i32
    %sign3A_32 = arith.extui %sign3A_31 : i1 to i32
    %sign3A_33 = arith.subi %sign3A_29, %sign3A_32 : i32
    %sign3A_34 = arith.constant 0 : i32
    %sign3A_35 = arith.cmpi sgt, %jit3A, %sign3A_34 : i32
    %sign3A_36 = arith.extui %sign3A_35 : i1 to i32
    %sign3A_37 = arith.constant 0 : i32
    %sign3A_38 = arith.cmpi slt, %jit3A, %sign3A_37 : i32
    %sign3A_39 = arith.extui %sign3A_38 : i1 to i32
    %sign3A_40 = arith.subi %sign3A_36, %sign3A_39 : i32
    %ne3A = arith.cmpi ne, %sign3A_33, %sign3A_40 : i32
    %rem3A = arith.remsi %arg1, %jit3A : i32
    %ne3A_41 = arith.constant 0 : i32
    %ne3A_42 = arith.cmpi ne, %rem3A, %ne3A_41 : i32
    %and3A = arith.andi %ne3A, %ne3A_42 : i1
    %sub3A = arith.constant 1 : i32
    %sub3A_43 = arith.subi %div3A, %sub3A : i32
    %select_n3A = arith.select %and3A, %sub3A_43, %div3A : i32
    %mul3A_44 = arith.constant 2048 : i32
    %mul3A_45 = arith.muli %select_n3A, %mul3A_44 : i32
    %broadcast_in_dim3A = vector.broadcast %mul3A_45 : i32 to vector<16xi32>
    %scan3A = arith.constant 0 : i32
    %scan3A_46 = arith.constant 0 : i32
    %scan3A_47 = arith.constant 96 : i32
    %scan3A_48 = arith.addi %scan3A_46, %scan3A_47 : i32
    %scan3A_49 = arith.constant 1 : i32
    scf.for %scan3A_517 = %scan3A_46 to %scan3A_48 step %scan3A_49  : i32 {
      %mul3A_518 = arith.constant 16 : i32
      %mul3A_519 = arith.muli %scan3A_517, %mul3A_518 : i32
      %get3A = arith.index_cast %mul3A_519 : i32 to index
      %get3A_520 = tpu.vector_load %arg5[%get3A] {strides = array<i32>} : memref<1536xi32, #tpu.memory_space<vmem>>, vector<16xi32>,
      %get3A_521 = vector.shape_cast %get3A_520 : vector<16xi32> to vector<16xi32>
      %add3A_522 = arith.addi %get3A_521, %broadcast_in_dim3A : vector<16xi32>
      %mul3A_523 = arith.constant 16 : i32
      %mul3A_524 = arith.muli %scan3A_517, %mul3A_523 : i32
      %swap3A = arith.index_cast %mul3A_524 : i32 to index
      %swap3A_525 = tpu.vector_load %arg5[%swap3A] {strides = array<i32>} : memref<1536xi32, #tpu.memory_space<vmem>>, vector<16xi32>,
      %swap3A_526 = vector.shape_cast %swap3A_525 : vector<16xi32> to vector<16xi32>
      %swap3A_527 = vector.shape_cast %add3A_522 : vector<16xi32> to vector<16xi32>
      tpu.vector_store %arg5[%swap3A], %swap3A_527 {strides = array<i32>} : memref<1536xi32, #tpu.memory_space<vmem>>, vector<16xi32>,
    }
    %scan3A_50 = arith.constant 96 : i32
    %dma_start3A = arith.constant 0 : i32
    %dma_start3A_51 = arith.constant 0 : i32
    %dma_start3A_52 = arith.constant 0 : i32
    %dma_start3A_53 = tpu.memref_slice %arg6[%dma_start3A, %dma_start3A_51, %dma_start3A_52] : memref<4x128x128xf32, #tpu.memory_space<vmem>> -> memref<1x128x128xf32, #tpu.memory_space<vmem>>
    %dma_start3A_54 = tpu.memref_squeeze %dma_start3A_53 : memref<1x128x128xf32, #tpu.memory_space<vmem>> -> memref<128x128xf32, #tpu.memory_space<vmem>>
    %dma_start3A_55 = arith.constant 0 : i32
    %dma_start3A_56 = tpu.memref_slice %arg5[%dma_start3A_55] : memref<1536xi32, #tpu.memory_space<vmem>> -> memref<128xi32, #tpu.memory_space<vmem>>
    %dma_start3A_57 = arith.constant 0 : i32
    %dma_start3A_58 = arith.constant 0 : i32
    %dma_start3A_59 = tpu.memref_slice %arg7[%dma_start3A_57, %dma_start3A_58] : memref<4096x128xf32, #tpu.memory_space<vmem_shared>> -> memref<4096x128xf32, #tpu.memory_space<vmem_shared>>
    tpu.enqueue_indirect_dma source(%dma_start3A_59 : memref<4096x128xf32, #tpu.memory_space<vmem_shared>>) target(%dma_start3A_54 : memref<128x128xf32, #tpu.memory_space<vmem>>) offsets(%dma_start3A_56 : memref<128xi32, #tpu.memory_space<vmem>>) semaphore(%arg8 : memref<!tpu.dma_semaphore, #tpu.memory_space<semaphore_mem>>)
    %dma_start3A_60 = arith.constant 1 : i32
    %dma_start3A_61 = arith.constant 0 : i32
    %dma_start3A_62 = arith.constant 0 : i32
    %dma_start3A_63 = tpu.memref_slice %arg6[%dma_start3A_60, %dma_start3A_61, %dma_start3A_62] : memref<4x128x128xf32, #tpu.memory_space<vmem>> -> memref<1x128x128xf32, #tpu.memory_space<vmem>>
    %dma_start3A_64 = tpu.memref_squeeze %dma_start3A_63 : memref<1x128x128xf32, #tpu.memory_space<vmem>> -> memref<128x128xf32, #tpu.memory_space<vmem>>
    %dma_start3A_65 = arith.constant 128 : i32
    %dma_start3A_66 = tpu.memref_slice %arg5[%dma_start3A_65] : memref<1536xi32, #tpu.memory_space<vmem>> -> memref<128xi32, #tpu.memory_space<vmem>>
    %dma_start3A_67 = arith.constant 0 : i32
    %dma_start3A_68 = arith.constant 0 : i32
    %dma_start3A_69 = tpu.memref_slice %arg7[%dma_start3A_67, %dma_start3A_68] : memref<4096x128xf32, #tpu.memory_space<vmem_shared>> -> memref<4096x128xf32, #tpu.memory_space<vmem_shared>>
    tpu.enqueue_indirect_dma source(%dma_start3A_69 : memref<4096x128xf32, #tpu.memory_space<vmem_shared>>) target(%dma_start3A_64 : memref<128x128xf32, #tpu.memory_space<vmem>>) offsets(%dma_start3A_66 : memref<128xi32, #tpu.memory_space<vmem>>) semaphore(%arg9 : memref<!tpu.dma_semaphore, #tpu.memory_space<semaphore_mem>>)
    %scan3A_70 = arith.constant 0 : i32
    %scan3A_71 = arith.constant 0 : i32
    %scan3A_72 = arith.constant 2 : i32
    %scan3A_73 = arith.constant 1 : i32
    %scan3A_74 = arith.constant 3 : i32
    %scan3A_75 = arith.constant 0 : i32
    %scan3A_76 = arith.constant 3 : i32
    %scan3A_77 = arith.addi %scan3A_75, %scan3A_76 : i32
    %scan3A_78 = arith.constant 1 : i32
    scf.for %scan3A_517 = %scan3A_75 to %scan3A_77 step %scan3A_78  : i32 {
      %mul3A_518 = arith.constant 4 : i32
      %mul3A_519 = arith.muli %mul3A_518, %scan3A_517 : i32
      %add3A_520 = arith.constant 0 : i32
      %add3A_521 = arith.addi %mul3A_519, %add3A_520 : i32
      %mul3A_522 = arith.constant 128 : i32
      %mul3A_523 = arith.muli %add3A_521, %mul3A_522 : i32
      %dma_wait3A_524 = arith.constant 0 : i32
      %dma_wait3A_525 = arith.constant 0 : i32
      %dma_wait3A_526 = tpu.memref_slice %arg6[%scan3A_71, %dma_wait3A_524, %dma_wait3A_525] : memref<4x128x128xf32, #tpu.memory_space<vmem>> -> memref<1x128x128xf32, #tpu.memory_space<vmem>>
      %dma_wait3A_527 = tpu.memref_squeeze %dma_wait3A_526 : memref<1x128x128xf32, #tpu.memory_space<vmem>> -> memref<128x128xf32, #tpu.memory_space<vmem>>
      %dma_wait3A_528 = tpu.memref_slice %arg5[%mul3A_523] : memref<1536xi32, #tpu.memory_space<vmem>> -> memref<128xi32, #tpu.memory_space<vmem>>
      %dma_wait3A_529 = arith.constant 0 : i32
      %dma_wait3A_530 = arith.constant 0 : i32
      %dma_wait3A_531 = tpu.memref_slice %arg7[%dma_wait3A_529, %dma_wait3A_530] : memref<4096x128xf32, #tpu.memory_space<vmem_shared>> -> memref<4096x128xf32, #tpu.memory_space<vmem_shared>>
      tpu.wait_indirect_dma semaphore(%arg8 : memref<!tpu.dma_semaphore, #tpu.memory_space<semaphore_mem>>) src(%dma_wait3A_531 : memref<4096x128xf32, #tpu.memory_space<vmem_shared>>) dst(%dma_wait3A_527 : memref<128x128xf32, #tpu.memory_space<vmem>>)
      %jit3A_532 = arith.constant 4 : i32
      %div3A_533 = arith.divsi %add3A_521, %jit3A_532 : i32
      %sign3A_534 = arith.constant 0 : i32
      %sign3A_535 = arith.cmpi sgt, %add3A_521, %sign3A_534 : i32
      %sign3A_536 = arith.extui %sign3A_535 : i1 to i32
      %sign3A_537 = arith.constant 0 : i32
      %sign3A_538 = arith.cmpi slt, %add3A_521, %sign3A_537 : i32
      %sign3A_539 = arith.extui %sign3A_538 : i1 to i32
      %sign3A_540 = arith.subi %sign3A_536, %sign3A_539 : i32
      %sign3A_541 = arith.constant 0 : i32
      %sign3A_542 = arith.cmpi sgt, %jit3A_532, %sign3A_541 : i32
      %sign3A_543 = arith.extui %sign3A_542 : i1 to i32
      %sign3A_544 = arith.constant 0 : i32
      %sign3A_545 = arith.cmpi slt, %jit3A_532, %sign3A_544 : i32
      %sign3A_546 = arith.extui %sign3A_545 : i1 to i32
      %sign3A_547 = arith.subi %sign3A_543, %sign3A_546 : i32
      %ne3A_548 = arith.cmpi ne, %sign3A_540, %sign3A_547 : i32
      %rem3A_549 = arith.remsi %add3A_521, %jit3A_532 : i32
      %ne3A_550 = arith.constant 0 : i32
      %ne3A_551 = arith.cmpi ne, %rem3A_549, %ne3A_550 : i32
      %and3A_552 = arith.andi %ne3A_548, %ne3A_551 : i1
      %sub3A_553 = arith.constant 1 : i32
      %sub3A_554 = arith.subi %div3A_533, %sub3A_553 : i32
      %select_n3A_555 = arith.select %and3A_552, %sub3A_554, %div3A_533 : i32
      %mul3A_556 = arith.constant 512 : i32
      %mul3A_557 = arith.muli %select_n3A_555, %mul3A_556 : i32
      %add3A_558 = arith.addi %mul3A_557, %add3A_15 : i32
      %jit3A_559 = arith.constant 4 : i32
      %eq3A = arith.constant 0 : i32
      %eq3A_560 = arith.cmpi eq, %jit3A_559, %eq3A : i32
      %jit3A_561 = arith.constant 1 : i32
      %select_n3A_562 = arith.select %eq3A_560, %jit3A_561, %jit3A_559 : i32
      %rem3A_563 = arith.remsi %add3A_521, %select_n3A_562 : i32
      %ne3A_564 = arith.constant 0 : i32
      %ne3A_565 = arith.cmpi ne, %rem3A_563, %ne3A_564 : i32
      %lt3A = arith.constant 0 : i32
      %lt3A_566 = arith.cmpi slt, %rem3A_563, %lt3A : i32
      %lt3A_567 = arith.constant 0 : i32
      %lt3A_568 = arith.cmpi slt, %select_n3A_562, %lt3A_567 : i32
      %ne3A_569 = arith.xori %lt3A_566, %lt3A_568 : i1
      %and3A_570 = arith.andi %ne3A_569, %ne3A_565 : i1
      %add3A_571 = arith.addi %rem3A_563, %select_n3A_562 : i32
      %select_n3A_572 = arith.select %and3A_570, %add3A_571, %rem3A_563 : i32
      %add3A_573 = arith.addi %add3A_558, %select_n3A_572 : i32
      %mul3A_574 = arith.constant 128 : i32
      %mul3A_575 = arith.muli %add3A_573, %mul3A_574 : i32
      %dma_start3A_576 = arith.constant 0 : i32
      %dma_start3A_577 = arith.constant 0 : i32
      %dma_start3A_578 = tpu.memref_slice %arg6[%scan3A_71, %dma_start3A_576, %dma_start3A_577] : memref<4x128x128xf32, #tpu.memory_space<vmem>> -> memref<1x128x128xf32, #tpu.memory_space<vmem>>
      %dma_start3A_579 = tpu.memref_squeeze %dma_start3A_578 : memref<1x128x128xf32, #tpu.memory_space<vmem>> -> memref<128x128xf32, #tpu.memory_space<vmem>>
      %dma_start3A_580 = arith.constant 0 : i32
      %dma_start3A_581 = tpu.memref_slice %arg4[%mul3A_575, %dma_start3A_580] : memref<196608x128xf32, #tpu.memory_space<hbm>> -> memref<128x128xf32, #tpu.memory_space<hbm>>
      %dma_start3A_582 = arith.constant 0 : i32
      %dma_start3A_583 = tpu.memref_slice %arg4[%mul3A_575, %dma_start3A_582] : memref<196608x128xf32, #tpu.memory_space<hbm>> -> memref<128x128xf32, #tpu.memory_space<hbm>>
      %dma_start3A_584 = arith.constant 0 : i32
      %dma_start3A_585 = arith.constant 0 : i32
      %dma_start3A_586 = tpu.memref_slice %arg6[%scan3A_71, %dma_start3A_584, %dma_start3A_585] : memref<4x128x128xf32, #tpu.memory_space<vmem>> -> memref<1x128x128xf32, #tpu.memory_space<vmem>>
      %dma_start3A_587 = tpu.memref_squeeze %dma_start3A_586 : memref<1x128x128xf32, #tpu.memory_space<vmem>> -> memref<128x128xf32, #tpu.memory_space<vmem>>
      tpu.enqueue_dma source(%dma_start3A_587 : memref<128x128xf32, #tpu.memory_space<vmem>>) target(%dma_start3A_583 : memref<128x128xf32, #tpu.memory_space<hbm>>) target_semaphore(%arg12 : memref<!tpu.dma_semaphore, #tpu.memory_space<semaphore_mem>>)
      %ge3A = arith.constant 2 : i32
      %ge3A_588 = arith.cmpi sge, %add3A_521, %ge3A : i32
      %convert_element_type3A = arith.extui %ge3A_588 : i1 to i32
      %cond3A = arith.constant 0 : i32
      %cond3A_589 = arith.cmpi ne, %convert_element_type3A, %cond3A : i32
      scf.if %cond3A_589 {
        %sub3A_849 = arith.constant 2 : i32
        %sub3A_850 = arith.subi %add3A_521, %sub3A_849 : i32
        %jit3A_851 = arith.constant 4 : i32
        %div3A_852 = arith.divsi %sub3A_850, %jit3A_851 : i32
        %sign3A_853 = arith.constant 0 : i32
        %sign3A_854 = arith.cmpi sgt, %sub3A_850, %sign3A_853 : i32
        %sign3A_855 = arith.extui %sign3A_854 : i1 to i32
        %sign3A_856 = arith.constant 0 : i32
        %sign3A_857 = arith.cmpi slt, %sub3A_850, %sign3A_856 : i32
        %sign3A_858 = arith.extui %sign3A_857 : i1 to i32
        %sign3A_859 = arith.subi %sign3A_855, %sign3A_858 : i32
        %sign3A_860 = arith.constant 0 : i32
        %sign3A_861 = arith.cmpi sgt, %jit3A_851, %sign3A_860 : i32
        %sign3A_862 = arith.extui %sign3A_861 : i1 to i32
        %sign3A_863 = arith.constant 0 : i32
        %sign3A_864 = arith.cmpi slt, %jit3A_851, %sign3A_863 : i32
        %sign3A_865 = arith.extui %sign3A_864 : i1 to i32
        %sign3A_866 = arith.subi %sign3A_862, %sign3A_865 : i32
        %ne3A_867 = arith.cmpi ne, %sign3A_859, %sign3A_866 : i32
        %rem3A_868 = arith.remsi %sub3A_850, %jit3A_851 : i32
        %ne3A_869 = arith.constant 0 : i32
        %ne3A_870 = arith.cmpi ne, %rem3A_868, %ne3A_869 : i32
        %and3A_871 = arith.andi %ne3A_867, %ne3A_870 : i1
        %sub3A_872 = arith.constant 1 : i32
        %sub3A_873 = arith.subi %div3A_852, %sub3A_872 : i32
        %select_n3A_874 = arith.select %and3A_871, %sub3A_873, %div3A_852 : i32
        %mul3A_875 = arith.constant 512 : i32
        %mul3A_876 = arith.muli %select_n3A_874, %mul3A_875 : i32
        %add3A_877 = arith.addi %mul3A_876, %add3A_15 : i32
        %jit3A_878 = arith.constant 4 : i32
        %eq3A_879 = arith.constant 0 : i32
        %eq3A_880 = arith.cmpi eq, %jit3A_878, %eq3A_879 : i32
        %jit3A_881 = arith.constant 1 : i32
        %select_n3A_882 = arith.select %eq3A_880, %jit3A_881, %jit3A_878 : i32
        %rem3A_883 = arith.remsi %sub3A_850, %select_n3A_882 : i32
        %ne3A_884 = arith.constant 0 : i32
        %ne3A_885 = arith.cmpi ne, %rem3A_883, %ne3A_884 : i32
        %lt3A_886 = arith.constant 0 : i32
        %lt3A_887 = arith.cmpi slt, %rem3A_883, %lt3A_886 : i32
        %lt3A_888 = arith.constant 0 : i32
        %lt3A_889 = arith.cmpi slt, %select_n3A_882, %lt3A_888 : i32
        %ne3A_890 = arith.xori %lt3A_887, %lt3A_889 : i1
        %and3A_891 = arith.andi %ne3A_890, %ne3A_885 : i1
        %add3A_892 = arith.addi %rem3A_883, %select_n3A_882 : i32
        %select_n3A_893 = arith.select %and3A_891, %add3A_892, %rem3A_883 : i32
        %add3A_894 = arith.addi %add3A_877, %select_n3A_893 : i32
        %mul3A_895 = arith.constant 128 : i32
        %mul3A_896 = arith.muli %add3A_894, %mul3A_895 : i32
        %dma_wait3A_897 = arith.constant 0 : i32
        %dma_wait3A_898 = arith.constant 0 : i32
        %dma_wait3A_899 = tpu.memref_slice %arg6[%scan3A_72, %dma_wait3A_897, %dma_wait3A_898] : memref<4x128x128xf32, #tpu.memory_space<vmem>> -> memref<1x128x128xf32, #tpu.memory_space<vmem>>
        %dma_wait3A_900 = tpu.memref_squeeze %dma_wait3A_899 : memref<1x128x128xf32, #tpu.memory_space<vmem>> -> memref<128x128xf32, #tpu.memory_space<vmem>>
        %dma_wait3A_901 = arith.constant 0 : i32
        %dma_wait3A_902 = tpu.memref_slice %arg4[%mul3A_896, %dma_wait3A_901] : memref<196608x128xf32, #tpu.memory_space<hbm>> -> memref<128x128xf32, #tpu.memory_space<hbm>>
        %dma_wait3A_903 = arith.constant 0 : i32
        %dma_wait3A_904 = tpu.memref_slice %arg4[%mul3A_896, %dma_wait3A_903] : memref<196608x128xf32, #tpu.memory_space<hbm>> -> memref<128x128xf32, #tpu.memory_space<hbm>>
        %dma_wait3A_905 = arith.constant 0 : i32
        %dma_wait3A_906 = arith.constant 0 : i32
        %dma_wait3A_907 = tpu.memref_slice %arg6[%scan3A_72, %dma_wait3A_905, %dma_wait3A_906] : memref<4x128x128xf32, #tpu.memory_space<vmem>> -> memref<1x128x128xf32, #tpu.memory_space<vmem>>
        %dma_wait3A_908 = tpu.memref_squeeze %dma_wait3A_907 : memref<1x128x128xf32, #tpu.memory_space<vmem>> -> memref<128x128xf32, #tpu.memory_space<vmem>>
        tpu.wait_dma2 semaphore(%arg14 : memref<!tpu.dma_semaphore, #tpu.memory_space<semaphore_mem>>) src(%dma_wait3A_908 : memref<128x128xf32, #tpu.memory_space<vmem>>) dst(%dma_wait3A_904 : memref<128x128xf32, #tpu.memory_space<hbm>>)
      } else {
      }
      %add3A_590 = arith.constant 2 : i32
      %add3A_591 = arith.addi %add3A_521, %add3A_590 : i32
      %lt3A_592 = arith.constant 12 : i32
      %lt3A_593 = arith.cmpi slt, %add3A_591, %lt3A_592 : i32
      %convert_element_type3A_594 = arith.extui %lt3A_593 : i1 to i32
      %cond3A_595 = arith.constant 0 : i32
      %cond3A_596 = arith.cmpi ne, %convert_element_type3A_594, %cond3A_595 : i32
      scf.if %cond3A_596 {
        %add3A_849 = arith.constant 2 : i32
        %add3A_850 = arith.addi %add3A_521, %add3A_849 : i32
        %mul3A_851 = arith.constant 128 : i32
        %mul3A_852 = arith.muli %add3A_850, %mul3A_851 : i32
        %dma_start3A_853 = arith.constant 0 : i32
        %dma_start3A_854 = arith.constant 0 : i32
        %dma_start3A_855 = tpu.memref_slice %arg6[%scan3A_72, %dma_start3A_853, %dma_start3A_854] : memref<4x128x128xf32, #tpu.memory_space<vmem>> -> memref<1x128x128xf32, #tpu.memory_space<vmem>>
        %dma_start3A_856 = tpu.memref_squeeze %dma_start3A_855 : memref<1x128x128xf32, #tpu.memory_space<vmem>> -> memref<128x128xf32, #tpu.memory_space<vmem>>
        %dma_start3A_857 = tpu.memref_slice %arg5[%mul3A_852] : memref<1536xi32, #tpu.memory_space<vmem>> -> memref<128xi32, #tpu.memory_space<vmem>>
        %dma_start3A_858 = arith.constant 0 : i32
        %dma_start3A_859 = arith.constant 0 : i32
        %dma_start3A_860 = tpu.memref_slice %arg7[%dma_start3A_858, %dma_start3A_859] : memref<4096x128xf32, #tpu.memory_space<vmem_shared>> -> memref<4096x128xf32, #tpu.memory_space<vmem_shared>>
        tpu.enqueue_indirect_dma source(%dma_start3A_860 : memref<4096x128xf32, #tpu.memory_space<vmem_shared>>) target(%dma_start3A_856 : memref<128x128xf32, #tpu.memory_space<vmem>>) offsets(%dma_start3A_857 : memref<128xi32, #tpu.memory_space<vmem>>) semaphore(%arg10 : memref<!tpu.dma_semaphore, #tpu.memory_space<semaphore_mem>>)
      } else {
      }
      %mul3A_597 = arith.constant 4 : i32
      %mul3A_598 = arith.muli %mul3A_597, %scan3A_517 : i32
      %add3A_599 = arith.constant 1 : i32
      %add3A_600 = arith.addi %mul3A_598, %add3A_599 : i32
      %mul3A_601 = arith.constant 128 : i32
      %mul3A_602 = arith.muli %add3A_600, %mul3A_601 : i32
      %dma_wait3A_603 = arith.constant 0 : i32
      %dma_wait3A_604 = arith.constant 0 : i32
      %dma_wait3A_605 = tpu.memref_slice %arg6[%scan3A_73, %dma_wait3A_603, %dma_wait3A_604] : memref<4x128x128xf32, #tpu.memory_space<vmem>> -> memref<1x128x128xf32, #tpu.memory_space<vmem>>
      %dma_wait3A_606 = tpu.memref_squeeze %dma_wait3A_605 : memref<1x128x128xf32, #tpu.memory_space<vmem>> -> memref<128x128xf32, #tpu.memory_space<vmem>>
      %dma_wait3A_607 = tpu.memref_slice %arg5[%mul3A_602] : memref<1536xi32, #tpu.memory_space<vmem>> -> memref<128xi32, #tpu.memory_space<vmem>>
      %dma_wait3A_608 = arith.constant 0 : i32
      %dma_wait3A_609 = arith.constant 0 : i32
      %dma_wait3A_610 = tpu.memref_slice %arg7[%dma_wait3A_608, %dma_wait3A_609] : memref<4096x128xf32, #tpu.memory_space<vmem_shared>> -> memref<4096x128xf32, #tpu.memory_space<vmem_shared>>
      tpu.wait_indirect_dma semaphore(%arg9 : memref<!tpu.dma_semaphore, #tpu.memory_space<semaphore_mem>>) src(%dma_wait3A_610 : memref<4096x128xf32, #tpu.memory_space<vmem_shared>>) dst(%dma_wait3A_606 : memref<128x128xf32, #tpu.memory_space<vmem>>)
      %jit3A_611 = arith.constant 4 : i32
      %div3A_612 = arith.divsi %add3A_600, %jit3A_611 : i32
      %sign3A_613 = arith.constant 0 : i32
      %sign3A_614 = arith.cmpi sgt, %add3A_600, %sign3A_613 : i32
      %sign3A_615 = arith.extui %sign3A_614 : i1 to i32
      %sign3A_616 = arith.constant 0 : i32
      %sign3A_617 = arith.cmpi slt, %add3A_600, %sign3A_616 : i32
      %sign3A_618 = arith.extui %sign3A_617 : i1 to i32
      %sign3A_619 = arith.subi %sign3A_615, %sign3A_618 : i32
      %sign3A_620 = arith.constant 0 : i32
      %sign3A_621 = arith.cmpi sgt, %jit3A_611, %sign3A_620 : i32
      %sign3A_622 = arith.extui %sign3A_621 : i1 to i32
      %sign3A_623 = arith.constant 0 : i32
      %sign3A_624 = arith.cmpi slt, %jit3A_611, %sign3A_623 : i32
      %sign3A_625 = arith.extui %sign3A_624 : i1 to i32
      %sign3A_626 = arith.subi %sign3A_622, %sign3A_625 : i32
      %ne3A_627 = arith.cmpi ne, %sign3A_619, %sign3A_626 : i32
      %rem3A_628 = arith.remsi %add3A_600, %jit3A_611 : i32
      %ne3A_629 = arith.constant 0 : i32
      %ne3A_630 = arith.cmpi ne, %rem3A_628, %ne3A_629 : i32
      %and3A_631 = arith.andi %ne3A_627, %ne3A_630 : i1
      %sub3A_632 = arith.constant 1 : i32
      %sub3A_633 = arith.subi %div3A_612, %sub3A_632 : i32
      %select_n3A_634 = arith.select %and3A_631, %sub3A_633, %div3A_612 : i32
      %mul3A_635 = arith.constant 512 : i32
      %mul3A_636 = arith.muli %select_n3A_634, %mul3A_635 : i32
      %add3A_637 = arith.addi %mul3A_636, %add3A_15 : i32
      %jit3A_638 = arith.constant 4 : i32
      %eq3A_639 = arith.constant 0 : i32
      %eq3A_640 = arith.cmpi eq, %jit3A_638, %eq3A_639 : i32
      %jit3A_641 = arith.constant 1 : i32
      %select_n3A_642 = arith.select %eq3A_640, %jit3A_641, %jit3A_638 : i32
      %rem3A_643 = arith.remsi %add3A_600, %select_n3A_642 : i32
      %ne3A_644 = arith.constant 0 : i32
      %ne3A_645 = arith.cmpi ne, %rem3A_643, %ne3A_644 : i32
      %lt3A_646 = arith.constant 0 : i32
      %lt3A_647 = arith.cmpi slt, %rem3A_643, %lt3A_646 : i32
      %lt3A_648 = arith.constant 0 : i32
      %lt3A_649 = arith.cmpi slt, %select_n3A_642, %lt3A_648 : i32
      %ne3A_650 = arith.xori %lt3A_647, %lt3A_649 : i1
      %and3A_651 = arith.andi %ne3A_650, %ne3A_645 : i1
      %add3A_652 = arith.addi %rem3A_643, %select_n3A_642 : i32
      %select_n3A_653 = arith.select %and3A_651, %add3A_652, %rem3A_643 : i32
      %add3A_654 = arith.addi %add3A_637, %select_n3A_653 : i32
      %mul3A_655 = arith.constant 128 : i32
      %mul3A_656 = arith.muli %add3A_654, %mul3A_655 : i32
      %dma_start3A_657 = arith.constant 0 : i32
      %dma_start3A_658 = arith.constant 0 : i32
      %dma_start3A_659 = tpu.memref_slice %arg6[%scan3A_73, %dma_start3A_657, %dma_start3A_658] : memref<4x128x128xf32, #tpu.memory_space<vmem>> -> memref<1x128x128xf32, #tpu.memory_space<vmem>>
      %dma_start3A_660 = tpu.memref_squeeze %dma_start3A_659 : memref<1x128x128xf32, #tpu.memory_space<vmem>> -> memref<128x128xf32, #tpu.memory_space<vmem>>
      %dma_start3A_661 = arith.constant 0 : i32
      %dma_start3A_662 = tpu.memref_slice %arg4[%mul3A_656, %dma_start3A_661] : memref<196608x128xf32, #tpu.memory_space<hbm>> -> memref<128x128xf32, #tpu.memory_space<hbm>>
      %dma_start3A_663 = arith.constant 0 : i32
      %dma_start3A_664 = tpu.memref_slice %arg4[%mul3A_656, %dma_start3A_663] : memref<196608x128xf32, #tpu.memory_space<hbm>> -> memref<128x128xf32, #tpu.memory_space<hbm>>
      %dma_start3A_665 = arith.constant 0 : i32
      %dma_start3A_666 = arith.constant 0 : i32
      %dma_start3A_667 = tpu.memref_slice %arg6[%scan3A_73, %dma_start3A_665, %dma_start3A_666] : memref<4x128x128xf32, #tpu.memory_space<vmem>> -> memref<1x128x128xf32, #tpu.memory_space<vmem>>
      %dma_start3A_668 = tpu.memref_squeeze %dma_start3A_667 : memref<1x128x128xf32, #tpu.memory_space<vmem>> -> memref<128x128xf32, #tpu.memory_space<vmem>>
      tpu.enqueue_dma source(%dma_start3A_668 : memref<128x128xf32, #tpu.memory_space<vmem>>) target(%dma_start3A_664 : memref<128x128xf32, #tpu.memory_space<hbm>>) target_semaphore(%arg13 : memref<!tpu.dma_semaphore, #tpu.memory_space<semaphore_mem>>)
      %ge3A_669 = arith.constant 2 : i32
      %ge3A_670 = arith.cmpi sge, %add3A_600, %ge3A_669 : i32
      %convert_element_type3A_671 = arith.extui %ge3A_670 : i1 to i32
      %cond3A_672 = arith.constant 0 : i32
      %cond3A_673 = arith.cmpi ne, %convert_element_type3A_671, %cond3A_672 : i32
      scf.if %cond3A_673 {
        %sub3A_849 = arith.constant 2 : i32
        %sub3A_850 = arith.subi %add3A_600, %sub3A_849 : i32
        %jit3A_851 = arith.constant 4 : i32
        %div3A_852 = arith.divsi %sub3A_850, %jit3A_851 : i32
        %sign3A_853 = arith.constant 0 : i32
        %sign3A_854 = arith.cmpi sgt, %sub3A_850, %sign3A_853 : i32
        %sign3A_855 = arith.extui %sign3A_854 : i1 to i32
        %sign3A_856 = arith.constant 0 : i32
        %sign3A_857 = arith.cmpi slt, %sub3A_850, %sign3A_856 : i32
        %sign3A_858 = arith.extui %sign3A_857 : i1 to i32
        %sign3A_859 = arith.subi %sign3A_855, %sign3A_858 : i32
        %sign3A_860 = arith.constant 0 : i32
        %sign3A_861 = arith.cmpi sgt, %jit3A_851, %sign3A_860 : i32
        %sign3A_862 = arith.extui %sign3A_861 : i1 to i32
        %sign3A_863 = arith.constant 0 : i32
        %sign3A_864 = arith.cmpi slt, %jit3A_851, %sign3A_863 : i32
        %sign3A_865 = arith.extui %sign3A_864 : i1 to i32
        %sign3A_866 = arith.subi %sign3A_862, %sign3A_865 : i32
        %ne3A_867 = arith.cmpi ne, %sign3A_859, %sign3A_866 : i32
        %rem3A_868 = arith.remsi %sub3A_850, %jit3A_851 : i32
        %ne3A_869 = arith.constant 0 : i32
        %ne3A_870 = arith.cmpi ne, %rem3A_868, %ne3A_869 : i32
        %and3A_871 = arith.andi %ne3A_867, %ne3A_870 : i1
        %sub3A_872 = arith.constant 1 : i32
        %sub3A_873 = arith.subi %div3A_852, %sub3A_872 : i32
        %select_n3A_874 = arith.select %and3A_871, %sub3A_873, %div3A_852 : i32
        %mul3A_875 = arith.constant 512 : i32
        %mul3A_876 = arith.muli %select_n3A_874, %mul3A_875 : i32
        %add3A_877 = arith.addi %mul3A_876, %add3A_15 : i32
        %jit3A_878 = arith.constant 4 : i32
        %eq3A_879 = arith.constant 0 : i32
        %eq3A_880 = arith.cmpi eq, %jit3A_878, %eq3A_879 : i32
        %jit3A_881 = arith.constant 1 : i32
        %select_n3A_882 = arith.select %eq3A_880, %jit3A_881, %jit3A_878 : i32
        %rem3A_883 = arith.remsi %sub3A_850, %select_n3A_882 : i32
        %ne3A_884 = arith.constant 0 : i32
        %ne3A_885 = arith.cmpi ne, %rem3A_883, %ne3A_884 : i32
        %lt3A_886 = arith.constant 0 : i32
        %lt3A_887 = arith.cmpi slt, %rem3A_883, %lt3A_886 : i32
        %lt3A_888 = arith.constant 0 : i32
        %lt3A_889 = arith.cmpi slt, %select_n3A_882, %lt3A_888 : i32
        %ne3A_890 = arith.xori %lt3A_887, %lt3A_889 : i1
        %and3A_891 = arith.andi %ne3A_890, %ne3A_885 : i1
        %add3A_892 = arith.addi %rem3A_883, %select_n3A_882 : i32
        %select_n3A_893 = arith.select %and3A_891, %add3A_892, %rem3A_883 : i32
        %add3A_894 = arith.addi %add3A_877, %select_n3A_893 : i32
        %mul3A_895 = arith.constant 128 : i32
        %mul3A_896 = arith.muli %add3A_894, %mul3A_895 : i32
        %dma_wait3A_897 = arith.constant 0 : i32
        %dma_wait3A_898 = arith.constant 0 : i32
        %dma_wait3A_899 = tpu.memref_slice %arg6[%scan3A_74, %dma_wait3A_897, %dma_wait3A_898] : memref<4x128x128xf32, #tpu.memory_space<vmem>> -> memref<1x128x128xf32, #tpu.memory_space<vmem>>
        %dma_wait3A_900 = tpu.memref_squeeze %dma_wait3A_899 : memref<1x128x128xf32, #tpu.memory_space<vmem>> -> memref<128x128xf32, #tpu.memory_space<vmem>>
        %dma_wait3A_901 = arith.constant 0 : i32
        %dma_wait3A_902 = tpu.memref_slice %arg4[%mul3A_896, %dma_wait3A_901] : memref<196608x128xf32, #tpu.memory_space<hbm>> -> memref<128x128xf32, #tpu.memory_space<hbm>>
        %dma_wait3A_903 = arith.constant 0 : i32
        %dma_wait3A_904 = tpu.memref_slice %arg4[%mul3A_896, %dma_wait3A_903] : memref<196608x128xf32, #tpu.memory_space<hbm>> -> memref<128x128xf32, #tpu.memory_space<hbm>>
        %dma_wait3A_905 = arith.constant 0 : i32
        %dma_wait3A_906 = arith.constant 0 : i32
        %dma_wait3A_907 = tpu.memref_slice %arg6[%scan3A_74, %dma_wait3A_905, %dma_wait3A_906] : memref<4x128x128xf32, #tpu.memory_space<vmem>> -> memref<1x128x128xf32, #tpu.memory_space<vmem>>
        %dma_wait3A_908 = tpu.memref_squeeze %dma_wait3A_907 : memref<1x128x128xf32, #tpu.memory_space<vmem>> -> memref<128x128xf32, #tpu.memory_space<vmem>>
        tpu.wait_dma2 semaphore(%arg15 : memref<!tpu.dma_semaphore, #tpu.memory_space<semaphore_mem>>) src(%dma_wait3A_908 : memref<128x128xf32, #tpu.memory_space<vmem>>) dst(%dma_wait3A_904 : memref<128x128xf32, #tpu.memory_space<hbm>>)
      } else {
      }
      %add3A_674 = arith.constant 2 : i32
      %add3A_675 = arith.addi %add3A_600, %add3A_674 : i32
      %lt3A_676 = arith.constant 12 : i32
      %lt3A_677 = arith.cmpi slt, %add3A_675, %lt3A_676 : i32
      %convert_element_type3A_678 = arith.extui %lt3A_677 : i1 to i32
      %cond3A_679 = arith.constant 0 : i32
      %cond3A_680 = arith.cmpi ne, %convert_element_type3A_678, %cond3A_679 : i32
      scf.if %cond3A_680 {
        %add3A_849 = arith.constant 2 : i32
        %add3A_850 = arith.addi %add3A_600, %add3A_849 : i32
        %mul3A_851 = arith.constant 128 : i32
        %mul3A_852 = arith.muli %add3A_850, %mul3A_851 : i32
        %dma_start3A_853 = arith.constant 0 : i32
        %dma_start3A_854 = arith.constant 0 : i32
        %dma_start3A_855 = tpu.memref_slice %arg6[%scan3A_74, %dma_start3A_853, %dma_start3A_854] : memref<4x128x128xf32, #tpu.memory_space<vmem>> -> memref<1x128x128xf32, #tpu.memory_space<vmem>>
        %dma_start3A_856 = tpu.memref_squeeze %dma_start3A_855 : memref<1x128x128xf32, #tpu.memory_space<vmem>> -> memref<128x128xf32, #tpu.memory_space<vmem>>
        %dma_start3A_857 = tpu.memref_slice %arg5[%mul3A_852] : memref<1536xi32, #tpu.memory_space<vmem>> -> memref<128xi32, #tpu.memory_space<vmem>>
        %dma_start3A_858 = arith.constant 0 : i32
        %dma_start3A_859 = arith.constant 0 : i32
        %dma_start3A_860 = tpu.memref_slice %arg7[%dma_start3A_858, %dma_start3A_859] : memref<4096x128xf32, #tpu.memory_space<vmem_shared>> -> memref<4096x128xf32, #tpu.memory_space<vmem_shared>>
        tpu.enqueue_indirect_dma source(%dma_start3A_860 : memref<4096x128xf32, #tpu.memory_space<vmem_shared>>) target(%dma_start3A_856 : memref<128x128xf32, #tpu.memory_space<vmem>>) offsets(%dma_start3A_857 : memref<128xi32, #tpu.memory_space<vmem>>) semaphore(%arg11 : memref<!tpu.dma_semaphore, #tpu.memory_space<semaphore_mem>>)
      } else {
      }
      %mul3A_681 = arith.constant 4 : i32
      %mul3A_682 = arith.muli %mul3A_681, %scan3A_517 : i32
      %add3A_683 = arith.constant 2 : i32
      %add3A_684 = arith.addi %mul3A_682, %add3A_683 : i32
      %mul3A_685 = arith.constant 128 : i32
      %mul3A_686 = arith.muli %add3A_684, %mul3A_685 : i32
      %dma_wait3A_687 = arith.constant 0 : i32
      %dma_wait3A_688 = arith.constant 0 : i32
      %dma_wait3A_689 = tpu.memref_slice %arg6[%scan3A_72, %dma_wait3A_687, %dma_wait3A_688] : memref<4x128x128xf32, #tpu.memory_space<vmem>> -> memref<1x128x128xf32, #tpu.memory_space<vmem>>
      %dma_wait3A_690 = tpu.memref_squeeze %dma_wait3A_689 : memref<1x128x128xf32, #tpu.memory_space<vmem>> -> memref<128x128xf32, #tpu.memory_space<vmem>>
      %dma_wait3A_691 = tpu.memref_slice %arg5[%mul3A_686] : memref<1536xi32, #tpu.memory_space<vmem>> -> memref<128xi32, #tpu.memory_space<vmem>>
      %dma_wait3A_692 = arith.constant 0 : i32
      %dma_wait3A_693 = arith.constant 0 : i32
      %dma_wait3A_694 = tpu.memref_slice %arg7[%dma_wait3A_692, %dma_wait3A_693] : memref<4096x128xf32, #tpu.memory_space<vmem_shared>> -> memref<4096x128xf32, #tpu.memory_space<vmem_shared>>
      tpu.wait_indirect_dma semaphore(%arg10 : memref<!tpu.dma_semaphore, #tpu.memory_space<semaphore_mem>>) src(%dma_wait3A_694 : memref<4096x128xf32, #tpu.memory_space<vmem_shared>>) dst(%dma_wait3A_690 : memref<128x128xf32, #tpu.memory_space<vmem>>)
      %jit3A_695 = arith.constant 4 : i32
      %div3A_696 = arith.divsi %add3A_684, %jit3A_695 : i32
      %sign3A_697 = arith.constant 0 : i32
      %sign3A_698 = arith.cmpi sgt, %add3A_684, %sign3A_697 : i32
      %sign3A_699 = arith.extui %sign3A_698 : i1 to i32
      %sign3A_700 = arith.constant 0 : i32
      %sign3A_701 = arith.cmpi slt, %add3A_684, %sign3A_700 : i32
      %sign3A_702 = arith.extui %sign3A_701 : i1 to i32
      %sign3A_703 = arith.subi %sign3A_699, %sign3A_702 : i32
      %sign3A_704 = arith.constant 0 : i32
      %sign3A_705 = arith.cmpi sgt, %jit3A_695, %sign3A_704 : i32
      %sign3A_706 = arith.extui %sign3A_705 : i1 to i32
      %sign3A_707 = arith.constant 0 : i32
      %sign3A_708 = arith.cmpi slt, %jit3A_695, %sign3A_707 : i32
      %sign3A_709 = arith.extui %sign3A_708 : i1 to i32
      %sign3A_710 = arith.subi %sign3A_706, %sign3A_709 : i32
      %ne3A_711 = arith.cmpi ne, %sign3A_703, %sign3A_710 : i32
      %rem3A_712 = arith.remsi %add3A_684, %jit3A_695 : i32
      %ne3A_713 = arith.constant 0 : i32
      %ne3A_714 = arith.cmpi ne, %rem3A_712, %ne3A_713 : i32
      %and3A_715 = arith.andi %ne3A_711, %ne3A_714 : i1
      %sub3A_716 = arith.constant 1 : i32
      %sub3A_717 = arith.subi %div3A_696, %sub3A_716 : i32
      %select_n3A_718 = arith.select %and3A_715, %sub3A_717, %div3A_696 : i32
      %mul3A_719 = arith.constant 512 : i32
      %mul3A_720 = arith.muli %select_n3A_718, %mul3A_719 : i32
      %add3A_721 = arith.addi %mul3A_720, %add3A_15 : i32
      %jit3A_722 = arith.constant 4 : i32
      %eq3A_723 = arith.constant 0 : i32
      %eq3A_724 = arith.cmpi eq, %jit3A_722, %eq3A_723 : i32
      %jit3A_725 = arith.constant 1 : i32
      %select_n3A_726 = arith.select %eq3A_724, %jit3A_725, %jit3A_722 : i32
      %rem3A_727 = arith.remsi %add3A_684, %select_n3A_726 : i32
      %ne3A_728 = arith.constant 0 : i32
      %ne3A_729 = arith.cmpi ne, %rem3A_727, %ne3A_728 : i32
      %lt3A_730 = arith.constant 0 : i32
      %lt3A_731 = arith.cmpi slt, %rem3A_727, %lt3A_730 : i32
      %lt3A_732 = arith.constant 0 : i32
      %lt3A_733 = arith.cmpi slt, %select_n3A_726, %lt3A_732 : i32
      %ne3A_734 = arith.xori %lt3A_731, %lt3A_733 : i1
      %and3A_735 = arith.andi %ne3A_734, %ne3A_729 : i1
      %add3A_736 = arith.addi %rem3A_727, %select_n3A_726 : i32
      %select_n3A_737 = arith.select %and3A_735, %add3A_736, %rem3A_727 : i32
      %add3A_738 = arith.addi %add3A_721, %select_n3A_737 : i32
      %mul3A_739 = arith.constant 128 : i32
      %mul3A_740 = arith.muli %add3A_738, %mul3A_739 : i32
      %dma_start3A_741 = arith.constant 0 : i32
      %dma_start3A_742 = arith.constant 0 : i32
      %dma_start3A_743 = tpu.memref_slice %arg6[%scan3A_72, %dma_start3A_741, %dma_start3A_742] : memref<4x128x128xf32, #tpu.memory_space<vmem>> -> memref<1x128x128xf32, #tpu.memory_space<vmem>>
      %dma_start3A_744 = tpu.memref_squeeze %dma_start3A_743 : memref<1x128x128xf32, #tpu.memory_space<vmem>> -> memref<128x128xf32, #tpu.memory_space<vmem>>
      %dma_start3A_745 = arith.constant 0 : i32
      %dma_start3A_746 = tpu.memref_slice %arg4[%mul3A_740, %dma_start3A_745] : memref<196608x128xf32, #tpu.memory_space<hbm>> -> memref<128x128xf32, #tpu.memory_space<hbm>>
      %dma_start3A_747 = arith.constant 0 : i32
      %dma_start3A_748 = tpu.memref_slice %arg4[%mul3A_740, %dma_start3A_747] : memref<196608x128xf32, #tpu.memory_space<hbm>> -> memref<128x128xf32, #tpu.memory_space<hbm>>
      %dma_start3A_749 = arith.constant 0 : i32
      %dma_start3A_750 = arith.constant 0 : i32
      %dma_start3A_751 = tpu.memref_slice %arg6[%scan3A_72, %dma_start3A_749, %dma_start3A_750] : memref<4x128x128xf32, #tpu.memory_space<vmem>> -> memref<1x128x128xf32, #tpu.memory_space<vmem>>
      %dma_start3A_752 = tpu.memref_squeeze %dma_start3A_751 : memref<1x128x128xf32, #tpu.memory_space<vmem>> -> memref<128x128xf32, #tpu.memory_space<vmem>>
      tpu.enqueue_dma source(%dma_start3A_752 : memref<128x128xf32, #tpu.memory_space<vmem>>) target(%dma_start3A_748 : memref<128x128xf32, #tpu.memory_space<hbm>>) target_semaphore(%arg14 : memref<!tpu.dma_semaphore, #tpu.memory_space<semaphore_mem>>)
      %ge3A_753 = arith.constant 2 : i32
      %ge3A_754 = arith.cmpi sge, %add3A_684, %ge3A_753 : i32
      %convert_element_type3A_755 = arith.extui %ge3A_754 : i1 to i32
      %cond3A_756 = arith.constant 0 : i32
      %cond3A_757 = arith.cmpi ne, %convert_element_type3A_755, %cond3A_756 : i32
      scf.if %cond3A_757 {
        %sub3A_849 = arith.constant 2 : i32
        %sub3A_850 = arith.subi %add3A_684, %sub3A_849 : i32
        %jit3A_851 = arith.constant 4 : i32
        %div3A_852 = arith.divsi %sub3A_850, %jit3A_851 : i32
        %sign3A_853 = arith.constant 0 : i32
        %sign3A_854 = arith.cmpi sgt, %sub3A_850, %sign3A_853 : i32
        %sign3A_855 = arith.extui %sign3A_854 : i1 to i32
        %sign3A_856 = arith.constant 0 : i32
        %sign3A_857 = arith.cmpi slt, %sub3A_850, %sign3A_856 : i32
        %sign3A_858 = arith.extui %sign3A_857 : i1 to i32
        %sign3A_859 = arith.subi %sign3A_855, %sign3A_858 : i32
        %sign3A_860 = arith.constant 0 : i32
        %sign3A_861 = arith.cmpi sgt, %jit3A_851, %sign3A_860 : i32
        %sign3A_862 = arith.extui %sign3A_861 : i1 to i32
        %sign3A_863 = arith.constant 0 : i32
        %sign3A_864 = arith.cmpi slt, %jit3A_851, %sign3A_863 : i32
        %sign3A_865 = arith.extui %sign3A_864 : i1 to i32
        %sign3A_866 = arith.subi %sign3A_862, %sign3A_865 : i32
        %ne3A_867 = arith.cmpi ne, %sign3A_859, %sign3A_866 : i32
        %rem3A_868 = arith.remsi %sub3A_850, %jit3A_851 : i32
        %ne3A_869 = arith.constant 0 : i32
        %ne3A_870 = arith.cmpi ne, %rem3A_868, %ne3A_869 : i32
        %and3A_871 = arith.andi %ne3A_867, %ne3A_870 : i1
        %sub3A_872 = arith.constant 1 : i32
        %sub3A_873 = arith.subi %div3A_852, %sub3A_872 : i32
        %select_n3A_874 = arith.select %and3A_871, %sub3A_873, %div3A_852 : i32
        %mul3A_875 = arith.constant 512 : i32
        %mul3A_876 = arith.muli %select_n3A_874, %mul3A_875 : i32
        %add3A_877 = arith.addi %mul3A_876, %add3A_15 : i32
        %jit3A_878 = arith.constant 4 : i32
        %eq3A_879 = arith.constant 0 : i32
        %eq3A_880 = arith.cmpi eq, %jit3A_878, %eq3A_879 : i32
        %jit3A_881 = arith.constant 1 : i32
        %select_n3A_882 = arith.select %eq3A_880, %jit3A_881, %jit3A_878 : i32
        %rem3A_883 = arith.remsi %sub3A_850, %select_n3A_882 : i32
        %ne3A_884 = arith.constant 0 : i32
        %ne3A_885 = arith.cmpi ne, %rem3A_883, %ne3A_884 : i32
        %lt3A_886 = arith.constant 0 : i32
        %lt3A_887 = arith.cmpi slt, %rem3A_883, %lt3A_886 : i32
        %lt3A_888 = arith.constant 0 : i32
        %lt3A_889 = arith.cmpi slt, %select_n3A_882, %lt3A_888 : i32
        %ne3A_890 = arith.xori %lt3A_887, %lt3A_889 : i1
        %and3A_891 = arith.andi %ne3A_890, %ne3A_885 : i1
        %add3A_892 = arith.addi %rem3A_883, %select_n3A_882 : i32
        %select_n3A_893 = arith.select %and3A_891, %add3A_892, %rem3A_883 : i32
        %add3A_894 = arith.addi %add3A_877, %select_n3A_893 : i32
        %mul3A_895 = arith.constant 128 : i32
        %mul3A_896 = arith.muli %add3A_894, %mul3A_895 : i32
        %dma_wait3A_897 = arith.constant 0 : i32
        %dma_wait3A_898 = arith.constant 0 : i32
        %dma_wait3A_899 = tpu.memref_slice %arg6[%scan3A_71, %dma_wait3A_897, %dma_wait3A_898] : memref<4x128x128xf32, #tpu.memory_space<vmem>> -> memref<1x128x128xf32, #tpu.memory_space<vmem>>
        %dma_wait3A_900 = tpu.memref_squeeze %dma_wait3A_899 : memref<1x128x128xf32, #tpu.memory_space<vmem>> -> memref<128x128xf32, #tpu.memory_space<vmem>>
        %dma_wait3A_901 = arith.constant 0 : i32
        %dma_wait3A_902 = tpu.memref_slice %arg4[%mul3A_896, %dma_wait3A_901] : memref<196608x128xf32, #tpu.memory_space<hbm>> -> memref<128x128xf32, #tpu.memory_space<hbm>>
        %dma_wait3A_903 = arith.constant 0 : i32
        %dma_wait3A_904 = tpu.memref_slice %arg4[%mul3A_896, %dma_wait3A_903] : memref<196608x128xf32, #tpu.memory_space<hbm>> -> memref<128x128xf32, #tpu.memory_space<hbm>>
        %dma_wait3A_905 = arith.constant 0 : i32
        %dma_wait3A_906 = arith.constant 0 : i32
        %dma_wait3A_907 = tpu.memref_slice %arg6[%scan3A_71, %dma_wait3A_905, %dma_wait3A_906] : memref<4x128x128xf32, #tpu.memory_space<vmem>> -> memref<1x128x128xf32, #tpu.memory_space<vmem>>
        %dma_wait3A_908 = tpu.memref_squeeze %dma_wait3A_907 : memref<1x128x128xf32, #tpu.memory_space<vmem>> -> memref<128x128xf32, #tpu.memory_space<vmem>>
        tpu.wait_dma2 semaphore(%arg12 : memref<!tpu.dma_semaphore, #tpu.memory_space<semaphore_mem>>) src(%dma_wait3A_908 : memref<128x128xf32, #tpu.memory_space<vmem>>) dst(%dma_wait3A_904 : memref<128x128xf32, #tpu.memory_space<hbm>>)
      } else {
      }
      %add3A_758 = arith.constant 2 : i32
      %add3A_759 = arith.addi %add3A_684, %add3A_758 : i32
      %lt3A_760 = arith.constant 12 : i32
      %lt3A_761 = arith.cmpi slt, %add3A_759, %lt3A_760 : i32
      %convert_element_type3A_762 = arith.extui %lt3A_761 : i1 to i32
      %cond3A_763 = arith.constant 0 : i32
      %cond3A_764 = arith.cmpi ne, %convert_element_type3A_762, %cond3A_763 : i32
      scf.if %cond3A_764 {
        %add3A_849 = arith.constant 2 : i32
        %add3A_850 = arith.addi %add3A_684, %add3A_849 : i32
        %mul3A_851 = arith.constant 128 : i32
        %mul3A_852 = arith.muli %add3A_850, %mul3A_851 : i32
        %dma_start3A_853 = arith.constant 0 : i32
        %dma_start3A_854 = arith.constant 0 : i32
        %dma_start3A_855 = tpu.memref_slice %arg6[%scan3A_71, %dma_start3A_853, %dma_start3A_854] : memref<4x128x128xf32, #tpu.memory_space<vmem>> -> memref<1x128x128xf32, #tpu.memory_space<vmem>>
        %dma_start3A_856 = tpu.memref_squeeze %dma_start3A_855 : memref<1x128x128xf32, #tpu.memory_space<vmem>> -> memref<128x128xf32, #tpu.memory_space<vmem>>
        %dma_start3A_857 = tpu.memref_slice %arg5[%mul3A_852] : memref<1536xi32, #tpu.memory_space<vmem>> -> memref<128xi32, #tpu.memory_space<vmem>>
        %dma_start3A_858 = arith.constant 0 : i32
        %dma_start3A_859 = arith.constant 0 : i32
        %dma_start3A_860 = tpu.memref_slice %arg7[%dma_start3A_858, %dma_start3A_859] : memref<4096x128xf32, #tpu.memory_space<vmem_shared>> -> memref<4096x128xf32, #tpu.memory_space<vmem_shared>>
        tpu.enqueue_indirect_dma source(%dma_start3A_860 : memref<4096x128xf32, #tpu.memory_space<vmem_shared>>) target(%dma_start3A_856 : memref<128x128xf32, #tpu.memory_space<vmem>>) offsets(%dma_start3A_857 : memref<128xi32, #tpu.memory_space<vmem>>) semaphore(%arg8 : memref<!tpu.dma_semaphore, #tpu.memory_space<semaphore_mem>>)
      } else {
      }
      %mul3A_765 = arith.constant 4 : i32
      %mul3A_766 = arith.muli %mul3A_765, %scan3A_517 : i32
      %add3A_767 = arith.constant 3 : i32
      %add3A_768 = arith.addi %mul3A_766, %add3A_767 : i32
      %mul3A_769 = arith.constant 128 : i32
      %mul3A_770 = arith.muli %add3A_768, %mul3A_769 : i32
      %dma_wait3A_771 = arith.constant 0 : i32
      %dma_wait3A_772 = arith.constant 0 : i32
      %dma_wait3A_773 = tpu.memref_slice %arg6[%scan3A_74, %dma_wait3A_771, %dma_wait3A_772] : memref<4x128x128xf32, #tpu.memory_space<vmem>> -> memref<1x128x128xf32, #tpu.memory_space<vmem>>
      %dma_wait3A_774 = tpu.memref_squeeze %dma_wait3A_773 : memref<1x128x128xf32, #tpu.memory_space<vmem>> -> memref<128x128xf32, #tpu.memory_space<vmem>>
      %dma_wait3A_775 = tpu.memref_slice %arg5[%mul3A_770] : memref<1536xi32, #tpu.memory_space<vmem>> -> memref<128xi32, #tpu.memory_space<vmem>>
      %dma_wait3A_776 = arith.constant 0 : i32
      %dma_wait3A_777 = arith.constant 0 : i32
      %dma_wait3A_778 = tpu.memref_slice %arg7[%dma_wait3A_776, %dma_wait3A_777] : memref<4096x128xf32, #tpu.memory_space<vmem_shared>> -> memref<4096x128xf32, #tpu.memory_space<vmem_shared>>
      tpu.wait_indirect_dma semaphore(%arg11 : memref<!tpu.dma_semaphore, #tpu.memory_space<semaphore_mem>>) src(%dma_wait3A_778 : memref<4096x128xf32, #tpu.memory_space<vmem_shared>>) dst(%dma_wait3A_774 : memref<128x128xf32, #tpu.memory_space<vmem>>)
      %jit3A_779 = arith.constant 4 : i32
      %div3A_780 = arith.divsi %add3A_768, %jit3A_779 : i32
      %sign3A_781 = arith.constant 0 : i32
      %sign3A_782 = arith.cmpi sgt, %add3A_768, %sign3A_781 : i32
      %sign3A_783 = arith.extui %sign3A_782 : i1 to i32
      %sign3A_784 = arith.constant 0 : i32
      %sign3A_785 = arith.cmpi slt, %add3A_768, %sign3A_784 : i32
      %sign3A_786 = arith.extui %sign3A_785 : i1 to i32
      %sign3A_787 = arith.subi %sign3A_783, %sign3A_786 : i32
      %sign3A_788 = arith.constant 0 : i32
      %sign3A_789 = arith.cmpi sgt, %jit3A_779, %sign3A_788 : i32
      %sign3A_790 = arith.extui %sign3A_789 : i1 to i32
      %sign3A_791 = arith.constant 0 : i32
      %sign3A_792 = arith.cmpi slt, %jit3A_779, %sign3A_791 : i32
      %sign3A_793 = arith.extui %sign3A_792 : i1 to i32
      %sign3A_794 = arith.subi %sign3A_790, %sign3A_793 : i32
      %ne3A_795 = arith.cmpi ne, %sign3A_787, %sign3A_794 : i32
      %rem3A_796 = arith.remsi %add3A_768, %jit3A_779 : i32
      %ne3A_797 = arith.constant 0 : i32
      %ne3A_798 = arith.cmpi ne, %rem3A_796, %ne3A_797 : i32
      %and3A_799 = arith.andi %ne3A_795, %ne3A_798 : i1
      %sub3A_800 = arith.constant 1 : i32
      %sub3A_801 = arith.subi %div3A_780, %sub3A_800 : i32
      %select_n3A_802 = arith.select %and3A_799, %sub3A_801, %div3A_780 : i32
      %mul3A_803 = arith.constant 512 : i32
      %mul3A_804 = arith.muli %select_n3A_802, %mul3A_803 : i32
      %add3A_805 = arith.addi %mul3A_804, %add3A_15 : i32
      %jit3A_806 = arith.constant 4 : i32
      %eq3A_807 = arith.constant 0 : i32
      %eq3A_808 = arith.cmpi eq, %jit3A_806, %eq3A_807 : i32
      %jit3A_809 = arith.constant 1 : i32
      %select_n3A_810 = arith.select %eq3A_808, %jit3A_809, %jit3A_806 : i32
      %rem3A_811 = arith.remsi %add3A_768, %select_n3A_810 : i32
      %ne3A_812 = arith.constant 0 : i32
      %ne3A_813 = arith.cmpi ne, %rem3A_811, %ne3A_812 : i32
      %lt3A_814 = arith.constant 0 : i32
      %lt3A_815 = arith.cmpi slt, %rem3A_811, %lt3A_814 : i32
      %lt3A_816 = arith.constant 0 : i32
      %lt3A_817 = arith.cmpi slt, %select_n3A_810, %lt3A_816 : i32
      %ne3A_818 = arith.xori %lt3A_815, %lt3A_817 : i1
      %and3A_819 = arith.andi %ne3A_818, %ne3A_813 : i1
      %add3A_820 = arith.addi %rem3A_811, %select_n3A_810 : i32
      %select_n3A_821 = arith.select %and3A_819, %add3A_820, %rem3A_811 : i32
      %add3A_822 = arith.addi %add3A_805, %select_n3A_821 : i32
      %mul3A_823 = arith.constant 128 : i32
      %mul3A_824 = arith.muli %add3A_822, %mul3A_823 : i32
      %dma_start3A_825 = arith.constant 0 : i32
      %dma_start3A_826 = arith.constant 0 : i32
      %dma_start3A_827 = tpu.memref_slice %arg6[%scan3A_74, %dma_start3A_825, %dma_start3A_826] : memref<4x128x128xf32, #tpu.memory_space<vmem>> -> memref<1x128x128xf32, #tpu.memory_space<vmem>>
      %dma_start3A_828 = tpu.memref_squeeze %dma_start3A_827 : memref<1x128x128xf32, #tpu.memory_space<vmem>> -> memref<128x128xf32, #tpu.memory_space<vmem>>
      %dma_start3A_829 = arith.constant 0 : i32
      %dma_start3A_830 = tpu.memref_slice %arg4[%mul3A_824, %dma_start3A_829] : memref<196608x128xf32, #tpu.memory_space<hbm>> -> memref<128x128xf32, #tpu.memory_space<hbm>>
      %dma_start3A_831 = arith.constant 0 : i32
      %dma_start3A_832 = tpu.memref_slice %arg4[%mul3A_824, %dma_start3A_831] : memref<196608x128xf32, #tpu.memory_space<hbm>> -> memref<128x128xf32, #tpu.memory_space<hbm>>
      %dma_start3A_833 = arith.constant 0 : i32
      %dma_start3A_834 = arith.constant 0 : i32
      %dma_start3A_835 = tpu.memref_slice %arg6[%scan3A_74, %dma_start3A_833, %dma_start3A_834] : memref<4x128x128xf32, #tpu.memory_space<vmem>> -> memref<1x128x128xf32, #tpu.memory_space<vmem>>
      %dma_start3A_836 = tpu.memref_squeeze %dma_start3A_835 : memref<1x128x128xf32, #tpu.memory_space<vmem>> -> memref<128x128xf32, #tpu.memory_space<vmem>>
      tpu.enqueue_dma source(%dma_start3A_836 : memref<128x128xf32, #tpu.memory_space<vmem>>) target(%dma_start3A_832 : memref<128x128xf32, #tpu.memory_space<hbm>>) target_semaphore(%arg15 : memref<!tpu.dma_semaphore, #tpu.memory_space<semaphore_mem>>)
      %ge3A_837 = arith.constant 2 : i32
      %ge3A_838 = arith.cmpi sge, %add3A_768, %ge3A_837 : i32
      %convert_element_type3A_839 = arith.extui %ge3A_838 : i1 to i32
      %cond3A_840 = arith.constant 0 : i32
      %cond3A_841 = arith.cmpi ne, %convert_element_type3A_839, %cond3A_840 : i32
      scf.if %cond3A_841 {
        %sub3A_849 = arith.constant 2 : i32
        %sub3A_850 = arith.subi %add3A_768, %sub3A_849 : i32
        %jit3A_851 = arith.constant 4 : i32
        %div3A_852 = arith.divsi %sub3A_850, %jit3A_851 : i32
        %sign3A_853 = arith.constant 0 : i32
        %sign3A_854 = arith.cmpi sgt, %sub3A_850, %sign3A_853 : i32
        %sign3A_855 = arith.extui %sign3A_854 : i1 to i32
        %sign3A_856 = arith.constant 0 : i32
        %sign3A_857 = arith.cmpi slt, %sub3A_850, %sign3A_856 : i32
        %sign3A_858 = arith.extui %sign3A_857 : i1 to i32
        %sign3A_859 = arith.subi %sign3A_855, %sign3A_858 : i32
        %sign3A_860 = arith.constant 0 : i32
        %sign3A_861 = arith.cmpi sgt, %jit3A_851, %sign3A_860 : i32
        %sign3A_862 = arith.extui %sign3A_861 : i1 to i32
        %sign3A_863 = arith.constant 0 : i32
        %sign3A_864 = arith.cmpi slt, %jit3A_851, %sign3A_863 : i32
        %sign3A_865 = arith.extui %sign3A_864 : i1 to i32
        %sign3A_866 = arith.subi %sign3A_862, %sign3A_865 : i32
        %ne3A_867 = arith.cmpi ne, %sign3A_859, %sign3A_866 : i32
        %rem3A_868 = arith.remsi %sub3A_850, %jit3A_851 : i32
        %ne3A_869 = arith.constant 0 : i32
        %ne3A_870 = arith.cmpi ne, %rem3A_868, %ne3A_869 : i32
        %and3A_871 = arith.andi %ne3A_867, %ne3A_870 : i1
        %sub3A_872 = arith.constant 1 : i32
        %sub3A_873 = arith.subi %div3A_852, %sub3A_872 : i32
        %select_n3A_874 = arith.select %and3A_871, %sub3A_873, %div3A_852 : i32
        %mul3A_875 = arith.constant 512 : i32
        %mul3A_876 = arith.muli %select_n3A_874, %mul3A_875 : i32
        %add3A_877 = arith.addi %mul3A_876, %add3A_15 : i32
        %jit3A_878 = arith.constant 4 : i32
        %eq3A_879 = arith.constant 0 : i32
        %eq3A_880 = arith.cmpi eq, %jit3A_878, %eq3A_879 : i32
        %jit3A_881 = arith.constant 1 : i32
        %select_n3A_882 = arith.select %eq3A_880, %jit3A_881, %jit3A_878 : i32
        %rem3A_883 = arith.remsi %sub3A_850, %select_n3A_882 : i32
        %ne3A_884 = arith.constant 0 : i32
        %ne3A_885 = arith.cmpi ne, %rem3A_883, %ne3A_884 : i32
        %lt3A_886 = arith.constant 0 : i32
        %lt3A_887 = arith.cmpi slt, %rem3A_883, %lt3A_886 : i32
        %lt3A_888 = arith.constant 0 : i32
        %lt3A_889 = arith.cmpi slt, %select_n3A_882, %lt3A_888 : i32
        %ne3A_890 = arith.xori %lt3A_887, %lt3A_889 : i1
        %and3A_891 = arith.andi %ne3A_890, %ne3A_885 : i1
        %add3A_892 = arith.addi %rem3A_883, %select_n3A_882 : i32
        %select_n3A_893 = arith.select %and3A_891, %add3A_892, %rem3A_883 : i32
        %add3A_894 = arith.addi %add3A_877, %select_n3A_893 : i32
        %mul3A_895 = arith.constant 128 : i32
        %mul3A_896 = arith.muli %add3A_894, %mul3A_895 : i32
        %dma_wait3A_897 = arith.constant 0 : i32
        %dma_wait3A_898 = arith.constant 0 : i32
        %dma_wait3A_899 = tpu.memref_slice %arg6[%scan3A_73, %dma_wait3A_897, %dma_wait3A_898] : memref<4x128x128xf32, #tpu.memory_space<vmem>> -> memref<1x128x128xf32, #tpu.memory_space<vmem>>
        %dma_wait3A_900 = tpu.memref_squeeze %dma_wait3A_899 : memref<1x128x128xf32, #tpu.memory_space<vmem>> -> memref<128x128xf32, #tpu.memory_space<vmem>>
        %dma_wait3A_901 = arith.constant 0 : i32
        %dma_wait3A_902 = tpu.memref_slice %arg4[%mul3A_896, %dma_wait3A_901] : memref<196608x128xf32, #tpu.memory_space<hbm>> -> memref<128x128xf32, #tpu.memory_space<hbm>>
        %dma_wait3A_903 = arith.constant 0 : i32
        %dma_wait3A_904 = tpu.memref_slice %arg4[%mul3A_896, %dma_wait3A_903] : memref<196608x128xf32, #tpu.memory_space<hbm>> -> memref<128x128xf32, #tpu.memory_space<hbm>>
        %dma_wait3A_905 = arith.constant 0 : i32
        %dma_wait3A_906 = arith.constant 0 : i32
        %dma_wait3A_907 = tpu.memref_slice %arg6[%scan3A_73, %dma_wait3A_905, %dma_wait3A_906] : memref<4x128x128xf32, #tpu.memory_space<vmem>> -> memref<1x128x128xf32, #tpu.memory_space<vmem>>
        %dma_wait3A_908 = tpu.memref_squeeze %dma_wait3A_907 : memref<1x128x128xf32, #tpu.memory_space<vmem>> -> memref<128x128xf32, #tpu.memory_space<vmem>>
        tpu.wait_dma2 semaphore(%arg13 : memref<!tpu.dma_semaphore, #tpu.memory_space<semaphore_mem>>) src(%dma_wait3A_908 : memref<128x128xf32, #tpu.memory_space<vmem>>) dst(%dma_wait3A_904 : memref<128x128xf32, #tpu.memory_space<hbm>>)
      } else {
      }
      %add3A_842 = arith.constant 2 : i32
      %add3A_843 = arith.addi %add3A_768, %add3A_842 : i32
      %lt3A_844 = arith.constant 12 : i32
      %lt3A_845 = arith.cmpi slt, %add3A_843, %lt3A_844 : i32
      %convert_element_type3A_846 = arith.extui %lt3A_845 : i1 to i32
      %cond3A_847 = arith.constant 0 : i32
      %cond3A_848 = arith.cmpi ne, %convert_element_type3A_846, %cond3A_847 : i32
      scf.if %cond3A_848 {
        %add3A_849 = arith.constant 2 : i32
        %add3A_850 = arith.addi %add3A_768, %add3A_849 : i32
        %mul3A_851 = arith.constant 128 : i32
        %mul3A_852 = arith.muli %add3A_850, %mul3A_851 : i32
        %dma_start3A_853 = arith.constant 0 : i32
        %dma_start3A_854 = arith.constant 0 : i32
        %dma_start3A_855 = tpu.memref_slice %arg6[%scan3A_73, %dma_start3A_853, %dma_start3A_854] : memref<4x128x128xf32, #tpu.memory_space<vmem>> -> memref<1x128x128xf32, #tpu.memory_space<vmem>>
        %dma_start3A_856 = tpu.memref_squeeze %dma_start3A_855 : memref<1x128x128xf32, #tpu.memory_space<vmem>> -> memref<128x128xf32, #tpu.memory_space<vmem>>
        %dma_start3A_857 = tpu.memref_slice %arg5[%mul3A_852] : memref<1536xi32, #tpu.memory_space<vmem>> -> memref<128xi32, #tpu.memory_space<vmem>>
        %dma_start3A_858 = arith.constant 0 : i32
        %dma_start3A_859 = arith.constant 0 : i32
        %dma_start3A_860 = tpu.memref_slice %arg7[%dma_start3A_858, %dma_start3A_859] : memref<4096x128xf32, #tpu.memory_space<vmem_shared>> -> memref<4096x128xf32, #tpu.memory_space<vmem_shared>>
        tpu.enqueue_indirect_dma source(%dma_start3A_860 : memref<4096x128xf32, #tpu.memory_space<vmem_shared>>) target(%dma_start3A_856 : memref<128x128xf32, #tpu.memory_space<vmem>>) offsets(%dma_start3A_857 : memref<128xi32, #tpu.memory_space<vmem>>) semaphore(%arg9 : memref<!tpu.dma_semaphore, #tpu.memory_space<semaphore_mem>>)
      } else {
      }
    }
    %scan3A_79 = arith.constant 3 : i32
    %add3A_80 = arith.constant 1024 : i32
    %add3A_81 = arith.addi %add3A_80, %add3A_15 : i32
    %add3A_82 = arith.constant 2 : i32
    %add3A_83 = arith.addi %add3A_81, %add3A_82 : i32
    %mul3A_84 = arith.constant 128 : i32
    %mul3A_85 = arith.muli %add3A_83, %mul3A_84 : i32
    %dma_wait3A = arith.constant 2 : i32
    %dma_wait3A_86 = arith.constant 0 : i32
    %dma_wait3A_87 = arith.constant 0 : i32
    %dma_wait3A_88 = tpu.memref_slice %arg6[%dma_wait3A, %dma_wait3A_86, %dma_wait3A_87] : memref<4x128x128xf32, #tpu.memory_space<vmem>> -> memref<1x128x128xf32, #tpu.memory_space<vmem>>
    %dma_wait3A_89 = tpu.memref_squeeze %dma_wait3A_88 : memref<1x128x128xf32, #tpu.memory_space<vmem>> -> memref<128x128xf32, #tpu.memory_space<vmem>>
    %dma_wait3A_90 = arith.constant 0 : i32
    %dma_wait3A_91 = tpu.memref_slice %arg4[%mul3A_85, %dma_wait3A_90] : memref<196608x128xf32, #tpu.memory_space<hbm>> -> memref<128x128xf32, #tpu.memory_space<hbm>>
    %dma_wait3A_92 = arith.constant 0 : i32
    %dma_wait3A_93 = tpu.memref_slice %arg4[%mul3A_85, %dma_wait3A_92] : memref<196608x128xf32, #tpu.memory_space<hbm>> -> memref<128x128xf32, #tpu.memory_space<hbm>>
    %dma_wait3A_94 = arith.constant 0 : i32
    %dma_wait3A_95 = arith.constant 0 : i32
    %dma_wait3A_96 = tpu.memref_slice %arg6[%dma_wait3A, %dma_wait3A_94, %dma_wait3A_95] : memref<4x128x128xf32, #tpu.memory_space<vmem>> -> memref<1x128x128xf32, #tpu.memory_space<vmem>>
    %dma_wait3A_97 = tpu.memref_squeeze %dma_wait3A_96 : memref<1x128x128xf32, #tpu.memory_space<vmem>> -> memref<128x128xf32, #tpu.memory_space<vmem>>
    tpu.wait_dma2 semaphore(%arg14 : memref<!tpu.dma_semaphore, #tpu.memory_space<semaphore_mem>>) src(%dma_wait3A_97 : memref<128x128xf32, #tpu.memory_space<vmem>>) dst(%dma_wait3A_93 : memref<128x128xf32, #tpu.memory_space<hbm>>)
    %add3A_98 = arith.constant 1024 : i32
    %add3A_99 = arith.addi %add3A_98, %add3A_15 : i32
    %add3A_100 = arith.constant 3 : i32
    %add3A_101 = arith.addi %add3A_99, %add3A_100 : i32
    %mul3A_102 = arith.constant 128 : i32
    %mul3A_103 = arith.muli %add3A_101, %mul3A_102 : i32
    %dma_wait3A_104 = arith.constant 3 : i32
    %dma_wait3A_105 = arith.constant 0 : i32
    %dma_wait3A_106 = arith.constant 0 : i32
    %dma_wait3A_107 = tpu.memref_slice %arg6[%dma_wait3A_104, %dma_wait3A_105, %dma_wait3A_106] : memref<4x128x128xf32, #tpu.memory_space<vmem>> -> memref<1x128x128xf32, #tpu.memory_space<vmem>>
    %dma_wait3A_108 = tpu.memref_squeeze %dma_wait3A_107 : memref<1x128x128xf32, #tpu.memory_space<vmem>> -> memref<128x128xf32, #tpu.memory_space<vmem>>
    %dma_wait3A_109 = arith.constant 0 : i32
    %dma_wait3A_110 = tpu.memref_slice %arg4[%mul3A_103, %dma_wait3A_109] : memref<196608x128xf32, #tpu.memory_space<hbm>> -> memref<128x128xf32, #tpu.memory_space<hbm>>
    %dma_wait3A_111 = arith.constant 0 : i32
    %dma_wait3A_112 = tpu.memref_slice %arg4[%mul3A_103, %dma_wait3A_111] : memref<196608x128xf32, #tpu.memory_space<hbm>> -> memref<128x128xf32, #tpu.memory_space<hbm>>
    %dma_wait3A_113 = arith.constant 0 : i32
    %dma_wait3A_114 = arith.constant 0 : i32
    %dma_wait3A_115 = tpu.memref_slice %arg6[%dma_wait3A_104, %dma_wait3A_113, %dma_wait3A_114] : memref<4x128x128xf32, #tpu.memory_space<vmem>> -> memref<1x128x128xf32, #tpu.memory_space<vmem>>
    %dma_wait3A_116 = tpu.memref_squeeze %dma_wait3A_115 : memref<1x128x128xf32, #tpu.memory_space<vmem>> -> memref<128x128xf32, #tpu.memory_space<vmem>>
    tpu.wait_dma2 semaphore(%arg15 : memref<!tpu.dma_semaphore, #tpu.memory_space<semaphore_mem>>) src(%dma_wait3A_116 : memref<128x128xf32, #tpu.memory_space<vmem>>) dst(%dma_wait3A_112 : memref<128x128xf32, #tpu.memory_space<hbm>>)
    %barrier3A_117 = arith.constant 0 : index
    tpu.barrier barrier_id(%barrier3A_117)
    %mul3A_118 = arith.constant 8 : i32
    %mul3A_119 = arith.muli %arg0, %mul3A_118 : i32
    %add3A_120 = arith.constant 2 : i32
    %add3A_121 = arith.addi %mul3A_119, %add3A_120 : i32
    %mul3A_122 = arith.constant 2048 : i32
    %mul3A_123 = arith.muli %add3A_121, %mul3A_122 : i32
    %mul3A_124 = arith.constant 256 : i32
    %mul3A_125 = arith.muli %arg1, %mul3A_124 : i32
    %add3A_126 = arith.addi %mul3A_123, %mul3A_125 : i32
    %mul3A_127 = arith.constant 256 : i32
    %mul3A_128 = arith.muli %arg1, %mul3A_127 : i32
    "tpu.region"() ({
      %run_scoped3A = tpu.sem_alloc : memref<!tpu.dma_semaphore, #tpu.memory_space<semaphore_mem>>
      %dma_start3A_517 = arith.constant 0 : i32
      %dma_start3A_518 = tpu.memref_slice %arg7[%mul3A_128, %dma_start3A_517] : memref<4096x128xf32, #tpu.memory_space<vmem_shared>> -> memref<256x128xf32, #tpu.memory_space<vmem_shared>>
      %dma_start3A_519 = arith.constant 0 : i32
      %dma_start3A_520 = tpu.memref_slice %arg3[%add3A_126, %dma_start3A_519] : memref<32768x128xf32, #tpu.memory_space<hbm>> -> memref<256x128xf32, #tpu.memory_space<hbm>>
      tpu.enqueue_dma source(%dma_start3A_520 : memref<256x128xf32, #tpu.memory_space<hbm>>) target(%dma_start3A_518 : memref<256x128xf32, #tpu.memory_space<vmem_shared>>) target_semaphore(%run_scoped3A : memref<!tpu.dma_semaphore, #tpu.memory_space<semaphore_mem>>)
      %dma_wait3A_521 = arith.constant 0 : i32
      %dma_wait3A_522 = tpu.memref_slice %arg7[%mul3A_128, %dma_wait3A_521] : memref<4096x128xf32, #tpu.memory_space<vmem_shared>> -> memref<256x128xf32, #tpu.memory_space<vmem_shared>>
      %dma_wait3A_523 = arith.constant 0 : i32
      %dma_wait3A_524 = tpu.memref_slice %arg3[%add3A_126, %dma_wait3A_523] : memref<32768x128xf32, #tpu.memory_space<hbm>> -> memref<256x128xf32, #tpu.memory_space<hbm>>
      tpu.wait_dma2 semaphore(%run_scoped3A : memref<!tpu.dma_semaphore, #tpu.memory_space<semaphore_mem>>) src(%dma_wait3A_524 : memref<256x128xf32, #tpu.memory_space<hbm>>) dst(%dma_wait3A_522 : memref<256x128xf32, #tpu.memory_space<vmem_shared>>)
      tpu.yield
    }) : () -> ()
    %barrier3A_129 = arith.constant 0 : index
    tpu.barrier barrier_id(%barrier3A_129)
    %mul3A_130 = arith.constant 256 : i32
    %mul3A_131 = arith.muli %arg0, %mul3A_130 : i32
    %add3A_132 = arith.constant 64 : i32
    %add3A_133 = arith.addi %mul3A_131, %add3A_132 : i32
    %mul3A_134 = arith.constant 4 : i32
    %mul3A_135 = arith.muli %arg1, %mul3A_134 : i32
    %add3A_136 = arith.addi %add3A_133, %mul3A_135 : i32
    %add3A_137 = arith.constant 0 : i32
    %add3A_138 = arith.addi %add3A_137, %add3A_136 : i32
    %mul3A_139 = arith.constant 128 : i32
    %mul3A_140 = arith.muli %add3A_138, %mul3A_139 : i32
    "tpu.region"() ({
      %run_scoped3A = tpu.sem_alloc : memref<!tpu.dma_semaphore, #tpu.memory_space<semaphore_mem>>
      %dma_start3A_517 = arith.constant 0 : i32
      %dma_start3A_518 = tpu.memref_slice %arg5[%dma_start3A_517] : memref<1536xi32, #tpu.memory_space<vmem>> -> memref<512xi32, #tpu.memory_space<vmem>>
      %dma_start3A_519 = tpu.memref_slice %arg2[%mul3A_140] : memref<196608xi32, #tpu.memory_space<hbm>> -> memref<512xi32, #tpu.memory_space<hbm>>
      %dma_start3A_520 = arith.constant 0 : i32
      %dma_start3A_521 = tpu.memref_slice %arg5[%dma_start3A_520] : memref<1536xi32, #tpu.memory_space<vmem>> -> memref<512xi32, #tpu.memory_space<vmem>>
      %dma_start3A_522 = tpu.memref_slice %arg2[%mul3A_140] : memref<196608xi32, #tpu.memory_space<hbm>> -> memref<512xi32, #tpu.memory_space<hbm>>
      tpu.enqueue_dma source(%dma_start3A_522 : memref<512xi32, #tpu.memory_space<hbm>>) target(%dma_start3A_521 : memref<512xi32, #tpu.memory_space<vmem>>) target_semaphore(%run_scoped3A : memref<!tpu.dma_semaphore, #tpu.memory_space<semaphore_mem>>)
      %dma_wait3A_523 = arith.constant 0 : i32
      %dma_wait3A_524 = tpu.memref_slice %arg5[%dma_wait3A_523] : memref<1536xi32, #tpu.memory_space<vmem>> -> memref<512xi32, #tpu.memory_space<vmem>>
      %dma_wait3A_525 = tpu.memref_slice %arg2[%mul3A_140] : memref<196608xi32, #tpu.memory_space<hbm>> -> memref<512xi32, #tpu.memory_space<hbm>>
      %dma_wait3A_526 = arith.constant 0 : i32
      %dma_wait3A_527 = tpu.memref_slice %arg5[%dma_wait3A_526] : memref<1536xi32, #tpu.memory_space<vmem>> -> memref<512xi32, #tpu.memory_space<vmem>>
      %dma_wait3A_528 = tpu.memref_slice %arg2[%mul3A_140] : memref<196608xi32, #tpu.memory_space<hbm>> -> memref<512xi32, #tpu.memory_space<hbm>>
      tpu.wait_dma2 semaphore(%run_scoped3A : memref<!tpu.dma_semaphore, #tpu.memory_space<semaphore_mem>>) src(%dma_wait3A_528 : memref<512xi32, #tpu.memory_space<hbm>>) dst(%dma_wait3A_527 : memref<512xi32, #tpu.memory_space<vmem>>)
      tpu.yield
    }) : () -> ()
    %add3A_141 = arith.constant 512 : i32
    %add3A_142 = arith.addi %add3A_141, %add3A_136 : i32
    %mul3A_143 = arith.constant 128 : i32
    %mul3A_144 = arith.muli %add3A_142, %mul3A_143 : i32
    "tpu.region"() ({
      %run_scoped3A = tpu.sem_alloc : memref<!tpu.dma_semaphore, #tpu.memory_space<semaphore_mem>>
      %dma_start3A_517 = arith.constant 512 : i32
      %dma_start3A_518 = tpu.memref_slice %arg5[%dma_start3A_517] : memref<1536xi32, #tpu.memory_space<vmem>> -> memref<512xi32, #tpu.memory_space<vmem>>
      %dma_start3A_519 = tpu.memref_slice %arg2[%mul3A_144] : memref<196608xi32, #tpu.memory_space<hbm>> -> memref<512xi32, #tpu.memory_space<hbm>>
      %dma_start3A_520 = arith.constant 512 : i32
      %dma_start3A_521 = tpu.memref_slice %arg5[%dma_start3A_520] : memref<1536xi32, #tpu.memory_space<vmem>> -> memref<512xi32, #tpu.memory_space<vmem>>
      %dma_start3A_522 = tpu.memref_slice %arg2[%mul3A_144] : memref<196608xi32, #tpu.memory_space<hbm>> -> memref<512xi32, #tpu.memory_space<hbm>>
      tpu.enqueue_dma source(%dma_start3A_522 : memref<512xi32, #tpu.memory_space<hbm>>) target(%dma_start3A_521 : memref<512xi32, #tpu.memory_space<vmem>>) target_semaphore(%run_scoped3A : memref<!tpu.dma_semaphore, #tpu.memory_space<semaphore_mem>>)
      %dma_wait3A_523 = arith.constant 512 : i32
      %dma_wait3A_524 = tpu.memref_slice %arg5[%dma_wait3A_523] : memref<1536xi32, #tpu.memory_space<vmem>> -> memref<512xi32, #tpu.memory_space<vmem>>
      %dma_wait3A_525 = tpu.memref_slice %arg2[%mul3A_144] : memref<196608xi32, #tpu.memory_space<hbm>> -> memref<512xi32, #tpu.memory_space<hbm>>
      %dma_wait3A_526 = arith.constant 512 : i32
      %dma_wait3A_527 = tpu.memref_slice %arg5[%dma_wait3A_526] : memref<1536xi32, #tpu.memory_space<vmem>> -> memref<512xi32, #tpu.memory_space<vmem>>
      %dma_wait3A_528 = tpu.memref_slice %arg2[%mul3A_144] : memref<196608xi32, #tpu.memory_space<hbm>> -> memref<512xi32, #tpu.memory_space<hbm>>
      tpu.wait_dma2 semaphore(%run_scoped3A : memref<!tpu.dma_semaphore, #tpu.memory_space<semaphore_mem>>) src(%dma_wait3A_528 : memref<512xi32, #tpu.memory_space<hbm>>) dst(%dma_wait3A_527 : memref<512xi32, #tpu.memory_space<vmem>>)
      tpu.yield
    }) : () -> ()
    %add3A_145 = arith.constant 1024 : i32
    %add3A_146 = arith.addi %add3A_145, %add3A_136 : i32
    %mul3A_147 = arith.constant 128 : i32
    %mul3A_148 = arith.muli %add3A_146, %mul3A_147 : i32
    "tpu.region"() ({
      %run_scoped3A = tpu.sem_alloc : memref<!tpu.dma_semaphore, #tpu.memory_space<semaphore_mem>>
      %dma_start3A_517 = arith.constant 1024 : i32
      %dma_start3A_518 = tpu.memref_slice %arg5[%dma_start3A_517] : memref<1536xi32, #tpu.memory_space<vmem>> -> memref<512xi32, #tpu.memory_space<vmem>>
      %dma_start3A_519 = tpu.memref_slice %arg2[%mul3A_148] : memref<196608xi32, #tpu.memory_space<hbm>> -> memref<512xi32, #tpu.memory_space<hbm>>
      %dma_start3A_520 = arith.constant 1024 : i32
      %dma_start3A_521 = tpu.memref_slice %arg5[%dma_start3A_520] : memref<1536xi32, #tpu.memory_space<vmem>> -> memref<512xi32, #tpu.memory_space<vmem>>
      %dma_start3A_522 = tpu.memref_slice %arg2[%mul3A_148] : memref<196608xi32, #tpu.memory_space<hbm>> -> memref<512xi32, #tpu.memory_space<hbm>>
      tpu.enqueue_dma source(%dma_start3A_522 : memref<512xi32, #tpu.memory_space<hbm>>) target(%dma_start3A_521 : memref<512xi32, #tpu.memory_space<vmem>>) target_semaphore(%run_scoped3A : memref<!tpu.dma_semaphore, #tpu.memory_space<semaphore_mem>>)
      %dma_wait3A_523 = arith.constant 1024 : i32
      %dma_wait3A_524 = tpu.memref_slice %arg5[%dma_wait3A_523] : memref<1536xi32, #tpu.memory_space<vmem>> -> memref<512xi32, #tpu.memory_space<vmem>>
      %dma_wait3A_525 = tpu.memref_slice %arg2[%mul3A_148] : memref<196608xi32, #tpu.memory_space<hbm>> -> memref<512xi32, #tpu.memory_space<hbm>>
      %dma_wait3A_526 = arith.constant 1024 : i32
      %dma_wait3A_527 = tpu.memref_slice %arg5[%dma_wait3A_526] : memref<1536xi32, #tpu.memory_space<vmem>> -> memref<512xi32, #tpu.memory_space<vmem>>
      %dma_wait3A_528 = tpu.memref_slice %arg2[%mul3A_148] : memref<196608xi32, #tpu.memory_space<hbm>> -> memref<512xi32, #tpu.memory_space<hbm>>
      tpu.wait_dma2 semaphore(%run_scoped3A : memref<!tpu.dma_semaphore, #tpu.memory_space<semaphore_mem>>) src(%dma_wait3A_528 : memref<512xi32, #tpu.memory_space<hbm>>) dst(%dma_wait3A_527 : memref<512xi32, #tpu.memory_space<vmem>>)
      tpu.yield
    }) : () -> ()
    %jit3A_149 = arith.constant 8 : i32
    %div3A_150 = arith.divsi %arg1, %jit3A_149 : i32
    %sign3A_151 = arith.constant 0 : i32
    %sign3A_152 = arith.cmpi sgt, %arg1, %sign3A_151 : i32
    %sign3A_153 = arith.extui %sign3A_152 : i1 to i32
    %sign3A_154 = arith.constant 0 : i32
    %sign3A_155 = arith.cmpi slt, %arg1, %sign3A_154 : i32
    %sign3A_156 = arith.extui %sign3A_155 : i1 to i32
    %sign3A_157 = arith.subi %sign3A_153, %sign3A_156 : i32
    %sign3A_158 = arith.constant 0 : i32
    %sign3A_159 = arith.cmpi sgt, %jit3A_149, %sign3A_158 : i32
    %sign3A_160 = arith.extui %sign3A_159 : i1 to i32
    %sign3A_161 = arith.constant 0 : i32
    %sign3A_162 = arith.cmpi slt, %jit3A_149, %sign3A_161 : i32
    %sign3A_163 = arith.extui %sign3A_162 : i1 to i32
    %sign3A_164 = arith.subi %sign3A_160, %sign3A_163 : i32
    %ne3A_165 = arith.cmpi ne, %sign3A_157, %sign3A_164 : i32
    %rem3A_166 = arith.remsi %arg1, %jit3A_149 : i32
    %ne3A_167 = arith.constant 0 : i32
    %ne3A_168 = arith.cmpi ne, %rem3A_166, %ne3A_167 : i32
    %and3A_169 = arith.andi %ne3A_165, %ne3A_168 : i1
    %sub3A_170 = arith.constant 1 : i32
    %sub3A_171 = arith.subi %div3A_150, %sub3A_170 : i32
    %select_n3A_172 = arith.select %and3A_169, %sub3A_171, %div3A_150 : i32
    %mul3A_173 = arith.constant 2048 : i32
    %mul3A_174 = arith.muli %select_n3A_172, %mul3A_173 : i32
    %broadcast_in_dim3A_175 = vector.broadcast %mul3A_174 : i32 to vector<16xi32>
    %scan3A_176 = arith.constant 0 : i32
    %scan3A_177 = arith.constant 0 : i32
    %scan3A_178 = arith.constant 96 : i32
    %scan3A_179 = arith.addi %scan3A_177, %scan3A_178 : i32
    %scan3A_180 = arith.constant 1 : i32
    scf.for %scan3A_517 = %scan3A_177 to %scan3A_179 step %scan3A_180  : i32 {
      %mul3A_518 = arith.constant 16 : i32
      %mul3A_519 = arith.muli %scan3A_517, %mul3A_518 : i32
      %get3A = arith.index_cast %mul3A_519 : i32 to index
      %get3A_520 = tpu.vector_load %arg5[%get3A] {strides = array<i32>} : memref<1536xi32, #tpu.memory_space<vmem>>, vector<16xi32>,
      %get3A_521 = vector.shape_cast %get3A_520 : vector<16xi32> to vector<16xi32>
      %add3A_522 = arith.addi %get3A_521, %broadcast_in_dim3A_175 : vector<16xi32>
      %mul3A_523 = arith.constant 16 : i32
      %mul3A_524 = arith.muli %scan3A_517, %mul3A_523 : i32
      %swap3A = arith.index_cast %mul3A_524 : i32 to index
      %swap3A_525 = tpu.vector_load %arg5[%swap3A] {strides = array<i32>} : memref<1536xi32, #tpu.memory_space<vmem>>, vector<16xi32>,
      %swap3A_526 = vector.shape_cast %swap3A_525 : vector<16xi32> to vector<16xi32>
      %swap3A_527 = vector.shape_cast %add3A_522 : vector<16xi32> to vector<16xi32>
      tpu.vector_store %arg5[%swap3A], %swap3A_527 {strides = array<i32>} : memref<1536xi32, #tpu.memory_space<vmem>>, vector<16xi32>,
    }
    %scan3A_181 = arith.constant 96 : i32
    %dma_start3A_182 = arith.constant 0 : i32
    %dma_start3A_183 = arith.constant 0 : i32
    %dma_start3A_184 = arith.constant 0 : i32
    %dma_start3A_185 = tpu.memref_slice %arg6[%dma_start3A_182, %dma_start3A_183, %dma_start3A_184] : memref<4x128x128xf32, #tpu.memory_space<vmem>> -> memref<1x128x128xf32, #tpu.memory_space<vmem>>
    %dma_start3A_186 = tpu.memref_squeeze %dma_start3A_185 : memref<1x128x128xf32, #tpu.memory_space<vmem>> -> memref<128x128xf32, #tpu.memory_space<vmem>>
    %dma_start3A_187 = arith.constant 0 : i32
    %dma_start3A_188 = tpu.memref_slice %arg5[%dma_start3A_187] : memref<1536xi32, #tpu.memory_space<vmem>> -> memref<128xi32, #tpu.memory_space<vmem>>
    %dma_start3A_189 = arith.constant 0 : i32
    %dma_start3A_190 = arith.constant 0 : i32
    %dma_start3A_191 = tpu.memref_slice %arg7[%dma_start3A_189, %dma_start3A_190] : memref<4096x128xf32, #tpu.memory_space<vmem_shared>> -> memref<4096x128xf32, #tpu.memory_space<vmem_shared>>
    tpu.enqueue_indirect_dma source(%dma_start3A_191 : memref<4096x128xf32, #tpu.memory_space<vmem_shared>>) target(%dma_start3A_186 : memref<128x128xf32, #tpu.memory_space<vmem>>) offsets(%dma_start3A_188 : memref<128xi32, #tpu.memory_space<vmem>>) semaphore(%arg8 : memref<!tpu.dma_semaphore, #tpu.memory_space<semaphore_mem>>)
    %dma_start3A_192 = arith.constant 1 : i32
    %dma_start3A_193 = arith.constant 0 : i32
    %dma_start3A_194 = arith.constant 0 : i32
    %dma_start3A_195 = tpu.memref_slice %arg6[%dma_start3A_192, %dma_start3A_193, %dma_start3A_194] : memref<4x128x128xf32, #tpu.memory_space<vmem>> -> memref<1x128x128xf32, #tpu.memory_space<vmem>>
    %dma_start3A_196 = tpu.memref_squeeze %dma_start3A_195 : memref<1x128x128xf32, #tpu.memory_space<vmem>> -> memref<128x128xf32, #tpu.memory_space<vmem>>
    %dma_start3A_197 = arith.constant 128 : i32
    %dma_start3A_198 = tpu.memref_slice %arg5[%dma_start3A_197] : memref<1536xi32, #tpu.memory_space<vmem>> -> memref<128xi32, #tpu.memory_space<vmem>>
    %dma_start3A_199 = arith.constant 0 : i32
    %dma_start3A_200 = arith.constant 0 : i32
    %dma_start3A_201 = tpu.memref_slice %arg7[%dma_start3A_199, %dma_start3A_200] : memref<4096x128xf32, #tpu.memory_space<vmem_shared>> -> memref<4096x128xf32, #tpu.memory_space<vmem_shared>>
    tpu.enqueue_indirect_dma source(%dma_start3A_201 : memref<4096x128xf32, #tpu.memory_space<vmem_shared>>) target(%dma_start3A_196 : memref<128x128xf32, #tpu.memory_space<vmem>>) offsets(%dma_start3A_198 : memref<128xi32, #tpu.memory_space<vmem>>) semaphore(%arg9 : memref<!tpu.dma_semaphore, #tpu.memory_space<semaphore_mem>>)
    %scan3A_202 = arith.constant 0 : i32
    %scan3A_203 = arith.constant 0 : i32
    %scan3A_204 = arith.constant 2 : i32
    %scan3A_205 = arith.constant 1 : i32
    %scan3A_206 = arith.constant 3 : i32
    %scan3A_207 = arith.constant 0 : i32
    %scan3A_208 = arith.constant 3 : i32
    %scan3A_209 = arith.addi %scan3A_207, %scan3A_208 : i32
    %scan3A_210 = arith.constant 1 : i32
    scf.for %scan3A_517 = %scan3A_207 to %scan3A_209 step %scan3A_210  : i32 {
      %mul3A_518 = arith.constant 4 : i32
      %mul3A_519 = arith.muli %mul3A_518, %scan3A_517 : i32
      %add3A_520 = arith.constant 0 : i32
      %add3A_521 = arith.addi %mul3A_519, %add3A_520 : i32
      %mul3A_522 = arith.constant 128 : i32
      %mul3A_523 = arith.muli %add3A_521, %mul3A_522 : i32
      %dma_wait3A_524 = arith.constant 0 : i32
      %dma_wait3A_525 = arith.constant 0 : i32
      %dma_wait3A_526 = tpu.memref_slice %arg6[%scan3A_203, %dma_wait3A_524, %dma_wait3A_525] : memref<4x128x128xf32, #tpu.memory_space<vmem>> -> memref<1x128x128xf32, #tpu.memory_space<vmem>>
      %dma_wait3A_527 = tpu.memref_squeeze %dma_wait3A_526 : memref<1x128x128xf32, #tpu.memory_space<vmem>> -> memref<128x128xf32, #tpu.memory_space<vmem>>
      %dma_wait3A_528 = tpu.memref_slice %arg5[%mul3A_523] : memref<1536xi32, #tpu.memory_space<vmem>> -> memref<128xi32, #tpu.memory_space<vmem>>
      %dma_wait3A_529 = arith.constant 0 : i32
      %dma_wait3A_530 = arith.constant 0 : i32
      %dma_wait3A_531 = tpu.memref_slice %arg7[%dma_wait3A_529, %dma_wait3A_530] : memref<4096x128xf32, #tpu.memory_space<vmem_shared>> -> memref<4096x128xf32, #tpu.memory_space<vmem_shared>>
      tpu.wait_indirect_dma semaphore(%arg8 : memref<!tpu.dma_semaphore, #tpu.memory_space<semaphore_mem>>) src(%dma_wait3A_531 : memref<4096x128xf32, #tpu.memory_space<vmem_shared>>) dst(%dma_wait3A_527 : memref<128x128xf32, #tpu.memory_space<vmem>>)
      %jit3A_532 = arith.constant 4 : i32
      %div3A_533 = arith.divsi %add3A_521, %jit3A_532 : i32
      %sign3A_534 = arith.constant 0 : i32
      %sign3A_535 = arith.cmpi sgt, %add3A_521, %sign3A_534 : i32
      %sign3A_536 = arith.extui %sign3A_535 : i1 to i32
      %sign3A_537 = arith.constant 0 : i32
      %sign3A_538 = arith.cmpi slt, %add3A_521, %sign3A_537 : i32
      %sign3A_539 = arith.extui %sign3A_538 : i1 to i32
      %sign3A_540 = arith.subi %sign3A_536, %sign3A_539 : i32
      %sign3A_541 = arith.constant 0 : i32
      %sign3A_542 = arith.cmpi sgt, %jit3A_532, %sign3A_541 : i32
      %sign3A_543 = arith.extui %sign3A_542 : i1 to i32
      %sign3A_544 = arith.constant 0 : i32
      %sign3A_545 = arith.cmpi slt, %jit3A_532, %sign3A_544 : i32
      %sign3A_546 = arith.extui %sign3A_545 : i1 to i32
      %sign3A_547 = arith.subi %sign3A_543, %sign3A_546 : i32
      %ne3A_548 = arith.cmpi ne, %sign3A_540, %sign3A_547 : i32
      %rem3A_549 = arith.remsi %add3A_521, %jit3A_532 : i32
      %ne3A_550 = arith.constant 0 : i32
      %ne3A_551 = arith.cmpi ne, %rem3A_549, %ne3A_550 : i32
      %and3A_552 = arith.andi %ne3A_548, %ne3A_551 : i1
      %sub3A_553 = arith.constant 1 : i32
      %sub3A_554 = arith.subi %div3A_533, %sub3A_553 : i32
      %select_n3A_555 = arith.select %and3A_552, %sub3A_554, %div3A_533 : i32
      %mul3A_556 = arith.constant 512 : i32
      %mul3A_557 = arith.muli %select_n3A_555, %mul3A_556 : i32
      %add3A_558 = arith.addi %mul3A_557, %add3A_136 : i32
      %jit3A_559 = arith.constant 4 : i32
      %eq3A = arith.constant 0 : i32
      %eq3A_560 = arith.cmpi eq, %jit3A_559, %eq3A : i32
      %jit3A_561 = arith.constant 1 : i32
      %select_n3A_562 = arith.select %eq3A_560, %jit3A_561, %jit3A_559 : i32
      %rem3A_563 = arith.remsi %add3A_521, %select_n3A_562 : i32
      %ne3A_564 = arith.constant 0 : i32
      %ne3A_565 = arith.cmpi ne, %rem3A_563, %ne3A_564 : i32
      %lt3A = arith.constant 0 : i32
      %lt3A_566 = arith.cmpi slt, %rem3A_563, %lt3A : i32
      %lt3A_567 = arith.constant 0 : i32
      %lt3A_568 = arith.cmpi slt, %select_n3A_562, %lt3A_567 : i32
      %ne3A_569 = arith.xori %lt3A_566, %lt3A_568 : i1
      %and3A_570 = arith.andi %ne3A_569, %ne3A_565 : i1
      %add3A_571 = arith.addi %rem3A_563, %select_n3A_562 : i32
      %select_n3A_572 = arith.select %and3A_570, %add3A_571, %rem3A_563 : i32
      %add3A_573 = arith.addi %add3A_558, %select_n3A_572 : i32
      %mul3A_574 = arith.constant 128 : i32
      %mul3A_575 = arith.muli %add3A_573, %mul3A_574 : i32
      %dma_start3A_576 = arith.constant 0 : i32
      %dma_start3A_577 = arith.constant 0 : i32
      %dma_start3A_578 = tpu.memref_slice %arg6[%scan3A_203, %dma_start3A_576, %dma_start3A_577] : memref<4x128x128xf32, #tpu.memory_space<vmem>> -> memref<1x128x128xf32, #tpu.memory_space<vmem>>
      %dma_start3A_579 = tpu.memref_squeeze %dma_start3A_578 : memref<1x128x128xf32, #tpu.memory_space<vmem>> -> memref<128x128xf32, #tpu.memory_space<vmem>>
      %dma_start3A_580 = arith.constant 0 : i32
      %dma_start3A_581 = tpu.memref_slice %arg4[%mul3A_575, %dma_start3A_580] : memref<196608x128xf32, #tpu.memory_space<hbm>> -> memref<128x128xf32, #tpu.memory_space<hbm>>
      %dma_start3A_582 = arith.constant 0 : i32
      %dma_start3A_583 = tpu.memref_slice %arg4[%mul3A_575, %dma_start3A_582] : memref<196608x128xf32, #tpu.memory_space<hbm>> -> memref<128x128xf32, #tpu.memory_space<hbm>>
      %dma_start3A_584 = arith.constant 0 : i32
      %dma_start3A_585 = arith.constant 0 : i32
      %dma_start3A_586 = tpu.memref_slice %arg6[%scan3A_203, %dma_start3A_584, %dma_start3A_585] : memref<4x128x128xf32, #tpu.memory_space<vmem>> -> memref<1x128x128xf32, #tpu.memory_space<vmem>>
      %dma_start3A_587 = tpu.memref_squeeze %dma_start3A_586 : memref<1x128x128xf32, #tpu.memory_space<vmem>> -> memref<128x128xf32, #tpu.memory_space<vmem>>
      tpu.enqueue_dma source(%dma_start3A_587 : memref<128x128xf32, #tpu.memory_space<vmem>>) target(%dma_start3A_583 : memref<128x128xf32, #tpu.memory_space<hbm>>) target_semaphore(%arg12 : memref<!tpu.dma_semaphore, #tpu.memory_space<semaphore_mem>>)
      %ge3A = arith.constant 2 : i32
      %ge3A_588 = arith.cmpi sge, %add3A_521, %ge3A : i32
      %convert_element_type3A = arith.extui %ge3A_588 : i1 to i32
      %cond3A = arith.constant 0 : i32
      %cond3A_589 = arith.cmpi ne, %convert_element_type3A, %cond3A : i32
      scf.if %cond3A_589 {
        %sub3A_849 = arith.constant 2 : i32
        %sub3A_850 = arith.subi %add3A_521, %sub3A_849 : i32
        %jit3A_851 = arith.constant 4 : i32
        %div3A_852 = arith.divsi %sub3A_850, %jit3A_851 : i32
        %sign3A_853 = arith.constant 0 : i32
        %sign3A_854 = arith.cmpi sgt, %sub3A_850, %sign3A_853 : i32
        %sign3A_855 = arith.extui %sign3A_854 : i1 to i32
        %sign3A_856 = arith.constant 0 : i32
        %sign3A_857 = arith.cmpi slt, %sub3A_850, %sign3A_856 : i32
        %sign3A_858 = arith.extui %sign3A_857 : i1 to i32
        %sign3A_859 = arith.subi %sign3A_855, %sign3A_858 : i32
        %sign3A_860 = arith.constant 0 : i32
        %sign3A_861 = arith.cmpi sgt, %jit3A_851, %sign3A_860 : i32
        %sign3A_862 = arith.extui %sign3A_861 : i1 to i32
        %sign3A_863 = arith.constant 0 : i32
        %sign3A_864 = arith.cmpi slt, %jit3A_851, %sign3A_863 : i32
        %sign3A_865 = arith.extui %sign3A_864 : i1 to i32
        %sign3A_866 = arith.subi %sign3A_862, %sign3A_865 : i32
        %ne3A_867 = arith.cmpi ne, %sign3A_859, %sign3A_866 : i32
        %rem3A_868 = arith.remsi %sub3A_850, %jit3A_851 : i32
        %ne3A_869 = arith.constant 0 : i32
        %ne3A_870 = arith.cmpi ne, %rem3A_868, %ne3A_869 : i32
        %and3A_871 = arith.andi %ne3A_867, %ne3A_870 : i1
        %sub3A_872 = arith.constant 1 : i32
        %sub3A_873 = arith.subi %div3A_852, %sub3A_872 : i32
        %select_n3A_874 = arith.select %and3A_871, %sub3A_873, %div3A_852 : i32
        %mul3A_875 = arith.constant 512 : i32
        %mul3A_876 = arith.muli %select_n3A_874, %mul3A_875 : i32
        %add3A_877 = arith.addi %mul3A_876, %add3A_136 : i32
        %jit3A_878 = arith.constant 4 : i32
        %eq3A_879 = arith.constant 0 : i32
        %eq3A_880 = arith.cmpi eq, %jit3A_878, %eq3A_879 : i32
        %jit3A_881 = arith.constant 1 : i32
        %select_n3A_882 = arith.select %eq3A_880, %jit3A_881, %jit3A_878 : i32
        %rem3A_883 = arith.remsi %sub3A_850, %select_n3A_882 : i32
        %ne3A_884 = arith.constant 0 : i32
        %ne3A_885 = arith.cmpi ne, %rem3A_883, %ne3A_884 : i32
        %lt3A_886 = arith.constant 0 : i32
        %lt3A_887 = arith.cmpi slt, %rem3A_883, %lt3A_886 : i32
        %lt3A_888 = arith.constant 0 : i32
        %lt3A_889 = arith.cmpi slt, %select_n3A_882, %lt3A_888 : i32
        %ne3A_890 = arith.xori %lt3A_887, %lt3A_889 : i1
        %and3A_891 = arith.andi %ne3A_890, %ne3A_885 : i1
        %add3A_892 = arith.addi %rem3A_883, %select_n3A_882 : i32
        %select_n3A_893 = arith.select %and3A_891, %add3A_892, %rem3A_883 : i32
        %add3A_894 = arith.addi %add3A_877, %select_n3A_893 : i32
        %mul3A_895 = arith.constant 128 : i32
        %mul3A_896 = arith.muli %add3A_894, %mul3A_895 : i32
        %dma_wait3A_897 = arith.constant 0 : i32
        %dma_wait3A_898 = arith.constant 0 : i32
        %dma_wait3A_899 = tpu.memref_slice %arg6[%scan3A_204, %dma_wait3A_897, %dma_wait3A_898] : memref<4x128x128xf32, #tpu.memory_space<vmem>> -> memref<1x128x128xf32, #tpu.memory_space<vmem>>
        %dma_wait3A_900 = tpu.memref_squeeze %dma_wait3A_899 : memref<1x128x128xf32, #tpu.memory_space<vmem>> -> memref<128x128xf32, #tpu.memory_space<vmem>>
        %dma_wait3A_901 = arith.constant 0 : i32
        %dma_wait3A_902 = tpu.memref_slice %arg4[%mul3A_896, %dma_wait3A_901] : memref<196608x128xf32, #tpu.memory_space<hbm>> -> memref<128x128xf32, #tpu.memory_space<hbm>>
        %dma_wait3A_903 = arith.constant 0 : i32
        %dma_wait3A_904 = tpu.memref_slice %arg4[%mul3A_896, %dma_wait3A_903] : memref<196608x128xf32, #tpu.memory_space<hbm>> -> memref<128x128xf32, #tpu.memory_space<hbm>>
        %dma_wait3A_905 = arith.constant 0 : i32
        %dma_wait3A_906 = arith.constant 0 : i32
        %dma_wait3A_907 = tpu.memref_slice %arg6[%scan3A_204, %dma_wait3A_905, %dma_wait3A_906] : memref<4x128x128xf32, #tpu.memory_space<vmem>> -> memref<1x128x128xf32, #tpu.memory_space<vmem>>
        %dma_wait3A_908 = tpu.memref_squeeze %dma_wait3A_907 : memref<1x128x128xf32, #tpu.memory_space<vmem>> -> memref<128x128xf32, #tpu.memory_space<vmem>>
        tpu.wait_dma2 semaphore(%arg14 : memref<!tpu.dma_semaphore, #tpu.memory_space<semaphore_mem>>) src(%dma_wait3A_908 : memref<128x128xf32, #tpu.memory_space<vmem>>) dst(%dma_wait3A_904 : memref<128x128xf32, #tpu.memory_space<hbm>>)
      } else {
      }
      %add3A_590 = arith.constant 2 : i32
      %add3A_591 = arith.addi %add3A_521, %add3A_590 : i32
      %lt3A_592 = arith.constant 12 : i32
      %lt3A_593 = arith.cmpi slt, %add3A_591, %lt3A_592 : i32
      %convert_element_type3A_594 = arith.extui %lt3A_593 : i1 to i32
      %cond3A_595 = arith.constant 0 : i32
      %cond3A_596 = arith.cmpi ne, %convert_element_type3A_594, %cond3A_595 : i32
      scf.if %cond3A_596 {
        %add3A_849 = arith.constant 2 : i32
        %add3A_850 = arith.addi %add3A_521, %add3A_849 : i32
        %mul3A_851 = arith.constant 128 : i32
        %mul3A_852 = arith.muli %add3A_850, %mul3A_851 : i32
        %dma_start3A_853 = arith.constant 0 : i32
        %dma_start3A_854 = arith.constant 0 : i32
        %dma_start3A_855 = tpu.memref_slice %arg6[%scan3A_204, %dma_start3A_853, %dma_start3A_854] : memref<4x128x128xf32, #tpu.memory_space<vmem>> -> memref<1x128x128xf32, #tpu.memory_space<vmem>>
        %dma_start3A_856 = tpu.memref_squeeze %dma_start3A_855 : memref<1x128x128xf32, #tpu.memory_space<vmem>> -> memref<128x128xf32, #tpu.memory_space<vmem>>
        %dma_start3A_857 = tpu.memref_slice %arg5[%mul3A_852] : memref<1536xi32, #tpu.memory_space<vmem>> -> memref<128xi32, #tpu.memory_space<vmem>>
        %dma_start3A_858 = arith.constant 0 : i32
        %dma_start3A_859 = arith.constant 0 : i32
        %dma_start3A_860 = tpu.memref_slice %arg7[%dma_start3A_858, %dma_start3A_859] : memref<4096x128xf32, #tpu.memory_space<vmem_shared>> -> memref<4096x128xf32, #tpu.memory_space<vmem_shared>>
        tpu.enqueue_indirect_dma source(%dma_start3A_860 : memref<4096x128xf32, #tpu.memory_space<vmem_shared>>) target(%dma_start3A_856 : memref<128x128xf32, #tpu.memory_space<vmem>>) offsets(%dma_start3A_857 : memref<128xi32, #tpu.memory_space<vmem>>) semaphore(%arg10 : memref<!tpu.dma_semaphore, #tpu.memory_space<semaphore_mem>>)
      } else {
      }
      %mul3A_597 = arith.constant 4 : i32
      %mul3A_598 = arith.muli %mul3A_597, %scan3A_517 : i32
      %add3A_599 = arith.constant 1 : i32
      %add3A_600 = arith.addi %mul3A_598, %add3A_599 : i32
      %mul3A_601 = arith.constant 128 : i32
      %mul3A_602 = arith.muli %add3A_600, %mul3A_601 : i32
      %dma_wait3A_603 = arith.constant 0 : i32
      %dma_wait3A_604 = arith.constant 0 : i32
      %dma_wait3A_605 = tpu.memref_slice %arg6[%scan3A_205, %dma_wait3A_603, %dma_wait3A_604] : memref<4x128x128xf32, #tpu.memory_space<vmem>> -> memref<1x128x128xf32, #tpu.memory_space<vmem>>
      %dma_wait3A_606 = tpu.memref_squeeze %dma_wait3A_605 : memref<1x128x128xf32, #tpu.memory_space<vmem>> -> memref<128x128xf32, #tpu.memory_space<vmem>>
      %dma_wait3A_607 = tpu.memref_slice %arg5[%mul3A_602] : memref<1536xi32, #tpu.memory_space<vmem>> -> memref<128xi32, #tpu.memory_space<vmem>>
      %dma_wait3A_608 = arith.constant 0 : i32
      %dma_wait3A_609 = arith.constant 0 : i32
      %dma_wait3A_610 = tpu.memref_slice %arg7[%dma_wait3A_608, %dma_wait3A_609] : memref<4096x128xf32, #tpu.memory_space<vmem_shared>> -> memref<4096x128xf32, #tpu.memory_space<vmem_shared>>
      tpu.wait_indirect_dma semaphore(%arg9 : memref<!tpu.dma_semaphore, #tpu.memory_space<semaphore_mem>>) src(%dma_wait3A_610 : memref<4096x128xf32, #tpu.memory_space<vmem_shared>>) dst(%dma_wait3A_606 : memref<128x128xf32, #tpu.memory_space<vmem>>)
      %jit3A_611 = arith.constant 4 : i32
      %div3A_612 = arith.divsi %add3A_600, %jit3A_611 : i32
      %sign3A_613 = arith.constant 0 : i32
      %sign3A_614 = arith.cmpi sgt, %add3A_600, %sign3A_613 : i32
      %sign3A_615 = arith.extui %sign3A_614 : i1 to i32
      %sign3A_616 = arith.constant 0 : i32
      %sign3A_617 = arith.cmpi slt, %add3A_600, %sign3A_616 : i32
      %sign3A_618 = arith.extui %sign3A_617 : i1 to i32
      %sign3A_619 = arith.subi %sign3A_615, %sign3A_618 : i32
      %sign3A_620 = arith.constant 0 : i32
      %sign3A_621 = arith.cmpi sgt, %jit3A_611, %sign3A_620 : i32
      %sign3A_622 = arith.extui %sign3A_621 : i1 to i32
      %sign3A_623 = arith.constant 0 : i32
      %sign3A_624 = arith.cmpi slt, %jit3A_611, %sign3A_623 : i32
      %sign3A_625 = arith.extui %sign3A_624 : i1 to i32
      %sign3A_626 = arith.subi %sign3A_622, %sign3A_625 : i32
      %ne3A_627 = arith.cmpi ne, %sign3A_619, %sign3A_626 : i32
      %rem3A_628 = arith.remsi %add3A_600, %jit3A_611 : i32
      %ne3A_629 = arith.constant 0 : i32
      %ne3A_630 = arith.cmpi ne, %rem3A_628, %ne3A_629 : i32
      %and3A_631 = arith.andi %ne3A_627, %ne3A_630 : i1
      %sub3A_632 = arith.constant 1 : i32
      %sub3A_633 = arith.subi %div3A_612, %sub3A_632 : i32
      %select_n3A_634 = arith.select %and3A_631, %sub3A_633, %div3A_612 : i32
      %mul3A_635 = arith.constant 512 : i32
      %mul3A_636 = arith.muli %select_n3A_634, %mul3A_635 : i32
      %add3A_637 = arith.addi %mul3A_636, %add3A_136 : i32
      %jit3A_638 = arith.constant 4 : i32
      %eq3A_639 = arith.constant 0 : i32
      %eq3A_640 = arith.cmpi eq, %jit3A_638, %eq3A_639 : i32
      %jit3A_641 = arith.constant 1 : i32
      %select_n3A_642 = arith.select %eq3A_640, %jit3A_641, %jit3A_638 : i32
      %rem3A_643 = arith.remsi %add3A_600, %select_n3A_642 : i32
      %ne3A_644 = arith.constant 0 : i32
      %ne3A_645 = arith.cmpi ne, %rem3A_643, %ne3A_644 : i32
      %lt3A_646 = arith.constant 0 : i32
      %lt3A_647 = arith.cmpi slt, %rem3A_643, %lt3A_646 : i32
      %lt3A_648 = arith.constant 0 : i32
      %lt3A_649 = arith.cmpi slt, %select_n3A_642, %lt3A_648 : i32
      %ne3A_650 = arith.xori %lt3A_647, %lt3A_649 : i1
      %and3A_651 = arith.andi %ne3A_650, %ne3A_645 : i1
      %add3A_652 = arith.addi %rem3A_643, %select_n3A_642 : i32
      %select_n3A_653 = arith.select %and3A_651, %add3A_652, %rem3A_643 : i32
      %add3A_654 = arith.addi %add3A_637, %select_n3A_653 : i32
      %mul3A_655 = arith.constant 128 : i32
      %mul3A_656 = arith.muli %add3A_654, %mul3A_655 : i32
      %dma_start3A_657 = arith.constant 0 : i32
      %dma_start3A_658 = arith.constant 0 : i32
      %dma_start3A_659 = tpu.memref_slice %arg6[%scan3A_205, %dma_start3A_657, %dma_start3A_658] : memref<4x128x128xf32, #tpu.memory_space<vmem>> -> memref<1x128x128xf32, #tpu.memory_space<vmem>>
      %dma_start3A_660 = tpu.memref_squeeze %dma_start3A_659 : memref<1x128x128xf32, #tpu.memory_space<vmem>> -> memref<128x128xf32, #tpu.memory_space<vmem>>
      %dma_start3A_661 = arith.constant 0 : i32
      %dma_start3A_662 = tpu.memref_slice %arg4[%mul3A_656, %dma_start3A_661] : memref<196608x128xf32, #tpu.memory_space<hbm>> -> memref<128x128xf32, #tpu.memory_space<hbm>>
      %dma_start3A_663 = arith.constant 0 : i32
      %dma_start3A_664 = tpu.memref_slice %arg4[%mul3A_656, %dma_start3A_663] : memref<196608x128xf32, #tpu.memory_space<hbm>> -> memref<128x128xf32, #tpu.memory_space<hbm>>
      %dma_start3A_665 = arith.constant 0 : i32
      %dma_start3A_666 = arith.constant 0 : i32
      %dma_start3A_667 = tpu.memref_slice %arg6[%scan3A_205, %dma_start3A_665, %dma_start3A_666] : memref<4x128x128xf32, #tpu.memory_space<vmem>> -> memref<1x128x128xf32, #tpu.memory_space<vmem>>
      %dma_start3A_668 = tpu.memref_squeeze %dma_start3A_667 : memref<1x128x128xf32, #tpu.memory_space<vmem>> -> memref<128x128xf32, #tpu.memory_space<vmem>>
      tpu.enqueue_dma source(%dma_start3A_668 : memref<128x128xf32, #tpu.memory_space<vmem>>) target(%dma_start3A_664 : memref<128x128xf32, #tpu.memory_space<hbm>>) target_semaphore(%arg13 : memref<!tpu.dma_semaphore, #tpu.memory_space<semaphore_mem>>)
      %ge3A_669 = arith.constant 2 : i32
      %ge3A_670 = arith.cmpi sge, %add3A_600, %ge3A_669 : i32
      %convert_element_type3A_671 = arith.extui %ge3A_670 : i1 to i32
      %cond3A_672 = arith.constant 0 : i32
      %cond3A_673 = arith.cmpi ne, %convert_element_type3A_671, %cond3A_672 : i32
      scf.if %cond3A_673 {
        %sub3A_849 = arith.constant 2 : i32
        %sub3A_850 = arith.subi %add3A_600, %sub3A_849 : i32
        %jit3A_851 = arith.constant 4 : i32
        %div3A_852 = arith.divsi %sub3A_850, %jit3A_851 : i32
        %sign3A_853 = arith.constant 0 : i32
        %sign3A_854 = arith.cmpi sgt, %sub3A_850, %sign3A_853 : i32
        %sign3A_855 = arith.extui %sign3A_854 : i1 to i32
        %sign3A_856 = arith.constant 0 : i32
        %sign3A_857 = arith.cmpi slt, %sub3A_850, %sign3A_856 : i32
        %sign3A_858 = arith.extui %sign3A_857 : i1 to i32
        %sign3A_859 = arith.subi %sign3A_855, %sign3A_858 : i32
        %sign3A_860 = arith.constant 0 : i32
        %sign3A_861 = arith.cmpi sgt, %jit3A_851, %sign3A_860 : i32
        %sign3A_862 = arith.extui %sign3A_861 : i1 to i32
        %sign3A_863 = arith.constant 0 : i32
        %sign3A_864 = arith.cmpi slt, %jit3A_851, %sign3A_863 : i32
        %sign3A_865 = arith.extui %sign3A_864 : i1 to i32
        %sign3A_866 = arith.subi %sign3A_862, %sign3A_865 : i32
        %ne3A_867 = arith.cmpi ne, %sign3A_859, %sign3A_866 : i32
        %rem3A_868 = arith.remsi %sub3A_850, %jit3A_851 : i32
        %ne3A_869 = arith.constant 0 : i32
        %ne3A_870 = arith.cmpi ne, %rem3A_868, %ne3A_869 : i32
        %and3A_871 = arith.andi %ne3A_867, %ne3A_870 : i1
        %sub3A_872 = arith.constant 1 : i32
        %sub3A_873 = arith.subi %div3A_852, %sub3A_872 : i32
        %select_n3A_874 = arith.select %and3A_871, %sub3A_873, %div3A_852 : i32
        %mul3A_875 = arith.constant 512 : i32
        %mul3A_876 = arith.muli %select_n3A_874, %mul3A_875 : i32
        %add3A_877 = arith.addi %mul3A_876, %add3A_136 : i32
        %jit3A_878 = arith.constant 4 : i32
        %eq3A_879 = arith.constant 0 : i32
        %eq3A_880 = arith.cmpi eq, %jit3A_878, %eq3A_879 : i32
        %jit3A_881 = arith.constant 1 : i32
        %select_n3A_882 = arith.select %eq3A_880, %jit3A_881, %jit3A_878 : i32
        %rem3A_883 = arith.remsi %sub3A_850, %select_n3A_882 : i32
        %ne3A_884 = arith.constant 0 : i32
        %ne3A_885 = arith.cmpi ne, %rem3A_883, %ne3A_884 : i32
        %lt3A_886 = arith.constant 0 : i32
        %lt3A_887 = arith.cmpi slt, %rem3A_883, %lt3A_886 : i32
        %lt3A_888 = arith.constant 0 : i32
        %lt3A_889 = arith.cmpi slt, %select_n3A_882, %lt3A_888 : i32
        %ne3A_890 = arith.xori %lt3A_887, %lt3A_889 : i1
        %and3A_891 = arith.andi %ne3A_890, %ne3A_885 : i1
        %add3A_892 = arith.addi %rem3A_883, %select_n3A_882 : i32
        %select_n3A_893 = arith.select %and3A_891, %add3A_892, %rem3A_883 : i32
        %add3A_894 = arith.addi %add3A_877, %select_n3A_893 : i32
        %mul3A_895 = arith.constant 128 : i32
        %mul3A_896 = arith.muli %add3A_894, %mul3A_895 : i32
        %dma_wait3A_897 = arith.constant 0 : i32
        %dma_wait3A_898 = arith.constant 0 : i32
        %dma_wait3A_899 = tpu.memref_slice %arg6[%scan3A_206, %dma_wait3A_897, %dma_wait3A_898] : memref<4x128x128xf32, #tpu.memory_space<vmem>> -> memref<1x128x128xf32, #tpu.memory_space<vmem>>
        %dma_wait3A_900 = tpu.memref_squeeze %dma_wait3A_899 : memref<1x128x128xf32, #tpu.memory_space<vmem>> -> memref<128x128xf32, #tpu.memory_space<vmem>>
        %dma_wait3A_901 = arith.constant 0 : i32
        %dma_wait3A_902 = tpu.memref_slice %arg4[%mul3A_896, %dma_wait3A_901] : memref<196608x128xf32, #tpu.memory_space<hbm>> -> memref<128x128xf32, #tpu.memory_space<hbm>>
        %dma_wait3A_903 = arith.constant 0 : i32
        %dma_wait3A_904 = tpu.memref_slice %arg4[%mul3A_896, %dma_wait3A_903] : memref<196608x128xf32, #tpu.memory_space<hbm>> -> memref<128x128xf32, #tpu.memory_space<hbm>>
        %dma_wait3A_905 = arith.constant 0 : i32
        %dma_wait3A_906 = arith.constant 0 : i32
        %dma_wait3A_907 = tpu.memref_slice %arg6[%scan3A_206, %dma_wait3A_905, %dma_wait3A_906] : memref<4x128x128xf32, #tpu.memory_space<vmem>> -> memref<1x128x128xf32, #tpu.memory_space<vmem>>
        %dma_wait3A_908 = tpu.memref_squeeze %dma_wait3A_907 : memref<1x128x128xf32, #tpu.memory_space<vmem>> -> memref<128x128xf32, #tpu.memory_space<vmem>>
        tpu.wait_dma2 semaphore(%arg15 : memref<!tpu.dma_semaphore, #tpu.memory_space<semaphore_mem>>) src(%dma_wait3A_908 : memref<128x128xf32, #tpu.memory_space<vmem>>) dst(%dma_wait3A_904 : memref<128x128xf32, #tpu.memory_space<hbm>>)
      } else {
      }
      %add3A_674 = arith.constant 2 : i32
      %add3A_675 = arith.addi %add3A_600, %add3A_674 : i32
      %lt3A_676 = arith.constant 12 : i32
      %lt3A_677 = arith.cmpi slt, %add3A_675, %lt3A_676 : i32
      %convert_element_type3A_678 = arith.extui %lt3A_677 : i1 to i32
      %cond3A_679 = arith.constant 0 : i32
      %cond3A_680 = arith.cmpi ne, %convert_element_type3A_678, %cond3A_679 : i32
      scf.if %cond3A_680 {
        %add3A_849 = arith.constant 2 : i32
        %add3A_850 = arith.addi %add3A_600, %add3A_849 : i32
        %mul3A_851 = arith.constant 128 : i32
        %mul3A_852 = arith.muli %add3A_850, %mul3A_851 : i32
        %dma_start3A_853 = arith.constant 0 : i32
        %dma_start3A_854 = arith.constant 0 : i32
        %dma_start3A_855 = tpu.memref_slice %arg6[%scan3A_206, %dma_start3A_853, %dma_start3A_854] : memref<4x128x128xf32, #tpu.memory_space<vmem>> -> memref<1x128x128xf32, #tpu.memory_space<vmem>>
        %dma_start3A_856 = tpu.memref_squeeze %dma_start3A_855 : memref<1x128x128xf32, #tpu.memory_space<vmem>> -> memref<128x128xf32, #tpu.memory_space<vmem>>
        %dma_start3A_857 = tpu.memref_slice %arg5[%mul3A_852] : memref<1536xi32, #tpu.memory_space<vmem>> -> memref<128xi32, #tpu.memory_space<vmem>>
        %dma_start3A_858 = arith.constant 0 : i32
        %dma_start3A_859 = arith.constant 0 : i32
        %dma_start3A_860 = tpu.memref_slice %arg7[%dma_start3A_858, %dma_start3A_859] : memref<4096x128xf32, #tpu.memory_space<vmem_shared>> -> memref<4096x128xf32, #tpu.memory_space<vmem_shared>>
        tpu.enqueue_indirect_dma source(%dma_start3A_860 : memref<4096x128xf32, #tpu.memory_space<vmem_shared>>) target(%dma_start3A_856 : memref<128x128xf32, #tpu.memory_space<vmem>>) offsets(%dma_start3A_857 : memref<128xi32, #tpu.memory_space<vmem>>) semaphore(%arg11 : memref<!tpu.dma_semaphore, #tpu.memory_space<semaphore_mem>>)
      } else {
      }
      %mul3A_681 = arith.constant 4 : i32
      %mul3A_682 = arith.muli %mul3A_681, %scan3A_517 : i32
      %add3A_683 = arith.constant 2 : i32
      %add3A_684 = arith.addi %mul3A_682, %add3A_683 : i32
      %mul3A_685 = arith.constant 128 : i32
      %mul3A_686 = arith.muli %add3A_684, %mul3A_685 : i32
      %dma_wait3A_687 = arith.constant 0 : i32
      %dma_wait3A_688 = arith.constant 0 : i32
      %dma_wait3A_689 = tpu.memref_slice %arg6[%scan3A_204, %dma_wait3A_687, %dma_wait3A_688] : memref<4x128x128xf32, #tpu.memory_space<vmem>> -> memref<1x128x128xf32, #tpu.memory_space<vmem>>
      %dma_wait3A_690 = tpu.memref_squeeze %dma_wait3A_689 : memref<1x128x128xf32, #tpu.memory_space<vmem>> -> memref<128x128xf32, #tpu.memory_space<vmem>>
      %dma_wait3A_691 = tpu.memref_slice %arg5[%mul3A_686] : memref<1536xi32, #tpu.memory_space<vmem>> -> memref<128xi32, #tpu.memory_space<vmem>>
      %dma_wait3A_692 = arith.constant 0 : i32
      %dma_wait3A_693 = arith.constant 0 : i32
      %dma_wait3A_694 = tpu.memref_slice %arg7[%dma_wait3A_692, %dma_wait3A_693] : memref<4096x128xf32, #tpu.memory_space<vmem_shared>> -> memref<4096x128xf32, #tpu.memory_space<vmem_shared>>
      tpu.wait_indirect_dma semaphore(%arg10 : memref<!tpu.dma_semaphore, #tpu.memory_space<semaphore_mem>>) src(%dma_wait3A_694 : memref<4096x128xf32, #tpu.memory_space<vmem_shared>>) dst(%dma_wait3A_690 : memref<128x128xf32, #tpu.memory_space<vmem>>)
      %jit3A_695 = arith.constant 4 : i32
      %div3A_696 = arith.divsi %add3A_684, %jit3A_695 : i32
      %sign3A_697 = arith.constant 0 : i32
      %sign3A_698 = arith.cmpi sgt, %add3A_684, %sign3A_697 : i32
      %sign3A_699 = arith.extui %sign3A_698 : i1 to i32
      %sign3A_700 = arith.constant 0 : i32
      %sign3A_701 = arith.cmpi slt, %add3A_684, %sign3A_700 : i32
      %sign3A_702 = arith.extui %sign3A_701 : i1 to i32
      %sign3A_703 = arith.subi %sign3A_699, %sign3A_702 : i32
      %sign3A_704 = arith.constant 0 : i32
      %sign3A_705 = arith.cmpi sgt, %jit3A_695, %sign3A_704 : i32
      %sign3A_706 = arith.extui %sign3A_705 : i1 to i32
      %sign3A_707 = arith.constant 0 : i32
      %sign3A_708 = arith.cmpi slt, %jit3A_695, %sign3A_707 : i32
      %sign3A_709 = arith.extui %sign3A_708 : i1 to i32
      %sign3A_710 = arith.subi %sign3A_706, %sign3A_709 : i32
      %ne3A_711 = arith.cmpi ne, %sign3A_703, %sign3A_710 : i32
      %rem3A_712 = arith.remsi %add3A_684, %jit3A_695 : i32
      %ne3A_713 = arith.constant 0 : i32
      %ne3A_714 = arith.cmpi ne, %rem3A_712, %ne3A_713 : i32
      %and3A_715 = arith.andi %ne3A_711, %ne3A_714 : i1
      %sub3A_716 = arith.constant 1 : i32
      %sub3A_717 = arith.subi %div3A_696, %sub3A_716 : i32
      %select_n3A_718 = arith.select %and3A_715, %sub3A_717, %div3A_696 : i32
      %mul3A_719 = arith.constant 512 : i32
      %mul3A_720 = arith.muli %select_n3A_718, %mul3A_719 : i32
      %add3A_721 = arith.addi %mul3A_720, %add3A_136 : i32
      %jit3A_722 = arith.constant 4 : i32
      %eq3A_723 = arith.constant 0 : i32
      %eq3A_724 = arith.cmpi eq, %jit3A_722, %eq3A_723 : i32
      %jit3A_725 = arith.constant 1 : i32
      %select_n3A_726 = arith.select %eq3A_724, %jit3A_725, %jit3A_722 : i32
      %rem3A_727 = arith.remsi %add3A_684, %select_n3A_726 : i32
      %ne3A_728 = arith.constant 0 : i32
      %ne3A_729 = arith.cmpi ne, %rem3A_727, %ne3A_728 : i32
      %lt3A_730 = arith.constant 0 : i32
      %lt3A_731 = arith.cmpi slt, %rem3A_727, %lt3A_730 : i32
      %lt3A_732 = arith.constant 0 : i32
      %lt3A_733 = arith.cmpi slt, %select_n3A_726, %lt3A_732 : i32
      %ne3A_734 = arith.xori %lt3A_731, %lt3A_733 : i1
      %and3A_735 = arith.andi %ne3A_734, %ne3A_729 : i1
      %add3A_736 = arith.addi %rem3A_727, %select_n3A_726 : i32
      %select_n3A_737 = arith.select %and3A_735, %add3A_736, %rem3A_727 : i32
      %add3A_738 = arith.addi %add3A_721, %select_n3A_737 : i32
      %mul3A_739 = arith.constant 128 : i32
      %mul3A_740 = arith.muli %add3A_738, %mul3A_739 : i32
      %dma_start3A_741 = arith.constant 0 : i32
      %dma_start3A_742 = arith.constant 0 : i32
      %dma_start3A_743 = tpu.memref_slice %arg6[%scan3A_204, %dma_start3A_741, %dma_start3A_742] : memref<4x128x128xf32, #tpu.memory_space<vmem>> -> memref<1x128x128xf32, #tpu.memory_space<vmem>>
      %dma_start3A_744 = tpu.memref_squeeze %dma_start3A_743 : memref<1x128x128xf32, #tpu.memory_space<vmem>> -> memref<128x128xf32, #tpu.memory_space<vmem>>
      %dma_start3A_745 = arith.constant 0 : i32
      %dma_start3A_746 = tpu.memref_slice %arg4[%mul3A_740, %dma_start3A_745] : memref<196608x128xf32, #tpu.memory_space<hbm>> -> memref<128x128xf32, #tpu.memory_space<hbm>>
      %dma_start3A_747 = arith.constant 0 : i32
      %dma_start3A_748 = tpu.memref_slice %arg4[%mul3A_740, %dma_start3A_747] : memref<196608x128xf32, #tpu.memory_space<hbm>> -> memref<128x128xf32, #tpu.memory_space<hbm>>
      %dma_start3A_749 = arith.constant 0 : i32
      %dma_start3A_750 = arith.constant 0 : i32
      %dma_start3A_751 = tpu.memref_slice %arg6[%scan3A_204, %dma_start3A_749, %dma_start3A_750] : memref<4x128x128xf32, #tpu.memory_space<vmem>> -> memref<1x128x128xf32, #tpu.memory_space<vmem>>
      %dma_start3A_752 = tpu.memref_squeeze %dma_start3A_751 : memref<1x128x128xf32, #tpu.memory_space<vmem>> -> memref<128x128xf32, #tpu.memory_space<vmem>>
      tpu.enqueue_dma source(%dma_start3A_752 : memref<128x128xf32, #tpu.memory_space<vmem>>) target(%dma_start3A_748 : memref<128x128xf32, #tpu.memory_space<hbm>>) target_semaphore(%arg14 : memref<!tpu.dma_semaphore, #tpu.memory_space<semaphore_mem>>)
      %ge3A_753 = arith.constant 2 : i32
      %ge3A_754 = arith.cmpi sge, %add3A_684, %ge3A_753 : i32
      %convert_element_type3A_755 = arith.extui %ge3A_754 : i1 to i32
      %cond3A_756 = arith.constant 0 : i32
      %cond3A_757 = arith.cmpi ne, %convert_element_type3A_755, %cond3A_756 : i32
      scf.if %cond3A_757 {
        %sub3A_849 = arith.constant 2 : i32
        %sub3A_850 = arith.subi %add3A_684, %sub3A_849 : i32
        %jit3A_851 = arith.constant 4 : i32
        %div3A_852 = arith.divsi %sub3A_850, %jit3A_851 : i32
        %sign3A_853 = arith.constant 0 : i32
        %sign3A_854 = arith.cmpi sgt, %sub3A_850, %sign3A_853 : i32
        %sign3A_855 = arith.extui %sign3A_854 : i1 to i32
        %sign3A_856 = arith.constant 0 : i32
        %sign3A_857 = arith.cmpi slt, %sub3A_850, %sign3A_856 : i32
        %sign3A_858 = arith.extui %sign3A_857 : i1 to i32
        %sign3A_859 = arith.subi %sign3A_855, %sign3A_858 : i32
        %sign3A_860 = arith.constant 0 : i32
        %sign3A_861 = arith.cmpi sgt, %jit3A_851, %sign3A_860 : i32
        %sign3A_862 = arith.extui %sign3A_861 : i1 to i32
        %sign3A_863 = arith.constant 0 : i32
        %sign3A_864 = arith.cmpi slt, %jit3A_851, %sign3A_863 : i32
        %sign3A_865 = arith.extui %sign3A_864 : i1 to i32
        %sign3A_866 = arith.subi %sign3A_862, %sign3A_865 : i32
        %ne3A_867 = arith.cmpi ne, %sign3A_859, %sign3A_866 : i32
        %rem3A_868 = arith.remsi %sub3A_850, %jit3A_851 : i32
        %ne3A_869 = arith.constant 0 : i32
        %ne3A_870 = arith.cmpi ne, %rem3A_868, %ne3A_869 : i32
        %and3A_871 = arith.andi %ne3A_867, %ne3A_870 : i1
        %sub3A_872 = arith.constant 1 : i32
        %sub3A_873 = arith.subi %div3A_852, %sub3A_872 : i32
        %select_n3A_874 = arith.select %and3A_871, %sub3A_873, %div3A_852 : i32
        %mul3A_875 = arith.constant 512 : i32
        %mul3A_876 = arith.muli %select_n3A_874, %mul3A_875 : i32
        %add3A_877 = arith.addi %mul3A_876, %add3A_136 : i32
        %jit3A_878 = arith.constant 4 : i32
        %eq3A_879 = arith.constant 0 : i32
        %eq3A_880 = arith.cmpi eq, %jit3A_878, %eq3A_879 : i32
        %jit3A_881 = arith.constant 1 : i32
        %select_n3A_882 = arith.select %eq3A_880, %jit3A_881, %jit3A_878 : i32
        %rem3A_883 = arith.remsi %sub3A_850, %select_n3A_882 : i32
        %ne3A_884 = arith.constant 0 : i32
        %ne3A_885 = arith.cmpi ne, %rem3A_883, %ne3A_884 : i32
        %lt3A_886 = arith.constant 0 : i32
        %lt3A_887 = arith.cmpi slt, %rem3A_883, %lt3A_886 : i32
        %lt3A_888 = arith.constant 0 : i32
        %lt3A_889 = arith.cmpi slt, %select_n3A_882, %lt3A_888 : i32
        %ne3A_890 = arith.xori %lt3A_887, %lt3A_889 : i1
        %and3A_891 = arith.andi %ne3A_890, %ne3A_885 : i1
        %add3A_892 = arith.addi %rem3A_883, %select_n3A_882 : i32
        %select_n3A_893 = arith.select %and3A_891, %add3A_892, %rem3A_883 : i32
        %add3A_894 = arith.addi %add3A_877, %select_n3A_893 : i32
        %mul3A_895 = arith.constant 128 : i32
        %mul3A_896 = arith.muli %add3A_894, %mul3A_895 : i32
        %dma_wait3A_897 = arith.constant 0 : i32
        %dma_wait3A_898 = arith.constant 0 : i32
        %dma_wait3A_899 = tpu.memref_slice %arg6[%scan3A_203, %dma_wait3A_897, %dma_wait3A_898] : memref<4x128x128xf32, #tpu.memory_space<vmem>> -> memref<1x128x128xf32, #tpu.memory_space<vmem>>
        %dma_wait3A_900 = tpu.memref_squeeze %dma_wait3A_899 : memref<1x128x128xf32, #tpu.memory_space<vmem>> -> memref<128x128xf32, #tpu.memory_space<vmem>>
        %dma_wait3A_901 = arith.constant 0 : i32
        %dma_wait3A_902 = tpu.memref_slice %arg4[%mul3A_896, %dma_wait3A_901] : memref<196608x128xf32, #tpu.memory_space<hbm>> -> memref<128x128xf32, #tpu.memory_space<hbm>>
        %dma_wait3A_903 = arith.constant 0 : i32
        %dma_wait3A_904 = tpu.memref_slice %arg4[%mul3A_896, %dma_wait3A_903] : memref<196608x128xf32, #tpu.memory_space<hbm>> -> memref<128x128xf32, #tpu.memory_space<hbm>>
        %dma_wait3A_905 = arith.constant 0 : i32
        %dma_wait3A_906 = arith.constant 0 : i32
        %dma_wait3A_907 = tpu.memref_slice %arg6[%scan3A_203, %dma_wait3A_905, %dma_wait3A_906] : memref<4x128x128xf32, #tpu.memory_space<vmem>> -> memref<1x128x128xf32, #tpu.memory_space<vmem>>
        %dma_wait3A_908 = tpu.memref_squeeze %dma_wait3A_907 : memref<1x128x128xf32, #tpu.memory_space<vmem>> -> memref<128x128xf32, #tpu.memory_space<vmem>>
        tpu.wait_dma2 semaphore(%arg12 : memref<!tpu.dma_semaphore, #tpu.memory_space<semaphore_mem>>) src(%dma_wait3A_908 : memref<128x128xf32, #tpu.memory_space<vmem>>) dst(%dma_wait3A_904 : memref<128x128xf32, #tpu.memory_space<hbm>>)
      } else {
      }
      %add3A_758 = arith.constant 2 : i32
      %add3A_759 = arith.addi %add3A_684, %add3A_758 : i32
      %lt3A_760 = arith.constant 12 : i32
      %lt3A_761 = arith.cmpi slt, %add3A_759, %lt3A_760 : i32
      %convert_element_type3A_762 = arith.extui %lt3A_761 : i1 to i32
      %cond3A_763 = arith.constant 0 : i32
      %cond3A_764 = arith.cmpi ne, %convert_element_type3A_762, %cond3A_763 : i32
      scf.if %cond3A_764 {
        %add3A_849 = arith.constant 2 : i32
        %add3A_850 = arith.addi %add3A_684, %add3A_849 : i32
        %mul3A_851 = arith.constant 128 : i32
        %mul3A_852 = arith.muli %add3A_850, %mul3A_851 : i32
        %dma_start3A_853 = arith.constant 0 : i32
        %dma_start3A_854 = arith.constant 0 : i32
        %dma_start3A_855 = tpu.memref_slice %arg6[%scan3A_203, %dma_start3A_853, %dma_start3A_854] : memref<4x128x128xf32, #tpu.memory_space<vmem>> -> memref<1x128x128xf32, #tpu.memory_space<vmem>>
        %dma_start3A_856 = tpu.memref_squeeze %dma_start3A_855 : memref<1x128x128xf32, #tpu.memory_space<vmem>> -> memref<128x128xf32, #tpu.memory_space<vmem>>
        %dma_start3A_857 = tpu.memref_slice %arg5[%mul3A_852] : memref<1536xi32, #tpu.memory_space<vmem>> -> memref<128xi32, #tpu.memory_space<vmem>>
        %dma_start3A_858 = arith.constant 0 : i32
        %dma_start3A_859 = arith.constant 0 : i32
        %dma_start3A_860 = tpu.memref_slice %arg7[%dma_start3A_858, %dma_start3A_859] : memref<4096x128xf32, #tpu.memory_space<vmem_shared>> -> memref<4096x128xf32, #tpu.memory_space<vmem_shared>>
        tpu.enqueue_indirect_dma source(%dma_start3A_860 : memref<4096x128xf32, #tpu.memory_space<vmem_shared>>) target(%dma_start3A_856 : memref<128x128xf32, #tpu.memory_space<vmem>>) offsets(%dma_start3A_857 : memref<128xi32, #tpu.memory_space<vmem>>) semaphore(%arg8 : memref<!tpu.dma_semaphore, #tpu.memory_space<semaphore_mem>>)
      } else {
      }
      %mul3A_765 = arith.constant 4 : i32
      %mul3A_766 = arith.muli %mul3A_765, %scan3A_517 : i32
      %add3A_767 = arith.constant 3 : i32
      %add3A_768 = arith.addi %mul3A_766, %add3A_767 : i32
      %mul3A_769 = arith.constant 128 : i32
      %mul3A_770 = arith.muli %add3A_768, %mul3A_769 : i32
      %dma_wait3A_771 = arith.constant 0 : i32
      %dma_wait3A_772 = arith.constant 0 : i32
      %dma_wait3A_773 = tpu.memref_slice %arg6[%scan3A_206, %dma_wait3A_771, %dma_wait3A_772] : memref<4x128x128xf32, #tpu.memory_space<vmem>> -> memref<1x128x128xf32, #tpu.memory_space<vmem>>
      %dma_wait3A_774 = tpu.memref_squeeze %dma_wait3A_773 : memref<1x128x128xf32, #tpu.memory_space<vmem>> -> memref<128x128xf32, #tpu.memory_space<vmem>>
      %dma_wait3A_775 = tpu.memref_slice %arg5[%mul3A_770] : memref<1536xi32, #tpu.memory_space<vmem>> -> memref<128xi32, #tpu.memory_space<vmem>>
      %dma_wait3A_776 = arith.constant 0 : i32
      %dma_wait3A_777 = arith.constant 0 : i32
      %dma_wait3A_778 = tpu.memref_slice %arg7[%dma_wait3A_776, %dma_wait3A_777] : memref<4096x128xf32, #tpu.memory_space<vmem_shared>> -> memref<4096x128xf32, #tpu.memory_space<vmem_shared>>
      tpu.wait_indirect_dma semaphore(%arg11 : memref<!tpu.dma_semaphore, #tpu.memory_space<semaphore_mem>>) src(%dma_wait3A_778 : memref<4096x128xf32, #tpu.memory_space<vmem_shared>>) dst(%dma_wait3A_774 : memref<128x128xf32, #tpu.memory_space<vmem>>)
      %jit3A_779 = arith.constant 4 : i32
      %div3A_780 = arith.divsi %add3A_768, %jit3A_779 : i32
      %sign3A_781 = arith.constant 0 : i32
      %sign3A_782 = arith.cmpi sgt, %add3A_768, %sign3A_781 : i32
      %sign3A_783 = arith.extui %sign3A_782 : i1 to i32
      %sign3A_784 = arith.constant 0 : i32
      %sign3A_785 = arith.cmpi slt, %add3A_768, %sign3A_784 : i32
      %sign3A_786 = arith.extui %sign3A_785 : i1 to i32
      %sign3A_787 = arith.subi %sign3A_783, %sign3A_786 : i32
      %sign3A_788 = arith.constant 0 : i32
      %sign3A_789 = arith.cmpi sgt, %jit3A_779, %sign3A_788 : i32
      %sign3A_790 = arith.extui %sign3A_789 : i1 to i32
      %sign3A_791 = arith.constant 0 : i32
      %sign3A_792 = arith.cmpi slt, %jit3A_779, %sign3A_791 : i32
      %sign3A_793 = arith.extui %sign3A_792 : i1 to i32
      %sign3A_794 = arith.subi %sign3A_790, %sign3A_793 : i32
      %ne3A_795 = arith.cmpi ne, %sign3A_787, %sign3A_794 : i32
      %rem3A_796 = arith.remsi %add3A_768, %jit3A_779 : i32
      %ne3A_797 = arith.constant 0 : i32
      %ne3A_798 = arith.cmpi ne, %rem3A_796, %ne3A_797 : i32
      %and3A_799 = arith.andi %ne3A_795, %ne3A_798 : i1
      %sub3A_800 = arith.constant 1 : i32
      %sub3A_801 = arith.subi %div3A_780, %sub3A_800 : i32
      %select_n3A_802 = arith.select %and3A_799, %sub3A_801, %div3A_780 : i32
      %mul3A_803 = arith.constant 512 : i32
      %mul3A_804 = arith.muli %select_n3A_802, %mul3A_803 : i32
      %add3A_805 = arith.addi %mul3A_804, %add3A_136 : i32
      %jit3A_806 = arith.constant 4 : i32
      %eq3A_807 = arith.constant 0 : i32
      %eq3A_808 = arith.cmpi eq, %jit3A_806, %eq3A_807 : i32
      %jit3A_809 = arith.constant 1 : i32
      %select_n3A_810 = arith.select %eq3A_808, %jit3A_809, %jit3A_806 : i32
      %rem3A_811 = arith.remsi %add3A_768, %select_n3A_810 : i32
      %ne3A_812 = arith.constant 0 : i32
      %ne3A_813 = arith.cmpi ne, %rem3A_811, %ne3A_812 : i32
      %lt3A_814 = arith.constant 0 : i32
      %lt3A_815 = arith.cmpi slt, %rem3A_811, %lt3A_814 : i32
      %lt3A_816 = arith.constant 0 : i32
      %lt3A_817 = arith.cmpi slt, %select_n3A_810, %lt3A_816 : i32
      %ne3A_818 = arith.xori %lt3A_815, %lt3A_817 : i1
      %and3A_819 = arith.andi %ne3A_818, %ne3A_813 : i1
      %add3A_820 = arith.addi %rem3A_811, %select_n3A_810 : i32
      %select_n3A_821 = arith.select %and3A_819, %add3A_820, %rem3A_811 : i32
      %add3A_822 = arith.addi %add3A_805, %select_n3A_821 : i32
      %mul3A_823 = arith.constant 128 : i32
      %mul3A_824 = arith.muli %add3A_822, %mul3A_823 : i32
      %dma_start3A_825 = arith.constant 0 : i32
      %dma_start3A_826 = arith.constant 0 : i32
      %dma_start3A_827 = tpu.memref_slice %arg6[%scan3A_206, %dma_start3A_825, %dma_start3A_826] : memref<4x128x128xf32, #tpu.memory_space<vmem>> -> memref<1x128x128xf32, #tpu.memory_space<vmem>>
      %dma_start3A_828 = tpu.memref_squeeze %dma_start3A_827 : memref<1x128x128xf32, #tpu.memory_space<vmem>> -> memref<128x128xf32, #tpu.memory_space<vmem>>
      %dma_start3A_829 = arith.constant 0 : i32
      %dma_start3A_830 = tpu.memref_slice %arg4[%mul3A_824, %dma_start3A_829] : memref<196608x128xf32, #tpu.memory_space<hbm>> -> memref<128x128xf32, #tpu.memory_space<hbm>>
      %dma_start3A_831 = arith.constant 0 : i32
      %dma_start3A_832 = tpu.memref_slice %arg4[%mul3A_824, %dma_start3A_831] : memref<196608x128xf32, #tpu.memory_space<hbm>> -> memref<128x128xf32, #tpu.memory_space<hbm>>
      %dma_start3A_833 = arith.constant 0 : i32
      %dma_start3A_834 = arith.constant 0 : i32
      %dma_start3A_835 = tpu.memref_slice %arg6[%scan3A_206, %dma_start3A_833, %dma_start3A_834] : memref<4x128x128xf32, #tpu.memory_space<vmem>> -> memref<1x128x128xf32, #tpu.memory_space<vmem>>
      %dma_start3A_836 = tpu.memref_squeeze %dma_start3A_835 : memref<1x128x128xf32, #tpu.memory_space<vmem>> -> memref<128x128xf32, #tpu.memory_space<vmem>>
      tpu.enqueue_dma source(%dma_start3A_836 : memref<128x128xf32, #tpu.memory_space<vmem>>) target(%dma_start3A_832 : memref<128x128xf32, #tpu.memory_space<hbm>>) target_semaphore(%arg15 : memref<!tpu.dma_semaphore, #tpu.memory_space<semaphore_mem>>)
      %ge3A_837 = arith.constant 2 : i32
      %ge3A_838 = arith.cmpi sge, %add3A_768, %ge3A_837 : i32
      %convert_element_type3A_839 = arith.extui %ge3A_838 : i1 to i32
      %cond3A_840 = arith.constant 0 : i32
      %cond3A_841 = arith.cmpi ne, %convert_element_type3A_839, %cond3A_840 : i32
      scf.if %cond3A_841 {
        %sub3A_849 = arith.constant 2 : i32
        %sub3A_850 = arith.subi %add3A_768, %sub3A_849 : i32
        %jit3A_851 = arith.constant 4 : i32
        %div3A_852 = arith.divsi %sub3A_850, %jit3A_851 : i32
        %sign3A_853 = arith.constant 0 : i32
        %sign3A_854 = arith.cmpi sgt, %sub3A_850, %sign3A_853 : i32
        %sign3A_855 = arith.extui %sign3A_854 : i1 to i32
        %sign3A_856 = arith.constant 0 : i32
        %sign3A_857 = arith.cmpi slt, %sub3A_850, %sign3A_856 : i32
        %sign3A_858 = arith.extui %sign3A_857 : i1 to i32
        %sign3A_859 = arith.subi %sign3A_855, %sign3A_858 : i32
        %sign3A_860 = arith.constant 0 : i32
        %sign3A_861 = arith.cmpi sgt, %jit3A_851, %sign3A_860 : i32
        %sign3A_862 = arith.extui %sign3A_861 : i1 to i32
        %sign3A_863 = arith.constant 0 : i32
        %sign3A_864 = arith.cmpi slt, %jit3A_851, %sign3A_863 : i32
        %sign3A_865 = arith.extui %sign3A_864 : i1 to i32
        %sign3A_866 = arith.subi %sign3A_862, %sign3A_865 : i32
        %ne3A_867 = arith.cmpi ne, %sign3A_859, %sign3A_866 : i32
        %rem3A_868 = arith.remsi %sub3A_850, %jit3A_851 : i32
        %ne3A_869 = arith.constant 0 : i32
        %ne3A_870 = arith.cmpi ne, %rem3A_868, %ne3A_869 : i32
        %and3A_871 = arith.andi %ne3A_867, %ne3A_870 : i1
        %sub3A_872 = arith.constant 1 : i32
        %sub3A_873 = arith.subi %div3A_852, %sub3A_872 : i32
        %select_n3A_874 = arith.select %and3A_871, %sub3A_873, %div3A_852 : i32
        %mul3A_875 = arith.constant 512 : i32
        %mul3A_876 = arith.muli %select_n3A_874, %mul3A_875 : i32
        %add3A_877 = arith.addi %mul3A_876, %add3A_136 : i32
        %jit3A_878 = arith.constant 4 : i32
        %eq3A_879 = arith.constant 0 : i32
        %eq3A_880 = arith.cmpi eq, %jit3A_878, %eq3A_879 : i32
        %jit3A_881 = arith.constant 1 : i32
        %select_n3A_882 = arith.select %eq3A_880, %jit3A_881, %jit3A_878 : i32
        %rem3A_883 = arith.remsi %sub3A_850, %select_n3A_882 : i32
        %ne3A_884 = arith.constant 0 : i32
        %ne3A_885 = arith.cmpi ne, %rem3A_883, %ne3A_884 : i32
        %lt3A_886 = arith.constant 0 : i32
        %lt3A_887 = arith.cmpi slt, %rem3A_883, %lt3A_886 : i32
        %lt3A_888 = arith.constant 0 : i32
        %lt3A_889 = arith.cmpi slt, %select_n3A_882, %lt3A_888 : i32
        %ne3A_890 = arith.xori %lt3A_887, %lt3A_889 : i1
        %and3A_891 = arith.andi %ne3A_890, %ne3A_885 : i1
        %add3A_892 = arith.addi %rem3A_883, %select_n3A_882 : i32
        %select_n3A_893 = arith.select %and3A_891, %add3A_892, %rem3A_883 : i32
        %add3A_894 = arith.addi %add3A_877, %select_n3A_893 : i32
        %mul3A_895 = arith.constant 128 : i32
        %mul3A_896 = arith.muli %add3A_894, %mul3A_895 : i32
        %dma_wait3A_897 = arith.constant 0 : i32
        %dma_wait3A_898 = arith.constant 0 : i32
        %dma_wait3A_899 = tpu.memref_slice %arg6[%scan3A_205, %dma_wait3A_897, %dma_wait3A_898] : memref<4x128x128xf32, #tpu.memory_space<vmem>> -> memref<1x128x128xf32, #tpu.memory_space<vmem>>
        %dma_wait3A_900 = tpu.memref_squeeze %dma_wait3A_899 : memref<1x128x128xf32, #tpu.memory_space<vmem>> -> memref<128x128xf32, #tpu.memory_space<vmem>>
        %dma_wait3A_901 = arith.constant 0 : i32
        %dma_wait3A_902 = tpu.memref_slice %arg4[%mul3A_896, %dma_wait3A_901] : memref<196608x128xf32, #tpu.memory_space<hbm>> -> memref<128x128xf32, #tpu.memory_space<hbm>>
        %dma_wait3A_903 = arith.constant 0 : i32
        %dma_wait3A_904 = tpu.memref_slice %arg4[%mul3A_896, %dma_wait3A_903] : memref<196608x128xf32, #tpu.memory_space<hbm>> -> memref<128x128xf32, #tpu.memory_space<hbm>>
        %dma_wait3A_905 = arith.constant 0 : i32
        %dma_wait3A_906 = arith.constant 0 : i32
        %dma_wait3A_907 = tpu.memref_slice %arg6[%scan3A_205, %dma_wait3A_905, %dma_wait3A_906] : memref<4x128x128xf32, #tpu.memory_space<vmem>> -> memref<1x128x128xf32, #tpu.memory_space<vmem>>
        %dma_wait3A_908 = tpu.memref_squeeze %dma_wait3A_907 : memref<1x128x128xf32, #tpu.memory_space<vmem>> -> memref<128x128xf32, #tpu.memory_space<vmem>>
        tpu.wait_dma2 semaphore(%arg13 : memref<!tpu.dma_semaphore, #tpu.memory_space<semaphore_mem>>) src(%dma_wait3A_908 : memref<128x128xf32, #tpu.memory_space<vmem>>) dst(%dma_wait3A_904 : memref<128x128xf32, #tpu.memory_space<hbm>>)
      } else {
      }
      %add3A_842 = arith.constant 2 : i32
      %add3A_843 = arith.addi %add3A_768, %add3A_842 : i32
      %lt3A_844 = arith.constant 12 : i32
      %lt3A_845 = arith.cmpi slt, %add3A_843, %lt3A_844 : i32
      %convert_element_type3A_846 = arith.extui %lt3A_845 : i1 to i32
      %cond3A_847 = arith.constant 0 : i32
      %cond3A_848 = arith.cmpi ne, %convert_element_type3A_846, %cond3A_847 : i32
      scf.if %cond3A_848 {
        %add3A_849 = arith.constant 2 : i32
        %add3A_850 = arith.addi %add3A_768, %add3A_849 : i32
        %mul3A_851 = arith.constant 128 : i32
        %mul3A_852 = arith.muli %add3A_850, %mul3A_851 : i32
        %dma_start3A_853 = arith.constant 0 : i32
        %dma_start3A_854 = arith.constant 0 : i32
        %dma_start3A_855 = tpu.memref_slice %arg6[%scan3A_205, %dma_start3A_853, %dma_start3A_854] : memref<4x128x128xf32, #tpu.memory_space<vmem>> -> memref<1x128x128xf32, #tpu.memory_space<vmem>>
        %dma_start3A_856 = tpu.memref_squeeze %dma_start3A_855 : memref<1x128x128xf32, #tpu.memory_space<vmem>> -> memref<128x128xf32, #tpu.memory_space<vmem>>
        %dma_start3A_857 = tpu.memref_slice %arg5[%mul3A_852] : memref<1536xi32, #tpu.memory_space<vmem>> -> memref<128xi32, #tpu.memory_space<vmem>>
        %dma_start3A_858 = arith.constant 0 : i32
        %dma_start3A_859 = arith.constant 0 : i32
        %dma_start3A_860 = tpu.memref_slice %arg7[%dma_start3A_858, %dma_start3A_859] : memref<4096x128xf32, #tpu.memory_space<vmem_shared>> -> memref<4096x128xf32, #tpu.memory_space<vmem_shared>>
        tpu.enqueue_indirect_dma source(%dma_start3A_860 : memref<4096x128xf32, #tpu.memory_space<vmem_shared>>) target(%dma_start3A_856 : memref<128x128xf32, #tpu.memory_space<vmem>>) offsets(%dma_start3A_857 : memref<128xi32, #tpu.memory_space<vmem>>) semaphore(%arg9 : memref<!tpu.dma_semaphore, #tpu.memory_space<semaphore_mem>>)
      } else {
      }
    }
    %scan3A_211 = arith.constant 3 : i32
    %add3A_212 = arith.constant 1024 : i32
    %add3A_213 = arith.addi %add3A_212, %add3A_136 : i32
    %add3A_214 = arith.constant 2 : i32
    %add3A_215 = arith.addi %add3A_213, %add3A_214 : i32
    %mul3A_216 = arith.constant 128 : i32
    %mul3A_217 = arith.muli %add3A_215, %mul3A_216 : i32
    %dma_wait3A_218 = arith.constant 2 : i32
    %dma_wait3A_219 = arith.constant 0 : i32
    %dma_wait3A_220 = arith.constant 0 : i32
    %dma_wait3A_221 = tpu.memref_slice %arg6[%dma_wait3A_218, %dma_wait3A_219, %dma_wait3A_220] : memref<4x128x128xf32, #tpu.memory_space<vmem>> -> memref<1x128x128xf32, #tpu.memory_space<vmem>>
    %dma_wait3A_222 = tpu.memref_squeeze %dma_wait3A_221 : memref<1x128x128xf32, #tpu.memory_space<vmem>> -> memref<128x128xf32, #tpu.memory_space<vmem>>
    %dma_wait3A_223 = arith.constant 0 : i32
    %dma_wait3A_224 = tpu.memref_slice %arg4[%mul3A_217, %dma_wait3A_223] : memref<196608x128xf32, #tpu.memory_space<hbm>> -> memref<128x128xf32, #tpu.memory_space<hbm>>
    %dma_wait3A_225 = arith.constant 0 : i32
    %dma_wait3A_226 = tpu.memref_slice %arg4[%mul3A_217, %dma_wait3A_225] : memref<196608x128xf32, #tpu.memory_space<hbm>> -> memref<128x128xf32, #tpu.memory_space<hbm>>
    %dma_wait3A_227 = arith.constant 0 : i32
    %dma_wait3A_228 = arith.constant 0 : i32
    %dma_wait3A_229 = tpu.memref_slice %arg6[%dma_wait3A_218, %dma_wait3A_227, %dma_wait3A_228] : memref<4x128x128xf32, #tpu.memory_space<vmem>> -> memref<1x128x128xf32, #tpu.memory_space<vmem>>
    %dma_wait3A_230 = tpu.memref_squeeze %dma_wait3A_229 : memref<1x128x128xf32, #tpu.memory_space<vmem>> -> memref<128x128xf32, #tpu.memory_space<vmem>>
    tpu.wait_dma2 semaphore(%arg14 : memref<!tpu.dma_semaphore, #tpu.memory_space<semaphore_mem>>) src(%dma_wait3A_230 : memref<128x128xf32, #tpu.memory_space<vmem>>) dst(%dma_wait3A_226 : memref<128x128xf32, #tpu.memory_space<hbm>>)
    %add3A_231 = arith.constant 1024 : i32
    %add3A_232 = arith.addi %add3A_231, %add3A_136 : i32
    %add3A_233 = arith.constant 3 : i32
    %add3A_234 = arith.addi %add3A_232, %add3A_233 : i32
    %mul3A_235 = arith.constant 128 : i32
    %mul3A_236 = arith.muli %add3A_234, %mul3A_235 : i32
    %dma_wait3A_237 = arith.constant 3 : i32
    %dma_wait3A_238 = arith.constant 0 : i32
    %dma_wait3A_239 = arith.constant 0 : i32
    %dma_wait3A_240 = tpu.memref_slice %arg6[%dma_wait3A_237, %dma_wait3A_238, %dma_wait3A_239] : memref<4x128x128xf32, #tpu.memory_space<vmem>> -> memref<1x128x128xf32, #tpu.memory_space<vmem>>
    %dma_wait3A_241 = tpu.memref_squeeze %dma_wait3A_240 : memref<1x128x128xf32, #tpu.memory_space<vmem>> -> memref<128x128xf32, #tpu.memory_space<vmem>>
    %dma_wait3A_242 = arith.constant 0 : i32
    %dma_wait3A_243 = tpu.memref_slice %arg4[%mul3A_236, %dma_wait3A_242] : memref<196608x128xf32, #tpu.memory_space<hbm>> -> memref<128x128xf32, #tpu.memory_space<hbm>>
    %dma_wait3A_244 = arith.constant 0 : i32
    %dma_wait3A_245 = tpu.memref_slice %arg4[%mul3A_236, %dma_wait3A_244] : memref<196608x128xf32, #tpu.memory_space<hbm>> -> memref<128x128xf32, #tpu.memory_space<hbm>>
    %dma_wait3A_246 = arith.constant 0 : i32
    %dma_wait3A_247 = arith.constant 0 : i32
    %dma_wait3A_248 = tpu.memref_slice %arg6[%dma_wait3A_237, %dma_wait3A_246, %dma_wait3A_247] : memref<4x128x128xf32, #tpu.memory_space<vmem>> -> memref<1x128x128xf32, #tpu.memory_space<vmem>>
    %dma_wait3A_249 = tpu.memref_squeeze %dma_wait3A_248 : memref<1x128x128xf32, #tpu.memory_space<vmem>> -> memref<128x128xf32, #tpu.memory_space<vmem>>
    tpu.wait_dma2 semaphore(%arg15 : memref<!tpu.dma_semaphore, #tpu.memory_space<semaphore_mem>>) src(%dma_wait3A_249 : memref<128x128xf32, #tpu.memory_space<vmem>>) dst(%dma_wait3A_245 : memref<128x128xf32, #tpu.memory_space<hbm>>)
    %barrier3A_250 = arith.constant 0 : index
    tpu.barrier barrier_id(%barrier3A_250)
    %mul3A_251 = arith.constant 8 : i32
    %mul3A_252 = arith.muli %arg0, %mul3A_251 : i32
    %add3A_253 = arith.constant 4 : i32
    %add3A_254 = arith.addi %mul3A_252, %add3A_253 : i32
    %mul3A_255 = arith.constant 2048 : i32
    %mul3A_256 = arith.muli %add3A_254, %mul3A_255 : i32
    %mul3A_257 = arith.constant 256 : i32
    %mul3A_258 = arith.muli %arg1, %mul3A_257 : i32
    %add3A_259 = arith.addi %mul3A_256, %mul3A_258 : i32
    %mul3A_260 = arith.constant 256 : i32
    %mul3A_261 = arith.muli %arg1, %mul3A_260 : i32
    "tpu.region"() ({
      %run_scoped3A = tpu.sem_alloc : memref<!tpu.dma_semaphore, #tpu.memory_space<semaphore_mem>>
      %dma_start3A_517 = arith.constant 0 : i32
      %dma_start3A_518 = tpu.memref_slice %arg7[%mul3A_261, %dma_start3A_517] : memref<4096x128xf32, #tpu.memory_space<vmem_shared>> -> memref<256x128xf32, #tpu.memory_space<vmem_shared>>
      %dma_start3A_519 = arith.constant 0 : i32
      %dma_start3A_520 = tpu.memref_slice %arg3[%add3A_259, %dma_start3A_519] : memref<32768x128xf32, #tpu.memory_space<hbm>> -> memref<256x128xf32, #tpu.memory_space<hbm>>
      tpu.enqueue_dma source(%dma_start3A_520 : memref<256x128xf32, #tpu.memory_space<hbm>>) target(%dma_start3A_518 : memref<256x128xf32, #tpu.memory_space<vmem_shared>>) target_semaphore(%run_scoped3A : memref<!tpu.dma_semaphore, #tpu.memory_space<semaphore_mem>>)
      %dma_wait3A_521 = arith.constant 0 : i32
      %dma_wait3A_522 = tpu.memref_slice %arg7[%mul3A_261, %dma_wait3A_521] : memref<4096x128xf32, #tpu.memory_space<vmem_shared>> -> memref<256x128xf32, #tpu.memory_space<vmem_shared>>
      %dma_wait3A_523 = arith.constant 0 : i32
      %dma_wait3A_524 = tpu.memref_slice %arg3[%add3A_259, %dma_wait3A_523] : memref<32768x128xf32, #tpu.memory_space<hbm>> -> memref<256x128xf32, #tpu.memory_space<hbm>>
      tpu.wait_dma2 semaphore(%run_scoped3A : memref<!tpu.dma_semaphore, #tpu.memory_space<semaphore_mem>>) src(%dma_wait3A_524 : memref<256x128xf32, #tpu.memory_space<hbm>>) dst(%dma_wait3A_522 : memref<256x128xf32, #tpu.memory_space<vmem_shared>>)
      tpu.yield
    }) : () -> ()
    %barrier3A_262 = arith.constant 0 : index
    tpu.barrier barrier_id(%barrier3A_262)
    %mul3A_263 = arith.constant 256 : i32
    %mul3A_264 = arith.muli %arg0, %mul3A_263 : i32
    %add3A_265 = arith.constant 128 : i32
    %add3A_266 = arith.addi %mul3A_264, %add3A_265 : i32
    %mul3A_267 = arith.constant 4 : i32
    %mul3A_268 = arith.muli %arg1, %mul3A_267 : i32
    %add3A_269 = arith.addi %add3A_266, %mul3A_268 : i32
    %add3A_270 = arith.constant 0 : i32
    %add3A_271 = arith.addi %add3A_270, %add3A_269 : i32
    %mul3A_272 = arith.constant 128 : i32
    %mul3A_273 = arith.muli %add3A_271, %mul3A_272 : i32
    "tpu.region"() ({
      %run_scoped3A = tpu.sem_alloc : memref<!tpu.dma_semaphore, #tpu.memory_space<semaphore_mem>>
      %dma_start3A_517 = arith.constant 0 : i32
      %dma_start3A_518 = tpu.memref_slice %arg5[%dma_start3A_517] : memref<1536xi32, #tpu.memory_space<vmem>> -> memref<512xi32, #tpu.memory_space<vmem>>
      %dma_start3A_519 = tpu.memref_slice %arg2[%mul3A_273] : memref<196608xi32, #tpu.memory_space<hbm>> -> memref<512xi32, #tpu.memory_space<hbm>>
      %dma_start3A_520 = arith.constant 0 : i32
      %dma_start3A_521 = tpu.memref_slice %arg5[%dma_start3A_520] : memref<1536xi32, #tpu.memory_space<vmem>> -> memref<512xi32, #tpu.memory_space<vmem>>
      %dma_start3A_522 = tpu.memref_slice %arg2[%mul3A_273] : memref<196608xi32, #tpu.memory_space<hbm>> -> memref<512xi32, #tpu.memory_space<hbm>>
      tpu.enqueue_dma source(%dma_start3A_522 : memref<512xi32, #tpu.memory_space<hbm>>) target(%dma_start3A_521 : memref<512xi32, #tpu.memory_space<vmem>>) target_semaphore(%run_scoped3A : memref<!tpu.dma_semaphore, #tpu.memory_space<semaphore_mem>>)
      %dma_wait3A_523 = arith.constant 0 : i32
      %dma_wait3A_524 = tpu.memref_slice %arg5[%dma_wait3A_523] : memref<1536xi32, #tpu.memory_space<vmem>> -> memref<512xi32, #tpu.memory_space<vmem>>
      %dma_wait3A_525 = tpu.memref_slice %arg2[%mul3A_273] : memref<196608xi32, #tpu.memory_space<hbm>> -> memref<512xi32, #tpu.memory_space<hbm>>
      %dma_wait3A_526 = arith.constant 0 : i32
      %dma_wait3A_527 = tpu.memref_slice %arg5[%dma_wait3A_526] : memref<1536xi32, #tpu.memory_space<vmem>> -> memref<512xi32, #tpu.memory_space<vmem>>
      %dma_wait3A_528 = tpu.memref_slice %arg2[%mul3A_273] : memref<196608xi32, #tpu.memory_space<hbm>> -> memref<512xi32, #tpu.memory_space<hbm>>
      tpu.wait_dma2 semaphore(%run_scoped3A : memref<!tpu.dma_semaphore, #tpu.memory_space<semaphore_mem>>) src(%dma_wait3A_528 : memref<512xi32, #tpu.memory_space<hbm>>) dst(%dma_wait3A_527 : memref<512xi32, #tpu.memory_space<vmem>>)
      tpu.yield
    }) : () -> ()
    %add3A_274 = arith.constant 512 : i32
    %add3A_275 = arith.addi %add3A_274, %add3A_269 : i32
    %mul3A_276 = arith.constant 128 : i32
    %mul3A_277 = arith.muli %add3A_275, %mul3A_276 : i32
    "tpu.region"() ({
      %run_scoped3A = tpu.sem_alloc : memref<!tpu.dma_semaphore, #tpu.memory_space<semaphore_mem>>
      %dma_start3A_517 = arith.constant 512 : i32
      %dma_start3A_518 = tpu.memref_slice %arg5[%dma_start3A_517] : memref<1536xi32, #tpu.memory_space<vmem>> -> memref<512xi32, #tpu.memory_space<vmem>>
      %dma_start3A_519 = tpu.memref_slice %arg2[%mul3A_277] : memref<196608xi32, #tpu.memory_space<hbm>> -> memref<512xi32, #tpu.memory_space<hbm>>
      %dma_start3A_520 = arith.constant 512 : i32
      %dma_start3A_521 = tpu.memref_slice %arg5[%dma_start3A_520] : memref<1536xi32, #tpu.memory_space<vmem>> -> memref<512xi32, #tpu.memory_space<vmem>>
      %dma_start3A_522 = tpu.memref_slice %arg2[%mul3A_277] : memref<196608xi32, #tpu.memory_space<hbm>> -> memref<512xi32, #tpu.memory_space<hbm>>
      tpu.enqueue_dma source(%dma_start3A_522 : memref<512xi32, #tpu.memory_space<hbm>>) target(%dma_start3A_521 : memref<512xi32, #tpu.memory_space<vmem>>) target_semaphore(%run_scoped3A : memref<!tpu.dma_semaphore, #tpu.memory_space<semaphore_mem>>)
      %dma_wait3A_523 = arith.constant 512 : i32
      %dma_wait3A_524 = tpu.memref_slice %arg5[%dma_wait3A_523] : memref<1536xi32, #tpu.memory_space<vmem>> -> memref<512xi32, #tpu.memory_space<vmem>>
      %dma_wait3A_525 = tpu.memref_slice %arg2[%mul3A_277] : memref<196608xi32, #tpu.memory_space<hbm>> -> memref<512xi32, #tpu.memory_space<hbm>>
      %dma_wait3A_526 = arith.constant 512 : i32
      %dma_wait3A_527 = tpu.memref_slice %arg5[%dma_wait3A_526] : memref<1536xi32, #tpu.memory_space<vmem>> -> memref<512xi32, #tpu.memory_space<vmem>>
      %dma_wait3A_528 = tpu.memref_slice %arg2[%mul3A_277] : memref<196608xi32, #tpu.memory_space<hbm>> -> memref<512xi32, #tpu.memory_space<hbm>>
      tpu.wait_dma2 semaphore(%run_scoped3A : memref<!tpu.dma_semaphore, #tpu.memory_space<semaphore_mem>>) src(%dma_wait3A_528 : memref<512xi32, #tpu.memory_space<hbm>>) dst(%dma_wait3A_527 : memref<512xi32, #tpu.memory_space<vmem>>)
      tpu.yield
    }) : () -> ()
    %add3A_278 = arith.constant 1024 : i32
    %add3A_279 = arith.addi %add3A_278, %add3A_269 : i32
    %mul3A_280 = arith.constant 128 : i32
    %mul3A_281 = arith.muli %add3A_279, %mul3A_280 : i32
    "tpu.region"() ({
      %run_scoped3A = tpu.sem_alloc : memref<!tpu.dma_semaphore, #tpu.memory_space<semaphore_mem>>
      %dma_start3A_517 = arith.constant 1024 : i32
      %dma_start3A_518 = tpu.memref_slice %arg5[%dma_start3A_517] : memref<1536xi32, #tpu.memory_space<vmem>> -> memref<512xi32, #tpu.memory_space<vmem>>
      %dma_start3A_519 = tpu.memref_slice %arg2[%mul3A_281] : memref<196608xi32, #tpu.memory_space<hbm>> -> memref<512xi32, #tpu.memory_space<hbm>>
      %dma_start3A_520 = arith.constant 1024 : i32
      %dma_start3A_521 = tpu.memref_slice %arg5[%dma_start3A_520] : memref<1536xi32, #tpu.memory_space<vmem>> -> memref<512xi32, #tpu.memory_space<vmem>>
      %dma_start3A_522 = tpu.memref_slice %arg2[%mul3A_281] : memref<196608xi32, #tpu.memory_space<hbm>> -> memref<512xi32, #tpu.memory_space<hbm>>
      tpu.enqueue_dma source(%dma_start3A_522 : memref<512xi32, #tpu.memory_space<hbm>>) target(%dma_start3A_521 : memref<512xi32, #tpu.memory_space<vmem>>) target_semaphore(%run_scoped3A : memref<!tpu.dma_semaphore, #tpu.memory_space<semaphore_mem>>)
      %dma_wait3A_523 = arith.constant 1024 : i32
      %dma_wait3A_524 = tpu.memref_slice %arg5[%dma_wait3A_523] : memref<1536xi32, #tpu.memory_space<vmem>> -> memref<512xi32, #tpu.memory_space<vmem>>
      %dma_wait3A_525 = tpu.memref_slice %arg2[%mul3A_281] : memref<196608xi32, #tpu.memory_space<hbm>> -> memref<512xi32, #tpu.memory_space<hbm>>
      %dma_wait3A_526 = arith.constant 1024 : i32
      %dma_wait3A_527 = tpu.memref_slice %arg5[%dma_wait3A_526] : memref<1536xi32, #tpu.memory_space<vmem>> -> memref<512xi32, #tpu.memory_space<vmem>>
      %dma_wait3A_528 = tpu.memref_slice %arg2[%mul3A_281] : memref<196608xi32, #tpu.memory_space<hbm>> -> memref<512xi32, #tpu.memory_space<hbm>>
      tpu.wait_dma2 semaphore(%run_scoped3A : memref<!tpu.dma_semaphore, #tpu.memory_space<semaphore_mem>>) src(%dma_wait3A_528 : memref<512xi32, #tpu.memory_space<hbm>>) dst(%dma_wait3A_527 : memref<512xi32, #tpu.memory_space<vmem>>)
      tpu.yield
    }) : () -> ()
    %jit3A_282 = arith.constant 8 : i32
    %div3A_283 = arith.divsi %arg1, %jit3A_282 : i32
    %sign3A_284 = arith.constant 0 : i32
    %sign3A_285 = arith.cmpi sgt, %arg1, %sign3A_284 : i32
    %sign3A_286 = arith.extui %sign3A_285 : i1 to i32
    %sign3A_287 = arith.constant 0 : i32
    %sign3A_288 = arith.cmpi slt, %arg1, %sign3A_287 : i32
    %sign3A_289 = arith.extui %sign3A_288 : i1 to i32
    %sign3A_290 = arith.subi %sign3A_286, %sign3A_289 : i32
    %sign3A_291 = arith.constant 0 : i32
    %sign3A_292 = arith.cmpi sgt, %jit3A_282, %sign3A_291 : i32
    %sign3A_293 = arith.extui %sign3A_292 : i1 to i32
    %sign3A_294 = arith.constant 0 : i32
    %sign3A_295 = arith.cmpi slt, %jit3A_282, %sign3A_294 : i32
    %sign3A_296 = arith.extui %sign3A_295 : i1 to i32
    %sign3A_297 = arith.subi %sign3A_293, %sign3A_296 : i32
    %ne3A_298 = arith.cmpi ne, %sign3A_290, %sign3A_297 : i32
    %rem3A_299 = arith.remsi %arg1, %jit3A_282 : i32
    %ne3A_300 = arith.constant 0 : i32
    %ne3A_301 = arith.cmpi ne, %rem3A_299, %ne3A_300 : i32
    %and3A_302 = arith.andi %ne3A_298, %ne3A_301 : i1
    %sub3A_303 = arith.constant 1 : i32
    %sub3A_304 = arith.subi %div3A_283, %sub3A_303 : i32
    %select_n3A_305 = arith.select %and3A_302, %sub3A_304, %div3A_283 : i32
    %mul3A_306 = arith.constant 2048 : i32
    %mul3A_307 = arith.muli %select_n3A_305, %mul3A_306 : i32
    %broadcast_in_dim3A_308 = vector.broadcast %mul3A_307 : i32 to vector<16xi32>
    %scan3A_309 = arith.constant 0 : i32
    %scan3A_310 = arith.constant 0 : i32
    %scan3A_311 = arith.constant 96 : i32
    %scan3A_312 = arith.addi %scan3A_310, %scan3A_311 : i32
    %scan3A_313 = arith.constant 1 : i32
    scf.for %scan3A_517 = %scan3A_310 to %scan3A_312 step %scan3A_313  : i32 {
      %mul3A_518 = arith.constant 16 : i32
      %mul3A_519 = arith.muli %scan3A_517, %mul3A_518 : i32
      %get3A = arith.index_cast %mul3A_519 : i32 to index
      %get3A_520 = tpu.vector_load %arg5[%get3A] {strides = array<i32>} : memref<1536xi32, #tpu.memory_space<vmem>>, vector<16xi32>,
      %get3A_521 = vector.shape_cast %get3A_520 : vector<16xi32> to vector<16xi32>
      %add3A_522 = arith.addi %get3A_521, %broadcast_in_dim3A_308 : vector<16xi32>
      %mul3A_523 = arith.constant 16 : i32
      %mul3A_524 = arith.muli %scan3A_517, %mul3A_523 : i32
      %swap3A = arith.index_cast %mul3A_524 : i32 to index
      %swap3A_525 = tpu.vector_load %arg5[%swap3A] {strides = array<i32>} : memref<1536xi32, #tpu.memory_space<vmem>>, vector<16xi32>,
      %swap3A_526 = vector.shape_cast %swap3A_525 : vector<16xi32> to vector<16xi32>
      %swap3A_527 = vector.shape_cast %add3A_522 : vector<16xi32> to vector<16xi32>
      tpu.vector_store %arg5[%swap3A], %swap3A_527 {strides = array<i32>} : memref<1536xi32, #tpu.memory_space<vmem>>, vector<16xi32>,
    }
    %scan3A_314 = arith.constant 96 : i32
    %dma_start3A_315 = arith.constant 0 : i32
    %dma_start3A_316 = arith.constant 0 : i32
    %dma_start3A_317 = arith.constant 0 : i32
    %dma_start3A_318 = tpu.memref_slice %arg6[%dma_start3A_315, %dma_start3A_316, %dma_start3A_317] : memref<4x128x128xf32, #tpu.memory_space<vmem>> -> memref<1x128x128xf32, #tpu.memory_space<vmem>>
    %dma_start3A_319 = tpu.memref_squeeze %dma_start3A_318 : memref<1x128x128xf32, #tpu.memory_space<vmem>> -> memref<128x128xf32, #tpu.memory_space<vmem>>
    %dma_start3A_320 = arith.constant 0 : i32
    %dma_start3A_321 = tpu.memref_slice %arg5[%dma_start3A_320] : memref<1536xi32, #tpu.memory_space<vmem>> -> memref<128xi32, #tpu.memory_space<vmem>>
    %dma_start3A_322 = arith.constant 0 : i32
    %dma_start3A_323 = arith.constant 0 : i32
    %dma_start3A_324 = tpu.memref_slice %arg7[%dma_start3A_322, %dma_start3A_323] : memref<4096x128xf32, #tpu.memory_space<vmem_shared>> -> memref<4096x128xf32, #tpu.memory_space<vmem_shared>>
    tpu.enqueue_indirect_dma source(%dma_start3A_324 : memref<4096x128xf32, #tpu.memory_space<vmem_shared>>) target(%dma_start3A_319 : memref<128x128xf32, #tpu.memory_space<vmem>>) offsets(%dma_start3A_321 : memref<128xi32, #tpu.memory_space<vmem>>) semaphore(%arg8 : memref<!tpu.dma_semaphore, #tpu.memory_space<semaphore_mem>>)
    %dma_start3A_325 = arith.constant 1 : i32
    %dma_start3A_326 = arith.constant 0 : i32
    %dma_start3A_327 = arith.constant 0 : i32
    %dma_start3A_328 = tpu.memref_slice %arg6[%dma_start3A_325, %dma_start3A_326, %dma_start3A_327] : memref<4x128x128xf32, #tpu.memory_space<vmem>> -> memref<1x128x128xf32, #tpu.memory_space<vmem>>
    %dma_start3A_329 = tpu.memref_squeeze %dma_start3A_328 : memref<1x128x128xf32, #tpu.memory_space<vmem>> -> memref<128x128xf32, #tpu.memory_space<vmem>>
    %dma_start3A_330 = arith.constant 128 : i32
    %dma_start3A_331 = tpu.memref_slice %arg5[%dma_start3A_330] : memref<1536xi32, #tpu.memory_space<vmem>> -> memref<128xi32, #tpu.memory_space<vmem>>
    %dma_start3A_332 = arith.constant 0 : i32
    %dma_start3A_333 = arith.constant 0 : i32
    %dma_start3A_334 = tpu.memref_slice %arg7[%dma_start3A_332, %dma_start3A_333] : memref<4096x128xf32, #tpu.memory_space<vmem_shared>> -> memref<4096x128xf32, #tpu.memory_space<vmem_shared>>
    tpu.enqueue_indirect_dma source(%dma_start3A_334 : memref<4096x128xf32, #tpu.memory_space<vmem_shared>>) target(%dma_start3A_329 : memref<128x128xf32, #tpu.memory_space<vmem>>) offsets(%dma_start3A_331 : memref<128xi32, #tpu.memory_space<vmem>>) semaphore(%arg9 : memref<!tpu.dma_semaphore, #tpu.memory_space<semaphore_mem>>)
    %scan3A_335 = arith.constant 0 : i32
    %scan3A_336 = arith.constant 0 : i32
    %scan3A_337 = arith.constant 2 : i32
    %scan3A_338 = arith.constant 1 : i32
    %scan3A_339 = arith.constant 3 : i32
    %scan3A_340 = arith.constant 0 : i32
    %scan3A_341 = arith.constant 3 : i32
    %scan3A_342 = arith.addi %scan3A_340, %scan3A_341 : i32
    %scan3A_343 = arith.constant 1 : i32
    scf.for %scan3A_517 = %scan3A_340 to %scan3A_342 step %scan3A_343  : i32 {
      %mul3A_518 = arith.constant 4 : i32
      %mul3A_519 = arith.muli %mul3A_518, %scan3A_517 : i32
      %add3A_520 = arith.constant 0 : i32
      %add3A_521 = arith.addi %mul3A_519, %add3A_520 : i32
      %mul3A_522 = arith.constant 128 : i32
      %mul3A_523 = arith.muli %add3A_521, %mul3A_522 : i32
      %dma_wait3A_524 = arith.constant 0 : i32
      %dma_wait3A_525 = arith.constant 0 : i32
      %dma_wait3A_526 = tpu.memref_slice %arg6[%scan3A_336, %dma_wait3A_524, %dma_wait3A_525] : memref<4x128x128xf32, #tpu.memory_space<vmem>> -> memref<1x128x128xf32, #tpu.memory_space<vmem>>
      %dma_wait3A_527 = tpu.memref_squeeze %dma_wait3A_526 : memref<1x128x128xf32, #tpu.memory_space<vmem>> -> memref<128x128xf32, #tpu.memory_space<vmem>>
      %dma_wait3A_528 = tpu.memref_slice %arg5[%mul3A_523] : memref<1536xi32, #tpu.memory_space<vmem>> -> memref<128xi32, #tpu.memory_space<vmem>>
      %dma_wait3A_529 = arith.constant 0 : i32
      %dma_wait3A_530 = arith.constant 0 : i32
      %dma_wait3A_531 = tpu.memref_slice %arg7[%dma_wait3A_529, %dma_wait3A_530] : memref<4096x128xf32, #tpu.memory_space<vmem_shared>> -> memref<4096x128xf32, #tpu.memory_space<vmem_shared>>
      tpu.wait_indirect_dma semaphore(%arg8 : memref<!tpu.dma_semaphore, #tpu.memory_space<semaphore_mem>>) src(%dma_wait3A_531 : memref<4096x128xf32, #tpu.memory_space<vmem_shared>>) dst(%dma_wait3A_527 : memref<128x128xf32, #tpu.memory_space<vmem>>)
      %jit3A_532 = arith.constant 4 : i32
      %div3A_533 = arith.divsi %add3A_521, %jit3A_532 : i32
      %sign3A_534 = arith.constant 0 : i32
      %sign3A_535 = arith.cmpi sgt, %add3A_521, %sign3A_534 : i32
      %sign3A_536 = arith.extui %sign3A_535 : i1 to i32
      %sign3A_537 = arith.constant 0 : i32
      %sign3A_538 = arith.cmpi slt, %add3A_521, %sign3A_537 : i32
      %sign3A_539 = arith.extui %sign3A_538 : i1 to i32
      %sign3A_540 = arith.subi %sign3A_536, %sign3A_539 : i32
      %sign3A_541 = arith.constant 0 : i32
      %sign3A_542 = arith.cmpi sgt, %jit3A_532, %sign3A_541 : i32
      %sign3A_543 = arith.extui %sign3A_542 : i1 to i32
      %sign3A_544 = arith.constant 0 : i32
      %sign3A_545 = arith.cmpi slt, %jit3A_532, %sign3A_544 : i32
      %sign3A_546 = arith.extui %sign3A_545 : i1 to i32
      %sign3A_547 = arith.subi %sign3A_543, %sign3A_546 : i32
      %ne3A_548 = arith.cmpi ne, %sign3A_540, %sign3A_547 : i32
      %rem3A_549 = arith.remsi %add3A_521, %jit3A_532 : i32
      %ne3A_550 = arith.constant 0 : i32
      %ne3A_551 = arith.cmpi ne, %rem3A_549, %ne3A_550 : i32
      %and3A_552 = arith.andi %ne3A_548, %ne3A_551 : i1
      %sub3A_553 = arith.constant 1 : i32
      %sub3A_554 = arith.subi %div3A_533, %sub3A_553 : i32
      %select_n3A_555 = arith.select %and3A_552, %sub3A_554, %div3A_533 : i32
      %mul3A_556 = arith.constant 512 : i32
      %mul3A_557 = arith.muli %select_n3A_555, %mul3A_556 : i32
      %add3A_558 = arith.addi %mul3A_557, %add3A_269 : i32
      %jit3A_559 = arith.constant 4 : i32
      %eq3A = arith.constant 0 : i32
      %eq3A_560 = arith.cmpi eq, %jit3A_559, %eq3A : i32
      %jit3A_561 = arith.constant 1 : i32
      %select_n3A_562 = arith.select %eq3A_560, %jit3A_561, %jit3A_559 : i32
      %rem3A_563 = arith.remsi %add3A_521, %select_n3A_562 : i32
      %ne3A_564 = arith.constant 0 : i32
      %ne3A_565 = arith.cmpi ne, %rem3A_563, %ne3A_564 : i32
      %lt3A = arith.constant 0 : i32
      %lt3A_566 = arith.cmpi slt, %rem3A_563, %lt3A : i32
      %lt3A_567 = arith.constant 0 : i32
      %lt3A_568 = arith.cmpi slt, %select_n3A_562, %lt3A_567 : i32
      %ne3A_569 = arith.xori %lt3A_566, %lt3A_568 : i1
      %and3A_570 = arith.andi %ne3A_569, %ne3A_565 : i1
      %add3A_571 = arith.addi %rem3A_563, %select_n3A_562 : i32
      %select_n3A_572 = arith.select %and3A_570, %add3A_571, %rem3A_563 : i32
      %add3A_573 = arith.addi %add3A_558, %select_n3A_572 : i32
      %mul3A_574 = arith.constant 128 : i32
      %mul3A_575 = arith.muli %add3A_573, %mul3A_574 : i32
      %dma_start3A_576 = arith.constant 0 : i32
      %dma_start3A_577 = arith.constant 0 : i32
      %dma_start3A_578 = tpu.memref_slice %arg6[%scan3A_336, %dma_start3A_576, %dma_start3A_577] : memref<4x128x128xf32, #tpu.memory_space<vmem>> -> memref<1x128x128xf32, #tpu.memory_space<vmem>>
      %dma_start3A_579 = tpu.memref_squeeze %dma_start3A_578 : memref<1x128x128xf32, #tpu.memory_space<vmem>> -> memref<128x128xf32, #tpu.memory_space<vmem>>
      %dma_start3A_580 = arith.constant 0 : i32
      %dma_start3A_581 = tpu.memref_slice %arg4[%mul3A_575, %dma_start3A_580] : memref<196608x128xf32, #tpu.memory_space<hbm>> -> memref<128x128xf32, #tpu.memory_space<hbm>>
      %dma_start3A_582 = arith.constant 0 : i32
      %dma_start3A_583 = tpu.memref_slice %arg4[%mul3A_575, %dma_start3A_582] : memref<196608x128xf32, #tpu.memory_space<hbm>> -> memref<128x128xf32, #tpu.memory_space<hbm>>
      %dma_start3A_584 = arith.constant 0 : i32
      %dma_start3A_585 = arith.constant 0 : i32
      %dma_start3A_586 = tpu.memref_slice %arg6[%scan3A_336, %dma_start3A_584, %dma_start3A_585] : memref<4x128x128xf32, #tpu.memory_space<vmem>> -> memref<1x128x128xf32, #tpu.memory_space<vmem>>
      %dma_start3A_587 = tpu.memref_squeeze %dma_start3A_586 : memref<1x128x128xf32, #tpu.memory_space<vmem>> -> memref<128x128xf32, #tpu.memory_space<vmem>>
      tpu.enqueue_dma source(%dma_start3A_587 : memref<128x128xf32, #tpu.memory_space<vmem>>) target(%dma_start3A_583 : memref<128x128xf32, #tpu.memory_space<hbm>>) target_semaphore(%arg12 : memref<!tpu.dma_semaphore, #tpu.memory_space<semaphore_mem>>)
      %ge3A = arith.constant 2 : i32
      %ge3A_588 = arith.cmpi sge, %add3A_521, %ge3A : i32
      %convert_element_type3A = arith.extui %ge3A_588 : i1 to i32
      %cond3A = arith.constant 0 : i32
      %cond3A_589 = arith.cmpi ne, %convert_element_type3A, %cond3A : i32
      scf.if %cond3A_589 {
        %sub3A_849 = arith.constant 2 : i32
        %sub3A_850 = arith.subi %add3A_521, %sub3A_849 : i32
        %jit3A_851 = arith.constant 4 : i32
        %div3A_852 = arith.divsi %sub3A_850, %jit3A_851 : i32
        %sign3A_853 = arith.constant 0 : i32
        %sign3A_854 = arith.cmpi sgt, %sub3A_850, %sign3A_853 : i32
        %sign3A_855 = arith.extui %sign3A_854 : i1 to i32
        %sign3A_856 = arith.constant 0 : i32
        %sign3A_857 = arith.cmpi slt, %sub3A_850, %sign3A_856 : i32
        %sign3A_858 = arith.extui %sign3A_857 : i1 to i32
        %sign3A_859 = arith.subi %sign3A_855, %sign3A_858 : i32
        %sign3A_860 = arith.constant 0 : i32
        %sign3A_861 = arith.cmpi sgt, %jit3A_851, %sign3A_860 : i32
        %sign3A_862 = arith.extui %sign3A_861 : i1 to i32
        %sign3A_863 = arith.constant 0 : i32
        %sign3A_864 = arith.cmpi slt, %jit3A_851, %sign3A_863 : i32
        %sign3A_865 = arith.extui %sign3A_864 : i1 to i32
        %sign3A_866 = arith.subi %sign3A_862, %sign3A_865 : i32
        %ne3A_867 = arith.cmpi ne, %sign3A_859, %sign3A_866 : i32
        %rem3A_868 = arith.remsi %sub3A_850, %jit3A_851 : i32
        %ne3A_869 = arith.constant 0 : i32
        %ne3A_870 = arith.cmpi ne, %rem3A_868, %ne3A_869 : i32
        %and3A_871 = arith.andi %ne3A_867, %ne3A_870 : i1
        %sub3A_872 = arith.constant 1 : i32
        %sub3A_873 = arith.subi %div3A_852, %sub3A_872 : i32
        %select_n3A_874 = arith.select %and3A_871, %sub3A_873, %div3A_852 : i32
        %mul3A_875 = arith.constant 512 : i32
        %mul3A_876 = arith.muli %select_n3A_874, %mul3A_875 : i32
        %add3A_877 = arith.addi %mul3A_876, %add3A_269 : i32
        %jit3A_878 = arith.constant 4 : i32
        %eq3A_879 = arith.constant 0 : i32
        %eq3A_880 = arith.cmpi eq, %jit3A_878, %eq3A_879 : i32
        %jit3A_881 = arith.constant 1 : i32
        %select_n3A_882 = arith.select %eq3A_880, %jit3A_881, %jit3A_878 : i32
        %rem3A_883 = arith.remsi %sub3A_850, %select_n3A_882 : i32
        %ne3A_884 = arith.constant 0 : i32
        %ne3A_885 = arith.cmpi ne, %rem3A_883, %ne3A_884 : i32
        %lt3A_886 = arith.constant 0 : i32
        %lt3A_887 = arith.cmpi slt, %rem3A_883, %lt3A_886 : i32
        %lt3A_888 = arith.constant 0 : i32
        %lt3A_889 = arith.cmpi slt, %select_n3A_882, %lt3A_888 : i32
        %ne3A_890 = arith.xori %lt3A_887, %lt3A_889 : i1
        %and3A_891 = arith.andi %ne3A_890, %ne3A_885 : i1
        %add3A_892 = arith.addi %rem3A_883, %select_n3A_882 : i32
        %select_n3A_893 = arith.select %and3A_891, %add3A_892, %rem3A_883 : i32
        %add3A_894 = arith.addi %add3A_877, %select_n3A_893 : i32
        %mul3A_895 = arith.constant 128 : i32
        %mul3A_896 = arith.muli %add3A_894, %mul3A_895 : i32
        %dma_wait3A_897 = arith.constant 0 : i32
        %dma_wait3A_898 = arith.constant 0 : i32
        %dma_wait3A_899 = tpu.memref_slice %arg6[%scan3A_337, %dma_wait3A_897, %dma_wait3A_898] : memref<4x128x128xf32, #tpu.memory_space<vmem>> -> memref<1x128x128xf32, #tpu.memory_space<vmem>>
        %dma_wait3A_900 = tpu.memref_squeeze %dma_wait3A_899 : memref<1x128x128xf32, #tpu.memory_space<vmem>> -> memref<128x128xf32, #tpu.memory_space<vmem>>
        %dma_wait3A_901 = arith.constant 0 : i32
        %dma_wait3A_902 = tpu.memref_slice %arg4[%mul3A_896, %dma_wait3A_901] : memref<196608x128xf32, #tpu.memory_space<hbm>> -> memref<128x128xf32, #tpu.memory_space<hbm>>
        %dma_wait3A_903 = arith.constant 0 : i32
        %dma_wait3A_904 = tpu.memref_slice %arg4[%mul3A_896, %dma_wait3A_903] : memref<196608x128xf32, #tpu.memory_space<hbm>> -> memref<128x128xf32, #tpu.memory_space<hbm>>
        %dma_wait3A_905 = arith.constant 0 : i32
        %dma_wait3A_906 = arith.constant 0 : i32
        %dma_wait3A_907 = tpu.memref_slice %arg6[%scan3A_337, %dma_wait3A_905, %dma_wait3A_906] : memref<4x128x128xf32, #tpu.memory_space<vmem>> -> memref<1x128x128xf32, #tpu.memory_space<vmem>>
        %dma_wait3A_908 = tpu.memref_squeeze %dma_wait3A_907 : memref<1x128x128xf32, #tpu.memory_space<vmem>> -> memref<128x128xf32, #tpu.memory_space<vmem>>
        tpu.wait_dma2 semaphore(%arg14 : memref<!tpu.dma_semaphore, #tpu.memory_space<semaphore_mem>>) src(%dma_wait3A_908 : memref<128x128xf32, #tpu.memory_space<vmem>>) dst(%dma_wait3A_904 : memref<128x128xf32, #tpu.memory_space<hbm>>)
      } else {
      }
      %add3A_590 = arith.constant 2 : i32
      %add3A_591 = arith.addi %add3A_521, %add3A_590 : i32
      %lt3A_592 = arith.constant 12 : i32
      %lt3A_593 = arith.cmpi slt, %add3A_591, %lt3A_592 : i32
      %convert_element_type3A_594 = arith.extui %lt3A_593 : i1 to i32
      %cond3A_595 = arith.constant 0 : i32
      %cond3A_596 = arith.cmpi ne, %convert_element_type3A_594, %cond3A_595 : i32
      scf.if %cond3A_596 {
        %add3A_849 = arith.constant 2 : i32
        %add3A_850 = arith.addi %add3A_521, %add3A_849 : i32
        %mul3A_851 = arith.constant 128 : i32
        %mul3A_852 = arith.muli %add3A_850, %mul3A_851 : i32
        %dma_start3A_853 = arith.constant 0 : i32
        %dma_start3A_854 = arith.constant 0 : i32
        %dma_start3A_855 = tpu.memref_slice %arg6[%scan3A_337, %dma_start3A_853, %dma_start3A_854] : memref<4x128x128xf32, #tpu.memory_space<vmem>> -> memref<1x128x128xf32, #tpu.memory_space<vmem>>
        %dma_start3A_856 = tpu.memref_squeeze %dma_start3A_855 : memref<1x128x128xf32, #tpu.memory_space<vmem>> -> memref<128x128xf32, #tpu.memory_space<vmem>>
        %dma_start3A_857 = tpu.memref_slice %arg5[%mul3A_852] : memref<1536xi32, #tpu.memory_space<vmem>> -> memref<128xi32, #tpu.memory_space<vmem>>
        %dma_start3A_858 = arith.constant 0 : i32
        %dma_start3A_859 = arith.constant 0 : i32
        %dma_start3A_860 = tpu.memref_slice %arg7[%dma_start3A_858, %dma_start3A_859] : memref<4096x128xf32, #tpu.memory_space<vmem_shared>> -> memref<4096x128xf32, #tpu.memory_space<vmem_shared>>
        tpu.enqueue_indirect_dma source(%dma_start3A_860 : memref<4096x128xf32, #tpu.memory_space<vmem_shared>>) target(%dma_start3A_856 : memref<128x128xf32, #tpu.memory_space<vmem>>) offsets(%dma_start3A_857 : memref<128xi32, #tpu.memory_space<vmem>>) semaphore(%arg10 : memref<!tpu.dma_semaphore, #tpu.memory_space<semaphore_mem>>)
      } else {
      }
      %mul3A_597 = arith.constant 4 : i32
      %mul3A_598 = arith.muli %mul3A_597, %scan3A_517 : i32
      %add3A_599 = arith.constant 1 : i32
      %add3A_600 = arith.addi %mul3A_598, %add3A_599 : i32
      %mul3A_601 = arith.constant 128 : i32
      %mul3A_602 = arith.muli %add3A_600, %mul3A_601 : i32
      %dma_wait3A_603 = arith.constant 0 : i32
      %dma_wait3A_604 = arith.constant 0 : i32
      %dma_wait3A_605 = tpu.memref_slice %arg6[%scan3A_338, %dma_wait3A_603, %dma_wait3A_604] : memref<4x128x128xf32, #tpu.memory_space<vmem>> -> memref<1x128x128xf32, #tpu.memory_space<vmem>>
      %dma_wait3A_606 = tpu.memref_squeeze %dma_wait3A_605 : memref<1x128x128xf32, #tpu.memory_space<vmem>> -> memref<128x128xf32, #tpu.memory_space<vmem>>
      %dma_wait3A_607 = tpu.memref_slice %arg5[%mul3A_602] : memref<1536xi32, #tpu.memory_space<vmem>> -> memref<128xi32, #tpu.memory_space<vmem>>
      %dma_wait3A_608 = arith.constant 0 : i32
      %dma_wait3A_609 = arith.constant 0 : i32
      %dma_wait3A_610 = tpu.memref_slice %arg7[%dma_wait3A_608, %dma_wait3A_609] : memref<4096x128xf32, #tpu.memory_space<vmem_shared>> -> memref<4096x128xf32, #tpu.memory_space<vmem_shared>>
      tpu.wait_indirect_dma semaphore(%arg9 : memref<!tpu.dma_semaphore, #tpu.memory_space<semaphore_mem>>) src(%dma_wait3A_610 : memref<4096x128xf32, #tpu.memory_space<vmem_shared>>) dst(%dma_wait3A_606 : memref<128x128xf32, #tpu.memory_space<vmem>>)
      %jit3A_611 = arith.constant 4 : i32
      %div3A_612 = arith.divsi %add3A_600, %jit3A_611 : i32
      %sign3A_613 = arith.constant 0 : i32
      %sign3A_614 = arith.cmpi sgt, %add3A_600, %sign3A_613 : i32
      %sign3A_615 = arith.extui %sign3A_614 : i1 to i32
      %sign3A_616 = arith.constant 0 : i32
      %sign3A_617 = arith.cmpi slt, %add3A_600, %sign3A_616 : i32
      %sign3A_618 = arith.extui %sign3A_617 : i1 to i32
      %sign3A_619 = arith.subi %sign3A_615, %sign3A_618 : i32
      %sign3A_620 = arith.constant 0 : i32
      %sign3A_621 = arith.cmpi sgt, %jit3A_611, %sign3A_620 : i32
      %sign3A_622 = arith.extui %sign3A_621 : i1 to i32
      %sign3A_623 = arith.constant 0 : i32
      %sign3A_624 = arith.cmpi slt, %jit3A_611, %sign3A_623 : i32
      %sign3A_625 = arith.extui %sign3A_624 : i1 to i32
      %sign3A_626 = arith.subi %sign3A_622, %sign3A_625 : i32
      %ne3A_627 = arith.cmpi ne, %sign3A_619, %sign3A_626 : i32
      %rem3A_628 = arith.remsi %add3A_600, %jit3A_611 : i32
      %ne3A_629 = arith.constant 0 : i32
      %ne3A_630 = arith.cmpi ne, %rem3A_628, %ne3A_629 : i32
      %and3A_631 = arith.andi %ne3A_627, %ne3A_630 : i1
      %sub3A_632 = arith.constant 1 : i32
      %sub3A_633 = arith.subi %div3A_612, %sub3A_632 : i32
      %select_n3A_634 = arith.select %and3A_631, %sub3A_633, %div3A_612 : i32
      %mul3A_635 = arith.constant 512 : i32
      %mul3A_636 = arith.muli %select_n3A_634, %mul3A_635 : i32
      %add3A_637 = arith.addi %mul3A_636, %add3A_269 : i32
      %jit3A_638 = arith.constant 4 : i32
      %eq3A_639 = arith.constant 0 : i32
      %eq3A_640 = arith.cmpi eq, %jit3A_638, %eq3A_639 : i32
      %jit3A_641 = arith.constant 1 : i32
      %select_n3A_642 = arith.select %eq3A_640, %jit3A_641, %jit3A_638 : i32
      %rem3A_643 = arith.remsi %add3A_600, %select_n3A_642 : i32
      %ne3A_644 = arith.constant 0 : i32
      %ne3A_645 = arith.cmpi ne, %rem3A_643, %ne3A_644 : i32
      %lt3A_646 = arith.constant 0 : i32
      %lt3A_647 = arith.cmpi slt, %rem3A_643, %lt3A_646 : i32
      %lt3A_648 = arith.constant 0 : i32
      %lt3A_649 = arith.cmpi slt, %select_n3A_642, %lt3A_648 : i32
      %ne3A_650 = arith.xori %lt3A_647, %lt3A_649 : i1
      %and3A_651 = arith.andi %ne3A_650, %ne3A_645 : i1
      %add3A_652 = arith.addi %rem3A_643, %select_n3A_642 : i32
      %select_n3A_653 = arith.select %and3A_651, %add3A_652, %rem3A_643 : i32
      %add3A_654 = arith.addi %add3A_637, %select_n3A_653 : i32
      %mul3A_655 = arith.constant 128 : i32
      %mul3A_656 = arith.muli %add3A_654, %mul3A_655 : i32
      %dma_start3A_657 = arith.constant 0 : i32
      %dma_start3A_658 = arith.constant 0 : i32
      %dma_start3A_659 = tpu.memref_slice %arg6[%scan3A_338, %dma_start3A_657, %dma_start3A_658] : memref<4x128x128xf32, #tpu.memory_space<vmem>> -> memref<1x128x128xf32, #tpu.memory_space<vmem>>
      %dma_start3A_660 = tpu.memref_squeeze %dma_start3A_659 : memref<1x128x128xf32, #tpu.memory_space<vmem>> -> memref<128x128xf32, #tpu.memory_space<vmem>>
      %dma_start3A_661 = arith.constant 0 : i32
      %dma_start3A_662 = tpu.memref_slice %arg4[%mul3A_656, %dma_start3A_661] : memref<196608x128xf32, #tpu.memory_space<hbm>> -> memref<128x128xf32, #tpu.memory_space<hbm>>
      %dma_start3A_663 = arith.constant 0 : i32
      %dma_start3A_664 = tpu.memref_slice %arg4[%mul3A_656, %dma_start3A_663] : memref<196608x128xf32, #tpu.memory_space<hbm>> -> memref<128x128xf32, #tpu.memory_space<hbm>>
      %dma_start3A_665 = arith.constant 0 : i32
      %dma_start3A_666 = arith.constant 0 : i32
      %dma_start3A_667 = tpu.memref_slice %arg6[%scan3A_338, %dma_start3A_665, %dma_start3A_666] : memref<4x128x128xf32, #tpu.memory_space<vmem>> -> memref<1x128x128xf32, #tpu.memory_space<vmem>>
      %dma_start3A_668 = tpu.memref_squeeze %dma_start3A_667 : memref<1x128x128xf32, #tpu.memory_space<vmem>> -> memref<128x128xf32, #tpu.memory_space<vmem>>
      tpu.enqueue_dma source(%dma_start3A_668 : memref<128x128xf32, #tpu.memory_space<vmem>>) target(%dma_start3A_664 : memref<128x128xf32, #tpu.memory_space<hbm>>) target_semaphore(%arg13 : memref<!tpu.dma_semaphore, #tpu.memory_space<semaphore_mem>>)
      %ge3A_669 = arith.constant 2 : i32
      %ge3A_670 = arith.cmpi sge, %add3A_600, %ge3A_669 : i32
      %convert_element_type3A_671 = arith.extui %ge3A_670 : i1 to i32
      %cond3A_672 = arith.constant 0 : i32
      %cond3A_673 = arith.cmpi ne, %convert_element_type3A_671, %cond3A_672 : i32
      scf.if %cond3A_673 {
        %sub3A_849 = arith.constant 2 : i32
        %sub3A_850 = arith.subi %add3A_600, %sub3A_849 : i32
        %jit3A_851 = arith.constant 4 : i32
        %div3A_852 = arith.divsi %sub3A_850, %jit3A_851 : i32
        %sign3A_853 = arith.constant 0 : i32
        %sign3A_854 = arith.cmpi sgt, %sub3A_850, %sign3A_853 : i32
        %sign3A_855 = arith.extui %sign3A_854 : i1 to i32
        %sign3A_856 = arith.constant 0 : i32
        %sign3A_857 = arith.cmpi slt, %sub3A_850, %sign3A_856 : i32
        %sign3A_858 = arith.extui %sign3A_857 : i1 to i32
        %sign3A_859 = arith.subi %sign3A_855, %sign3A_858 : i32
        %sign3A_860 = arith.constant 0 : i32
        %sign3A_861 = arith.cmpi sgt, %jit3A_851, %sign3A_860 : i32
        %sign3A_862 = arith.extui %sign3A_861 : i1 to i32
        %sign3A_863 = arith.constant 0 : i32
        %sign3A_864 = arith.cmpi slt, %jit3A_851, %sign3A_863 : i32
        %sign3A_865 = arith.extui %sign3A_864 : i1 to i32
        %sign3A_866 = arith.subi %sign3A_862, %sign3A_865 : i32
        %ne3A_867 = arith.cmpi ne, %sign3A_859, %sign3A_866 : i32
        %rem3A_868 = arith.remsi %sub3A_850, %jit3A_851 : i32
        %ne3A_869 = arith.constant 0 : i32
        %ne3A_870 = arith.cmpi ne, %rem3A_868, %ne3A_869 : i32
        %and3A_871 = arith.andi %ne3A_867, %ne3A_870 : i1
        %sub3A_872 = arith.constant 1 : i32
        %sub3A_873 = arith.subi %div3A_852, %sub3A_872 : i32
        %select_n3A_874 = arith.select %and3A_871, %sub3A_873, %div3A_852 : i32
        %mul3A_875 = arith.constant 512 : i32
        %mul3A_876 = arith.muli %select_n3A_874, %mul3A_875 : i32
        %add3A_877 = arith.addi %mul3A_876, %add3A_269 : i32
        %jit3A_878 = arith.constant 4 : i32
        %eq3A_879 = arith.constant 0 : i32
        %eq3A_880 = arith.cmpi eq, %jit3A_878, %eq3A_879 : i32
        %jit3A_881 = arith.constant 1 : i32
        %select_n3A_882 = arith.select %eq3A_880, %jit3A_881, %jit3A_878 : i32
        %rem3A_883 = arith.remsi %sub3A_850, %select_n3A_882 : i32
        %ne3A_884 = arith.constant 0 : i32
        %ne3A_885 = arith.cmpi ne, %rem3A_883, %ne3A_884 : i32
        %lt3A_886 = arith.constant 0 : i32
        %lt3A_887 = arith.cmpi slt, %rem3A_883, %lt3A_886 : i32
        %lt3A_888 = arith.constant 0 : i32
        %lt3A_889 = arith.cmpi slt, %select_n3A_882, %lt3A_888 : i32
        %ne3A_890 = arith.xori %lt3A_887, %lt3A_889 : i1
        %and3A_891 = arith.andi %ne3A_890, %ne3A_885 : i1
        %add3A_892 = arith.addi %rem3A_883, %select_n3A_882 : i32
        %select_n3A_893 = arith.select %and3A_891, %add3A_892, %rem3A_883 : i32
        %add3A_894 = arith.addi %add3A_877, %select_n3A_893 : i32
        %mul3A_895 = arith.constant 128 : i32
        %mul3A_896 = arith.muli %add3A_894, %mul3A_895 : i32
        %dma_wait3A_897 = arith.constant 0 : i32
        %dma_wait3A_898 = arith.constant 0 : i32
        %dma_wait3A_899 = tpu.memref_slice %arg6[%scan3A_339, %dma_wait3A_897, %dma_wait3A_898] : memref<4x128x128xf32, #tpu.memory_space<vmem>> -> memref<1x128x128xf32, #tpu.memory_space<vmem>>
        %dma_wait3A_900 = tpu.memref_squeeze %dma_wait3A_899 : memref<1x128x128xf32, #tpu.memory_space<vmem>> -> memref<128x128xf32, #tpu.memory_space<vmem>>
        %dma_wait3A_901 = arith.constant 0 : i32
        %dma_wait3A_902 = tpu.memref_slice %arg4[%mul3A_896, %dma_wait3A_901] : memref<196608x128xf32, #tpu.memory_space<hbm>> -> memref<128x128xf32, #tpu.memory_space<hbm>>
        %dma_wait3A_903 = arith.constant 0 : i32
        %dma_wait3A_904 = tpu.memref_slice %arg4[%mul3A_896, %dma_wait3A_903] : memref<196608x128xf32, #tpu.memory_space<hbm>> -> memref<128x128xf32, #tpu.memory_space<hbm>>
        %dma_wait3A_905 = arith.constant 0 : i32
        %dma_wait3A_906 = arith.constant 0 : i32
        %dma_wait3A_907 = tpu.memref_slice %arg6[%scan3A_339, %dma_wait3A_905, %dma_wait3A_906] : memref<4x128x128xf32, #tpu.memory_space<vmem>> -> memref<1x128x128xf32, #tpu.memory_space<vmem>>
        %dma_wait3A_908 = tpu.memref_squeeze %dma_wait3A_907 : memref<1x128x128xf32, #tpu.memory_space<vmem>> -> memref<128x128xf32, #tpu.memory_space<vmem>>
        tpu.wait_dma2 semaphore(%arg15 : memref<!tpu.dma_semaphore, #tpu.memory_space<semaphore_mem>>) src(%dma_wait3A_908 : memref<128x128xf32, #tpu.memory_space<vmem>>) dst(%dma_wait3A_904 : memref<128x128xf32, #tpu.memory_space<hbm>>)
      } else {
      }
      %add3A_674 = arith.constant 2 : i32
      %add3A_675 = arith.addi %add3A_600, %add3A_674 : i32
      %lt3A_676 = arith.constant 12 : i32
      %lt3A_677 = arith.cmpi slt, %add3A_675, %lt3A_676 : i32
      %convert_element_type3A_678 = arith.extui %lt3A_677 : i1 to i32
      %cond3A_679 = arith.constant 0 : i32
      %cond3A_680 = arith.cmpi ne, %convert_element_type3A_678, %cond3A_679 : i32
      scf.if %cond3A_680 {
        %add3A_849 = arith.constant 2 : i32
        %add3A_850 = arith.addi %add3A_600, %add3A_849 : i32
        %mul3A_851 = arith.constant 128 : i32
        %mul3A_852 = arith.muli %add3A_850, %mul3A_851 : i32
        %dma_start3A_853 = arith.constant 0 : i32
        %dma_start3A_854 = arith.constant 0 : i32
        %dma_start3A_855 = tpu.memref_slice %arg6[%scan3A_339, %dma_start3A_853, %dma_start3A_854] : memref<4x128x128xf32, #tpu.memory_space<vmem>> -> memref<1x128x128xf32, #tpu.memory_space<vmem>>
        %dma_start3A_856 = tpu.memref_squeeze %dma_start3A_855 : memref<1x128x128xf32, #tpu.memory_space<vmem>> -> memref<128x128xf32, #tpu.memory_space<vmem>>
        %dma_start3A_857 = tpu.memref_slice %arg5[%mul3A_852] : memref<1536xi32, #tpu.memory_space<vmem>> -> memref<128xi32, #tpu.memory_space<vmem>>
        %dma_start3A_858 = arith.constant 0 : i32
        %dma_start3A_859 = arith.constant 0 : i32
        %dma_start3A_860 = tpu.memref_slice %arg7[%dma_start3A_858, %dma_start3A_859] : memref<4096x128xf32, #tpu.memory_space<vmem_shared>> -> memref<4096x128xf32, #tpu.memory_space<vmem_shared>>
        tpu.enqueue_indirect_dma source(%dma_start3A_860 : memref<4096x128xf32, #tpu.memory_space<vmem_shared>>) target(%dma_start3A_856 : memref<128x128xf32, #tpu.memory_space<vmem>>) offsets(%dma_start3A_857 : memref<128xi32, #tpu.memory_space<vmem>>) semaphore(%arg11 : memref<!tpu.dma_semaphore, #tpu.memory_space<semaphore_mem>>)
      } else {
      }
      %mul3A_681 = arith.constant 4 : i32
      %mul3A_682 = arith.muli %mul3A_681, %scan3A_517 : i32
      %add3A_683 = arith.constant 2 : i32
      %add3A_684 = arith.addi %mul3A_682, %add3A_683 : i32
      %mul3A_685 = arith.constant 128 : i32
      %mul3A_686 = arith.muli %add3A_684, %mul3A_685 : i32
      %dma_wait3A_687 = arith.constant 0 : i32
      %dma_wait3A_688 = arith.constant 0 : i32
      %dma_wait3A_689 = tpu.memref_slice %arg6[%scan3A_337, %dma_wait3A_687, %dma_wait3A_688] : memref<4x128x128xf32, #tpu.memory_space<vmem>> -> memref<1x128x128xf32, #tpu.memory_space<vmem>>
      %dma_wait3A_690 = tpu.memref_squeeze %dma_wait3A_689 : memref<1x128x128xf32, #tpu.memory_space<vmem>> -> memref<128x128xf32, #tpu.memory_space<vmem>>
      %dma_wait3A_691 = tpu.memref_slice %arg5[%mul3A_686] : memref<1536xi32, #tpu.memory_space<vmem>> -> memref<128xi32, #tpu.memory_space<vmem>>
      %dma_wait3A_692 = arith.constant 0 : i32
      %dma_wait3A_693 = arith.constant 0 : i32
      %dma_wait3A_694 = tpu.memref_slice %arg7[%dma_wait3A_692, %dma_wait3A_693] : memref<4096x128xf32, #tpu.memory_space<vmem_shared>> -> memref<4096x128xf32, #tpu.memory_space<vmem_shared>>
      tpu.wait_indirect_dma semaphore(%arg10 : memref<!tpu.dma_semaphore, #tpu.memory_space<semaphore_mem>>) src(%dma_wait3A_694 : memref<4096x128xf32, #tpu.memory_space<vmem_shared>>) dst(%dma_wait3A_690 : memref<128x128xf32, #tpu.memory_space<vmem>>)
      %jit3A_695 = arith.constant 4 : i32
      %div3A_696 = arith.divsi %add3A_684, %jit3A_695 : i32
      %sign3A_697 = arith.constant 0 : i32
      %sign3A_698 = arith.cmpi sgt, %add3A_684, %sign3A_697 : i32
      %sign3A_699 = arith.extui %sign3A_698 : i1 to i32
      %sign3A_700 = arith.constant 0 : i32
      %sign3A_701 = arith.cmpi slt, %add3A_684, %sign3A_700 : i32
      %sign3A_702 = arith.extui %sign3A_701 : i1 to i32
      %sign3A_703 = arith.subi %sign3A_699, %sign3A_702 : i32
      %sign3A_704 = arith.constant 0 : i32
      %sign3A_705 = arith.cmpi sgt, %jit3A_695, %sign3A_704 : i32
      %sign3A_706 = arith.extui %sign3A_705 : i1 to i32
      %sign3A_707 = arith.constant 0 : i32
      %sign3A_708 = arith.cmpi slt, %jit3A_695, %sign3A_707 : i32
      %sign3A_709 = arith.extui %sign3A_708 : i1 to i32
      %sign3A_710 = arith.subi %sign3A_706, %sign3A_709 : i32
      %ne3A_711 = arith.cmpi ne, %sign3A_703, %sign3A_710 : i32
      %rem3A_712 = arith.remsi %add3A_684, %jit3A_695 : i32
      %ne3A_713 = arith.constant 0 : i32
      %ne3A_714 = arith.cmpi ne, %rem3A_712, %ne3A_713 : i32
      %and3A_715 = arith.andi %ne3A_711, %ne3A_714 : i1
      %sub3A_716 = arith.constant 1 : i32
      %sub3A_717 = arith.subi %div3A_696, %sub3A_716 : i32
      %select_n3A_718 = arith.select %and3A_715, %sub3A_717, %div3A_696 : i32
      %mul3A_719 = arith.constant 512 : i32
      %mul3A_720 = arith.muli %select_n3A_718, %mul3A_719 : i32
      %add3A_721 = arith.addi %mul3A_720, %add3A_269 : i32
      %jit3A_722 = arith.constant 4 : i32
      %eq3A_723 = arith.constant 0 : i32
      %eq3A_724 = arith.cmpi eq, %jit3A_722, %eq3A_723 : i32
      %jit3A_725 = arith.constant 1 : i32
      %select_n3A_726 = arith.select %eq3A_724, %jit3A_725, %jit3A_722 : i32
      %rem3A_727 = arith.remsi %add3A_684, %select_n3A_726 : i32
      %ne3A_728 = arith.constant 0 : i32
      %ne3A_729 = arith.cmpi ne, %rem3A_727, %ne3A_728 : i32
      %lt3A_730 = arith.constant 0 : i32
      %lt3A_731 = arith.cmpi slt, %rem3A_727, %lt3A_730 : i32
      %lt3A_732 = arith.constant 0 : i32
      %lt3A_733 = arith.cmpi slt, %select_n3A_726, %lt3A_732 : i32
      %ne3A_734 = arith.xori %lt3A_731, %lt3A_733 : i1
      %and3A_735 = arith.andi %ne3A_734, %ne3A_729 : i1
      %add3A_736 = arith.addi %rem3A_727, %select_n3A_726 : i32
      %select_n3A_737 = arith.select %and3A_735, %add3A_736, %rem3A_727 : i32
      %add3A_738 = arith.addi %add3A_721, %select_n3A_737 : i32
      %mul3A_739 = arith.constant 128 : i32
      %mul3A_740 = arith.muli %add3A_738, %mul3A_739 : i32
      %dma_start3A_741 = arith.constant 0 : i32
      %dma_start3A_742 = arith.constant 0 : i32
      %dma_start3A_743 = tpu.memref_slice %arg6[%scan3A_337, %dma_start3A_741, %dma_start3A_742] : memref<4x128x128xf32, #tpu.memory_space<vmem>> -> memref<1x128x128xf32, #tpu.memory_space<vmem>>
      %dma_start3A_744 = tpu.memref_squeeze %dma_start3A_743 : memref<1x128x128xf32, #tpu.memory_space<vmem>> -> memref<128x128xf32, #tpu.memory_space<vmem>>
      %dma_start3A_745 = arith.constant 0 : i32
      %dma_start3A_746 = tpu.memref_slice %arg4[%mul3A_740, %dma_start3A_745] : memref<196608x128xf32, #tpu.memory_space<hbm>> -> memref<128x128xf32, #tpu.memory_space<hbm>>
      %dma_start3A_747 = arith.constant 0 : i32
      %dma_start3A_748 = tpu.memref_slice %arg4[%mul3A_740, %dma_start3A_747] : memref<196608x128xf32, #tpu.memory_space<hbm>> -> memref<128x128xf32, #tpu.memory_space<hbm>>
      %dma_start3A_749 = arith.constant 0 : i32
      %dma_start3A_750 = arith.constant 0 : i32
      %dma_start3A_751 = tpu.memref_slice %arg6[%scan3A_337, %dma_start3A_749, %dma_start3A_750] : memref<4x128x128xf32, #tpu.memory_space<vmem>> -> memref<1x128x128xf32, #tpu.memory_space<vmem>>
      %dma_start3A_752 = tpu.memref_squeeze %dma_start3A_751 : memref<1x128x128xf32, #tpu.memory_space<vmem>> -> memref<128x128xf32, #tpu.memory_space<vmem>>
      tpu.enqueue_dma source(%dma_start3A_752 : memref<128x128xf32, #tpu.memory_space<vmem>>) target(%dma_start3A_748 : memref<128x128xf32, #tpu.memory_space<hbm>>) target_semaphore(%arg14 : memref<!tpu.dma_semaphore, #tpu.memory_space<semaphore_mem>>)
      %ge3A_753 = arith.constant 2 : i32
      %ge3A_754 = arith.cmpi sge, %add3A_684, %ge3A_753 : i32
      %convert_element_type3A_755 = arith.extui %ge3A_754 : i1 to i32
      %cond3A_756 = arith.constant 0 : i32
      %cond3A_757 = arith.cmpi ne, %convert_element_type3A_755, %cond3A_756 : i32
      scf.if %cond3A_757 {
        %sub3A_849 = arith.constant 2 : i32
        %sub3A_850 = arith.subi %add3A_684, %sub3A_849 : i32
        %jit3A_851 = arith.constant 4 : i32
        %div3A_852 = arith.divsi %sub3A_850, %jit3A_851 : i32
        %sign3A_853 = arith.constant 0 : i32
        %sign3A_854 = arith.cmpi sgt, %sub3A_850, %sign3A_853 : i32
        %sign3A_855 = arith.extui %sign3A_854 : i1 to i32
        %sign3A_856 = arith.constant 0 : i32
        %sign3A_857 = arith.cmpi slt, %sub3A_850, %sign3A_856 : i32
        %sign3A_858 = arith.extui %sign3A_857 : i1 to i32
        %sign3A_859 = arith.subi %sign3A_855, %sign3A_858 : i32
        %sign3A_860 = arith.constant 0 : i32
        %sign3A_861 = arith.cmpi sgt, %jit3A_851, %sign3A_860 : i32
        %sign3A_862 = arith.extui %sign3A_861 : i1 to i32
        %sign3A_863 = arith.constant 0 : i32
        %sign3A_864 = arith.cmpi slt, %jit3A_851, %sign3A_863 : i32
        %sign3A_865 = arith.extui %sign3A_864 : i1 to i32
        %sign3A_866 = arith.subi %sign3A_862, %sign3A_865 : i32
        %ne3A_867 = arith.cmpi ne, %sign3A_859, %sign3A_866 : i32
        %rem3A_868 = arith.remsi %sub3A_850, %jit3A_851 : i32
        %ne3A_869 = arith.constant 0 : i32
        %ne3A_870 = arith.cmpi ne, %rem3A_868, %ne3A_869 : i32
        %and3A_871 = arith.andi %ne3A_867, %ne3A_870 : i1
        %sub3A_872 = arith.constant 1 : i32
        %sub3A_873 = arith.subi %div3A_852, %sub3A_872 : i32
        %select_n3A_874 = arith.select %and3A_871, %sub3A_873, %div3A_852 : i32
        %mul3A_875 = arith.constant 512 : i32
        %mul3A_876 = arith.muli %select_n3A_874, %mul3A_875 : i32
        %add3A_877 = arith.addi %mul3A_876, %add3A_269 : i32
        %jit3A_878 = arith.constant 4 : i32
        %eq3A_879 = arith.constant 0 : i32
        %eq3A_880 = arith.cmpi eq, %jit3A_878, %eq3A_879 : i32
        %jit3A_881 = arith.constant 1 : i32
        %select_n3A_882 = arith.select %eq3A_880, %jit3A_881, %jit3A_878 : i32
        %rem3A_883 = arith.remsi %sub3A_850, %select_n3A_882 : i32
        %ne3A_884 = arith.constant 0 : i32
        %ne3A_885 = arith.cmpi ne, %rem3A_883, %ne3A_884 : i32
        %lt3A_886 = arith.constant 0 : i32
        %lt3A_887 = arith.cmpi slt, %rem3A_883, %lt3A_886 : i32
        %lt3A_888 = arith.constant 0 : i32
        %lt3A_889 = arith.cmpi slt, %select_n3A_882, %lt3A_888 : i32
        %ne3A_890 = arith.xori %lt3A_887, %lt3A_889 : i1
        %and3A_891 = arith.andi %ne3A_890, %ne3A_885 : i1
        %add3A_892 = arith.addi %rem3A_883, %select_n3A_882 : i32
        %select_n3A_893 = arith.select %and3A_891, %add3A_892, %rem3A_883 : i32
        %add3A_894 = arith.addi %add3A_877, %select_n3A_893 : i32
        %mul3A_895 = arith.constant 128 : i32
        %mul3A_896 = arith.muli %add3A_894, %mul3A_895 : i32
        %dma_wait3A_897 = arith.constant 0 : i32
        %dma_wait3A_898 = arith.constant 0 : i32
        %dma_wait3A_899 = tpu.memref_slice %arg6[%scan3A_336, %dma_wait3A_897, %dma_wait3A_898] : memref<4x128x128xf32, #tpu.memory_space<vmem>> -> memref<1x128x128xf32, #tpu.memory_space<vmem>>
        %dma_wait3A_900 = tpu.memref_squeeze %dma_wait3A_899 : memref<1x128x128xf32, #tpu.memory_space<vmem>> -> memref<128x128xf32, #tpu.memory_space<vmem>>
        %dma_wait3A_901 = arith.constant 0 : i32
        %dma_wait3A_902 = tpu.memref_slice %arg4[%mul3A_896, %dma_wait3A_901] : memref<196608x128xf32, #tpu.memory_space<hbm>> -> memref<128x128xf32, #tpu.memory_space<hbm>>
        %dma_wait3A_903 = arith.constant 0 : i32
        %dma_wait3A_904 = tpu.memref_slice %arg4[%mul3A_896, %dma_wait3A_903] : memref<196608x128xf32, #tpu.memory_space<hbm>> -> memref<128x128xf32, #tpu.memory_space<hbm>>
        %dma_wait3A_905 = arith.constant 0 : i32
        %dma_wait3A_906 = arith.constant 0 : i32
        %dma_wait3A_907 = tpu.memref_slice %arg6[%scan3A_336, %dma_wait3A_905, %dma_wait3A_906] : memref<4x128x128xf32, #tpu.memory_space<vmem>> -> memref<1x128x128xf32, #tpu.memory_space<vmem>>
        %dma_wait3A_908 = tpu.memref_squeeze %dma_wait3A_907 : memref<1x128x128xf32, #tpu.memory_space<vmem>> -> memref<128x128xf32, #tpu.memory_space<vmem>>
        tpu.wait_dma2 semaphore(%arg12 : memref<!tpu.dma_semaphore, #tpu.memory_space<semaphore_mem>>) src(%dma_wait3A_908 : memref<128x128xf32, #tpu.memory_space<vmem>>) dst(%dma_wait3A_904 : memref<128x128xf32, #tpu.memory_space<hbm>>)
      } else {
      }
      %add3A_758 = arith.constant 2 : i32
      %add3A_759 = arith.addi %add3A_684, %add3A_758 : i32
      %lt3A_760 = arith.constant 12 : i32
      %lt3A_761 = arith.cmpi slt, %add3A_759, %lt3A_760 : i32
      %convert_element_type3A_762 = arith.extui %lt3A_761 : i1 to i32
      %cond3A_763 = arith.constant 0 : i32
      %cond3A_764 = arith.cmpi ne, %convert_element_type3A_762, %cond3A_763 : i32
      scf.if %cond3A_764 {
        %add3A_849 = arith.constant 2 : i32
        %add3A_850 = arith.addi %add3A_684, %add3A_849 : i32
        %mul3A_851 = arith.constant 128 : i32
        %mul3A_852 = arith.muli %add3A_850, %mul3A_851 : i32
        %dma_start3A_853 = arith.constant 0 : i32
        %dma_start3A_854 = arith.constant 0 : i32
        %dma_start3A_855 = tpu.memref_slice %arg6[%scan3A_336, %dma_start3A_853, %dma_start3A_854] : memref<4x128x128xf32, #tpu.memory_space<vmem>> -> memref<1x128x128xf32, #tpu.memory_space<vmem>>
        %dma_start3A_856 = tpu.memref_squeeze %dma_start3A_855 : memref<1x128x128xf32, #tpu.memory_space<vmem>> -> memref<128x128xf32, #tpu.memory_space<vmem>>
        %dma_start3A_857 = tpu.memref_slice %arg5[%mul3A_852] : memref<1536xi32, #tpu.memory_space<vmem>> -> memref<128xi32, #tpu.memory_space<vmem>>
        %dma_start3A_858 = arith.constant 0 : i32
        %dma_start3A_859 = arith.constant 0 : i32
        %dma_start3A_860 = tpu.memref_slice %arg7[%dma_start3A_858, %dma_start3A_859] : memref<4096x128xf32, #tpu.memory_space<vmem_shared>> -> memref<4096x128xf32, #tpu.memory_space<vmem_shared>>
        tpu.enqueue_indirect_dma source(%dma_start3A_860 : memref<4096x128xf32, #tpu.memory_space<vmem_shared>>) target(%dma_start3A_856 : memref<128x128xf32, #tpu.memory_space<vmem>>) offsets(%dma_start3A_857 : memref<128xi32, #tpu.memory_space<vmem>>) semaphore(%arg8 : memref<!tpu.dma_semaphore, #tpu.memory_space<semaphore_mem>>)
      } else {
      }
      %mul3A_765 = arith.constant 4 : i32
      %mul3A_766 = arith.muli %mul3A_765, %scan3A_517 : i32
      %add3A_767 = arith.constant 3 : i32
      %add3A_768 = arith.addi %mul3A_766, %add3A_767 : i32
      %mul3A_769 = arith.constant 128 : i32
      %mul3A_770 = arith.muli %add3A_768, %mul3A_769 : i32
      %dma_wait3A_771 = arith.constant 0 : i32
      %dma_wait3A_772 = arith.constant 0 : i32
      %dma_wait3A_773 = tpu.memref_slice %arg6[%scan3A_339, %dma_wait3A_771, %dma_wait3A_772] : memref<4x128x128xf32, #tpu.memory_space<vmem>> -> memref<1x128x128xf32, #tpu.memory_space<vmem>>
      %dma_wait3A_774 = tpu.memref_squeeze %dma_wait3A_773 : memref<1x128x128xf32, #tpu.memory_space<vmem>> -> memref<128x128xf32, #tpu.memory_space<vmem>>
      %dma_wait3A_775 = tpu.memref_slice %arg5[%mul3A_770] : memref<1536xi32, #tpu.memory_space<vmem>> -> memref<128xi32, #tpu.memory_space<vmem>>
      %dma_wait3A_776 = arith.constant 0 : i32
      %dma_wait3A_777 = arith.constant 0 : i32
      %dma_wait3A_778 = tpu.memref_slice %arg7[%dma_wait3A_776, %dma_wait3A_777] : memref<4096x128xf32, #tpu.memory_space<vmem_shared>> -> memref<4096x128xf32, #tpu.memory_space<vmem_shared>>
      tpu.wait_indirect_dma semaphore(%arg11 : memref<!tpu.dma_semaphore, #tpu.memory_space<semaphore_mem>>) src(%dma_wait3A_778 : memref<4096x128xf32, #tpu.memory_space<vmem_shared>>) dst(%dma_wait3A_774 : memref<128x128xf32, #tpu.memory_space<vmem>>)
      %jit3A_779 = arith.constant 4 : i32
      %div3A_780 = arith.divsi %add3A_768, %jit3A_779 : i32
      %sign3A_781 = arith.constant 0 : i32
      %sign3A_782 = arith.cmpi sgt, %add3A_768, %sign3A_781 : i32
      %sign3A_783 = arith.extui %sign3A_782 : i1 to i32
      %sign3A_784 = arith.constant 0 : i32
      %sign3A_785 = arith.cmpi slt, %add3A_768, %sign3A_784 : i32
      %sign3A_786 = arith.extui %sign3A_785 : i1 to i32
      %sign3A_787 = arith.subi %sign3A_783, %sign3A_786 : i32
      %sign3A_788 = arith.constant 0 : i32
      %sign3A_789 = arith.cmpi sgt, %jit3A_779, %sign3A_788 : i32
      %sign3A_790 = arith.extui %sign3A_789 : i1 to i32
      %sign3A_791 = arith.constant 0 : i32
      %sign3A_792 = arith.cmpi slt, %jit3A_779, %sign3A_791 : i32
      %sign3A_793 = arith.extui %sign3A_792 : i1 to i32
      %sign3A_794 = arith.subi %sign3A_790, %sign3A_793 : i32
      %ne3A_795 = arith.cmpi ne, %sign3A_787, %sign3A_794 : i32
      %rem3A_796 = arith.remsi %add3A_768, %jit3A_779 : i32
      %ne3A_797 = arith.constant 0 : i32
      %ne3A_798 = arith.cmpi ne, %rem3A_796, %ne3A_797 : i32
      %and3A_799 = arith.andi %ne3A_795, %ne3A_798 : i1
      %sub3A_800 = arith.constant 1 : i32
      %sub3A_801 = arith.subi %div3A_780, %sub3A_800 : i32
      %select_n3A_802 = arith.select %and3A_799, %sub3A_801, %div3A_780 : i32
      %mul3A_803 = arith.constant 512 : i32
      %mul3A_804 = arith.muli %select_n3A_802, %mul3A_803 : i32
      %add3A_805 = arith.addi %mul3A_804, %add3A_269 : i32
      %jit3A_806 = arith.constant 4 : i32
      %eq3A_807 = arith.constant 0 : i32
      %eq3A_808 = arith.cmpi eq, %jit3A_806, %eq3A_807 : i32
      %jit3A_809 = arith.constant 1 : i32
      %select_n3A_810 = arith.select %eq3A_808, %jit3A_809, %jit3A_806 : i32
      %rem3A_811 = arith.remsi %add3A_768, %select_n3A_810 : i32
      %ne3A_812 = arith.constant 0 : i32
      %ne3A_813 = arith.cmpi ne, %rem3A_811, %ne3A_812 : i32
      %lt3A_814 = arith.constant 0 : i32
      %lt3A_815 = arith.cmpi slt, %rem3A_811, %lt3A_814 : i32
      %lt3A_816 = arith.constant 0 : i32
      %lt3A_817 = arith.cmpi slt, %select_n3A_810, %lt3A_816 : i32
      %ne3A_818 = arith.xori %lt3A_815, %lt3A_817 : i1
      %and3A_819 = arith.andi %ne3A_818, %ne3A_813 : i1
      %add3A_820 = arith.addi %rem3A_811, %select_n3A_810 : i32
      %select_n3A_821 = arith.select %and3A_819, %add3A_820, %rem3A_811 : i32
      %add3A_822 = arith.addi %add3A_805, %select_n3A_821 : i32
      %mul3A_823 = arith.constant 128 : i32
      %mul3A_824 = arith.muli %add3A_822, %mul3A_823 : i32
      %dma_start3A_825 = arith.constant 0 : i32
      %dma_start3A_826 = arith.constant 0 : i32
      %dma_start3A_827 = tpu.memref_slice %arg6[%scan3A_339, %dma_start3A_825, %dma_start3A_826] : memref<4x128x128xf32, #tpu.memory_space<vmem>> -> memref<1x128x128xf32, #tpu.memory_space<vmem>>
      %dma_start3A_828 = tpu.memref_squeeze %dma_start3A_827 : memref<1x128x128xf32, #tpu.memory_space<vmem>> -> memref<128x128xf32, #tpu.memory_space<vmem>>
      %dma_start3A_829 = arith.constant 0 : i32
      %dma_start3A_830 = tpu.memref_slice %arg4[%mul3A_824, %dma_start3A_829] : memref<196608x128xf32, #tpu.memory_space<hbm>> -> memref<128x128xf32, #tpu.memory_space<hbm>>
      %dma_start3A_831 = arith.constant 0 : i32
      %dma_start3A_832 = tpu.memref_slice %arg4[%mul3A_824, %dma_start3A_831] : memref<196608x128xf32, #tpu.memory_space<hbm>> -> memref<128x128xf32, #tpu.memory_space<hbm>>
      %dma_start3A_833 = arith.constant 0 : i32
      %dma_start3A_834 = arith.constant 0 : i32
      %dma_start3A_835 = tpu.memref_slice %arg6[%scan3A_339, %dma_start3A_833, %dma_start3A_834] : memref<4x128x128xf32, #tpu.memory_space<vmem>> -> memref<1x128x128xf32, #tpu.memory_space<vmem>>
      %dma_start3A_836 = tpu.memref_squeeze %dma_start3A_835 : memref<1x128x128xf32, #tpu.memory_space<vmem>> -> memref<128x128xf32, #tpu.memory_space<vmem>>
      tpu.enqueue_dma source(%dma_start3A_836 : memref<128x128xf32, #tpu.memory_space<vmem>>) target(%dma_start3A_832 : memref<128x128xf32, #tpu.memory_space<hbm>>) target_semaphore(%arg15 : memref<!tpu.dma_semaphore, #tpu.memory_space<semaphore_mem>>)
      %ge3A_837 = arith.constant 2 : i32
      %ge3A_838 = arith.cmpi sge, %add3A_768, %ge3A_837 : i32
      %convert_element_type3A_839 = arith.extui %ge3A_838 : i1 to i32
      %cond3A_840 = arith.constant 0 : i32
      %cond3A_841 = arith.cmpi ne, %convert_element_type3A_839, %cond3A_840 : i32
      scf.if %cond3A_841 {
        %sub3A_849 = arith.constant 2 : i32
        %sub3A_850 = arith.subi %add3A_768, %sub3A_849 : i32
        %jit3A_851 = arith.constant 4 : i32
        %div3A_852 = arith.divsi %sub3A_850, %jit3A_851 : i32
        %sign3A_853 = arith.constant 0 : i32
        %sign3A_854 = arith.cmpi sgt, %sub3A_850, %sign3A_853 : i32
        %sign3A_855 = arith.extui %sign3A_854 : i1 to i32
        %sign3A_856 = arith.constant 0 : i32
        %sign3A_857 = arith.cmpi slt, %sub3A_850, %sign3A_856 : i32
        %sign3A_858 = arith.extui %sign3A_857 : i1 to i32
        %sign3A_859 = arith.subi %sign3A_855, %sign3A_858 : i32
        %sign3A_860 = arith.constant 0 : i32
        %sign3A_861 = arith.cmpi sgt, %jit3A_851, %sign3A_860 : i32
        %sign3A_862 = arith.extui %sign3A_861 : i1 to i32
        %sign3A_863 = arith.constant 0 : i32
        %sign3A_864 = arith.cmpi slt, %jit3A_851, %sign3A_863 : i32
        %sign3A_865 = arith.extui %sign3A_864 : i1 to i32
        %sign3A_866 = arith.subi %sign3A_862, %sign3A_865 : i32
        %ne3A_867 = arith.cmpi ne, %sign3A_859, %sign3A_866 : i32
        %rem3A_868 = arith.remsi %sub3A_850, %jit3A_851 : i32
        %ne3A_869 = arith.constant 0 : i32
        %ne3A_870 = arith.cmpi ne, %rem3A_868, %ne3A_869 : i32
        %and3A_871 = arith.andi %ne3A_867, %ne3A_870 : i1
        %sub3A_872 = arith.constant 1 : i32
        %sub3A_873 = arith.subi %div3A_852, %sub3A_872 : i32
        %select_n3A_874 = arith.select %and3A_871, %sub3A_873, %div3A_852 : i32
        %mul3A_875 = arith.constant 512 : i32
        %mul3A_876 = arith.muli %select_n3A_874, %mul3A_875 : i32
        %add3A_877 = arith.addi %mul3A_876, %add3A_269 : i32
        %jit3A_878 = arith.constant 4 : i32
        %eq3A_879 = arith.constant 0 : i32
        %eq3A_880 = arith.cmpi eq, %jit3A_878, %eq3A_879 : i32
        %jit3A_881 = arith.constant 1 : i32
        %select_n3A_882 = arith.select %eq3A_880, %jit3A_881, %jit3A_878 : i32
        %rem3A_883 = arith.remsi %sub3A_850, %select_n3A_882 : i32
        %ne3A_884 = arith.constant 0 : i32
        %ne3A_885 = arith.cmpi ne, %rem3A_883, %ne3A_884 : i32
        %lt3A_886 = arith.constant 0 : i32
        %lt3A_887 = arith.cmpi slt, %rem3A_883, %lt3A_886 : i32
        %lt3A_888 = arith.constant 0 : i32
        %lt3A_889 = arith.cmpi slt, %select_n3A_882, %lt3A_888 : i32
        %ne3A_890 = arith.xori %lt3A_887, %lt3A_889 : i1
        %and3A_891 = arith.andi %ne3A_890, %ne3A_885 : i1
        %add3A_892 = arith.addi %rem3A_883, %select_n3A_882 : i32
        %select_n3A_893 = arith.select %and3A_891, %add3A_892, %rem3A_883 : i32
        %add3A_894 = arith.addi %add3A_877, %select_n3A_893 : i32
        %mul3A_895 = arith.constant 128 : i32
        %mul3A_896 = arith.muli %add3A_894, %mul3A_895 : i32
        %dma_wait3A_897 = arith.constant 0 : i32
        %dma_wait3A_898 = arith.constant 0 : i32
        %dma_wait3A_899 = tpu.memref_slice %arg6[%scan3A_338, %dma_wait3A_897, %dma_wait3A_898] : memref<4x128x128xf32, #tpu.memory_space<vmem>> -> memref<1x128x128xf32, #tpu.memory_space<vmem>>
        %dma_wait3A_900 = tpu.memref_squeeze %dma_wait3A_899 : memref<1x128x128xf32, #tpu.memory_space<vmem>> -> memref<128x128xf32, #tpu.memory_space<vmem>>
        %dma_wait3A_901 = arith.constant 0 : i32
        %dma_wait3A_902 = tpu.memref_slice %arg4[%mul3A_896, %dma_wait3A_901] : memref<196608x128xf32, #tpu.memory_space<hbm>> -> memref<128x128xf32, #tpu.memory_space<hbm>>
        %dma_wait3A_903 = arith.constant 0 : i32
        %dma_wait3A_904 = tpu.memref_slice %arg4[%mul3A_896, %dma_wait3A_903] : memref<196608x128xf32, #tpu.memory_space<hbm>> -> memref<128x128xf32, #tpu.memory_space<hbm>>
        %dma_wait3A_905 = arith.constant 0 : i32
        %dma_wait3A_906 = arith.constant 0 : i32
        %dma_wait3A_907 = tpu.memref_slice %arg6[%scan3A_338, %dma_wait3A_905, %dma_wait3A_906] : memref<4x128x128xf32, #tpu.memory_space<vmem>> -> memref<1x128x128xf32, #tpu.memory_space<vmem>>
        %dma_wait3A_908 = tpu.memref_squeeze %dma_wait3A_907 : memref<1x128x128xf32, #tpu.memory_space<vmem>> -> memref<128x128xf32, #tpu.memory_space<vmem>>
        tpu.wait_dma2 semaphore(%arg13 : memref<!tpu.dma_semaphore, #tpu.memory_space<semaphore_mem>>) src(%dma_wait3A_908 : memref<128x128xf32, #tpu.memory_space<vmem>>) dst(%dma_wait3A_904 : memref<128x128xf32, #tpu.memory_space<hbm>>)
      } else {
      }
      %add3A_842 = arith.constant 2 : i32
      %add3A_843 = arith.addi %add3A_768, %add3A_842 : i32
      %lt3A_844 = arith.constant 12 : i32
      %lt3A_845 = arith.cmpi slt, %add3A_843, %lt3A_844 : i32
      %convert_element_type3A_846 = arith.extui %lt3A_845 : i1 to i32
      %cond3A_847 = arith.constant 0 : i32
      %cond3A_848 = arith.cmpi ne, %convert_element_type3A_846, %cond3A_847 : i32
      scf.if %cond3A_848 {
        %add3A_849 = arith.constant 2 : i32
        %add3A_850 = arith.addi %add3A_768, %add3A_849 : i32
        %mul3A_851 = arith.constant 128 : i32
        %mul3A_852 = arith.muli %add3A_850, %mul3A_851 : i32
        %dma_start3A_853 = arith.constant 0 : i32
        %dma_start3A_854 = arith.constant 0 : i32
        %dma_start3A_855 = tpu.memref_slice %arg6[%scan3A_338, %dma_start3A_853, %dma_start3A_854] : memref<4x128x128xf32, #tpu.memory_space<vmem>> -> memref<1x128x128xf32, #tpu.memory_space<vmem>>
        %dma_start3A_856 = tpu.memref_squeeze %dma_start3A_855 : memref<1x128x128xf32, #tpu.memory_space<vmem>> -> memref<128x128xf32, #tpu.memory_space<vmem>>
        %dma_start3A_857 = tpu.memref_slice %arg5[%mul3A_852] : memref<1536xi32, #tpu.memory_space<vmem>> -> memref<128xi32, #tpu.memory_space<vmem>>
        %dma_start3A_858 = arith.constant 0 : i32
        %dma_start3A_859 = arith.constant 0 : i32
        %dma_start3A_860 = tpu.memref_slice %arg7[%dma_start3A_858, %dma_start3A_859] : memref<4096x128xf32, #tpu.memory_space<vmem_shared>> -> memref<4096x128xf32, #tpu.memory_space<vmem_shared>>
        tpu.enqueue_indirect_dma source(%dma_start3A_860 : memref<4096x128xf32, #tpu.memory_space<vmem_shared>>) target(%dma_start3A_856 : memref<128x128xf32, #tpu.memory_space<vmem>>) offsets(%dma_start3A_857 : memref<128xi32, #tpu.memory_space<vmem>>) semaphore(%arg9 : memref<!tpu.dma_semaphore, #tpu.memory_space<semaphore_mem>>)
      } else {
      }
    }
    %scan3A_344 = arith.constant 3 : i32
    %add3A_345 = arith.constant 1024 : i32
    %add3A_346 = arith.addi %add3A_345, %add3A_269 : i32
    %add3A_347 = arith.constant 2 : i32
    %add3A_348 = arith.addi %add3A_346, %add3A_347 : i32
    %mul3A_349 = arith.constant 128 : i32
    %mul3A_350 = arith.muli %add3A_348, %mul3A_349 : i32
    %dma_wait3A_351 = arith.constant 2 : i32
    %dma_wait3A_352 = arith.constant 0 : i32
    %dma_wait3A_353 = arith.constant 0 : i32
    %dma_wait3A_354 = tpu.memref_slice %arg6[%dma_wait3A_351, %dma_wait3A_352, %dma_wait3A_353] : memref<4x128x128xf32, #tpu.memory_space<vmem>> -> memref<1x128x128xf32, #tpu.memory_space<vmem>>
    %dma_wait3A_355 = tpu.memref_squeeze %dma_wait3A_354 : memref<1x128x128xf32, #tpu.memory_space<vmem>> -> memref<128x128xf32, #tpu.memory_space<vmem>>
    %dma_wait3A_356 = arith.constant 0 : i32
    %dma_wait3A_357 = tpu.memref_slice %arg4[%mul3A_350, %dma_wait3A_356] : memref<196608x128xf32, #tpu.memory_space<hbm>> -> memref<128x128xf32, #tpu.memory_space<hbm>>
    %dma_wait3A_358 = arith.constant 0 : i32
    %dma_wait3A_359 = tpu.memref_slice %arg4[%mul3A_350, %dma_wait3A_358] : memref<196608x128xf32, #tpu.memory_space<hbm>> -> memref<128x128xf32, #tpu.memory_space<hbm>>
    %dma_wait3A_360 = arith.constant 0 : i32
    %dma_wait3A_361 = arith.constant 0 : i32
    %dma_wait3A_362 = tpu.memref_slice %arg6[%dma_wait3A_351, %dma_wait3A_360, %dma_wait3A_361] : memref<4x128x128xf32, #tpu.memory_space<vmem>> -> memref<1x128x128xf32, #tpu.memory_space<vmem>>
    %dma_wait3A_363 = tpu.memref_squeeze %dma_wait3A_362 : memref<1x128x128xf32, #tpu.memory_space<vmem>> -> memref<128x128xf32, #tpu.memory_space<vmem>>
    tpu.wait_dma2 semaphore(%arg14 : memref<!tpu.dma_semaphore, #tpu.memory_space<semaphore_mem>>) src(%dma_wait3A_363 : memref<128x128xf32, #tpu.memory_space<vmem>>) dst(%dma_wait3A_359 : memref<128x128xf32, #tpu.memory_space<hbm>>)
    %add3A_364 = arith.constant 1024 : i32
    %add3A_365 = arith.addi %add3A_364, %add3A_269 : i32
    %add3A_366 = arith.constant 3 : i32
    %add3A_367 = arith.addi %add3A_365, %add3A_366 : i32
    %mul3A_368 = arith.constant 128 : i32
    %mul3A_369 = arith.muli %add3A_367, %mul3A_368 : i32
    %dma_wait3A_370 = arith.constant 3 : i32
    %dma_wait3A_371 = arith.constant 0 : i32
    %dma_wait3A_372 = arith.constant 0 : i32
    %dma_wait3A_373 = tpu.memref_slice %arg6[%dma_wait3A_370, %dma_wait3A_371, %dma_wait3A_372] : memref<4x128x128xf32, #tpu.memory_space<vmem>> -> memref<1x128x128xf32, #tpu.memory_space<vmem>>
    %dma_wait3A_374 = tpu.memref_squeeze %dma_wait3A_373 : memref<1x128x128xf32, #tpu.memory_space<vmem>> -> memref<128x128xf32, #tpu.memory_space<vmem>>
    %dma_wait3A_375 = arith.constant 0 : i32
    %dma_wait3A_376 = tpu.memref_slice %arg4[%mul3A_369, %dma_wait3A_375] : memref<196608x128xf32, #tpu.memory_space<hbm>> -> memref<128x128xf32, #tpu.memory_space<hbm>>
    %dma_wait3A_377 = arith.constant 0 : i32
    %dma_wait3A_378 = tpu.memref_slice %arg4[%mul3A_369, %dma_wait3A_377] : memref<196608x128xf32, #tpu.memory_space<hbm>> -> memref<128x128xf32, #tpu.memory_space<hbm>>
    %dma_wait3A_379 = arith.constant 0 : i32
    %dma_wait3A_380 = arith.constant 0 : i32
    %dma_wait3A_381 = tpu.memref_slice %arg6[%dma_wait3A_370, %dma_wait3A_379, %dma_wait3A_380] : memref<4x128x128xf32, #tpu.memory_space<vmem>> -> memref<1x128x128xf32, #tpu.memory_space<vmem>>
    %dma_wait3A_382 = tpu.memref_squeeze %dma_wait3A_381 : memref<1x128x128xf32, #tpu.memory_space<vmem>> -> memref<128x128xf32, #tpu.memory_space<vmem>>
    tpu.wait_dma2 semaphore(%arg15 : memref<!tpu.dma_semaphore, #tpu.memory_space<semaphore_mem>>) src(%dma_wait3A_382 : memref<128x128xf32, #tpu.memory_space<vmem>>) dst(%dma_wait3A_378 : memref<128x128xf32, #tpu.memory_space<hbm>>)
    %barrier3A_383 = arith.constant 0 : index
    tpu.barrier barrier_id(%barrier3A_383)
    %mul3A_384 = arith.constant 8 : i32
    %mul3A_385 = arith.muli %arg0, %mul3A_384 : i32
    %add3A_386 = arith.constant 6 : i32
    %add3A_387 = arith.addi %mul3A_385, %add3A_386 : i32
    %mul3A_388 = arith.constant 2048 : i32
    %mul3A_389 = arith.muli %add3A_387, %mul3A_388 : i32
    %mul3A_390 = arith.constant 256 : i32
    %mul3A_391 = arith.muli %arg1, %mul3A_390 : i32
    %add3A_392 = arith.addi %mul3A_389, %mul3A_391 : i32
    %mul3A_393 = arith.constant 256 : i32
    %mul3A_394 = arith.muli %arg1, %mul3A_393 : i32
    "tpu.region"() ({
      %run_scoped3A = tpu.sem_alloc : memref<!tpu.dma_semaphore, #tpu.memory_space<semaphore_mem>>
      %dma_start3A_517 = arith.constant 0 : i32
      %dma_start3A_518 = tpu.memref_slice %arg7[%mul3A_394, %dma_start3A_517] : memref<4096x128xf32, #tpu.memory_space<vmem_shared>> -> memref<256x128xf32, #tpu.memory_space<vmem_shared>>
      %dma_start3A_519 = arith.constant 0 : i32
      %dma_start3A_520 = tpu.memref_slice %arg3[%add3A_392, %dma_start3A_519] : memref<32768x128xf32, #tpu.memory_space<hbm>> -> memref<256x128xf32, #tpu.memory_space<hbm>>
      tpu.enqueue_dma source(%dma_start3A_520 : memref<256x128xf32, #tpu.memory_space<hbm>>) target(%dma_start3A_518 : memref<256x128xf32, #tpu.memory_space<vmem_shared>>) target_semaphore(%run_scoped3A : memref<!tpu.dma_semaphore, #tpu.memory_space<semaphore_mem>>)
      %dma_wait3A_521 = arith.constant 0 : i32
      %dma_wait3A_522 = tpu.memref_slice %arg7[%mul3A_394, %dma_wait3A_521] : memref<4096x128xf32, #tpu.memory_space<vmem_shared>> -> memref<256x128xf32, #tpu.memory_space<vmem_shared>>
      %dma_wait3A_523 = arith.constant 0 : i32
      %dma_wait3A_524 = tpu.memref_slice %arg3[%add3A_392, %dma_wait3A_523] : memref<32768x128xf32, #tpu.memory_space<hbm>> -> memref<256x128xf32, #tpu.memory_space<hbm>>
      tpu.wait_dma2 semaphore(%run_scoped3A : memref<!tpu.dma_semaphore, #tpu.memory_space<semaphore_mem>>) src(%dma_wait3A_524 : memref<256x128xf32, #tpu.memory_space<hbm>>) dst(%dma_wait3A_522 : memref<256x128xf32, #tpu.memory_space<vmem_shared>>)
      tpu.yield
    }) : () -> ()
    %barrier3A_395 = arith.constant 0 : index
    tpu.barrier barrier_id(%barrier3A_395)
    %mul3A_396 = arith.constant 256 : i32
    %mul3A_397 = arith.muli %arg0, %mul3A_396 : i32
    %add3A_398 = arith.constant 192 : i32
    %add3A_399 = arith.addi %mul3A_397, %add3A_398 : i32
    %mul3A_400 = arith.constant 4 : i32
    %mul3A_401 = arith.muli %arg1, %mul3A_400 : i32
    %add3A_402 = arith.addi %add3A_399, %mul3A_401 : i32
    %add3A_403 = arith.constant 0 : i32
    %add3A_404 = arith.addi %add3A_403, %add3A_402 : i32
    %mul3A_405 = arith.constant 128 : i32
    %mul3A_406 = arith.muli %add3A_404, %mul3A_405 : i32
    "tpu.region"() ({
      %run_scoped3A = tpu.sem_alloc : memref<!tpu.dma_semaphore, #tpu.memory_space<semaphore_mem>>
      %dma_start3A_517 = arith.constant 0 : i32
      %dma_start3A_518 = tpu.memref_slice %arg5[%dma_start3A_517] : memref<1536xi32, #tpu.memory_space<vmem>> -> memref<512xi32, #tpu.memory_space<vmem>>
      %dma_start3A_519 = tpu.memref_slice %arg2[%mul3A_406] : memref<196608xi32, #tpu.memory_space<hbm>> -> memref<512xi32, #tpu.memory_space<hbm>>
      %dma_start3A_520 = arith.constant 0 : i32
      %dma_start3A_521 = tpu.memref_slice %arg5[%dma_start3A_520] : memref<1536xi32, #tpu.memory_space<vmem>> -> memref<512xi32, #tpu.memory_space<vmem>>
      %dma_start3A_522 = tpu.memref_slice %arg2[%mul3A_406] : memref<196608xi32, #tpu.memory_space<hbm>> -> memref<512xi32, #tpu.memory_space<hbm>>
      tpu.enqueue_dma source(%dma_start3A_522 : memref<512xi32, #tpu.memory_space<hbm>>) target(%dma_start3A_521 : memref<512xi32, #tpu.memory_space<vmem>>) target_semaphore(%run_scoped3A : memref<!tpu.dma_semaphore, #tpu.memory_space<semaphore_mem>>)
      %dma_wait3A_523 = arith.constant 0 : i32
      %dma_wait3A_524 = tpu.memref_slice %arg5[%dma_wait3A_523] : memref<1536xi32, #tpu.memory_space<vmem>> -> memref<512xi32, #tpu.memory_space<vmem>>
      %dma_wait3A_525 = tpu.memref_slice %arg2[%mul3A_406] : memref<196608xi32, #tpu.memory_space<hbm>> -> memref<512xi32, #tpu.memory_space<hbm>>
      %dma_wait3A_526 = arith.constant 0 : i32
      %dma_wait3A_527 = tpu.memref_slice %arg5[%dma_wait3A_526] : memref<1536xi32, #tpu.memory_space<vmem>> -> memref<512xi32, #tpu.memory_space<vmem>>
      %dma_wait3A_528 = tpu.memref_slice %arg2[%mul3A_406] : memref<196608xi32, #tpu.memory_space<hbm>> -> memref<512xi32, #tpu.memory_space<hbm>>
      tpu.wait_dma2 semaphore(%run_scoped3A : memref<!tpu.dma_semaphore, #tpu.memory_space<semaphore_mem>>) src(%dma_wait3A_528 : memref<512xi32, #tpu.memory_space<hbm>>) dst(%dma_wait3A_527 : memref<512xi32, #tpu.memory_space<vmem>>)
      tpu.yield
    }) : () -> ()
    %add3A_407 = arith.constant 512 : i32
    %add3A_408 = arith.addi %add3A_407, %add3A_402 : i32
    %mul3A_409 = arith.constant 128 : i32
    %mul3A_410 = arith.muli %add3A_408, %mul3A_409 : i32
    "tpu.region"() ({
      %run_scoped3A = tpu.sem_alloc : memref<!tpu.dma_semaphore, #tpu.memory_space<semaphore_mem>>
      %dma_start3A_517 = arith.constant 512 : i32
      %dma_start3A_518 = tpu.memref_slice %arg5[%dma_start3A_517] : memref<1536xi32, #tpu.memory_space<vmem>> -> memref<512xi32, #tpu.memory_space<vmem>>
      %dma_start3A_519 = tpu.memref_slice %arg2[%mul3A_410] : memref<196608xi32, #tpu.memory_space<hbm>> -> memref<512xi32, #tpu.memory_space<hbm>>
      %dma_start3A_520 = arith.constant 512 : i32
      %dma_start3A_521 = tpu.memref_slice %arg5[%dma_start3A_520] : memref<1536xi32, #tpu.memory_space<vmem>> -> memref<512xi32, #tpu.memory_space<vmem>>
      %dma_start3A_522 = tpu.memref_slice %arg2[%mul3A_410] : memref<196608xi32, #tpu.memory_space<hbm>> -> memref<512xi32, #tpu.memory_space<hbm>>
      tpu.enqueue_dma source(%dma_start3A_522 : memref<512xi32, #tpu.memory_space<hbm>>) target(%dma_start3A_521 : memref<512xi32, #tpu.memory_space<vmem>>) target_semaphore(%run_scoped3A : memref<!tpu.dma_semaphore, #tpu.memory_space<semaphore_mem>>)
      %dma_wait3A_523 = arith.constant 512 : i32
      %dma_wait3A_524 = tpu.memref_slice %arg5[%dma_wait3A_523] : memref<1536xi32, #tpu.memory_space<vmem>> -> memref<512xi32, #tpu.memory_space<vmem>>
      %dma_wait3A_525 = tpu.memref_slice %arg2[%mul3A_410] : memref<196608xi32, #tpu.memory_space<hbm>> -> memref<512xi32, #tpu.memory_space<hbm>>
      %dma_wait3A_526 = arith.constant 512 : i32
      %dma_wait3A_527 = tpu.memref_slice %arg5[%dma_wait3A_526] : memref<1536xi32, #tpu.memory_space<vmem>> -> memref<512xi32, #tpu.memory_space<vmem>>
      %dma_wait3A_528 = tpu.memref_slice %arg2[%mul3A_410] : memref<196608xi32, #tpu.memory_space<hbm>> -> memref<512xi32, #tpu.memory_space<hbm>>
      tpu.wait_dma2 semaphore(%run_scoped3A : memref<!tpu.dma_semaphore, #tpu.memory_space<semaphore_mem>>) src(%dma_wait3A_528 : memref<512xi32, #tpu.memory_space<hbm>>) dst(%dma_wait3A_527 : memref<512xi32, #tpu.memory_space<vmem>>)
      tpu.yield
    }) : () -> ()
    %add3A_411 = arith.constant 1024 : i32
    %add3A_412 = arith.addi %add3A_411, %add3A_402 : i32
    %mul3A_413 = arith.constant 128 : i32
    %mul3A_414 = arith.muli %add3A_412, %mul3A_413 : i32
    "tpu.region"() ({
      %run_scoped3A = tpu.sem_alloc : memref<!tpu.dma_semaphore, #tpu.memory_space<semaphore_mem>>
      %dma_start3A_517 = arith.constant 1024 : i32
      %dma_start3A_518 = tpu.memref_slice %arg5[%dma_start3A_517] : memref<1536xi32, #tpu.memory_space<vmem>> -> memref<512xi32, #tpu.memory_space<vmem>>
      %dma_start3A_519 = tpu.memref_slice %arg2[%mul3A_414] : memref<196608xi32, #tpu.memory_space<hbm>> -> memref<512xi32, #tpu.memory_space<hbm>>
      %dma_start3A_520 = arith.constant 1024 : i32
      %dma_start3A_521 = tpu.memref_slice %arg5[%dma_start3A_520] : memref<1536xi32, #tpu.memory_space<vmem>> -> memref<512xi32, #tpu.memory_space<vmem>>
      %dma_start3A_522 = tpu.memref_slice %arg2[%mul3A_414] : memref<196608xi32, #tpu.memory_space<hbm>> -> memref<512xi32, #tpu.memory_space<hbm>>
      tpu.enqueue_dma source(%dma_start3A_522 : memref<512xi32, #tpu.memory_space<hbm>>) target(%dma_start3A_521 : memref<512xi32, #tpu.memory_space<vmem>>) target_semaphore(%run_scoped3A : memref<!tpu.dma_semaphore, #tpu.memory_space<semaphore_mem>>)
      %dma_wait3A_523 = arith.constant 1024 : i32
      %dma_wait3A_524 = tpu.memref_slice %arg5[%dma_wait3A_523] : memref<1536xi32, #tpu.memory_space<vmem>> -> memref<512xi32, #tpu.memory_space<vmem>>
      %dma_wait3A_525 = tpu.memref_slice %arg2[%mul3A_414] : memref<196608xi32, #tpu.memory_space<hbm>> -> memref<512xi32, #tpu.memory_space<hbm>>
      %dma_wait3A_526 = arith.constant 1024 : i32
      %dma_wait3A_527 = tpu.memref_slice %arg5[%dma_wait3A_526] : memref<1536xi32, #tpu.memory_space<vmem>> -> memref<512xi32, #tpu.memory_space<vmem>>
      %dma_wait3A_528 = tpu.memref_slice %arg2[%mul3A_414] : memref<196608xi32, #tpu.memory_space<hbm>> -> memref<512xi32, #tpu.memory_space<hbm>>
      tpu.wait_dma2 semaphore(%run_scoped3A : memref<!tpu.dma_semaphore, #tpu.memory_space<semaphore_mem>>) src(%dma_wait3A_528 : memref<512xi32, #tpu.memory_space<hbm>>) dst(%dma_wait3A_527 : memref<512xi32, #tpu.memory_space<vmem>>)
      tpu.yield
    }) : () -> ()
    %jit3A_415 = arith.constant 8 : i32
    %div3A_416 = arith.divsi %arg1, %jit3A_415 : i32
    %sign3A_417 = arith.constant 0 : i32
    %sign3A_418 = arith.cmpi sgt, %arg1, %sign3A_417 : i32
    %sign3A_419 = arith.extui %sign3A_418 : i1 to i32
    %sign3A_420 = arith.constant 0 : i32
    %sign3A_421 = arith.cmpi slt, %arg1, %sign3A_420 : i32
    %sign3A_422 = arith.extui %sign3A_421 : i1 to i32
    %sign3A_423 = arith.subi %sign3A_419, %sign3A_422 : i32
    %sign3A_424 = arith.constant 0 : i32
    %sign3A_425 = arith.cmpi sgt, %jit3A_415, %sign3A_424 : i32
    %sign3A_426 = arith.extui %sign3A_425 : i1 to i32
    %sign3A_427 = arith.constant 0 : i32
    %sign3A_428 = arith.cmpi slt, %jit3A_415, %sign3A_427 : i32
    %sign3A_429 = arith.extui %sign3A_428 : i1 to i32
    %sign3A_430 = arith.subi %sign3A_426, %sign3A_429 : i32
    %ne3A_431 = arith.cmpi ne, %sign3A_423, %sign3A_430 : i32
    %rem3A_432 = arith.remsi %arg1, %jit3A_415 : i32
    %ne3A_433 = arith.constant 0 : i32
    %ne3A_434 = arith.cmpi ne, %rem3A_432, %ne3A_433 : i32
    %and3A_435 = arith.andi %ne3A_431, %ne3A_434 : i1
    %sub3A_436 = arith.constant 1 : i32
    %sub3A_437 = arith.subi %div3A_416, %sub3A_436 : i32
    %select_n3A_438 = arith.select %and3A_435, %sub3A_437, %div3A_416 : i32
    %mul3A_439 = arith.constant 2048 : i32
    %mul3A_440 = arith.muli %select_n3A_438, %mul3A_439 : i32
    %broadcast_in_dim3A_441 = vector.broadcast %mul3A_440 : i32 to vector<16xi32>
    %scan3A_442 = arith.constant 0 : i32
    %scan3A_443 = arith.constant 0 : i32
    %scan3A_444 = arith.constant 96 : i32
    %scan3A_445 = arith.addi %scan3A_443, %scan3A_444 : i32
    %scan3A_446 = arith.constant 1 : i32
    scf.for %scan3A_517 = %scan3A_443 to %scan3A_445 step %scan3A_446  : i32 {
      %mul3A_518 = arith.constant 16 : i32
      %mul3A_519 = arith.muli %scan3A_517, %mul3A_518 : i32
      %get3A = arith.index_cast %mul3A_519 : i32 to index
      %get3A_520 = tpu.vector_load %arg5[%get3A] {strides = array<i32>} : memref<1536xi32, #tpu.memory_space<vmem>>, vector<16xi32>,
      %get3A_521 = vector.shape_cast %get3A_520 : vector<16xi32> to vector<16xi32>
      %add3A_522 = arith.addi %get3A_521, %broadcast_in_dim3A_441 : vector<16xi32>
      %mul3A_523 = arith.constant 16 : i32
      %mul3A_524 = arith.muli %scan3A_517, %mul3A_523 : i32
      %swap3A = arith.index_cast %mul3A_524 : i32 to index
      %swap3A_525 = tpu.vector_load %arg5[%swap3A] {strides = array<i32>} : memref<1536xi32, #tpu.memory_space<vmem>>, vector<16xi32>,
      %swap3A_526 = vector.shape_cast %swap3A_525 : vector<16xi32> to vector<16xi32>
      %swap3A_527 = vector.shape_cast %add3A_522 : vector<16xi32> to vector<16xi32>
      tpu.vector_store %arg5[%swap3A], %swap3A_527 {strides = array<i32>} : memref<1536xi32, #tpu.memory_space<vmem>>, vector<16xi32>,
    }
    %scan3A_447 = arith.constant 96 : i32
    %dma_start3A_448 = arith.constant 0 : i32
    %dma_start3A_449 = arith.constant 0 : i32
    %dma_start3A_450 = arith.constant 0 : i32
    %dma_start3A_451 = tpu.memref_slice %arg6[%dma_start3A_448, %dma_start3A_449, %dma_start3A_450] : memref<4x128x128xf32, #tpu.memory_space<vmem>> -> memref<1x128x128xf32, #tpu.memory_space<vmem>>
    %dma_start3A_452 = tpu.memref_squeeze %dma_start3A_451 : memref<1x128x128xf32, #tpu.memory_space<vmem>> -> memref<128x128xf32, #tpu.memory_space<vmem>>
    %dma_start3A_453 = arith.constant 0 : i32
    %dma_start3A_454 = tpu.memref_slice %arg5[%dma_start3A_453] : memref<1536xi32, #tpu.memory_space<vmem>> -> memref<128xi32, #tpu.memory_space<vmem>>
    %dma_start3A_455 = arith.constant 0 : i32
    %dma_start3A_456 = arith.constant 0 : i32
    %dma_start3A_457 = tpu.memref_slice %arg7[%dma_start3A_455, %dma_start3A_456] : memref<4096x128xf32, #tpu.memory_space<vmem_shared>> -> memref<4096x128xf32, #tpu.memory_space<vmem_shared>>
    tpu.enqueue_indirect_dma source(%dma_start3A_457 : memref<4096x128xf32, #tpu.memory_space<vmem_shared>>) target(%dma_start3A_452 : memref<128x128xf32, #tpu.memory_space<vmem>>) offsets(%dma_start3A_454 : memref<128xi32, #tpu.memory_space<vmem>>) semaphore(%arg8 : memref<!tpu.dma_semaphore, #tpu.memory_space<semaphore_mem>>)
    %dma_start3A_458 = arith.constant 1 : i32
    %dma_start3A_459 = arith.constant 0 : i32
    %dma_start3A_460 = arith.constant 0 : i32
    %dma_start3A_461 = tpu.memref_slice %arg6[%dma_start3A_458, %dma_start3A_459, %dma_start3A_460] : memref<4x128x128xf32, #tpu.memory_space<vmem>> -> memref<1x128x128xf32, #tpu.memory_space<vmem>>
    %dma_start3A_462 = tpu.memref_squeeze %dma_start3A_461 : memref<1x128x128xf32, #tpu.memory_space<vmem>> -> memref<128x128xf32, #tpu.memory_space<vmem>>
    %dma_start3A_463 = arith.constant 128 : i32
    %dma_start3A_464 = tpu.memref_slice %arg5[%dma_start3A_463] : memref<1536xi32, #tpu.memory_space<vmem>> -> memref<128xi32, #tpu.memory_space<vmem>>
    %dma_start3A_465 = arith.constant 0 : i32
    %dma_start3A_466 = arith.constant 0 : i32
    %dma_start3A_467 = tpu.memref_slice %arg7[%dma_start3A_465, %dma_start3A_466] : memref<4096x128xf32, #tpu.memory_space<vmem_shared>> -> memref<4096x128xf32, #tpu.memory_space<vmem_shared>>
    tpu.enqueue_indirect_dma source(%dma_start3A_467 : memref<4096x128xf32, #tpu.memory_space<vmem_shared>>) target(%dma_start3A_462 : memref<128x128xf32, #tpu.memory_space<vmem>>) offsets(%dma_start3A_464 : memref<128xi32, #tpu.memory_space<vmem>>) semaphore(%arg9 : memref<!tpu.dma_semaphore, #tpu.memory_space<semaphore_mem>>)
    %scan3A_468 = arith.constant 0 : i32
    %scan3A_469 = arith.constant 0 : i32
    %scan3A_470 = arith.constant 2 : i32
    %scan3A_471 = arith.constant 1 : i32
    %scan3A_472 = arith.constant 3 : i32
    %scan3A_473 = arith.constant 0 : i32
    %scan3A_474 = arith.constant 3 : i32
    %scan3A_475 = arith.addi %scan3A_473, %scan3A_474 : i32
    %scan3A_476 = arith.constant 1 : i32
    scf.for %scan3A_517 = %scan3A_473 to %scan3A_475 step %scan3A_476  : i32 {
      %mul3A_518 = arith.constant 4 : i32
      %mul3A_519 = arith.muli %mul3A_518, %scan3A_517 : i32
      %add3A_520 = arith.constant 0 : i32
      %add3A_521 = arith.addi %mul3A_519, %add3A_520 : i32
      %mul3A_522 = arith.constant 128 : i32
      %mul3A_523 = arith.muli %add3A_521, %mul3A_522 : i32
      %dma_wait3A_524 = arith.constant 0 : i32
      %dma_wait3A_525 = arith.constant 0 : i32
      %dma_wait3A_526 = tpu.memref_slice %arg6[%scan3A_469, %dma_wait3A_524, %dma_wait3A_525] : memref<4x128x128xf32, #tpu.memory_space<vmem>> -> memref<1x128x128xf32, #tpu.memory_space<vmem>>
      %dma_wait3A_527 = tpu.memref_squeeze %dma_wait3A_526 : memref<1x128x128xf32, #tpu.memory_space<vmem>> -> memref<128x128xf32, #tpu.memory_space<vmem>>
      %dma_wait3A_528 = tpu.memref_slice %arg5[%mul3A_523] : memref<1536xi32, #tpu.memory_space<vmem>> -> memref<128xi32, #tpu.memory_space<vmem>>
      %dma_wait3A_529 = arith.constant 0 : i32
      %dma_wait3A_530 = arith.constant 0 : i32
      %dma_wait3A_531 = tpu.memref_slice %arg7[%dma_wait3A_529, %dma_wait3A_530] : memref<4096x128xf32, #tpu.memory_space<vmem_shared>> -> memref<4096x128xf32, #tpu.memory_space<vmem_shared>>
      tpu.wait_indirect_dma semaphore(%arg8 : memref<!tpu.dma_semaphore, #tpu.memory_space<semaphore_mem>>) src(%dma_wait3A_531 : memref<4096x128xf32, #tpu.memory_space<vmem_shared>>) dst(%dma_wait3A_527 : memref<128x128xf32, #tpu.memory_space<vmem>>)
      %jit3A_532 = arith.constant 4 : i32
      %div3A_533 = arith.divsi %add3A_521, %jit3A_532 : i32
      %sign3A_534 = arith.constant 0 : i32
      %sign3A_535 = arith.cmpi sgt, %add3A_521, %sign3A_534 : i32
      %sign3A_536 = arith.extui %sign3A_535 : i1 to i32
      %sign3A_537 = arith.constant 0 : i32
      %sign3A_538 = arith.cmpi slt, %add3A_521, %sign3A_537 : i32
      %sign3A_539 = arith.extui %sign3A_538 : i1 to i32
      %sign3A_540 = arith.subi %sign3A_536, %sign3A_539 : i32
      %sign3A_541 = arith.constant 0 : i32
      %sign3A_542 = arith.cmpi sgt, %jit3A_532, %sign3A_541 : i32
      %sign3A_543 = arith.extui %sign3A_542 : i1 to i32
      %sign3A_544 = arith.constant 0 : i32
      %sign3A_545 = arith.cmpi slt, %jit3A_532, %sign3A_544 : i32
      %sign3A_546 = arith.extui %sign3A_545 : i1 to i32
      %sign3A_547 = arith.subi %sign3A_543, %sign3A_546 : i32
      %ne3A_548 = arith.cmpi ne, %sign3A_540, %sign3A_547 : i32
      %rem3A_549 = arith.remsi %add3A_521, %jit3A_532 : i32
      %ne3A_550 = arith.constant 0 : i32
      %ne3A_551 = arith.cmpi ne, %rem3A_549, %ne3A_550 : i32
      %and3A_552 = arith.andi %ne3A_548, %ne3A_551 : i1
      %sub3A_553 = arith.constant 1 : i32
      %sub3A_554 = arith.subi %div3A_533, %sub3A_553 : i32
      %select_n3A_555 = arith.select %and3A_552, %sub3A_554, %div3A_533 : i32
      %mul3A_556 = arith.constant 512 : i32
      %mul3A_557 = arith.muli %select_n3A_555, %mul3A_556 : i32
      %add3A_558 = arith.addi %mul3A_557, %add3A_402 : i32
      %jit3A_559 = arith.constant 4 : i32
      %eq3A = arith.constant 0 : i32
      %eq3A_560 = arith.cmpi eq, %jit3A_559, %eq3A : i32
      %jit3A_561 = arith.constant 1 : i32
      %select_n3A_562 = arith.select %eq3A_560, %jit3A_561, %jit3A_559 : i32
      %rem3A_563 = arith.remsi %add3A_521, %select_n3A_562 : i32
      %ne3A_564 = arith.constant 0 : i32
      %ne3A_565 = arith.cmpi ne, %rem3A_563, %ne3A_564 : i32
      %lt3A = arith.constant 0 : i32
      %lt3A_566 = arith.cmpi slt, %rem3A_563, %lt3A : i32
      %lt3A_567 = arith.constant 0 : i32
      %lt3A_568 = arith.cmpi slt, %select_n3A_562, %lt3A_567 : i32
      %ne3A_569 = arith.xori %lt3A_566, %lt3A_568 : i1
      %and3A_570 = arith.andi %ne3A_569, %ne3A_565 : i1
      %add3A_571 = arith.addi %rem3A_563, %select_n3A_562 : i32
      %select_n3A_572 = arith.select %and3A_570, %add3A_571, %rem3A_563 : i32
      %add3A_573 = arith.addi %add3A_558, %select_n3A_572 : i32
      %mul3A_574 = arith.constant 128 : i32
      %mul3A_575 = arith.muli %add3A_573, %mul3A_574 : i32
      %dma_start3A_576 = arith.constant 0 : i32
      %dma_start3A_577 = arith.constant 0 : i32
      %dma_start3A_578 = tpu.memref_slice %arg6[%scan3A_469, %dma_start3A_576, %dma_start3A_577] : memref<4x128x128xf32, #tpu.memory_space<vmem>> -> memref<1x128x128xf32, #tpu.memory_space<vmem>>
      %dma_start3A_579 = tpu.memref_squeeze %dma_start3A_578 : memref<1x128x128xf32, #tpu.memory_space<vmem>> -> memref<128x128xf32, #tpu.memory_space<vmem>>
      %dma_start3A_580 = arith.constant 0 : i32
      %dma_start3A_581 = tpu.memref_slice %arg4[%mul3A_575, %dma_start3A_580] : memref<196608x128xf32, #tpu.memory_space<hbm>> -> memref<128x128xf32, #tpu.memory_space<hbm>>
      %dma_start3A_582 = arith.constant 0 : i32
      %dma_start3A_583 = tpu.memref_slice %arg4[%mul3A_575, %dma_start3A_582] : memref<196608x128xf32, #tpu.memory_space<hbm>> -> memref<128x128xf32, #tpu.memory_space<hbm>>
      %dma_start3A_584 = arith.constant 0 : i32
      %dma_start3A_585 = arith.constant 0 : i32
      %dma_start3A_586 = tpu.memref_slice %arg6[%scan3A_469, %dma_start3A_584, %dma_start3A_585] : memref<4x128x128xf32, #tpu.memory_space<vmem>> -> memref<1x128x128xf32, #tpu.memory_space<vmem>>
      %dma_start3A_587 = tpu.memref_squeeze %dma_start3A_586 : memref<1x128x128xf32, #tpu.memory_space<vmem>> -> memref<128x128xf32, #tpu.memory_space<vmem>>
      tpu.enqueue_dma source(%dma_start3A_587 : memref<128x128xf32, #tpu.memory_space<vmem>>) target(%dma_start3A_583 : memref<128x128xf32, #tpu.memory_space<hbm>>) target_semaphore(%arg12 : memref<!tpu.dma_semaphore, #tpu.memory_space<semaphore_mem>>)
      %ge3A = arith.constant 2 : i32
      %ge3A_588 = arith.cmpi sge, %add3A_521, %ge3A : i32
      %convert_element_type3A = arith.extui %ge3A_588 : i1 to i32
      %cond3A = arith.constant 0 : i32
      %cond3A_589 = arith.cmpi ne, %convert_element_type3A, %cond3A : i32
      scf.if %cond3A_589 {
        %sub3A_849 = arith.constant 2 : i32
        %sub3A_850 = arith.subi %add3A_521, %sub3A_849 : i32
        %jit3A_851 = arith.constant 4 : i32
        %div3A_852 = arith.divsi %sub3A_850, %jit3A_851 : i32
        %sign3A_853 = arith.constant 0 : i32
        %sign3A_854 = arith.cmpi sgt, %sub3A_850, %sign3A_853 : i32
        %sign3A_855 = arith.extui %sign3A_854 : i1 to i32
        %sign3A_856 = arith.constant 0 : i32
        %sign3A_857 = arith.cmpi slt, %sub3A_850, %sign3A_856 : i32
        %sign3A_858 = arith.extui %sign3A_857 : i1 to i32
        %sign3A_859 = arith.subi %sign3A_855, %sign3A_858 : i32
        %sign3A_860 = arith.constant 0 : i32
        %sign3A_861 = arith.cmpi sgt, %jit3A_851, %sign3A_860 : i32
        %sign3A_862 = arith.extui %sign3A_861 : i1 to i32
        %sign3A_863 = arith.constant 0 : i32
        %sign3A_864 = arith.cmpi slt, %jit3A_851, %sign3A_863 : i32
        %sign3A_865 = arith.extui %sign3A_864 : i1 to i32
        %sign3A_866 = arith.subi %sign3A_862, %sign3A_865 : i32
        %ne3A_867 = arith.cmpi ne, %sign3A_859, %sign3A_866 : i32
        %rem3A_868 = arith.remsi %sub3A_850, %jit3A_851 : i32
        %ne3A_869 = arith.constant 0 : i32
        %ne3A_870 = arith.cmpi ne, %rem3A_868, %ne3A_869 : i32
        %and3A_871 = arith.andi %ne3A_867, %ne3A_870 : i1
        %sub3A_872 = arith.constant 1 : i32
        %sub3A_873 = arith.subi %div3A_852, %sub3A_872 : i32
        %select_n3A_874 = arith.select %and3A_871, %sub3A_873, %div3A_852 : i32
        %mul3A_875 = arith.constant 512 : i32
        %mul3A_876 = arith.muli %select_n3A_874, %mul3A_875 : i32
        %add3A_877 = arith.addi %mul3A_876, %add3A_402 : i32
        %jit3A_878 = arith.constant 4 : i32
        %eq3A_879 = arith.constant 0 : i32
        %eq3A_880 = arith.cmpi eq, %jit3A_878, %eq3A_879 : i32
        %jit3A_881 = arith.constant 1 : i32
        %select_n3A_882 = arith.select %eq3A_880, %jit3A_881, %jit3A_878 : i32
        %rem3A_883 = arith.remsi %sub3A_850, %select_n3A_882 : i32
        %ne3A_884 = arith.constant 0 : i32
        %ne3A_885 = arith.cmpi ne, %rem3A_883, %ne3A_884 : i32
        %lt3A_886 = arith.constant 0 : i32
        %lt3A_887 = arith.cmpi slt, %rem3A_883, %lt3A_886 : i32
        %lt3A_888 = arith.constant 0 : i32
        %lt3A_889 = arith.cmpi slt, %select_n3A_882, %lt3A_888 : i32
        %ne3A_890 = arith.xori %lt3A_887, %lt3A_889 : i1
        %and3A_891 = arith.andi %ne3A_890, %ne3A_885 : i1
        %add3A_892 = arith.addi %rem3A_883, %select_n3A_882 : i32
        %select_n3A_893 = arith.select %and3A_891, %add3A_892, %rem3A_883 : i32
        %add3A_894 = arith.addi %add3A_877, %select_n3A_893 : i32
        %mul3A_895 = arith.constant 128 : i32
        %mul3A_896 = arith.muli %add3A_894, %mul3A_895 : i32
        %dma_wait3A_897 = arith.constant 0 : i32
        %dma_wait3A_898 = arith.constant 0 : i32
        %dma_wait3A_899 = tpu.memref_slice %arg6[%scan3A_470, %dma_wait3A_897, %dma_wait3A_898] : memref<4x128x128xf32, #tpu.memory_space<vmem>> -> memref<1x128x128xf32, #tpu.memory_space<vmem>>
        %dma_wait3A_900 = tpu.memref_squeeze %dma_wait3A_899 : memref<1x128x128xf32, #tpu.memory_space<vmem>> -> memref<128x128xf32, #tpu.memory_space<vmem>>
        %dma_wait3A_901 = arith.constant 0 : i32
        %dma_wait3A_902 = tpu.memref_slice %arg4[%mul3A_896, %dma_wait3A_901] : memref<196608x128xf32, #tpu.memory_space<hbm>> -> memref<128x128xf32, #tpu.memory_space<hbm>>
        %dma_wait3A_903 = arith.constant 0 : i32
        %dma_wait3A_904 = tpu.memref_slice %arg4[%mul3A_896, %dma_wait3A_903] : memref<196608x128xf32, #tpu.memory_space<hbm>> -> memref<128x128xf32, #tpu.memory_space<hbm>>
        %dma_wait3A_905 = arith.constant 0 : i32
        %dma_wait3A_906 = arith.constant 0 : i32
        %dma_wait3A_907 = tpu.memref_slice %arg6[%scan3A_470, %dma_wait3A_905, %dma_wait3A_906] : memref<4x128x128xf32, #tpu.memory_space<vmem>> -> memref<1x128x128xf32, #tpu.memory_space<vmem>>
        %dma_wait3A_908 = tpu.memref_squeeze %dma_wait3A_907 : memref<1x128x128xf32, #tpu.memory_space<vmem>> -> memref<128x128xf32, #tpu.memory_space<vmem>>
        tpu.wait_dma2 semaphore(%arg14 : memref<!tpu.dma_semaphore, #tpu.memory_space<semaphore_mem>>) src(%dma_wait3A_908 : memref<128x128xf32, #tpu.memory_space<vmem>>) dst(%dma_wait3A_904 : memref<128x128xf32, #tpu.memory_space<hbm>>)
      } else {
      }
      %add3A_590 = arith.constant 2 : i32
      %add3A_591 = arith.addi %add3A_521, %add3A_590 : i32
      %lt3A_592 = arith.constant 12 : i32
      %lt3A_593 = arith.cmpi slt, %add3A_591, %lt3A_592 : i32
      %convert_element_type3A_594 = arith.extui %lt3A_593 : i1 to i32
      %cond3A_595 = arith.constant 0 : i32
      %cond3A_596 = arith.cmpi ne, %convert_element_type3A_594, %cond3A_595 : i32
      scf.if %cond3A_596 {
        %add3A_849 = arith.constant 2 : i32
        %add3A_850 = arith.addi %add3A_521, %add3A_849 : i32
        %mul3A_851 = arith.constant 128 : i32
        %mul3A_852 = arith.muli %add3A_850, %mul3A_851 : i32
        %dma_start3A_853 = arith.constant 0 : i32
        %dma_start3A_854 = arith.constant 0 : i32
        %dma_start3A_855 = tpu.memref_slice %arg6[%scan3A_470, %dma_start3A_853, %dma_start3A_854] : memref<4x128x128xf32, #tpu.memory_space<vmem>> -> memref<1x128x128xf32, #tpu.memory_space<vmem>>
        %dma_start3A_856 = tpu.memref_squeeze %dma_start3A_855 : memref<1x128x128xf32, #tpu.memory_space<vmem>> -> memref<128x128xf32, #tpu.memory_space<vmem>>
        %dma_start3A_857 = tpu.memref_slice %arg5[%mul3A_852] : memref<1536xi32, #tpu.memory_space<vmem>> -> memref<128xi32, #tpu.memory_space<vmem>>
        %dma_start3A_858 = arith.constant 0 : i32
        %dma_start3A_859 = arith.constant 0 : i32
        %dma_start3A_860 = tpu.memref_slice %arg7[%dma_start3A_858, %dma_start3A_859] : memref<4096x128xf32, #tpu.memory_space<vmem_shared>> -> memref<4096x128xf32, #tpu.memory_space<vmem_shared>>
        tpu.enqueue_indirect_dma source(%dma_start3A_860 : memref<4096x128xf32, #tpu.memory_space<vmem_shared>>) target(%dma_start3A_856 : memref<128x128xf32, #tpu.memory_space<vmem>>) offsets(%dma_start3A_857 : memref<128xi32, #tpu.memory_space<vmem>>) semaphore(%arg10 : memref<!tpu.dma_semaphore, #tpu.memory_space<semaphore_mem>>)
      } else {
      }
      %mul3A_597 = arith.constant 4 : i32
      %mul3A_598 = arith.muli %mul3A_597, %scan3A_517 : i32
      %add3A_599 = arith.constant 1 : i32
      %add3A_600 = arith.addi %mul3A_598, %add3A_599 : i32
      %mul3A_601 = arith.constant 128 : i32
      %mul3A_602 = arith.muli %add3A_600, %mul3A_601 : i32
      %dma_wait3A_603 = arith.constant 0 : i32
      %dma_wait3A_604 = arith.constant 0 : i32
      %dma_wait3A_605 = tpu.memref_slice %arg6[%scan3A_471, %dma_wait3A_603, %dma_wait3A_604] : memref<4x128x128xf32, #tpu.memory_space<vmem>> -> memref<1x128x128xf32, #tpu.memory_space<vmem>>
      %dma_wait3A_606 = tpu.memref_squeeze %dma_wait3A_605 : memref<1x128x128xf32, #tpu.memory_space<vmem>> -> memref<128x128xf32, #tpu.memory_space<vmem>>
      %dma_wait3A_607 = tpu.memref_slice %arg5[%mul3A_602] : memref<1536xi32, #tpu.memory_space<vmem>> -> memref<128xi32, #tpu.memory_space<vmem>>
      %dma_wait3A_608 = arith.constant 0 : i32
      %dma_wait3A_609 = arith.constant 0 : i32
      %dma_wait3A_610 = tpu.memref_slice %arg7[%dma_wait3A_608, %dma_wait3A_609] : memref<4096x128xf32, #tpu.memory_space<vmem_shared>> -> memref<4096x128xf32, #tpu.memory_space<vmem_shared>>
      tpu.wait_indirect_dma semaphore(%arg9 : memref<!tpu.dma_semaphore, #tpu.memory_space<semaphore_mem>>) src(%dma_wait3A_610 : memref<4096x128xf32, #tpu.memory_space<vmem_shared>>) dst(%dma_wait3A_606 : memref<128x128xf32, #tpu.memory_space<vmem>>)
      %jit3A_611 = arith.constant 4 : i32
      %div3A_612 = arith.divsi %add3A_600, %jit3A_611 : i32
      %sign3A_613 = arith.constant 0 : i32
      %sign3A_614 = arith.cmpi sgt, %add3A_600, %sign3A_613 : i32
      %sign3A_615 = arith.extui %sign3A_614 : i1 to i32
      %sign3A_616 = arith.constant 0 : i32
      %sign3A_617 = arith.cmpi slt, %add3A_600, %sign3A_616 : i32
      %sign3A_618 = arith.extui %sign3A_617 : i1 to i32
      %sign3A_619 = arith.subi %sign3A_615, %sign3A_618 : i32
      %sign3A_620 = arith.constant 0 : i32
      %sign3A_621 = arith.cmpi sgt, %jit3A_611, %sign3A_620 : i32
      %sign3A_622 = arith.extui %sign3A_621 : i1 to i32
      %sign3A_623 = arith.constant 0 : i32
      %sign3A_624 = arith.cmpi slt, %jit3A_611, %sign3A_623 : i32
      %sign3A_625 = arith.extui %sign3A_624 : i1 to i32
      %sign3A_626 = arith.subi %sign3A_622, %sign3A_625 : i32
      %ne3A_627 = arith.cmpi ne, %sign3A_619, %sign3A_626 : i32
      %rem3A_628 = arith.remsi %add3A_600, %jit3A_611 : i32
      %ne3A_629 = arith.constant 0 : i32
      %ne3A_630 = arith.cmpi ne, %rem3A_628, %ne3A_629 : i32
      %and3A_631 = arith.andi %ne3A_627, %ne3A_630 : i1
      %sub3A_632 = arith.constant 1 : i32
      %sub3A_633 = arith.subi %div3A_612, %sub3A_632 : i32
      %select_n3A_634 = arith.select %and3A_631, %sub3A_633, %div3A_612 : i32
      %mul3A_635 = arith.constant 512 : i32
      %mul3A_636 = arith.muli %select_n3A_634, %mul3A_635 : i32
      %add3A_637 = arith.addi %mul3A_636, %add3A_402 : i32
      %jit3A_638 = arith.constant 4 : i32
      %eq3A_639 = arith.constant 0 : i32
      %eq3A_640 = arith.cmpi eq, %jit3A_638, %eq3A_639 : i32
      %jit3A_641 = arith.constant 1 : i32
      %select_n3A_642 = arith.select %eq3A_640, %jit3A_641, %jit3A_638 : i32
      %rem3A_643 = arith.remsi %add3A_600, %select_n3A_642 : i32
      %ne3A_644 = arith.constant 0 : i32
      %ne3A_645 = arith.cmpi ne, %rem3A_643, %ne3A_644 : i32
      %lt3A_646 = arith.constant 0 : i32
      %lt3A_647 = arith.cmpi slt, %rem3A_643, %lt3A_646 : i32
      %lt3A_648 = arith.constant 0 : i32
      %lt3A_649 = arith.cmpi slt, %select_n3A_642, %lt3A_648 : i32
      %ne3A_650 = arith.xori %lt3A_647, %lt3A_649 : i1
      %and3A_651 = arith.andi %ne3A_650, %ne3A_645 : i1
      %add3A_652 = arith.addi %rem3A_643, %select_n3A_642 : i32
      %select_n3A_653 = arith.select %and3A_651, %add3A_652, %rem3A_643 : i32
      %add3A_654 = arith.addi %add3A_637, %select_n3A_653 : i32
      %mul3A_655 = arith.constant 128 : i32
      %mul3A_656 = arith.muli %add3A_654, %mul3A_655 : i32
      %dma_start3A_657 = arith.constant 0 : i32
      %dma_start3A_658 = arith.constant 0 : i32
      %dma_start3A_659 = tpu.memref_slice %arg6[%scan3A_471, %dma_start3A_657, %dma_start3A_658] : memref<4x128x128xf32, #tpu.memory_space<vmem>> -> memref<1x128x128xf32, #tpu.memory_space<vmem>>
      %dma_start3A_660 = tpu.memref_squeeze %dma_start3A_659 : memref<1x128x128xf32, #tpu.memory_space<vmem>> -> memref<128x128xf32, #tpu.memory_space<vmem>>
      %dma_start3A_661 = arith.constant 0 : i32
      %dma_start3A_662 = tpu.memref_slice %arg4[%mul3A_656, %dma_start3A_661] : memref<196608x128xf32, #tpu.memory_space<hbm>> -> memref<128x128xf32, #tpu.memory_space<hbm>>
      %dma_start3A_663 = arith.constant 0 : i32
      %dma_start3A_664 = tpu.memref_slice %arg4[%mul3A_656, %dma_start3A_663] : memref<196608x128xf32, #tpu.memory_space<hbm>> -> memref<128x128xf32, #tpu.memory_space<hbm>>
      %dma_start3A_665 = arith.constant 0 : i32
      %dma_start3A_666 = arith.constant 0 : i32
      %dma_start3A_667 = tpu.memref_slice %arg6[%scan3A_471, %dma_start3A_665, %dma_start3A_666] : memref<4x128x128xf32, #tpu.memory_space<vmem>> -> memref<1x128x128xf32, #tpu.memory_space<vmem>>
      %dma_start3A_668 = tpu.memref_squeeze %dma_start3A_667 : memref<1x128x128xf32, #tpu.memory_space<vmem>> -> memref<128x128xf32, #tpu.memory_space<vmem>>
      tpu.enqueue_dma source(%dma_start3A_668 : memref<128x128xf32, #tpu.memory_space<vmem>>) target(%dma_start3A_664 : memref<128x128xf32, #tpu.memory_space<hbm>>) target_semaphore(%arg13 : memref<!tpu.dma_semaphore, #tpu.memory_space<semaphore_mem>>)
      %ge3A_669 = arith.constant 2 : i32
      %ge3A_670 = arith.cmpi sge, %add3A_600, %ge3A_669 : i32
      %convert_element_type3A_671 = arith.extui %ge3A_670 : i1 to i32
      %cond3A_672 = arith.constant 0 : i32
      %cond3A_673 = arith.cmpi ne, %convert_element_type3A_671, %cond3A_672 : i32
      scf.if %cond3A_673 {
        %sub3A_849 = arith.constant 2 : i32
        %sub3A_850 = arith.subi %add3A_600, %sub3A_849 : i32
        %jit3A_851 = arith.constant 4 : i32
        %div3A_852 = arith.divsi %sub3A_850, %jit3A_851 : i32
        %sign3A_853 = arith.constant 0 : i32
        %sign3A_854 = arith.cmpi sgt, %sub3A_850, %sign3A_853 : i32
        %sign3A_855 = arith.extui %sign3A_854 : i1 to i32
        %sign3A_856 = arith.constant 0 : i32
        %sign3A_857 = arith.cmpi slt, %sub3A_850, %sign3A_856 : i32
        %sign3A_858 = arith.extui %sign3A_857 : i1 to i32
        %sign3A_859 = arith.subi %sign3A_855, %sign3A_858 : i32
        %sign3A_860 = arith.constant 0 : i32
        %sign3A_861 = arith.cmpi sgt, %jit3A_851, %sign3A_860 : i32
        %sign3A_862 = arith.extui %sign3A_861 : i1 to i32
        %sign3A_863 = arith.constant 0 : i32
        %sign3A_864 = arith.cmpi slt, %jit3A_851, %sign3A_863 : i32
        %sign3A_865 = arith.extui %sign3A_864 : i1 to i32
        %sign3A_866 = arith.subi %sign3A_862, %sign3A_865 : i32
        %ne3A_867 = arith.cmpi ne, %sign3A_859, %sign3A_866 : i32
        %rem3A_868 = arith.remsi %sub3A_850, %jit3A_851 : i32
        %ne3A_869 = arith.constant 0 : i32
        %ne3A_870 = arith.cmpi ne, %rem3A_868, %ne3A_869 : i32
        %and3A_871 = arith.andi %ne3A_867, %ne3A_870 : i1
        %sub3A_872 = arith.constant 1 : i32
        %sub3A_873 = arith.subi %div3A_852, %sub3A_872 : i32
        %select_n3A_874 = arith.select %and3A_871, %sub3A_873, %div3A_852 : i32
        %mul3A_875 = arith.constant 512 : i32
        %mul3A_876 = arith.muli %select_n3A_874, %mul3A_875 : i32
        %add3A_877 = arith.addi %mul3A_876, %add3A_402 : i32
        %jit3A_878 = arith.constant 4 : i32
        %eq3A_879 = arith.constant 0 : i32
        %eq3A_880 = arith.cmpi eq, %jit3A_878, %eq3A_879 : i32
        %jit3A_881 = arith.constant 1 : i32
        %select_n3A_882 = arith.select %eq3A_880, %jit3A_881, %jit3A_878 : i32
        %rem3A_883 = arith.remsi %sub3A_850, %select_n3A_882 : i32
        %ne3A_884 = arith.constant 0 : i32
        %ne3A_885 = arith.cmpi ne, %rem3A_883, %ne3A_884 : i32
        %lt3A_886 = arith.constant 0 : i32
        %lt3A_887 = arith.cmpi slt, %rem3A_883, %lt3A_886 : i32
        %lt3A_888 = arith.constant 0 : i32
        %lt3A_889 = arith.cmpi slt, %select_n3A_882, %lt3A_888 : i32
        %ne3A_890 = arith.xori %lt3A_887, %lt3A_889 : i1
        %and3A_891 = arith.andi %ne3A_890, %ne3A_885 : i1
        %add3A_892 = arith.addi %rem3A_883, %select_n3A_882 : i32
        %select_n3A_893 = arith.select %and3A_891, %add3A_892, %rem3A_883 : i32
        %add3A_894 = arith.addi %add3A_877, %select_n3A_893 : i32
        %mul3A_895 = arith.constant 128 : i32
        %mul3A_896 = arith.muli %add3A_894, %mul3A_895 : i32
        %dma_wait3A_897 = arith.constant 0 : i32
        %dma_wait3A_898 = arith.constant 0 : i32
        %dma_wait3A_899 = tpu.memref_slice %arg6[%scan3A_472, %dma_wait3A_897, %dma_wait3A_898] : memref<4x128x128xf32, #tpu.memory_space<vmem>> -> memref<1x128x128xf32, #tpu.memory_space<vmem>>
        %dma_wait3A_900 = tpu.memref_squeeze %dma_wait3A_899 : memref<1x128x128xf32, #tpu.memory_space<vmem>> -> memref<128x128xf32, #tpu.memory_space<vmem>>
        %dma_wait3A_901 = arith.constant 0 : i32
        %dma_wait3A_902 = tpu.memref_slice %arg4[%mul3A_896, %dma_wait3A_901] : memref<196608x128xf32, #tpu.memory_space<hbm>> -> memref<128x128xf32, #tpu.memory_space<hbm>>
        %dma_wait3A_903 = arith.constant 0 : i32
        %dma_wait3A_904 = tpu.memref_slice %arg4[%mul3A_896, %dma_wait3A_903] : memref<196608x128xf32, #tpu.memory_space<hbm>> -> memref<128x128xf32, #tpu.memory_space<hbm>>
        %dma_wait3A_905 = arith.constant 0 : i32
        %dma_wait3A_906 = arith.constant 0 : i32
        %dma_wait3A_907 = tpu.memref_slice %arg6[%scan3A_472, %dma_wait3A_905, %dma_wait3A_906] : memref<4x128x128xf32, #tpu.memory_space<vmem>> -> memref<1x128x128xf32, #tpu.memory_space<vmem>>
        %dma_wait3A_908 = tpu.memref_squeeze %dma_wait3A_907 : memref<1x128x128xf32, #tpu.memory_space<vmem>> -> memref<128x128xf32, #tpu.memory_space<vmem>>
        tpu.wait_dma2 semaphore(%arg15 : memref<!tpu.dma_semaphore, #tpu.memory_space<semaphore_mem>>) src(%dma_wait3A_908 : memref<128x128xf32, #tpu.memory_space<vmem>>) dst(%dma_wait3A_904 : memref<128x128xf32, #tpu.memory_space<hbm>>)
      } else {
      }
      %add3A_674 = arith.constant 2 : i32
      %add3A_675 = arith.addi %add3A_600, %add3A_674 : i32
      %lt3A_676 = arith.constant 12 : i32
      %lt3A_677 = arith.cmpi slt, %add3A_675, %lt3A_676 : i32
      %convert_element_type3A_678 = arith.extui %lt3A_677 : i1 to i32
      %cond3A_679 = arith.constant 0 : i32
      %cond3A_680 = arith.cmpi ne, %convert_element_type3A_678, %cond3A_679 : i32
      scf.if %cond3A_680 {
        %add3A_849 = arith.constant 2 : i32
        %add3A_850 = arith.addi %add3A_600, %add3A_849 : i32
        %mul3A_851 = arith.constant 128 : i32
        %mul3A_852 = arith.muli %add3A_850, %mul3A_851 : i32
        %dma_start3A_853 = arith.constant 0 : i32
        %dma_start3A_854 = arith.constant 0 : i32
        %dma_start3A_855 = tpu.memref_slice %arg6[%scan3A_472, %dma_start3A_853, %dma_start3A_854] : memref<4x128x128xf32, #tpu.memory_space<vmem>> -> memref<1x128x128xf32, #tpu.memory_space<vmem>>
        %dma_start3A_856 = tpu.memref_squeeze %dma_start3A_855 : memref<1x128x128xf32, #tpu.memory_space<vmem>> -> memref<128x128xf32, #tpu.memory_space<vmem>>
        %dma_start3A_857 = tpu.memref_slice %arg5[%mul3A_852] : memref<1536xi32, #tpu.memory_space<vmem>> -> memref<128xi32, #tpu.memory_space<vmem>>
        %dma_start3A_858 = arith.constant 0 : i32
        %dma_start3A_859 = arith.constant 0 : i32
        %dma_start3A_860 = tpu.memref_slice %arg7[%dma_start3A_858, %dma_start3A_859] : memref<4096x128xf32, #tpu.memory_space<vmem_shared>> -> memref<4096x128xf32, #tpu.memory_space<vmem_shared>>
        tpu.enqueue_indirect_dma source(%dma_start3A_860 : memref<4096x128xf32, #tpu.memory_space<vmem_shared>>) target(%dma_start3A_856 : memref<128x128xf32, #tpu.memory_space<vmem>>) offsets(%dma_start3A_857 : memref<128xi32, #tpu.memory_space<vmem>>) semaphore(%arg11 : memref<!tpu.dma_semaphore, #tpu.memory_space<semaphore_mem>>)
      } else {
      }
      %mul3A_681 = arith.constant 4 : i32
      %mul3A_682 = arith.muli %mul3A_681, %scan3A_517 : i32
      %add3A_683 = arith.constant 2 : i32
      %add3A_684 = arith.addi %mul3A_682, %add3A_683 : i32
      %mul3A_685 = arith.constant 128 : i32
      %mul3A_686 = arith.muli %add3A_684, %mul3A_685 : i32
      %dma_wait3A_687 = arith.constant 0 : i32
      %dma_wait3A_688 = arith.constant 0 : i32
      %dma_wait3A_689 = tpu.memref_slice %arg6[%scan3A_470, %dma_wait3A_687, %dma_wait3A_688] : memref<4x128x128xf32, #tpu.memory_space<vmem>> -> memref<1x128x128xf32, #tpu.memory_space<vmem>>
      %dma_wait3A_690 = tpu.memref_squeeze %dma_wait3A_689 : memref<1x128x128xf32, #tpu.memory_space<vmem>> -> memref<128x128xf32, #tpu.memory_space<vmem>>
      %dma_wait3A_691 = tpu.memref_slice %arg5[%mul3A_686] : memref<1536xi32, #tpu.memory_space<vmem>> -> memref<128xi32, #tpu.memory_space<vmem>>
      %dma_wait3A_692 = arith.constant 0 : i32
      %dma_wait3A_693 = arith.constant 0 : i32
      %dma_wait3A_694 = tpu.memref_slice %arg7[%dma_wait3A_692, %dma_wait3A_693] : memref<4096x128xf32, #tpu.memory_space<vmem_shared>> -> memref<4096x128xf32, #tpu.memory_space<vmem_shared>>
      tpu.wait_indirect_dma semaphore(%arg10 : memref<!tpu.dma_semaphore, #tpu.memory_space<semaphore_mem>>) src(%dma_wait3A_694 : memref<4096x128xf32, #tpu.memory_space<vmem_shared>>) dst(%dma_wait3A_690 : memref<128x128xf32, #tpu.memory_space<vmem>>)
      %jit3A_695 = arith.constant 4 : i32
      %div3A_696 = arith.divsi %add3A_684, %jit3A_695 : i32
      %sign3A_697 = arith.constant 0 : i32
      %sign3A_698 = arith.cmpi sgt, %add3A_684, %sign3A_697 : i32
      %sign3A_699 = arith.extui %sign3A_698 : i1 to i32
      %sign3A_700 = arith.constant 0 : i32
      %sign3A_701 = arith.cmpi slt, %add3A_684, %sign3A_700 : i32
      %sign3A_702 = arith.extui %sign3A_701 : i1 to i32
      %sign3A_703 = arith.subi %sign3A_699, %sign3A_702 : i32
      %sign3A_704 = arith.constant 0 : i32
      %sign3A_705 = arith.cmpi sgt, %jit3A_695, %sign3A_704 : i32
      %sign3A_706 = arith.extui %sign3A_705 : i1 to i32
      %sign3A_707 = arith.constant 0 : i32
      %sign3A_708 = arith.cmpi slt, %jit3A_695, %sign3A_707 : i32
      %sign3A_709 = arith.extui %sign3A_708 : i1 to i32
      %sign3A_710 = arith.subi %sign3A_706, %sign3A_709 : i32
      %ne3A_711 = arith.cmpi ne, %sign3A_703, %sign3A_710 : i32
      %rem3A_712 = arith.remsi %add3A_684, %jit3A_695 : i32
      %ne3A_713 = arith.constant 0 : i32
      %ne3A_714 = arith.cmpi ne, %rem3A_712, %ne3A_713 : i32
      %and3A_715 = arith.andi %ne3A_711, %ne3A_714 : i1
      %sub3A_716 = arith.constant 1 : i32
      %sub3A_717 = arith.subi %div3A_696, %sub3A_716 : i32
      %select_n3A_718 = arith.select %and3A_715, %sub3A_717, %div3A_696 : i32
      %mul3A_719 = arith.constant 512 : i32
      %mul3A_720 = arith.muli %select_n3A_718, %mul3A_719 : i32
      %add3A_721 = arith.addi %mul3A_720, %add3A_402 : i32
      %jit3A_722 = arith.constant 4 : i32
      %eq3A_723 = arith.constant 0 : i32
      %eq3A_724 = arith.cmpi eq, %jit3A_722, %eq3A_723 : i32
      %jit3A_725 = arith.constant 1 : i32
      %select_n3A_726 = arith.select %eq3A_724, %jit3A_725, %jit3A_722 : i32
      %rem3A_727 = arith.remsi %add3A_684, %select_n3A_726 : i32
      %ne3A_728 = arith.constant 0 : i32
      %ne3A_729 = arith.cmpi ne, %rem3A_727, %ne3A_728 : i32
      %lt3A_730 = arith.constant 0 : i32
      %lt3A_731 = arith.cmpi slt, %rem3A_727, %lt3A_730 : i32
      %lt3A_732 = arith.constant 0 : i32
      %lt3A_733 = arith.cmpi slt, %select_n3A_726, %lt3A_732 : i32
      %ne3A_734 = arith.xori %lt3A_731, %lt3A_733 : i1
      %and3A_735 = arith.andi %ne3A_734, %ne3A_729 : i1
      %add3A_736 = arith.addi %rem3A_727, %select_n3A_726 : i32
      %select_n3A_737 = arith.select %and3A_735, %add3A_736, %rem3A_727 : i32
      %add3A_738 = arith.addi %add3A_721, %select_n3A_737 : i32
      %mul3A_739 = arith.constant 128 : i32
      %mul3A_740 = arith.muli %add3A_738, %mul3A_739 : i32
      %dma_start3A_741 = arith.constant 0 : i32
      %dma_start3A_742 = arith.constant 0 : i32
      %dma_start3A_743 = tpu.memref_slice %arg6[%scan3A_470, %dma_start3A_741, %dma_start3A_742] : memref<4x128x128xf32, #tpu.memory_space<vmem>> -> memref<1x128x128xf32, #tpu.memory_space<vmem>>
      %dma_start3A_744 = tpu.memref_squeeze %dma_start3A_743 : memref<1x128x128xf32, #tpu.memory_space<vmem>> -> memref<128x128xf32, #tpu.memory_space<vmem>>
      %dma_start3A_745 = arith.constant 0 : i32
      %dma_start3A_746 = tpu.memref_slice %arg4[%mul3A_740, %dma_start3A_745] : memref<196608x128xf32, #tpu.memory_space<hbm>> -> memref<128x128xf32, #tpu.memory_space<hbm>>
      %dma_start3A_747 = arith.constant 0 : i32
      %dma_start3A_748 = tpu.memref_slice %arg4[%mul3A_740, %dma_start3A_747] : memref<196608x128xf32, #tpu.memory_space<hbm>> -> memref<128x128xf32, #tpu.memory_space<hbm>>
      %dma_start3A_749 = arith.constant 0 : i32
      %dma_start3A_750 = arith.constant 0 : i32
      %dma_start3A_751 = tpu.memref_slice %arg6[%scan3A_470, %dma_start3A_749, %dma_start3A_750] : memref<4x128x128xf32, #tpu.memory_space<vmem>> -> memref<1x128x128xf32, #tpu.memory_space<vmem>>
      %dma_start3A_752 = tpu.memref_squeeze %dma_start3A_751 : memref<1x128x128xf32, #tpu.memory_space<vmem>> -> memref<128x128xf32, #tpu.memory_space<vmem>>
      tpu.enqueue_dma source(%dma_start3A_752 : memref<128x128xf32, #tpu.memory_space<vmem>>) target(%dma_start3A_748 : memref<128x128xf32, #tpu.memory_space<hbm>>) target_semaphore(%arg14 : memref<!tpu.dma_semaphore, #tpu.memory_space<semaphore_mem>>)
      %ge3A_753 = arith.constant 2 : i32
      %ge3A_754 = arith.cmpi sge, %add3A_684, %ge3A_753 : i32
      %convert_element_type3A_755 = arith.extui %ge3A_754 : i1 to i32
      %cond3A_756 = arith.constant 0 : i32
      %cond3A_757 = arith.cmpi ne, %convert_element_type3A_755, %cond3A_756 : i32
      scf.if %cond3A_757 {
        %sub3A_849 = arith.constant 2 : i32
        %sub3A_850 = arith.subi %add3A_684, %sub3A_849 : i32
        %jit3A_851 = arith.constant 4 : i32
        %div3A_852 = arith.divsi %sub3A_850, %jit3A_851 : i32
        %sign3A_853 = arith.constant 0 : i32
        %sign3A_854 = arith.cmpi sgt, %sub3A_850, %sign3A_853 : i32
        %sign3A_855 = arith.extui %sign3A_854 : i1 to i32
        %sign3A_856 = arith.constant 0 : i32
        %sign3A_857 = arith.cmpi slt, %sub3A_850, %sign3A_856 : i32
        %sign3A_858 = arith.extui %sign3A_857 : i1 to i32
        %sign3A_859 = arith.subi %sign3A_855, %sign3A_858 : i32
        %sign3A_860 = arith.constant 0 : i32
        %sign3A_861 = arith.cmpi sgt, %jit3A_851, %sign3A_860 : i32
        %sign3A_862 = arith.extui %sign3A_861 : i1 to i32
        %sign3A_863 = arith.constant 0 : i32
        %sign3A_864 = arith.cmpi slt, %jit3A_851, %sign3A_863 : i32
        %sign3A_865 = arith.extui %sign3A_864 : i1 to i32
        %sign3A_866 = arith.subi %sign3A_862, %sign3A_865 : i32
        %ne3A_867 = arith.cmpi ne, %sign3A_859, %sign3A_866 : i32
        %rem3A_868 = arith.remsi %sub3A_850, %jit3A_851 : i32
        %ne3A_869 = arith.constant 0 : i32
        %ne3A_870 = arith.cmpi ne, %rem3A_868, %ne3A_869 : i32
        %and3A_871 = arith.andi %ne3A_867, %ne3A_870 : i1
        %sub3A_872 = arith.constant 1 : i32
        %sub3A_873 = arith.subi %div3A_852, %sub3A_872 : i32
        %select_n3A_874 = arith.select %and3A_871, %sub3A_873, %div3A_852 : i32
        %mul3A_875 = arith.constant 512 : i32
        %mul3A_876 = arith.muli %select_n3A_874, %mul3A_875 : i32
        %add3A_877 = arith.addi %mul3A_876, %add3A_402 : i32
        %jit3A_878 = arith.constant 4 : i32
        %eq3A_879 = arith.constant 0 : i32
        %eq3A_880 = arith.cmpi eq, %jit3A_878, %eq3A_879 : i32
        %jit3A_881 = arith.constant 1 : i32
        %select_n3A_882 = arith.select %eq3A_880, %jit3A_881, %jit3A_878 : i32
        %rem3A_883 = arith.remsi %sub3A_850, %select_n3A_882 : i32
        %ne3A_884 = arith.constant 0 : i32
        %ne3A_885 = arith.cmpi ne, %rem3A_883, %ne3A_884 : i32
        %lt3A_886 = arith.constant 0 : i32
        %lt3A_887 = arith.cmpi slt, %rem3A_883, %lt3A_886 : i32
        %lt3A_888 = arith.constant 0 : i32
        %lt3A_889 = arith.cmpi slt, %select_n3A_882, %lt3A_888 : i32
        %ne3A_890 = arith.xori %lt3A_887, %lt3A_889 : i1
        %and3A_891 = arith.andi %ne3A_890, %ne3A_885 : i1
        %add3A_892 = arith.addi %rem3A_883, %select_n3A_882 : i32
        %select_n3A_893 = arith.select %and3A_891, %add3A_892, %rem3A_883 : i32
        %add3A_894 = arith.addi %add3A_877, %select_n3A_893 : i32
        %mul3A_895 = arith.constant 128 : i32
        %mul3A_896 = arith.muli %add3A_894, %mul3A_895 : i32
        %dma_wait3A_897 = arith.constant 0 : i32
        %dma_wait3A_898 = arith.constant 0 : i32
        %dma_wait3A_899 = tpu.memref_slice %arg6[%scan3A_469, %dma_wait3A_897, %dma_wait3A_898] : memref<4x128x128xf32, #tpu.memory_space<vmem>> -> memref<1x128x128xf32, #tpu.memory_space<vmem>>
        %dma_wait3A_900 = tpu.memref_squeeze %dma_wait3A_899 : memref<1x128x128xf32, #tpu.memory_space<vmem>> -> memref<128x128xf32, #tpu.memory_space<vmem>>
        %dma_wait3A_901 = arith.constant 0 : i32
        %dma_wait3A_902 = tpu.memref_slice %arg4[%mul3A_896, %dma_wait3A_901] : memref<196608x128xf32, #tpu.memory_space<hbm>> -> memref<128x128xf32, #tpu.memory_space<hbm>>
        %dma_wait3A_903 = arith.constant 0 : i32
        %dma_wait3A_904 = tpu.memref_slice %arg4[%mul3A_896, %dma_wait3A_903] : memref<196608x128xf32, #tpu.memory_space<hbm>> -> memref<128x128xf32, #tpu.memory_space<hbm>>
        %dma_wait3A_905 = arith.constant 0 : i32
        %dma_wait3A_906 = arith.constant 0 : i32
        %dma_wait3A_907 = tpu.memref_slice %arg6[%scan3A_469, %dma_wait3A_905, %dma_wait3A_906] : memref<4x128x128xf32, #tpu.memory_space<vmem>> -> memref<1x128x128xf32, #tpu.memory_space<vmem>>
        %dma_wait3A_908 = tpu.memref_squeeze %dma_wait3A_907 : memref<1x128x128xf32, #tpu.memory_space<vmem>> -> memref<128x128xf32, #tpu.memory_space<vmem>>
        tpu.wait_dma2 semaphore(%arg12 : memref<!tpu.dma_semaphore, #tpu.memory_space<semaphore_mem>>) src(%dma_wait3A_908 : memref<128x128xf32, #tpu.memory_space<vmem>>) dst(%dma_wait3A_904 : memref<128x128xf32, #tpu.memory_space<hbm>>)
      } else {
      }
      %add3A_758 = arith.constant 2 : i32
      %add3A_759 = arith.addi %add3A_684, %add3A_758 : i32
      %lt3A_760 = arith.constant 12 : i32
      %lt3A_761 = arith.cmpi slt, %add3A_759, %lt3A_760 : i32
      %convert_element_type3A_762 = arith.extui %lt3A_761 : i1 to i32
      %cond3A_763 = arith.constant 0 : i32
      %cond3A_764 = arith.cmpi ne, %convert_element_type3A_762, %cond3A_763 : i32
      scf.if %cond3A_764 {
        %add3A_849 = arith.constant 2 : i32
        %add3A_850 = arith.addi %add3A_684, %add3A_849 : i32
        %mul3A_851 = arith.constant 128 : i32
        %mul3A_852 = arith.muli %add3A_850, %mul3A_851 : i32
        %dma_start3A_853 = arith.constant 0 : i32
        %dma_start3A_854 = arith.constant 0 : i32
        %dma_start3A_855 = tpu.memref_slice %arg6[%scan3A_469, %dma_start3A_853, %dma_start3A_854] : memref<4x128x128xf32, #tpu.memory_space<vmem>> -> memref<1x128x128xf32, #tpu.memory_space<vmem>>
        %dma_start3A_856 = tpu.memref_squeeze %dma_start3A_855 : memref<1x128x128xf32, #tpu.memory_space<vmem>> -> memref<128x128xf32, #tpu.memory_space<vmem>>
        %dma_start3A_857 = tpu.memref_slice %arg5[%mul3A_852] : memref<1536xi32, #tpu.memory_space<vmem>> -> memref<128xi32, #tpu.memory_space<vmem>>
        %dma_start3A_858 = arith.constant 0 : i32
        %dma_start3A_859 = arith.constant 0 : i32
        %dma_start3A_860 = tpu.memref_slice %arg7[%dma_start3A_858, %dma_start3A_859] : memref<4096x128xf32, #tpu.memory_space<vmem_shared>> -> memref<4096x128xf32, #tpu.memory_space<vmem_shared>>
        tpu.enqueue_indirect_dma source(%dma_start3A_860 : memref<4096x128xf32, #tpu.memory_space<vmem_shared>>) target(%dma_start3A_856 : memref<128x128xf32, #tpu.memory_space<vmem>>) offsets(%dma_start3A_857 : memref<128xi32, #tpu.memory_space<vmem>>) semaphore(%arg8 : memref<!tpu.dma_semaphore, #tpu.memory_space<semaphore_mem>>)
      } else {
      }
      %mul3A_765 = arith.constant 4 : i32
      %mul3A_766 = arith.muli %mul3A_765, %scan3A_517 : i32
      %add3A_767 = arith.constant 3 : i32
      %add3A_768 = arith.addi %mul3A_766, %add3A_767 : i32
      %mul3A_769 = arith.constant 128 : i32
      %mul3A_770 = arith.muli %add3A_768, %mul3A_769 : i32
      %dma_wait3A_771 = arith.constant 0 : i32
      %dma_wait3A_772 = arith.constant 0 : i32
      %dma_wait3A_773 = tpu.memref_slice %arg6[%scan3A_472, %dma_wait3A_771, %dma_wait3A_772] : memref<4x128x128xf32, #tpu.memory_space<vmem>> -> memref<1x128x128xf32, #tpu.memory_space<vmem>>
      %dma_wait3A_774 = tpu.memref_squeeze %dma_wait3A_773 : memref<1x128x128xf32, #tpu.memory_space<vmem>> -> memref<128x128xf32, #tpu.memory_space<vmem>>
      %dma_wait3A_775 = tpu.memref_slice %arg5[%mul3A_770] : memref<1536xi32, #tpu.memory_space<vmem>> -> memref<128xi32, #tpu.memory_space<vmem>>
      %dma_wait3A_776 = arith.constant 0 : i32
      %dma_wait3A_777 = arith.constant 0 : i32
      %dma_wait3A_778 = tpu.memref_slice %arg7[%dma_wait3A_776, %dma_wait3A_777] : memref<4096x128xf32, #tpu.memory_space<vmem_shared>> -> memref<4096x128xf32, #tpu.memory_space<vmem_shared>>
      tpu.wait_indirect_dma semaphore(%arg11 : memref<!tpu.dma_semaphore, #tpu.memory_space<semaphore_mem>>) src(%dma_wait3A_778 : memref<4096x128xf32, #tpu.memory_space<vmem_shared>>) dst(%dma_wait3A_774 : memref<128x128xf32, #tpu.memory_space<vmem>>)
      %jit3A_779 = arith.constant 4 : i32
      %div3A_780 = arith.divsi %add3A_768, %jit3A_779 : i32
      %sign3A_781 = arith.constant 0 : i32
      %sign3A_782 = arith.cmpi sgt, %add3A_768, %sign3A_781 : i32
      %sign3A_783 = arith.extui %sign3A_782 : i1 to i32
      %sign3A_784 = arith.constant 0 : i32
      %sign3A_785 = arith.cmpi slt, %add3A_768, %sign3A_784 : i32
      %sign3A_786 = arith.extui %sign3A_785 : i1 to i32
      %sign3A_787 = arith.subi %sign3A_783, %sign3A_786 : i32
      %sign3A_788 = arith.constant 0 : i32
      %sign3A_789 = arith.cmpi sgt, %jit3A_779, %sign3A_788 : i32
      %sign3A_790 = arith.extui %sign3A_789 : i1 to i32
      %sign3A_791 = arith.constant 0 : i32
      %sign3A_792 = arith.cmpi slt, %jit3A_779, %sign3A_791 : i32
      %sign3A_793 = arith.extui %sign3A_792 : i1 to i32
      %sign3A_794 = arith.subi %sign3A_790, %sign3A_793 : i32
      %ne3A_795 = arith.cmpi ne, %sign3A_787, %sign3A_794 : i32
      %rem3A_796 = arith.remsi %add3A_768, %jit3A_779 : i32
      %ne3A_797 = arith.constant 0 : i32
      %ne3A_798 = arith.cmpi ne, %rem3A_796, %ne3A_797 : i32
      %and3A_799 = arith.andi %ne3A_795, %ne3A_798 : i1
      %sub3A_800 = arith.constant 1 : i32
      %sub3A_801 = arith.subi %div3A_780, %sub3A_800 : i32
      %select_n3A_802 = arith.select %and3A_799, %sub3A_801, %div3A_780 : i32
      %mul3A_803 = arith.constant 512 : i32
      %mul3A_804 = arith.muli %select_n3A_802, %mul3A_803 : i32
      %add3A_805 = arith.addi %mul3A_804, %add3A_402 : i32
      %jit3A_806 = arith.constant 4 : i32
      %eq3A_807 = arith.constant 0 : i32
      %eq3A_808 = arith.cmpi eq, %jit3A_806, %eq3A_807 : i32
      %jit3A_809 = arith.constant 1 : i32
      %select_n3A_810 = arith.select %eq3A_808, %jit3A_809, %jit3A_806 : i32
      %rem3A_811 = arith.remsi %add3A_768, %select_n3A_810 : i32
      %ne3A_812 = arith.constant 0 : i32
      %ne3A_813 = arith.cmpi ne, %rem3A_811, %ne3A_812 : i32
      %lt3A_814 = arith.constant 0 : i32
      %lt3A_815 = arith.cmpi slt, %rem3A_811, %lt3A_814 : i32
      %lt3A_816 = arith.constant 0 : i32
      %lt3A_817 = arith.cmpi slt, %select_n3A_810, %lt3A_816 : i32
      %ne3A_818 = arith.xori %lt3A_815, %lt3A_817 : i1
      %and3A_819 = arith.andi %ne3A_818, %ne3A_813 : i1
      %add3A_820 = arith.addi %rem3A_811, %select_n3A_810 : i32
      %select_n3A_821 = arith.select %and3A_819, %add3A_820, %rem3A_811 : i32
      %add3A_822 = arith.addi %add3A_805, %select_n3A_821 : i32
      %mul3A_823 = arith.constant 128 : i32
      %mul3A_824 = arith.muli %add3A_822, %mul3A_823 : i32
      %dma_start3A_825 = arith.constant 0 : i32
      %dma_start3A_826 = arith.constant 0 : i32
      %dma_start3A_827 = tpu.memref_slice %arg6[%scan3A_472, %dma_start3A_825, %dma_start3A_826] : memref<4x128x128xf32, #tpu.memory_space<vmem>> -> memref<1x128x128xf32, #tpu.memory_space<vmem>>
      %dma_start3A_828 = tpu.memref_squeeze %dma_start3A_827 : memref<1x128x128xf32, #tpu.memory_space<vmem>> -> memref<128x128xf32, #tpu.memory_space<vmem>>
      %dma_start3A_829 = arith.constant 0 : i32
      %dma_start3A_830 = tpu.memref_slice %arg4[%mul3A_824, %dma_start3A_829] : memref<196608x128xf32, #tpu.memory_space<hbm>> -> memref<128x128xf32, #tpu.memory_space<hbm>>
      %dma_start3A_831 = arith.constant 0 : i32
      %dma_start3A_832 = tpu.memref_slice %arg4[%mul3A_824, %dma_start3A_831] : memref<196608x128xf32, #tpu.memory_space<hbm>> -> memref<128x128xf32, #tpu.memory_space<hbm>>
      %dma_start3A_833 = arith.constant 0 : i32
      %dma_start3A_834 = arith.constant 0 : i32
      %dma_start3A_835 = tpu.memref_slice %arg6[%scan3A_472, %dma_start3A_833, %dma_start3A_834] : memref<4x128x128xf32, #tpu.memory_space<vmem>> -> memref<1x128x128xf32, #tpu.memory_space<vmem>>
      %dma_start3A_836 = tpu.memref_squeeze %dma_start3A_835 : memref<1x128x128xf32, #tpu.memory_space<vmem>> -> memref<128x128xf32, #tpu.memory_space<vmem>>
      tpu.enqueue_dma source(%dma_start3A_836 : memref<128x128xf32, #tpu.memory_space<vmem>>) target(%dma_start3A_832 : memref<128x128xf32, #tpu.memory_space<hbm>>) target_semaphore(%arg15 : memref<!tpu.dma_semaphore, #tpu.memory_space<semaphore_mem>>)
      %ge3A_837 = arith.constant 2 : i32
      %ge3A_838 = arith.cmpi sge, %add3A_768, %ge3A_837 : i32
      %convert_element_type3A_839 = arith.extui %ge3A_838 : i1 to i32
      %cond3A_840 = arith.constant 0 : i32
      %cond3A_841 = arith.cmpi ne, %convert_element_type3A_839, %cond3A_840 : i32
      scf.if %cond3A_841 {
        %sub3A_849 = arith.constant 2 : i32
        %sub3A_850 = arith.subi %add3A_768, %sub3A_849 : i32
        %jit3A_851 = arith.constant 4 : i32
        %div3A_852 = arith.divsi %sub3A_850, %jit3A_851 : i32
        %sign3A_853 = arith.constant 0 : i32
        %sign3A_854 = arith.cmpi sgt, %sub3A_850, %sign3A_853 : i32
        %sign3A_855 = arith.extui %sign3A_854 : i1 to i32
        %sign3A_856 = arith.constant 0 : i32
        %sign3A_857 = arith.cmpi slt, %sub3A_850, %sign3A_856 : i32
        %sign3A_858 = arith.extui %sign3A_857 : i1 to i32
        %sign3A_859 = arith.subi %sign3A_855, %sign3A_858 : i32
        %sign3A_860 = arith.constant 0 : i32
        %sign3A_861 = arith.cmpi sgt, %jit3A_851, %sign3A_860 : i32
        %sign3A_862 = arith.extui %sign3A_861 : i1 to i32
        %sign3A_863 = arith.constant 0 : i32
        %sign3A_864 = arith.cmpi slt, %jit3A_851, %sign3A_863 : i32
        %sign3A_865 = arith.extui %sign3A_864 : i1 to i32
        %sign3A_866 = arith.subi %sign3A_862, %sign3A_865 : i32
        %ne3A_867 = arith.cmpi ne, %sign3A_859, %sign3A_866 : i32
        %rem3A_868 = arith.remsi %sub3A_850, %jit3A_851 : i32
        %ne3A_869 = arith.constant 0 : i32
        %ne3A_870 = arith.cmpi ne, %rem3A_868, %ne3A_869 : i32
        %and3A_871 = arith.andi %ne3A_867, %ne3A_870 : i1
        %sub3A_872 = arith.constant 1 : i32
        %sub3A_873 = arith.subi %div3A_852, %sub3A_872 : i32
        %select_n3A_874 = arith.select %and3A_871, %sub3A_873, %div3A_852 : i32
        %mul3A_875 = arith.constant 512 : i32
        %mul3A_876 = arith.muli %select_n3A_874, %mul3A_875 : i32
        %add3A_877 = arith.addi %mul3A_876, %add3A_402 : i32
        %jit3A_878 = arith.constant 4 : i32
        %eq3A_879 = arith.constant 0 : i32
        %eq3A_880 = arith.cmpi eq, %jit3A_878, %eq3A_879 : i32
        %jit3A_881 = arith.constant 1 : i32
        %select_n3A_882 = arith.select %eq3A_880, %jit3A_881, %jit3A_878 : i32
        %rem3A_883 = arith.remsi %sub3A_850, %select_n3A_882 : i32
        %ne3A_884 = arith.constant 0 : i32
        %ne3A_885 = arith.cmpi ne, %rem3A_883, %ne3A_884 : i32
        %lt3A_886 = arith.constant 0 : i32
        %lt3A_887 = arith.cmpi slt, %rem3A_883, %lt3A_886 : i32
        %lt3A_888 = arith.constant 0 : i32
        %lt3A_889 = arith.cmpi slt, %select_n3A_882, %lt3A_888 : i32
        %ne3A_890 = arith.xori %lt3A_887, %lt3A_889 : i1
        %and3A_891 = arith.andi %ne3A_890, %ne3A_885 : i1
        %add3A_892 = arith.addi %rem3A_883, %select_n3A_882 : i32
        %select_n3A_893 = arith.select %and3A_891, %add3A_892, %rem3A_883 : i32
        %add3A_894 = arith.addi %add3A_877, %select_n3A_893 : i32
        %mul3A_895 = arith.constant 128 : i32
        %mul3A_896 = arith.muli %add3A_894, %mul3A_895 : i32
        %dma_wait3A_897 = arith.constant 0 : i32
        %dma_wait3A_898 = arith.constant 0 : i32
        %dma_wait3A_899 = tpu.memref_slice %arg6[%scan3A_471, %dma_wait3A_897, %dma_wait3A_898] : memref<4x128x128xf32, #tpu.memory_space<vmem>> -> memref<1x128x128xf32, #tpu.memory_space<vmem>>
        %dma_wait3A_900 = tpu.memref_squeeze %dma_wait3A_899 : memref<1x128x128xf32, #tpu.memory_space<vmem>> -> memref<128x128xf32, #tpu.memory_space<vmem>>
        %dma_wait3A_901 = arith.constant 0 : i32
        %dma_wait3A_902 = tpu.memref_slice %arg4[%mul3A_896, %dma_wait3A_901] : memref<196608x128xf32, #tpu.memory_space<hbm>> -> memref<128x128xf32, #tpu.memory_space<hbm>>
        %dma_wait3A_903 = arith.constant 0 : i32
        %dma_wait3A_904 = tpu.memref_slice %arg4[%mul3A_896, %dma_wait3A_903] : memref<196608x128xf32, #tpu.memory_space<hbm>> -> memref<128x128xf32, #tpu.memory_space<hbm>>
        %dma_wait3A_905 = arith.constant 0 : i32
        %dma_wait3A_906 = arith.constant 0 : i32
        %dma_wait3A_907 = tpu.memref_slice %arg6[%scan3A_471, %dma_wait3A_905, %dma_wait3A_906] : memref<4x128x128xf32, #tpu.memory_space<vmem>> -> memref<1x128x128xf32, #tpu.memory_space<vmem>>
        %dma_wait3A_908 = tpu.memref_squeeze %dma_wait3A_907 : memref<1x128x128xf32, #tpu.memory_space<vmem>> -> memref<128x128xf32, #tpu.memory_space<vmem>>
        tpu.wait_dma2 semaphore(%arg13 : memref<!tpu.dma_semaphore, #tpu.memory_space<semaphore_mem>>) src(%dma_wait3A_908 : memref<128x128xf32, #tpu.memory_space<vmem>>) dst(%dma_wait3A_904 : memref<128x128xf32, #tpu.memory_space<hbm>>)
      } else {
      }
      %add3A_842 = arith.constant 2 : i32
      %add3A_843 = arith.addi %add3A_768, %add3A_842 : i32
      %lt3A_844 = arith.constant 12 : i32
      %lt3A_845 = arith.cmpi slt, %add3A_843, %lt3A_844 : i32
      %convert_element_type3A_846 = arith.extui %lt3A_845 : i1 to i32
      %cond3A_847 = arith.constant 0 : i32
      %cond3A_848 = arith.cmpi ne, %convert_element_type3A_846, %cond3A_847 : i32
      scf.if %cond3A_848 {
        %add3A_849 = arith.constant 2 : i32
        %add3A_850 = arith.addi %add3A_768, %add3A_849 : i32
        %mul3A_851 = arith.constant 128 : i32
        %mul3A_852 = arith.muli %add3A_850, %mul3A_851 : i32
        %dma_start3A_853 = arith.constant 0 : i32
        %dma_start3A_854 = arith.constant 0 : i32
        %dma_start3A_855 = tpu.memref_slice %arg6[%scan3A_471, %dma_start3A_853, %dma_start3A_854] : memref<4x128x128xf32, #tpu.memory_space<vmem>> -> memref<1x128x128xf32, #tpu.memory_space<vmem>>
        %dma_start3A_856 = tpu.memref_squeeze %dma_start3A_855 : memref<1x128x128xf32, #tpu.memory_space<vmem>> -> memref<128x128xf32, #tpu.memory_space<vmem>>
        %dma_start3A_857 = tpu.memref_slice %arg5[%mul3A_852] : memref<1536xi32, #tpu.memory_space<vmem>> -> memref<128xi32, #tpu.memory_space<vmem>>
        %dma_start3A_858 = arith.constant 0 : i32
        %dma_start3A_859 = arith.constant 0 : i32
        %dma_start3A_860 = tpu.memref_slice %arg7[%dma_start3A_858, %dma_start3A_859] : memref<4096x128xf32, #tpu.memory_space<vmem_shared>> -> memref<4096x128xf32, #tpu.memory_space<vmem_shared>>
        tpu.enqueue_indirect_dma source(%dma_start3A_860 : memref<4096x128xf32, #tpu.memory_space<vmem_shared>>) target(%dma_start3A_856 : memref<128x128xf32, #tpu.memory_space<vmem>>) offsets(%dma_start3A_857 : memref<128xi32, #tpu.memory_space<vmem>>) semaphore(%arg9 : memref<!tpu.dma_semaphore, #tpu.memory_space<semaphore_mem>>)
      } else {
      }
    }
    %scan3A_477 = arith.constant 3 : i32
    %add3A_478 = arith.constant 1024 : i32
    %add3A_479 = arith.addi %add3A_478, %add3A_402 : i32
    %add3A_480 = arith.constant 2 : i32
    %add3A_481 = arith.addi %add3A_479, %add3A_480 : i32
    %mul3A_482 = arith.constant 128 : i32
    %mul3A_483 = arith.muli %add3A_481, %mul3A_482 : i32
    %dma_wait3A_484 = arith.constant 2 : i32
    %dma_wait3A_485 = arith.constant 0 : i32
    %dma_wait3A_486 = arith.constant 0 : i32
    %dma_wait3A_487 = tpu.memref_slice %arg6[%dma_wait3A_484, %dma_wait3A_485, %dma_wait3A_486] : memref<4x128x128xf32, #tpu.memory_space<vmem>> -> memref<1x128x128xf32, #tpu.memory_space<vmem>>
    %dma_wait3A_488 = tpu.memref_squeeze %dma_wait3A_487 : memref<1x128x128xf32, #tpu.memory_space<vmem>> -> memref<128x128xf32, #tpu.memory_space<vmem>>
    %dma_wait3A_489 = arith.constant 0 : i32
    %dma_wait3A_490 = tpu.memref_slice %arg4[%mul3A_483, %dma_wait3A_489] : memref<196608x128xf32, #tpu.memory_space<hbm>> -> memref<128x128xf32, #tpu.memory_space<hbm>>
    %dma_wait3A_491 = arith.constant 0 : i32
    %dma_wait3A_492 = tpu.memref_slice %arg4[%mul3A_483, %dma_wait3A_491] : memref<196608x128xf32, #tpu.memory_space<hbm>> -> memref<128x128xf32, #tpu.memory_space<hbm>>
    %dma_wait3A_493 = arith.constant 0 : i32
    %dma_wait3A_494 = arith.constant 0 : i32
    %dma_wait3A_495 = tpu.memref_slice %arg6[%dma_wait3A_484, %dma_wait3A_493, %dma_wait3A_494] : memref<4x128x128xf32, #tpu.memory_space<vmem>> -> memref<1x128x128xf32, #tpu.memory_space<vmem>>
    %dma_wait3A_496 = tpu.memref_squeeze %dma_wait3A_495 : memref<1x128x128xf32, #tpu.memory_space<vmem>> -> memref<128x128xf32, #tpu.memory_space<vmem>>
    tpu.wait_dma2 semaphore(%arg14 : memref<!tpu.dma_semaphore, #tpu.memory_space<semaphore_mem>>) src(%dma_wait3A_496 : memref<128x128xf32, #tpu.memory_space<vmem>>) dst(%dma_wait3A_492 : memref<128x128xf32, #tpu.memory_space<hbm>>)
    %add3A_497 = arith.constant 1024 : i32
    %add3A_498 = arith.addi %add3A_497, %add3A_402 : i32
    %add3A_499 = arith.constant 3 : i32
    %add3A_500 = arith.addi %add3A_498, %add3A_499 : i32
    %mul3A_501 = arith.constant 128 : i32
    %mul3A_502 = arith.muli %add3A_500, %mul3A_501 : i32
    %dma_wait3A_503 = arith.constant 3 : i32
    %dma_wait3A_504 = arith.constant 0 : i32
    %dma_wait3A_505 = arith.constant 0 : i32
    %dma_wait3A_506 = tpu.memref_slice %arg6[%dma_wait3A_503, %dma_wait3A_504, %dma_wait3A_505] : memref<4x128x128xf32, #tpu.memory_space<vmem>> -> memref<1x128x128xf32, #tpu.memory_space<vmem>>
    %dma_wait3A_507 = tpu.memref_squeeze %dma_wait3A_506 : memref<1x128x128xf32, #tpu.memory_space<vmem>> -> memref<128x128xf32, #tpu.memory_space<vmem>>
    %dma_wait3A_508 = arith.constant 0 : i32
    %dma_wait3A_509 = tpu.memref_slice %arg4[%mul3A_502, %dma_wait3A_508] : memref<196608x128xf32, #tpu.memory_space<hbm>> -> memref<128x128xf32, #tpu.memory_space<hbm>>
    %dma_wait3A_510 = arith.constant 0 : i32
    %dma_wait3A_511 = tpu.memref_slice %arg4[%mul3A_502, %dma_wait3A_510] : memref<196608x128xf32, #tpu.memory_space<hbm>> -> memref<128x128xf32, #tpu.memory_space<hbm>>
    %dma_wait3A_512 = arith.constant 0 : i32
    %dma_wait3A_513 = arith.constant 0 : i32
    %dma_wait3A_514 = tpu.memref_slice %arg6[%dma_wait3A_503, %dma_wait3A_512, %dma_wait3A_513] : memref<4x128x128xf32, #tpu.memory_space<vmem>> -> memref<1x128x128xf32, #tpu.memory_space<vmem>>
    %dma_wait3A_515 = tpu.memref_squeeze %dma_wait3A_514 : memref<1x128x128xf32, #tpu.memory_space<vmem>> -> memref<128x128xf32, #tpu.memory_space<vmem>>
    tpu.wait_dma2 semaphore(%arg15 : memref<!tpu.dma_semaphore, #tpu.memory_space<semaphore_mem>>) src(%dma_wait3A_515 : memref<128x128xf32, #tpu.memory_space<vmem>>) dst(%dma_wait3A_511 : memref<128x128xf32, #tpu.memory_space<hbm>>)
    %barrier3A_516 = arith.constant 0 : index
    tpu.barrier barrier_id(%barrier3A_516)
    return
  }
}

</mosaic_0001>

<sc_bundles>
// kernel: _gather_rows.3.cloned.1.call-start
scs
__scs_entry_jumppad:
0x0: {  	(pc) =	sbr.rel $0x88, $3  }
0x1: {  	(tag) =	ssettag $0x0;
	lr =	simm.s32 $0x1  }
0x2: {  	[smem:$0x3F9F] =	sst lr;
	_ =	strace $0xD0000000  }
0x3: {  	_ = 	snop  }
0x4: {  	_ = 	snop  }
0x5: {  	_ = 	snop  }
0x6: {  	_ = 	snop  }
0x7: {  	_ = 	snop  }
__scs_overlays_trampoline_lowered:
0x8: {  	[smem:$0x3FAE] =	sst s0  }
0x9: {  	[smem:$0x3FAF] =	sst s1  }
0xa: {  	[smem:$0x3FB0] =	sst s2  }
0xb: {  	[smem:$0x3FB1] =	sst s3  }
0xc: {  	[smem:$0x3FB2] =	sst s4  }
0xd: {  	[smem:$0x3FB3] =	sst s5  }
0xe: {  	[smem:$0x3FB4] =	sst s6  }
0xf: {  	[smem:$0x3FB5] =	sst s7  }
0x10: {  	[smem:$0x3FB6] =	sst s8  }
0x11: {  	[smem:$0x3FB7] =	sst s9;
	s0 =	simm.s32 @!p0 $0x0  }
0x12: {  	s1 =	sld [smem:$0x3F9D];
	s0 =	simm.s32 @p0 $0x1  }
0x13: {  	[smem:$0x3FB8] =	sst s0;
	s0 =	simm.s32 @!p1 $0x0  }
0x14: {  	s2 =	sld [smem:$0x3F9C];
	s0 =	simm.s32 @p1 $0x1  }
0x15: {  	[smem:$0x3FB9] =	sst s0;
	s0 =	simm.s32 @!p2 $0x0  }
0x16: {  	s3 =	sld [smem:$0x3FDB];
	s0 =	simm.s32 @p2 $0x1  }
0x17: {  	s4 =	simm.s32 $0x1BF5;
	[smem:$0x3FBB] =	sst s0  }
0x18: {  	s0 =	sld [smem:$0x3F9E];
	_ =	swait.ge [sflag:s4], $0x0  }
0x19: {  	s7 =	sld [smem:$0x3F9F]  }
0x1a: {  	s8 =	sadd.s32 $0xFFFFE003, lr  }
0x1b: {  	s9 =	sadd.s32 $0xFFFFFEF7, lr;
	s5 =	simm.s32 $0xFFFFFFFF;
	p2 =	slt.u32 s8, $0xFFFFF086  }
0x1c: {  	p1 =	slt.u32 s9, $0xF7A;
	s5 =	simm.s32 @!p2 $0x0  }
0x1d: {  	s5 =	simm.s32 @p1 $0x1;
	p0 =	seq.s32 s7, s2  }
0x1e: {  	s7 =	smul.u32 @!p0 $0xF7A, s2;
	p2 =	seq.s32 @!p0 s5, $0x0  }
0x1f: {  	s9 =	smul.u32 $0xF7A, s1;
	s8 =	simm.s32 @!p0 $0x1BF5;
	p2 =	por !p2, p0  }
0x20: {  	[sflag:s8] =	ssyncset.s32 @!p0 $0xFFFFF086;
	s6 =	sadd.s32 @!p0 s3, s7;
	s7 =	simm.s32 @!p0 $0x108  }
0x21: {  	s3 =	sadd.s32 s3, s9;
	s6 =	sadd.s32 @!p0 $0x88, s6;
	s7 =	simm.s32 @p2 $0x1082  }
0x22: {  	[simem:s7], [sflag:s8] =	dma.local @!p0 [hbm:s6], $0xF7A  }
0x23: {  	s9 =	sor.u32 $0xD0000000, s2;
	s6 =	simm.s32 $0x108;
	_ =	swait.ge @!p0 [sflag:s8], $0x0  }
0x24: {  	s3 =	sadd.s32 $0x88, s3;
	s6 =	simm.s32 @!p1 $0x1082;
	[sflag:s4] =	ssyncset.s32 $0xFFFFF086  }
0x25: {  	[simem:s6], [sflag:s4] =	dma.local [hbm:s3], $0xF7A  }
0x26: {  	[smem:$0x3F9F] =	sst s1;
	(tag) =	ssettag s2;
	_ =	strace s9  }
0x27: {  	s1 =	sld [smem:$0x3FAF]  }
0x28: {  	s2 =	sld [smem:$0x3FB0]  }
0x29: {  	s4 =	sld [smem:$0x3FB2]  }
0x2a: {  	p0 =	seq.s32 s5, $0x0;
	s5 =	sld [smem:$0x3FB3]  }
0x2b: {  	s6 =	sld [smem:$0x3FB4]  }
0x2c: {  	s7 =	sld [smem:$0x3FB5]  }
0x2d: {  	s3 =	simm.s32 $0x108;
	s8 =	sld [smem:$0x3FB6]  }
0x2e: {  	s3 =	simm.s32 @!p0 $0x1082;
	s9 =	sld [smem:$0x3FB7]  }
0x2f: {  	lr =	sadd.s32 s0, s3;
	s0 =	sld [smem:$0x3FAE]  }
0x30: {  	s3 =	sld [smem:$0x3FB1]  }
0x31: {  	[smem:$0x3FBA] =	sst s10  }
0x32: {  	s10 =	sld [smem:$0x3FB8];
	_ =	sdelay $0x3  }
0x33: {  	p0 =	seq.s32 s10, $0x1;
	s10 =	sld [smem:$0x3FBA];
	_ =	sdelay $0x3  }
0x34: {  	[smem:$0x3FBA] =	sst s10  }
0x35: {  	s10 =	sld [smem:$0x3FB9];
	_ =	sdelay $0x3  }
0x36: {  	p1 =	seq.s32 s10, $0x1;
	s10 =	sld [smem:$0x3FBA];
	_ =	sdelay $0x3  }
0x37: {  	[smem:$0x3FBA] =	sst s10  }
0x38: {  	s10 =	sld [smem:$0x3FBB]  }
0x39: {  	_ = 	snop;
	(pc) =	sbr.ind lr, $3  }
0x3a: {  	_ = 	snop  }
0x3b: {  	_ = 	snop  }
0x3c: {  	p2 =	seq.s32 s10, $0x1;
	s10 =	sld [smem:$0x3FBA]  }
0x3d: {  	_ =	shalt  }
0x3e: {  	_ =	shalt  }
0x3f: {  	_ =	shalt  }
0x40: {  	_ =	shalt  }
0x41: {  	_ =	shalt  }
0x42: {  	_ =	shalt  }
0x43: {  	_ =	shalt  }
0x44: {  	_ =	shalt  }
0x45: {  	_ =	shalt  }
0x46: {  	_ =	shalt  }
0x47: {  	_ =	shalt  }
0x48: {  	_ =	shalt  }
0x49: {  	_ =	shalt  }
0x4a: {  	_ =	shalt  }
0x4b: {  	_ =	shalt  }
0x4c: {  	_ =	shalt  }
0x4d: {  	_ =	shalt  }
0x4e: {  	_ =	shalt  }
0x4f: {  	_ =	shalt  }
0x50: {  	_ =	shalt  }
0x51: {  	_ =	shalt  }
0x52: {  	_ =	shalt  }
0x53: {  	_ =	shalt  }
0x54: {  	_ =	shalt  }
0x55: {  	_ =	shalt  }
0x56: {  	_ =	shalt  }
0x57: {  	_ =	shalt  }
0x58: {  	_ =	shalt  }
0x59: {  	_ =	shalt  }
0x5a: {  	_ =	shalt  }
0x5b: {  	_ =	shalt  }
0x5c: {  	_ =	shalt  }
0x5d: {  	_ =	shalt  }
0x5e: {  	_ =	shalt  }
0x5f: {  	_ =	shalt  }
0x60: {  	_ =	shalt  }
0x61: {  	_ =	shalt  }
0x62: {  	_ =	shalt  }
0x63: {  	_ =	shalt  }
0x64: {  	_ =	shalt  }
0x65: {  	_ =	shalt  }
0x66: {  	_ =	shalt  }
0x67: {  	_ =	shalt  }
0x68: {  	_ =	shalt  }
0x69: {  	_ =	shalt  }
0x6a: {  	_ =	shalt  }
0x6b: {  	_ =	shalt  }
0x6c: {  	_ =	shalt  }
0x6d: {  	_ =	shalt  }
0x6e: {  	_ =	shalt  }
0x6f: {  	_ =	shalt  }
0x70: {  	_ =	shalt  }
0x71: {  	_ =	shalt  }
0x72: {  	_ =	shalt  }
0x73: {  	_ =	shalt  }
0x74: {  	_ =	shalt  }
0x75: {  	_ =	shalt  }
0x76: {  	_ =	shalt  }
0x77: {  	_ =	shalt  }
0x78: {  	_ =	shalt  }
0x79: {  	_ =	shalt  }
0x7a: {  	_ =	shalt  }
0x7b: {  	_ =	shalt  }
0x7c: {  	_ =	shalt  }
0x7d: {  	_ =	shalt  }
0x7e: {  	_ =	shalt  }
0x7f: {  	_ =	shalt  }
0x80: {  	_ =	shalt  }
0x81: {  	_ =	shalt  }
0x82: {  	_ =	shalt  }
0x83: {  	_ =	shalt  }
0x84: {  	_ =	shalt  }
0x85: {  	_ =	shalt  }
0x86: {  	_ =	shalt  }
0x87: {  	_ =	shalt  }
.Lfunc_end0:
.L_simem_size_0:
called_computation_lowered:
.L_overlay_start_0:
0x88: {  	s2 =	sld [smem:$0x3FD9]  }
0x89: {  	s3 =	sld [smem:$0x3FFE];
	_ =	sdelay $0x1  }
0x8a: {  	s1 =	srdreg.scid  }
0x8b: {  	s0 =	sand.u32 $0x1, s1  }
0x8c: {  	s18 =	sshll.u32 s0, $0xA;
	s2 =	sadd.s32 s3, s2  }
0x8d: {  	s2 =	sadd.s32 s2, s18  }
0x8e: {  	[smem:$0x3FC6] =	sst s2  }
0x8f: {  	_ = 	snop  }
0x90: {  	s2 =	sld [smem:$0x3FC9]  }
0x91: {  	s19 =	sld [smem:$0x3FC8]  }
0x92: {  	s4 =	sld [smem:$0x3FD0];
	(tm) =	ssettm $0x1  }
0x93: {  	s5 =	sld [smem:$0x3FFB];
	_ =	sdelay $0x3  }
0x94: {  	_ =	strace s5  }
0x95: {  	s5 =	sld [smem:$0x3FFC];
	_ =	sdelay $0x3  }
0x96: {  	_ =	strace s5  }
0x97: {  	s5 =	sld [smem:$0x3FFD];
	_ =	sdelay $0x3  }
0x98: {  	_ =	strace s5  }
0x99: {  	_ =	strace $0x8FFFFFFF  }
0x9a: {  	s20 =	sld [smem:$0x3FDB];
	_ =	sdelay $0x1  }
0x9b: {  	s6 =	simm.s32 $_scs_section_size  }
0x9c: {  	s7 =	simm.s32 $_size__tile_overlayer_lowered;
	s8 =	simm.s32 $_tile_overlayer_lowered  }
0x9d: {  	s23 =	simm.s32 $0x1BFF;
	s22 =	sshll.u32 s8, $0x1;
	s5 =	sadd.s32 s6, s20  }
0x9e: {  	s9 =	simm.s32 $0x0;
	s21 =	sshll.u32 s7, $0x1;
	s7 =	sadd.s32 s22, s5  }
0x9f: {  	[timem:s9], [sflag:s23] =	dma.local [hbm:s7], s21  }
0xa0: {  	_ =	swait.ge [sflag:s23], s21  }
0xa1: {  	s6 =	ssub.s32 $0x0, s21;
	[sflag:s23] =	ssyncset.done $0x0  }
0xa2: {  	[sflag:s23] =	ssyncadd.s32 s6;
	_ =	sdelay $0x1  }
0xa3: {  	s24 =	simm.s32 $0x1B8B  }
0xa4: {  	_ =	swait.ge [sflag:s24], $0x1  }
0xa5: {  	[sflag:s24] =	ssyncset.done $0x0  }
0xa6: {  	s25 =	simm.s32 $0x1B8E;
	[sflag:s24] =	ssyncadd.s32 $0xFFFFFFFF  }
0xa7: {  	s26 =	simm.s32 $execute0_lowered;
	[smem:$0x3FD2] =	sst s25  }
0xa8: {  	s6 =	sshll.u32 s26, $0x1;
	_ =	strace $0x80000046;
	[dreg:$0x1] =	wrdreg $0xFFFFFFFF  }
0xa9: {  	s28 =	simm.s32 $_size_execute0_lowered;
	s5 =	sadd.s32 s5, s6;
	[dreg:$0x0] =	wrdreg $0x0  }
0xaa: {  	s6 =	sshll.u32 s28, $0x1;
	[dreg:$0x2] =	wrdreg s5  }
0xab: {  	[dreg:$0x3] =	wrdreg s6  }
0xac: {  	[dreg:$0x4] =	wrdreg $0xC0  }
0xad: {  	_ =	task [dreg:s9], $0x5FFFF  }
0xae: {  	[dreg:$0x1] =	wrdreg $0xFFFFFFFF  }
0xaf: {  	[dreg:$0x0] =	wrdreg $0x60  }
0xb0: {  	[dreg:$0x2] =	wrdreg s2  }
0xb1: {  	[dreg:$0x3] =	wrdreg s19  }
0xb2: {  	[dreg:$0x4] =	wrdreg s4  }
0xb3: {  	[dreg:$0x5] =	wrdreg $0x106000  }
0xb4: {  	[dreg:$0x6] =	wrdreg $0x9  }
0xb5: {  	_ =	task.clear_ibuf [dreg:s9], $0x7FFFF;
	_ =	strace $0x90000046  }
0xb6: {  	s29 =	simm.s32 $0x9;
	_ =	strace $0x80000048  }
0xb7: {  	_ =	swait.ge [sflag:s29], $0x1  }
0xb8: {  	[sflag:s29] =	ssyncadd.s32 $0xFFFFFFFF  }
0xb9: {  	_ =	strace $0x90000048  }
0xba: {  	_ =	sfence  }
0xbb: {  	s30 =	sld [smem:$0x0];
	_ =	sdelay $0x2  }
0xbc: {  	s31 =	sshll.u32 s1, $0xD;
	s1 =	sshrl.u32 s1, $0x2  }
0xbd: {  	s3 =	sand.u32 $0x4000, s31;
	s1 =	sadd.s32 s1, s30  }
0xbe: {  	s0 =	sor.u32 s3, s0;
	s1 =	sshll.u32 s1, $0x11  }
0xbf: {  	s0 =	sor.u32 s1, s0  }
0xc0: {  	s0 =	sadd.s32 $0x8F2B, s0  }
0xc1: {  	[sflag:s0] =	ssyncadd.remote.s32 $0x1  }
0xc2: {  	_ =	sfence.sel $0xFFFF  }
0xc3: {  	[dreg:$0x0] =	wrdreg $0xFFFFFFFF;
	(pc) =	sbr.abs _section_cstart, $3  }
0xc4: {  	[dreg:$0x1] =	wrdreg $0xFFFFFFFF  }
0xc5: {  	_ =	task.clear_ibuf [dreg:s9], $0x2FFFF;
	_ =	strace $0x9FFFFFFF  }
0xc6: {  	(tm) =	ssettm $0x7FFFFFFF  }
0xc7: {  	_ =	shalt  }
tec
execute0_lowered:
.L_overlay_start_1:
0x0: {  	(tag) =	ssettag $0x1  }
0x1: {  	s7 =	rddreg [dreg:$0x0]  }
0x2: {  	s0 =	srdreg.scid;
	s3 =	rddreg [dreg:$0x1];
	s1 =	simm.s32 $0x0  }
0x3: {  	s15 =	stileid.u32;
	s2 =	sand.u32 $0x1, s0;
	s0 =	rddreg [dreg:$0x2]  }
0x4: {  	[smem:$0x7FF] =	sst s1;
	s8 =	sshll.u32 s15, $0xC  }
0x5: {  	s9 =	sshll.u32 s15, $0x2;
	s20 =	sadd.s32 $0x2000, s7;
	s12 =	sadd.s32 $0x4000, s7  }
0x6: {  	s4 =	ssub.s32 $0x2, s2;
	s6 =	sshll.u32 s2, $0x8;
	s10 =	sshll.u32 s2, $0x12  }
0x7: {  	s11 =	sadd.s32 s3, s8;
	s5 =	sshrl.u32 s4, $0x1;
	s9 =	sor.u32 s9, s6  }
0x8: {  	s17 =	sadd.s32 s10, s11;
	s6 =	sadd.s32 $0x1800, s0;
	s18 =	sshll.u32 s9, $0x4  }
0x9: {  	s2 =	ssub.s32 s4, s5;
	[dreg:$0x5] =	wrdreg s17;
	s19 =	sadd.s32 s7, s18  }
0xa: {  	s13 =	sshll.u32 s9, $0xB;
	s21 =	sadd.s32 s18, s20;
	[dreg:$0x6] =	wrdreg s19  }
0xb: {  	s14 =	sor.u32 $0x40, s9;
	s4 =	sadd.s32 s18, s12;
	[dreg:$0x7] =	wrdreg s21  }
0xc: {  	s22 =	sshll.u32 s14, $0x4;
	s11 =	sadd.s32 s13, s6;
	[dreg:$0x8] =	wrdreg s4  }
0xd: {  	s8 =	sor.u32 s8, s10;
	s23 =	sadd.s32 s7, s22;
	[dreg:$0x19] =	wrdreg s11  }
0xe: {  	s24 =	sor.u32 $0x80, s9;
	s16 =	sadd.s32 s22, s20;
	[dreg:$0x9] =	wrdreg s23  }
0xf: {  	s25 =	sshll.u32 s24, $0x4;
	s10 =	sadd.s32 s22, s12;
	[dreg:$0xa] =	wrdreg s16  }
0x10: {  	s9 =	sor.u32 $0xC0, s9;
	s26 =	sadd.s32 s7, s25;
	[dreg:$0xb] =	wrdreg s10  }
0x11: {  	s18 =	sshll.u32 s9, $0x4;
	s17 =	sadd.s32 s25, s20;
	[dreg:$0xc] =	wrdreg s26  }
0x12: {  	s7 =	sadd.s32 s7, s18;
	[dreg:$0xd] =	wrdreg s17  }
0x13: {  	s19 =	sadd.s32 s18, s20;
	[dreg:$0xf] =	wrdreg s7  }
0x14: {  	s14 =	sshll.u32 s14, $0xB;
	s20 =	sadd.s32 s18, s12;
	[dreg:$0x10] =	wrdreg s19  }
0x15: {  	s5 =	sadd.s32 $0x800, s0;
	s18 =	sadd.s32 s0, s14;
	[dreg:$0x11] =	wrdreg s20  }
0x16: {  	s21 =	sor.u32 $0x100000, s13;
	s10 =	sadd.s32 s25, s12;
	[dreg:$0x1e] =	wrdreg s18  }
0x17: {  	s3 =	sadd.s32 s8, s3;
	s22 =	sadd.s32 s0, s21;
	[dreg:$0xe] =	wrdreg s10  }
0x18: {  	s4 =	sadd.s32 $0x1000, s0;
	s23 =	sadd.s32 s21, s5;
	[dreg:$0x12] =	wrdreg s22  }
0x19: {  	s8 =	sshll.u32 s24, $0xB;
	s24 =	sadd.s32 s21, s4;
	[dreg:$0x13] =	wrdreg s23  }
0x1a: {  	s7 =	sshll.u32 s9, $0xB;
	s9 =	sadd.s32 s21, s6;
	[dreg:$0x14] =	wrdreg s24  }
0x1b: {  	s25 =	sadd.s32 s0, s13;
	[dreg:$0x15] =	wrdreg s9  }
0x1c: {  	s26 =	sadd.s32 s13, s5;
	[dreg:$0x16] =	wrdreg s25  }
0x1d: {  	s19 =	sadd.s32 s14, s5;
	[dreg:$0x17] =	wrdreg s26  }
0x1e: {  	s20 =	sadd.s32 s14, s4;
	[dreg:$0x1f] =	wrdreg s19  }
0x1f: {  	s21 =	sadd.s32 s14, s6;
	[smem:$0x7D7] =	sst s20  }
0x20: {  	s18 =	sadd.s32 s8, s5;
	[smem:$0x7D8] =	sst s21  }
0x21: {  	s12 =	sor.u32 $0x200000, s13;
	s10 =	sadd.s32 s13, s4;
	[smem:$0x7E2] =	sst s18  }
0x22: {  	s13 =	sadd.s32 s0, s12;
	[dreg:$0x18] =	wrdreg s10  }
0x23: {  	s16 =	sadd.s32 s12, s5;
	[dreg:$0x1a] =	wrdreg s13  }
0x24: {  	s17 =	sadd.s32 s12, s4;
	[dreg:$0x1b] =	wrdreg s16  }
0x25: {  	s9 =	sadd.s32 s12, s6;
	[dreg:$0x1c] =	wrdreg s17  }
0x26: {  	s19 =	sadd.s32 s8, s4;
	[dreg:$0x1d] =	wrdreg s9  }
0x27: {  	s20 =	sadd.s32 s8, s6;
	[smem:$0x7E3] =	sst s19  }
0x28: {  	s22 =	sor.u32 $0x100000, s14;
	s18 =	sadd.s32 s7, s4;
	[smem:$0x7E4] =	sst s20  }
0x29: {  	s24 =	sadd.s32 s0, s22;
	[smem:$0x7F3] =	sst s18  }
0x2a: {  	s25 =	sadd.s32 s22, s5;
	[smem:$0x7D9] =	sst s24  }
0x2b: {  	s26 =	sadd.s32 s22, s4;
	[smem:$0x7DA] =	sst s25  }
0x2c: {  	s23 =	sor.u32 $0x200000, s14;
	s9 =	sadd.s32 s22, s6;
	[smem:$0x7DB] =	sst s26  }
0x2d: {  	s12 =	sadd.s32 s0, s23;
	[smem:$0x7DC] =	sst s9  }
0x2e: {  	s13 =	sadd.s32 s23, s5;
	[smem:$0x7DD] =	sst s12  }
0x2f: {  	s14 =	sadd.s32 s23, s4;
	[smem:$0x7DE] =	sst s13  }
0x30: {  	s16 =	sadd.s32 s23, s6;
	[smem:$0x7DF] =	sst s14  }
0x31: {  	s21 =	sor.u32 $0x100000, s8;
	s17 =	sadd.s32 s0, s8;
	[smem:$0x7E0] =	sst s16  }
0x32: {  	s22 =	sadd.s32 s0, s21;
	[smem:$0x7E1] =	sst s17  }
0x33: {  	s23 =	sadd.s32 s21, s5;
	[smem:$0x7E5] =	sst s22  }
0x34: {  	s19 =	sadd.s32 s7, s6;
	[smem:$0x7E6] =	sst s23  }
0x35: {  	s28 =	simm.s32 $0x7;
	s24 =	sadd.s32 s21, s4;
	[smem:$0x7F4] =	sst s19  }
0x36: {  	s8 =	sor.u32 $0x200000, s8;
	s9 =	sadd.s32 s21, s6;
	[smem:$0x7E7] =	sst s24  }
0x37: {  	s29 =	simm.s32 $0x300;
	s25 =	sadd.s32 s0, s8;
	[smem:$0x7E8] =	sst s9  }
0x38: {  	s30 =	simm.s32 $0x8;
	s26 =	sadd.s32 s8, s5;
	[smem:$0x7E9] =	sst s25  }
0x39: {  	s31 =	simm.s32 $0x380;
	s10 =	sadd.s32 s8, s4;
	[smem:$0x7EA] =	sst s26  }
0x3a: {  	s11 =	sor.u32 $0x100000, s7;
	s8 =	sadd.s32 s8, s6;
	[smem:$0x7EB] =	sst s10  }
0x3b: {  	s2 =	smax.u32 s2, $0x1;
	s12 =	sadd.s32 s0, s11;
	[smem:$0x7EC] =	sst s8  }
0x3c: {  	s18 =	simm.s32 $0x8600;
	s13 =	sadd.s32 s11, s5;
	[smem:$0x7ED] =	sst s12  }
0x3d: {  	s14 =	sadd.s32 s11, s4;
	s16 =	sadd.s32 s0, s7;
	[smem:$0x7EE] =	sst s13  }
0x3e: {  	s17 =	sadd.s32 s7, s5;
	s7 =	sor.u32 $0x200000, s7;
	[smem:$0x7EF] =	sst s14  }
0x3f: {  	s22 =	sshll.u32 s15, $0xF;
	s23 =	sshll.u32 s15, $0x6;
	[smem:$0x7F1] =	sst s16  }
0x40: {  	s19 =	simm.s32 $0x2;
	s8 =	sadd.s32 s11, s6;
	[smem:$0x7F2] =	sst s17  }
0x41: {  	s0 =	sadd.s32 s0, s7;
	s20 =	sadd.s32 s7, s5;
	s4 =	sadd.s32 s7, s4  }
0x42: {  	s21 =	sadd.s32 s7, s6;
	s5 =	sor.u32 $0x1C09, s23;
	[smem:$0x7F0] =	sst s8  }
0x43: {  	s24 =	sshll.u32 s15, $0x8;
	s25 =	sadd.s32 $0x10000, s3;
	[smem:$0x7F5] =	sst s0  }
0x44: {  	s26 =	sadd.s32 $0x20000, s3;
	s3 =	sadd.s32 $0x30000, s3;
	[smem:$0x7F6] =	sst s20  }
0x45: {  	s10 =	simm.s32 $0x9;
	s11 =	simm.s32 $0x200;
	s0 =	rddreg [dreg:$0x3]  }
0x46: {  	s12 =	simm.s32 $0x400;
	s13 =	simm.s32 $0x80;
	[smem:$0x7F7] =	sst s4  }
0x47: {  	s14 =	simm.s32 $0x600;
	s15 =	simm.s32 $0x4600;
	[smem:$0x7F8] =	sst s21  }
0x48: {  	s16 =	simm.s32 $0x1;
	_ =	strace $0x80000047;
	[smem:$0x7FA] =	sst s25  }
0x49: {  	s17 =	simm.s32 $0x100;
	s23 =	simm.s32 $0x5;
	[smem:$0x7FB] =	sst s26  }
0x4a: {  	s6 =	simm.s32 $0x0;
	s20 =	simm.s32 $0x180;
	[smem:$0x7FC] =	sst s3  }
0x4b: {  	s21 =	simm.s32 $0xC600;
	s4 =	sadd.s32 s22, s0;
	[smem:$0x7FD] =	sst s2  }
0x4c: {  	s22 =	simm.s32 $0x3;
	s25 =	simm.s32 $0x6;
	s26 =	simm.s32 $0x280  }
0x4d: {  	s2 =	simm.s32 $0x480;
	[smem:$0x7F9] =	sst s4;
	s4 =	sand.u32 $0x800, s24  }
0x4e: {  	s3 =	simm.s32 $0x500;
	s24 =	simm.s32 $0x4;
	v0 =	vmov s4;
	s4 =	simm.s32 $0x580  }
.LBB2_1:
0x4f: {  	s7 =	sld [smem:$0x7F9];
	_ =	sdelay $0x2  }
0x50: {  	s8 =	rddreg [dreg:$0x5];
	s7 =	sshrl.u32 s7, $0x3  }
0x51: {  	[spmem:s7], [sflag:s5] =	dma.local [hbm:s8], $0x1000  }
0x52: {  	_ =	swait.ge [sflag:s10], $0x1000  }
0x53: {  	[sflag:s10] =	ssyncset.done $0x0  }
0x54: {  	[sflag:s10] =	ssyncadd.s32 $0xFFFFF000  }
0x55: {  	[bflag:$0x0] =	sbarrier.arrive $0xFFFF  }
0x56: {  	s9 =	rddreg [dreg:$0x6]  }
0x57: {  	[tilespmem:s1], [sflag:$0x9] =	stream.linear.gather [hbm4b:s9+s1], $0x200, $0x38;
	[tilespmem:$0x18600] =	vst v63  }
0x58: {  	_ =	swait.ge [sflag:s10], $0x200  }
0x59: {  	[sflag:s10] =	ssyncset.done $0x0  }
0x5a: {  	s9 =	rddreg [dreg:$0x7];
	[sflag:s10] =	ssyncadd.s32 $0xFFFFFE00  }
0x5b: {  	[tilespmem:s11], [sflag:$0x9] =	stream.linear.gather [hbm4b:s9+s1], $0x200, $0x38;
	[tilespmem:$0x18600] =	vst v63  }
0x5c: {  	_ =	swait.ge [sflag:s10], $0x200  }
0x5d: {  	[sflag:s10] =	ssyncset.done $0x0  }
0x5e: {  	s9 =	rddreg [dreg:$0x8];
	[sflag:s10] =	ssyncadd.s32 $0xFFFFFE00  }
0x5f: {  	[tilespmem:s12], [sflag:$0x9] =	stream.linear.gather [hbm4b:s9+s1], $0x200, $0x38;
	[tilespmem:$0x18600] =	vst v63  }
0x60: {  	_ =	swait.ge [sflag:s10], $0x200  }
0x61: {  	[sflag:s10] =	ssyncset.done $0x0  }
0x62: {  	s8 =	simm.s32 $0x0;
	s9 =	simm.s32 $0x40;
	[sflag:s10] =	ssyncadd.s32 $0xFFFFFE00  }
.LBB2_2:
0x63: {  	p0 =	sne.s32 s9, $0x17C0;
	v1 =	vld [tilespmem:s8+$0x0];
	_ =	sdelay $0x1  }
.Ltmp0:
0x64: {  	(pc) =	sbr.rel @p0 .LBB2_2-.Ltmp0, $3  }
0x65: {  	_ =	sdelay $0x1  }
0x66: {  	v1 =	vadd.s32 v0, v1  }
0x67: {  	[tilespmem:s8+$0x0] =	vst v1;
	s8 =	sshra.s32 s9, $0x2;
	s9 =	sadd.s32 $0x40, s9  }
0x68: {  	v1 =	vld [tilespmem:s8+$0x0];
	_ =	sdelay $0x4  }
0x69: {  	v1 =	vadd.s32 v0, v1  }
0x6a: {  	[tilespmem:s8+$0x0] =	vst v1;
	s8 =	simm.s32 $0x0  }
0x6b: {  	[tilespmem:s14], [sflag:$0x1] =	stream.indirect.gather [spmem:s0], $0x80, s8, s13, $0xb8;
	[tilespmem:$0x18600] =	vst v63  }
0x6c: {  	_ = 	snop  }
0x6d: {  	[tilespmem:s15], [sflag:$0x2] =	stream.indirect.gather [spmem:s0], $0x80, s13, s13, $0xb8;
	[tilespmem:$0x18600] =	vst v63  }
0x6e: {  	_ =	swait.ge [sflag:s16], $0x4000  }
0x6f: {  	[sflag:s16] =	ssyncset.done $0x0  }
0x70: {  	s9 =	rddreg [dreg:$0x16];
	[sflag:s16] =	ssyncadd.s32 $0xFFFFC000  }
0x71: {  	[hbm4b:s9+s8] =	stream.linear.scatter [tilespmem:s14], [sflag:$0x5], $0x4000, $0x38;
	[tilespmem:$0x18600] =	vst v63  }
0x72: {  	_ = 	snop  }
0x73: {  	[tilespmem:s18], [sflag:$0x3] =	stream.indirect.gather [spmem:s0], $0x80, s17, s13, $0xb8;
	[tilespmem:$0x18600] =	vst v63  }
0x74: {  	_ =	swait.ge [sflag:s19], $0x4000  }
0x75: {  	[sflag:s19] =	ssyncset.done $0x0  }
0x76: {  	s9 =	rddreg [dreg:$0x17];
	[sflag:s19] =	ssyncadd.s32 $0xFFFFC000  }
0x77: {  	[hbm4b:s9+s8] =	stream.linear.scatter [tilespmem:s15], [sflag:$0x6], $0x4000, $0x38;
	[tilespmem:$0x18600] =	vst v63  }
0x78: {  	_ = 	snop  }
0x79: {  	[tilespmem:s21], [sflag:$0x4] =	stream.indirect.gather [spmem:s0], $0x80, s20, s13, $0xb8;
	[tilespmem:$0x18600] =	vst v63  }
0x7a: {  	_ =	swait.ge [sflag:s22], $0x4000  }
0x7b: {  	[sflag:s22] =	ssyncset.done $0x0  }
0x7c: {  	s9 =	rddreg [dreg:$0x18];
	[sflag:s22] =	ssyncadd.s32 $0xFFFFC000  }
0x7d: {  	[hbm4b:s9+s8] =	stream.linear.scatter [tilespmem:s18], [sflag:$0x7], $0x4000, $0x38;
	[tilespmem:$0x18600] =	vst v63  }
0x7e: {  	_ =	swait.ge [sflag:s23], $0x4000  }
0x7f: {  	[sflag:s23] =	ssyncset.done $0x0  }
0x80: {  	[sflag:s23] =	ssyncadd.s32 $0xFFFFC000  }
0x81: {  	[tilespmem:s14], [sflag:$0x1] =	stream.indirect.gather [spmem:s0], $0x80, s11, s13, $0xb8;
	[tilespmem:$0x18600] =	vst v63  }
0x82: {  	_ =	swait.ge [sflag:s24], $0x4000  }
0x83: {  	[sflag:s24] =	ssyncset.done $0x0  }
0x84: {  	s9 =	rddreg [dreg:$0x19];
	[sflag:s24] =	ssyncadd.s32 $0xFFFFC000  }
0x85: {  	[hbm4b:s9+s8] =	stream.linear.scatter [tilespmem:s21], [sflag:$0x8], $0x4000, $0x38;
	[tilespmem:$0x18600] =	vst v63  }
0x86: {  	_ =	swait.ge [sflag:s25], $0x4000  }
0x87: {  	[sflag:s25] =	ssyncset.done $0x0  }
0x88: {  	[sflag:s25] =	ssyncadd.s32 $0xFFFFC000  }
0x89: {  	[tilespmem:s15], [sflag:$0x2] =	stream.indirect.gather [spmem:s0], $0x80, s26, s13, $0xb8;
	[tilespmem:$0x18600] =	vst v63  }
0x8a: {  	_ =	swait.ge [sflag:s16], $0x4000  }
0x8b: {  	[sflag:s16] =	ssyncset.done $0x0  }
0x8c: {  	s9 =	rddreg [dreg:$0x12];
	[sflag:s16] =	ssyncadd.s32 $0xFFFFC000  }
0x8d: {  	[hbm4b:s9+s8] =	stream.linear.scatter [tilespmem:s14], [sflag:$0x5], $0x4000, $0x38;
	[tilespmem:$0x18600] =	vst v63  }
0x8e: {  	_ =	swait.ge [sflag:s28], $0x4000  }
0x8f: {  	[sflag:s28] =	ssyncset.done $0x0  }
0x90: {  	[sflag:s28] =	ssyncadd.s32 $0xFFFFC000  }
0x91: {  	[tilespmem:s18], [sflag:$0x3] =	stream.indirect.gather [spmem:s0], $0x80, s29, s13, $0xb8;
	[tilespmem:$0x18600] =	vst v63  }
0x92: {  	_ =	swait.ge [sflag:s19], $0x4000  }
0x93: {  	[sflag:s19] =	ssyncset.done $0x0  }
0x94: {  	s9 =	rddreg [dreg:$0x13];
	[sflag:s19] =	ssyncadd.s32 $0xFFFFC000  }
0x95: {  	[hbm4b:s9+s8] =	stream.linear.scatter [tilespmem:s15], [sflag:$0x6], $0x4000, $0x38;
	[tilespmem:$0x18600] =	vst v63  }
0x96: {  	_ =	swait.ge [sflag:s30], $0x4000  }
0x97: {  	[sflag:s30] =	ssyncset.done $0x0  }
0x98: {  	[sflag:s30] =	ssyncadd.s32 $0xFFFFC000  }
0x99: {  	[tilespmem:s21], [sflag:$0x4] =	stream.indirect.gather [spmem:s0], $0x80, s31, s13, $0xb8;
	[tilespmem:$0x18600] =	vst v63  }
0x9a: {  	_ =	swait.ge [sflag:s22], $0x4000  }
0x9b: {  	[sflag:s22] =	ssyncset.done $0x0  }
0x9c: {  	s9 =	rddreg [dreg:$0x14];
	[sflag:s22] =	ssyncadd.s32 $0xFFFFC000  }
0x9d: {  	[hbm4b:s9+s8] =	stream.linear.scatter [tilespmem:s18], [sflag:$0x7], $0x4000, $0x38;
	[tilespmem:$0x18600] =	vst v63  }
0x9e: {  	_ =	swait.ge [sflag:s23], $0x4000  }
0x9f: {  	[sflag:s23] =	ssyncset.done $0x0  }
0xa0: {  	[sflag:s23] =	ssyncadd.s32 $0xFFFFC000  }
0xa1: {  	[tilespmem:s14], [sflag:$0x1] =	stream.indirect.gather [spmem:s0], $0x80, s12, s13, $0xb8;
	[tilespmem:$0x18600] =	vst v63  }
0xa2: {  	_ =	swait.ge [sflag:s24], $0x4000  }
0xa3: {  	[sflag:s24] =	ssyncset.done $0x0  }
0xa4: {  	s9 =	rddreg [dreg:$0x15];
	[sflag:s24] =	ssyncadd.s32 $0xFFFFC000  }
0xa5: {  	[hbm4b:s9+s8] =	stream.linear.scatter [tilespmem:s21], [sflag:$0x8], $0x4000, $0x38;
	[tilespmem:$0x18600] =	vst v63  }
0xa6: {  	_ =	swait.ge [sflag:s25], $0x4000  }
0xa7: {  	[sflag:s25] =	ssyncset.done $0x0  }
0xa8: {  	[sflag:s25] =	ssyncadd.s32 $0xFFFFC000  }
0xa9: {  	[tilespmem:s15], [sflag:$0x2] =	stream.indirect.gather [spmem:s0], $0x80, s2, s13, $0xb8;
	[tilespmem:$0x18600] =	vst v63  }
0xaa: {  	_ =	swait.ge [sflag:s16], $0x4000  }
0xab: {  	[sflag:s16] =	ssyncset.done $0x0  }
0xac: {  	s9 =	rddreg [dreg:$0x1a];
	[sflag:s16] =	ssyncadd.s32 $0xFFFFC000  }
0xad: {  	[hbm4b:s9+s8] =	stream.linear.scatter [tilespmem:s14], [sflag:$0x5], $0x4000, $0x38;
	[tilespmem:$0x18600] =	vst v63  }
0xae: {  	_ =	swait.ge [sflag:s28], $0x4000  }
0xaf: {  	[sflag:s28] =	ssyncset.done $0x0  }
0xb0: {  	[sflag:s28] =	ssyncadd.s32 $0xFFFFC000  }
0xb1: {  	[tilespmem:s18], [sflag:$0x3] =	stream.indirect.gather [spmem:s0], $0x80, s3, s13, $0xb8;
	[tilespmem:$0x18600] =	vst v63  }
0xb2: {  	_ =	swait.ge [sflag:s19], $0x4000  }
0xb3: {  	[sflag:s19] =	ssyncset.done $0x0  }
0xb4: {  	s9 =	rddreg [dreg:$0x1b];
	[sflag:s19] =	ssyncadd.s32 $0xFFFFC000  }
0xb5: {  	[hbm4b:s9+s8] =	stream.linear.scatter [tilespmem:s15], [sflag:$0x6], $0x4000, $0x38;
	[tilespmem:$0x18600] =	vst v63  }
0xb6: {  	_ =	swait.ge [sflag:s30], $0x4000  }
0xb7: {  	[sflag:s30] =	ssyncset.done $0x0  }
0xb8: {  	[sflag:s30] =	ssyncadd.s32 $0xFFFFC000  }
0xb9: {  	[tilespmem:s21], [sflag:$0x4] =	stream.indirect.gather [spmem:s0], $0x80, s4, s13, $0xb8;
	[tilespmem:$0x18600] =	vst v63  }
0xba: {  	_ =	swait.ge [sflag:s22], $0x4000  }
0xbb: {  	[sflag:s22] =	ssyncset.done $0x0  }
0xbc: {  	s9 =	rddreg [dreg:$0x1c];
	[sflag:s22] =	ssyncadd.s32 $0xFFFFC000  }
0xbd: {  	[hbm4b:s9+s8] =	stream.linear.scatter [tilespmem:s18], [sflag:$0x7], $0x4000, $0x38;
	[tilespmem:$0x18600] =	vst v63  }
0xbe: {  	_ =	swait.ge [sflag:s23], $0x4000  }
0xbf: {  	[sflag:s23] =	ssyncset.done $0x0  }
0xc0: {  	[sflag:s23] =	ssyncadd.s32 $0xFFFFC000  }
0xc1: {  	_ =	swait.ge [sflag:s24], $0x4000  }
0xc2: {  	[sflag:s24] =	ssyncset.done $0x0  }
0xc3: {  	s9 =	rddreg [dreg:$0x1d];
	[sflag:s24] =	ssyncadd.s32 $0xFFFFC000  }
0xc4: {  	[hbm4b:s9+s8] =	stream.linear.scatter [tilespmem:s21], [sflag:$0x8], $0x4000, $0x38;
	[tilespmem:$0x18600] =	vst v63  }
0xc5: {  	_ =	swait.ge [sflag:s25], $0x4000  }
0xc6: {  	[sflag:s25] =	ssyncset.done $0x0  }
0xc7: {  	[sflag:s25] =	ssyncadd.s32 $0xFFFFC000  }
0xc8: {  	_ =	swait.ge [sflag:s28], $0x4000  }
0xc9: {  	[sflag:s28] =	ssyncset.done $0x0  }
0xca: {  	[sflag:s28] =	ssyncadd.s32 $0xFFFFC000  }
0xcb: {  	_ =	swait.ge [sflag:s30], $0x4000  }
0xcc: {  	[sflag:s30] =	ssyncset.done $0x0  }
0xcd: {  	[sflag:s30] =	ssyncadd.s32 $0xFFFFC000  }
0xce: {  	[bflag:$0x0] =	sbarrier.arrive $0xFFFF  }
0xcf: {  	s9 =	sld [smem:$0x7FA];
	_ =	sdelay $0x2  }
0xd0: {  	[spmem:s7], [sflag:s5] =	dma.local [hbm:s9], $0x1000  }
0xd1: {  	_ =	swait.ge [sflag:s10], $0x1000  }
0xd2: {  	[sflag:s10] =	ssyncset.done $0x0  }
0xd3: {  	[sflag:s10] =	ssyncadd.s32 $0xFFFFF000  }
0xd4: {  	[bflag:$0x0] =	sbarrier.arrive $0xFFFF  }
0xd5: {  	s9 =	rddreg [dreg:$0x9]  }
0xd6: {  	[tilespmem:s8], [sflag:$0x9] =	stream.linear.gather [hbm4b:s9+s8], $0x200, $0x38;
	[tilespmem:$0x18600] =	vst v63  }
0xd7: {  	_ =	swait.ge [sflag:s10], $0x200  }
0xd8: {  	[sflag:s10] =	ssyncset.done $0x0  }
0xd9: {  	s9 =	rddreg [dreg:$0xa];
	[sflag:s10] =	ssyncadd.s32 $0xFFFFFE00  }
0xda: {  	[tilespmem:s11], [sflag:$0x9] =	stream.linear.gather [hbm4b:s9+s8], $0x200, $0x38;
	[tilespmem:$0x18600] =	vst v63  }
0xdb: {  	_ =	swait.ge [sflag:s10], $0x200  }
0xdc: {  	[sflag:s10] =	ssyncset.done $0x0  }
0xdd: {  	s9 =	rddreg [dreg:$0xb];
	[sflag:s10] =	ssyncadd.s32 $0xFFFFFE00  }
0xde: {  	[tilespmem:s12], [sflag:$0x9] =	stream.linear.gather [hbm4b:s9+s8], $0x200, $0x38;
	[tilespmem:$0x18600] =	vst v63  }
0xdf: {  	_ =	swait.ge [sflag:s10], $0x200  }
0xe0: {  	[sflag:s10] =	ssyncset.done $0x0  }
0xe1: {  	s8 =	simm.s32 $0x0;
	s9 =	simm.s32 $0x40;
	[sflag:s10] =	ssyncadd.s32 $0xFFFFFE00  }
.LBB2_4:
0xe2: {  	p0 =	sne.s32 s9, $0x17C0;
	v1 =	vld [tilespmem:s8+$0x0];
	_ =	sdelay $0x1  }
.Ltmp1:
0xe3: {  	(pc) =	sbr.rel @p0 .LBB2_4-.Ltmp1, $3  }
0xe4: {  	_ =	sdelay $0x1  }
0xe5: {  	v1 =	vadd.s32 v0, v1  }
0xe6: {  	[tilespmem:s8+$0x0] =	vst v1;
	s8 =	sshra.s32 s9, $0x2;
	s9 =	sadd.s32 $0x40, s9  }
0xe7: {  	v1 =	vld [tilespmem:s8+$0x0];
	_ =	sdelay $0x4  }
0xe8: {  	v1 =	vadd.s32 v0, v1  }
0xe9: {  	[tilespmem:s8+$0x0] =	vst v1;
	s8 =	simm.s32 $0x0  }
0xea: {  	[tilespmem:s14], [sflag:$0x1] =	stream.indirect.gather [spmem:s0], $0x80, s8, s13, $0xb8;
	[tilespmem:$0x18600] =	vst v63  }
0xeb: {  	_ = 	snop  }
0xec: {  	[tilespmem:s15], [sflag:$0x2] =	stream.indirect.gather [spmem:s0], $0x80, s13, s13, $0xb8;
	[tilespmem:$0x18600] =	vst v63  }
0xed: {  	_ =	swait.ge [sflag:s16], $0x4000  }
0xee: {  	[sflag:s16] =	ssyncset.done $0x0  }
0xef: {  	s9 =	rddreg [dreg:$0x1e];
	[sflag:s16] =	ssyncadd.s32 $0xFFFFC000  }
0xf0: {  	[hbm4b:s9+s8] =	stream.linear.scatter [tilespmem:s14], [sflag:$0x5], $0x4000, $0x38;
	[tilespmem:$0x18600] =	vst v63  }
0xf1: {  	_ = 	snop  }
0xf2: {  	[tilespmem:s18], [sflag:$0x3] =	stream.indirect.gather [spmem:s0], $0x80, s17, s13, $0xb8;
	[tilespmem:$0x18600] =	vst v63  }
0xf3: {  	_ =	swait.ge [sflag:s19], $0x4000  }
0xf4: {  	[sflag:s19] =	ssyncset.done $0x0  }
0xf5: {  	s9 =	rddreg [dreg:$0x1f];
	[sflag:s19] =	ssyncadd.s32 $0xFFFFC000  }
0xf6: {  	[hbm4b:s9+s8] =	stream.linear.scatter [tilespmem:s15], [sflag:$0x6], $0x4000, $0x38;
	[tilespmem:$0x18600] =	vst v63  }
0xf7: {  	_ = 	snop  }
0xf8: {  	[tilespmem:s21], [sflag:$0x4] =	stream.indirect.gather [spmem:s0], $0x80, s20, s13, $0xb8;
	[tilespmem:$0x18600] =	vst v63  }
0xf9: {  	_ =	swait.ge [sflag:s22], $0x4000  }
0xfa: {  	s9 =	sld [smem:$0x7D7]  }
0xfb: {  	[sflag:s22] =	ssyncset.done $0x0  }
0xfc: {  	[sflag:s22] =	ssyncadd.s32 $0xFFFFC000  }
0xfd: {  	[hbm4b:s9+s8] =	stream.linear.scatter [tilespmem:s18], [sflag:$0x7], $0x4000, $0x38;
	[tilespmem:$0x18600] =	vst v63  }
0xfe: {  	_ =	swait.ge [sflag:s23], $0x4000  }
0xff: {  	[sflag:s23] =	ssyncset.done $0x0  }
0x100: {  	[sflag:s23] =	ssyncadd.s32 $0xFFFFC000  }
0x101: {  	[tilespmem:s14], [sflag:$0x1] =	stream.indirect.gather [spmem:s0], $0x80, s11, s13, $0xb8;
	[tilespmem:$0x18600] =	vst v63  }
0x102: {  	_ =	swait.ge [sflag:s24], $0x4000  }
0x103: {  	s9 =	sld [smem:$0x7D8]  }
0x104: {  	[sflag:s24] =	ssyncset.done $0x0  }
0x105: {  	[sflag:s24] =	ssyncadd.s32 $0xFFFFC000  }
0x106: {  	[hbm4b:s9+s8] =	stream.linear.scatter [tilespmem:s21], [sflag:$0x8], $0x4000, $0x38;
	[tilespmem:$0x18600] =	vst v63  }
0x107: {  	_ =	swait.ge [sflag:s25], $0x4000  }
0x108: {  	[sflag:s25] =	ssyncset.done $0x0  }
0x109: {  	[sflag:s25] =	ssyncadd.s32 $0xFFFFC000  }
0x10a: {  	[tilespmem:s15], [sflag:$0x2] =	stream.indirect.gather [spmem:s0], $0x80, s26, s13, $0xb8;
	[tilespmem:$0x18600] =	vst v63  }
0x10b: {  	_ =	swait.ge [sflag:s16], $0x4000  }
0x10c: {  	s9 =	sld [smem:$0x7D9]  }
0x10d: {  	[sflag:s16] =	ssyncset.done $0x0  }
0x10e: {  	[sflag:s16] =	ssyncadd.s32 $0xFFFFC000  }
0x10f: {  	[hbm4b:s9+s8] =	stream.linear.scatter [tilespmem:s14], [sflag:$0x5], $0x4000, $0x38;
	[tilespmem:$0x18600] =	vst v63  }
0x110: {  	_ =	swait.ge [sflag:s28], $0x4000  }
0x111: {  	[sflag:s28] =	ssyncset.done $0x0  }
0x112: {  	[sflag:s28] =	ssyncadd.s32 $0xFFFFC000  }
0x113: {  	[tilespmem:s18], [sflag:$0x3] =	stream.indirect.gather [spmem:s0], $0x80, s29, s13, $0xb8;
	[tilespmem:$0x18600] =	vst v63  }
0x114: {  	_ =	swait.ge [sflag:s19], $0x4000  }
0x115: {  	s9 =	sld [smem:$0x7DA]  }
0x116: {  	[sflag:s19] =	ssyncset.done $0x0  }
0x117: {  	[sflag:s19] =	ssyncadd.s32 $0xFFFFC000  }
0x118: {  	[hbm4b:s9+s8] =	stream.linear.scatter [tilespmem:s15], [sflag:$0x6], $0x4000, $0x38;
	[tilespmem:$0x18600] =	vst v63  }
0x119: {  	_ =	swait.ge [sflag:s30], $0x4000  }
0x11a: {  	[sflag:s30] =	ssyncset.done $0x0  }
0x11b: {  	[sflag:s30] =	ssyncadd.s32 $0xFFFFC000  }
0x11c: {  	[tilespmem:s21], [sflag:$0x4] =	stream.indirect.gather [spmem:s0], $0x80, s31, s13, $0xb8;
	[tilespmem:$0x18600] =	vst v63  }
0x11d: {  	_ =	swait.ge [sflag:s22], $0x4000  }
0x11e: {  	s9 =	sld [smem:$0x7DB]  }
0x11f: {  	[sflag:s22] =	ssyncset.done $0x0  }
0x120: {  	[sflag:s22] =	ssyncadd.s32 $0xFFFFC000  }
0x121: {  	[hbm4b:s9+s8] =	stream.linear.scatter [tilespmem:s18], [sflag:$0x7], $0x4000, $0x38;
	[tilespmem:$0x18600] =	vst v63  }
0x122: {  	_ =	swait.ge [sflag:s23], $0x4000  }
0x123: {  	[sflag:s23] =	ssyncset.done $0x0  }
0x124: {  	[sflag:s23] =	ssyncadd.s32 $0xFFFFC000  }
0x125: {  	[tilespmem:s14], [sflag:$0x1] =	stream.indirect.gather [spmem:s0], $0x80, s12, s13, $0xb8;
	[tilespmem:$0x18600] =	vst v63  }
0x126: {  	_ =	swait.ge [sflag:s24], $0x4000  }
0x127: {  	s9 =	sld [smem:$0x7DC]  }
0x128: {  	[sflag:s24] =	ssyncset.done $0x0  }
0x129: {  	[sflag:s24] =	ssyncadd.s32 $0xFFFFC000  }
0x12a: {  	[hbm4b:s9+s8] =	stream.linear.scatter [tilespmem:s21], [sflag:$0x8], $0x4000, $0x38;
	[tilespmem:$0x18600] =	vst v63  }
0x12b: {  	_ =	swait.ge [sflag:s25], $0x4000  }
0x12c: {  	[sflag:s25] =	ssyncset.done $0x0  }
0x12d: {  	[sflag:s25] =	ssyncadd.s32 $0xFFFFC000  }
0x12e: {  	[tilespmem:s15], [sflag:$0x2] =	stream.indirect.gather [spmem:s0], $0x80, s2, s13, $0xb8;
	[tilespmem:$0x18600] =	vst v63  }
0x12f: {  	_ =	swait.ge [sflag:s16], $0x4000  }
0x130: {  	s9 =	sld [smem:$0x7DD]  }
0x131: {  	[sflag:s16] =	ssyncset.done $0x0  }
0x132: {  	[sflag:s16] =	ssyncadd.s32 $0xFFFFC000  }
0x133: {  	[hbm4b:s9+s8] =	stream.linear.scatter [tilespmem:s14], [sflag:$0x5], $0x4000, $0x38;
	[tilespmem:$0x18600] =	vst v63  }
0x134: {  	_ =	swait.ge [sflag:s28], $0x4000  }
0x135: {  	[sflag:s28] =	ssyncset.done $0x0  }
0x136: {  	[sflag:s28] =	ssyncadd.s32 $0xFFFFC000  }
0x137: {  	[tilespmem:s18], [sflag:$0x3] =	stream.indirect.gather [spmem:s0], $0x80, s3, s13, $0xb8;
	[tilespmem:$0x18600] =	vst v63  }
0x138: {  	_ =	swait.ge [sflag:s19], $0x4000  }
0x139: {  	s9 =	sld [smem:$0x7DE]  }
0x13a: {  	[sflag:s19] =	ssyncset.done $0x0  }
0x13b: {  	[sflag:s19] =	ssyncadd.s32 $0xFFFFC000  }
0x13c: {  	[hbm4b:s9+s8] =	stream.linear.scatter [tilespmem:s15], [sflag:$0x6], $0x4000, $0x38;
	[tilespmem:$0x18600] =	vst v63  }
0x13d: {  	_ =	swait.ge [sflag:s30], $0x4000  }
0x13e: {  	[sflag:s30] =	ssyncset.done $0x0  }
0x13f: {  	[sflag:s30] =	ssyncadd.s32 $0xFFFFC000  }
0x140: {  	[tilespmem:s21], [sflag:$0x4] =	stream.indirect.gather [spmem:s0], $0x80, s4, s13, $0xb8;
	[tilespmem:$0x18600] =	vst v63  }
0x141: {  	_ =	swait.ge [sflag:s22], $0x4000  }
0x142: {  	s9 =	sld [smem:$0x7DF]  }
0x143: {  	[sflag:s22] =	ssyncset.done $0x0  }
0x144: {  	[sflag:s22] =	ssyncadd.s32 $0xFFFFC000  }
0x145: {  	[hbm4b:s9+s8] =	stream.linear.scatter [tilespmem:s18], [sflag:$0x7], $0x4000, $0x38;
	[tilespmem:$0x18600] =	vst v63  }
0x146: {  	_ =	swait.ge [sflag:s23], $0x4000  }
0x147: {  	[sflag:s23] =	ssyncset.done $0x0  }
0x148: {  	[sflag:s23] =	ssyncadd.s32 $0xFFFFC000  }
0x149: {  	_ =	swait.ge [sflag:s24], $0x4000  }
0x14a: {  	s9 =	sld [smem:$0x7E0]  }
0x14b: {  	[sflag:s24] =	ssyncset.done $0x0  }
0x14c: {  	[sflag:s24] =	ssyncadd.s32 $0xFFFFC000  }
0x14d: {  	[hbm4b:s9+s8] =	stream.linear.scatter [tilespmem:s21], [sflag:$0x8], $0x4000, $0x38;
	[tilespmem:$0x18600] =	vst v63  }
0x14e: {  	_ =	swait.ge [sflag:s25], $0x4000  }
0x14f: {  	[sflag:s25] =	ssyncset.done $0x0  }
0x150: {  	[sflag:s25] =	ssyncadd.s32 $0xFFFFC000  }
0x151: {  	_ =	swait.ge [sflag:s28], $0x4000  }
0x152: {  	[sflag:s28] =	ssyncset.done $0x0  }
0x153: {  	[sflag:s28] =	ssyncadd.s32 $0xFFFFC000  }
0x154: {  	_ =	swait.ge [sflag:s30], $0x4000  }
0x155: {  	[sflag:s30] =	ssyncset.done $0x0  }
0x156: {  	[sflag:s30] =	ssyncadd.s32 $0xFFFFC000  }
0x157: {  	[bflag:$0x0] =	sbarrier.arrive $0xFFFF  }
0x158: {  	s9 =	sld [smem:$0x7FB];
	_ =	sdelay $0x2  }
0x159: {  	[spmem:s7], [sflag:s5] =	dma.local [hbm:s9], $0x1000  }
0x15a: {  	_ =	swait.ge [sflag:s10], $0x1000  }
0x15b: {  	[sflag:s10] =	ssyncset.done $0x0  }
0x15c: {  	[sflag:s10] =	ssyncadd.s32 $0xFFFFF000  }
0x15d: {  	[bflag:$0x0] =	sbarrier.arrive $0xFFFF  }
0x15e: {  	s9 =	rddreg [dreg:$0xc]  }
0x15f: {  	[tilespmem:s8], [sflag:$0x9] =	stream.linear.gather [hbm4b:s9+s8], $0x200, $0x38;
	[tilespmem:$0x18600] =	vst v63  }
0x160: {  	_ =	swait.ge [sflag:s10], $0x200  }
0x161: {  	[sflag:s10] =	ssyncset.done $0x0  }
0x162: {  	s9 =	rddreg [dreg:$0xd];
	[sflag:s10] =	ssyncadd.s32 $0xFFFFFE00  }
0x163: {  	[tilespmem:s11], [sflag:$0x9] =	stream.linear.gather [hbm4b:s9+s8], $0x200, $0x38;
	[tilespmem:$0x18600] =	vst v63  }
0x164: {  	_ =	swait.ge [sflag:s10], $0x200  }
0x165: {  	[sflag:s10] =	ssyncset.done $0x0  }
0x166: {  	s9 =	rddreg [dreg:$0xe];
	[sflag:s10] =	ssyncadd.s32 $0xFFFFFE00  }
0x167: {  	[tilespmem:s12], [sflag:$0x9] =	stream.linear.gather [hbm4b:s9+s8], $0x200, $0x38;
	[tilespmem:$0x18600] =	vst v63  }
0x168: {  	_ =	swait.ge [sflag:s10], $0x200  }
0x169: {  	[sflag:s10] =	ssyncset.done $0x0  }
0x16a: {  	s8 =	simm.s32 $0x0;
	s9 =	simm.s32 $0x40;
	[sflag:s10] =	ssyncadd.s32 $0xFFFFFE00  }
.LBB2_6:
0x16b: {  	p0 =	sne.s32 s9, $0x17C0;
	v1 =	vld [tilespmem:s8+$0x0];
	_ =	sdelay $0x1  }
.Ltmp2:
0x16c: {  	(pc) =	sbr.rel @p0 .LBB2_6-.Ltmp2, $3  }
0x16d: {  	_ =	sdelay $0x1  }
0x16e: {  	v1 =	vadd.s32 v0, v1  }
0x16f: {  	[tilespmem:s8+$0x0] =	vst v1;
	s8 =	sshra.s32 s9, $0x2;
	s9 =	sadd.s32 $0x40, s9  }
0x170: {  	v1 =	vld [tilespmem:s8+$0x0];
	_ =	sdelay $0x4  }
0x171: {  	v1 =	vadd.s32 v0, v1  }
0x172: {  	[tilespmem:s8+$0x0] =	vst v1;
	s8 =	simm.s32 $0x0  }
0x173: {  	[tilespmem:s14], [sflag:$0x1] =	stream.indirect.gather [spmem:s0], $0x80, s8, s13, $0xb8;
	[tilespmem:$0x18600] =	vst v63  }
0x174: {  	_ = 	snop  }
0x175: {  	[tilespmem:s15], [sflag:$0x2] =	stream.indirect.gather [spmem:s0], $0x80, s13, s13, $0xb8;
	[tilespmem:$0x18600] =	vst v63  }
0x176: {  	_ =	swait.ge [sflag:s16], $0x4000  }
0x177: {  	s9 =	sld [smem:$0x7E1]  }
0x178: {  	[sflag:s16] =	ssyncset.done $0x0  }
0x179: {  	[sflag:s16] =	ssyncadd.s32 $0xFFFFC000  }
0x17a: {  	[hbm4b:s9+s8] =	stream.linear.scatter [tilespmem:s14], [sflag:$0x5], $0x4000, $0x38;
	[tilespmem:$0x18600] =	vst v63  }
0x17b: {  	_ = 	snop  }
0x17c: {  	[tilespmem:s18], [sflag:$0x3] =	stream.indirect.gather [spmem:s0], $0x80, s17, s13, $0xb8;
	[tilespmem:$0x18600] =	vst v63  }
0x17d: {  	_ =	swait.ge [sflag:s19], $0x4000  }
0x17e: {  	s9 =	sld [smem:$0x7E2]  }
0x17f: {  	[sflag:s19] =	ssyncset.done $0x0  }
0x180: {  	[sflag:s19] =	ssyncadd.s32 $0xFFFFC000  }
0x181: {  	[hbm4b:s9+s8] =	stream.linear.scatter [tilespmem:s15], [sflag:$0x6], $0x4000, $0x38;
	[tilespmem:$0x18600] =	vst v63  }
0x182: {  	_ = 	snop  }
0x183: {  	[tilespmem:s21], [sflag:$0x4] =	stream.indirect.gather [spmem:s0], $0x80, s20, s13, $0xb8;
	[tilespmem:$0x18600] =	vst v63  }
0x184: {  	_ =	swait.ge [sflag:s22], $0x4000  }
0x185: {  	s9 =	sld [smem:$0x7E3]  }
0x186: {  	[sflag:s22] =	ssyncset.done $0x0  }
0x187: {  	[sflag:s22] =	ssyncadd.s32 $0xFFFFC000  }
0x188: {  	[hbm4b:s9+s8] =	stream.linear.scatter [tilespmem:s18], [sflag:$0x7], $0x4000, $0x38;
	[tilespmem:$0x18600] =	vst v63  }
0x189: {  	_ =	swait.ge [sflag:s23], $0x4000  }
0x18a: {  	[sflag:s23] =	ssyncset.done $0x0  }
0x18b: {  	[sflag:s23] =	ssyncadd.s32 $0xFFFFC000  }
0x18c: {  	[tilespmem:s14], [sflag:$0x1] =	stream.indirect.gather [spmem:s0], $0x80, s11, s13, $0xb8;
	[tilespmem:$0x18600] =	vst v63  }
0x18d: {  	_ =	swait.ge [sflag:s24], $0x4000  }
0x18e: {  	s9 =	sld [smem:$0x7E4]  }
0x18f: {  	[sflag:s24] =	ssyncset.done $0x0  }
0x190: {  	[sflag:s24] =	ssyncadd.s32 $0xFFFFC000  }
0x191: {  	[hbm4b:s9+s8] =	stream.linear.scatter [tilespmem:s21], [sflag:$0x8], $0x4000, $0x38;
	[tilespmem:$0x18600] =	vst v63  }
0x192: {  	_ =	swait.ge [sflag:s25], $0x4000  }
0x193: {  	[sflag:s25] =	ssyncset.done $0x0  }
0x194: {  	[sflag:s25] =	ssyncadd.s32 $0xFFFFC000  }
0x195: {  	[tilespmem:s15], [sflag:$0x2] =	stream.indirect.gather [spmem:s0], $0x80, s26, s13, $0xb8;
	[tilespmem:$0x18600] =	vst v63  }
0x196: {  	_ =	swait.ge [sflag:s16], $0x4000  }
0x197: {  	s9 =	sld [smem:$0x7E5]  }
0x198: {  	[sflag:s16] =	ssyncset.done $0x0  }
0x199: {  	[sflag:s16] =	ssyncadd.s32 $0xFFFFC000  }
0x19a: {  	[hbm4b:s9+s8] =	stream.linear.scatter [tilespmem:s14], [sflag:$0x5], $0x4000, $0x38;
	[tilespmem:$0x18600] =	vst v63  }
0x19b: {  	_ =	swait.ge [sflag:s28], $0x4000  }
0x19c: {  	[sflag:s28] =	ssyncset.done $0x0  }
0x19d: {  	[sflag:s28] =	ssyncadd.s32 $0xFFFFC000  }
0x19e: {  	[tilespmem:s18], [sflag:$0x3] =	stream.indirect.gather [spmem:s0], $0x80, s29, s13, $0xb8;
	[tilespmem:$0x18600] =	vst v63  }
0x19f: {  	_ =	swait.ge [sflag:s19], $0x4000  }
0x1a0: {  	s9 =	sld [smem:$0x7E6]  }
0x1a1: {  	[sflag:s19] =	ssyncset.done $0x0  }
0x1a2: {  	[sflag:s19] =	ssyncadd.s32 $0xFFFFC000  }
0x1a3: {  	[hbm4b:s9+s8] =	stream.linear.scatter [tilespmem:s15], [sflag:$0x6], $0x4000, $0x38;
	[tilespmem:$0x18600] =	vst v63  }
0x1a4: {  	_ =	swait.ge [sflag:s30], $0x4000  }
0x1a5: {  	[sflag:s30] =	ssyncset.done $0x0  }
0x1a6: {  	[sflag:s30] =	ssyncadd.s32 $0xFFFFC000  }
0x1a7: {  	[tilespmem:s21], [sflag:$0x4] =	stream.indirect.gather [spmem:s0], $0x80, s31, s13, $0xb8;
	[tilespmem:$0x18600] =	vst v63  }
0x1a8: {  	_ =	swait.ge [sflag:s22], $0x4000  }
0x1a9: {  	s9 =	sld [smem:$0x7E7]  }
0x1aa: {  	[sflag:s22] =	ssyncset.done $0x0  }
0x1ab: {  	[sflag:s22] =	ssyncadd.s32 $0xFFFFC000  }
0x1ac: {  	[hbm4b:s9+s8] =	stream.linear.scatter [tilespmem:s18], [sflag:$0x7], $0x4000, $0x38;
	[tilespmem:$0x18600] =	vst v63  }
0x1ad: {  	_ =	swait.ge [sflag:s23], $0x4000  }
0x1ae: {  	[sflag:s23] =	ssyncset.done $0x0  }
0x1af: {  	[sflag:s23] =	ssyncadd.s32 $0xFFFFC000  }
0x1b0: {  	[tilespmem:s14], [sflag:$0x1] =	stream.indirect.gather [spmem:s0], $0x80, s12, s13, $0xb8;
	[tilespmem:$0x18600] =	vst v63  }
0x1b1: {  	_ =	swait.ge [sflag:s24], $0x4000  }
0x1b2: {  	s9 =	sld [smem:$0x7E8]  }
0x1b3: {  	[sflag:s24] =	ssyncset.done $0x0  }
0x1b4: {  	[sflag:s24] =	ssyncadd.s32 $0xFFFFC000  }
0x1b5: {  	[hbm4b:s9+s8] =	stream.linear.scatter [tilespmem:s21], [sflag:$0x8], $0x4000, $0x38;
	[tilespmem:$0x18600] =	vst v63  }
0x1b6: {  	_ =	swait.ge [sflag:s25], $0x4000  }
0x1b7: {  	[sflag:s25] =	ssyncset.done $0x0  }
0x1b8: {  	[sflag:s25] =	ssyncadd.s32 $0xFFFFC000  }
0x1b9: {  	[tilespmem:s15], [sflag:$0x2] =	stream.indirect.gather [spmem:s0], $0x80, s2, s13, $0xb8;
	[tilespmem:$0x18600] =	vst v63  }
0x1ba: {  	_ =	swait.ge [sflag:s16], $0x4000  }
0x1bb: {  	s9 =	sld [smem:$0x7E9]  }
0x1bc: {  	[sflag:s16] =	ssyncset.done $0x0  }
0x1bd: {  	[sflag:s16] =	ssyncadd.s32 $0xFFFFC000  }
0x1be: {  	[hbm4b:s9+s8] =	stream.linear.scatter [tilespmem:s14], [sflag:$0x5], $0x4000, $0x38;
	[tilespmem:$0x18600] =	vst v63  }
0x1bf: {  	_ =	swait.ge [sflag:s28], $0x4000  }
0x1c0: {  	[sflag:s28] =	ssyncset.done $0x0  }
0x1c1: {  	[sflag:s28] =	ssyncadd.s32 $0xFFFFC000  }
0x1c2: {  	[tilespmem:s18], [sflag:$0x3] =	stream.indirect.gather [spmem:s0], $0x80, s3, s13, $0xb8;
	[tilespmem:$0x18600] =	vst v63  }
0x1c3: {  	_ =	swait.ge [sflag:s19], $0x4000  }
0x1c4: {  	s9 =	sld [smem:$0x7EA]  }
0x1c5: {  	[sflag:s19] =	ssyncset.done $0x0  }
0x1c6: {  	[sflag:s19] =	ssyncadd.s32 $0xFFFFC000  }
0x1c7: {  	[hbm4b:s9+s8] =	stream.linear.scatter [tilespmem:s15], [sflag:$0x6], $0x4000, $0x38;
	[tilespmem:$0x18600] =	vst v63  }
0x1c8: {  	_ =	swait.ge [sflag:s30], $0x4000  }
0x1c9: {  	[sflag:s30] =	ssyncset.done $0x0  }
0x1ca: {  	[sflag:s30] =	ssyncadd.s32 $0xFFFFC000  }
0x1cb: {  	[tilespmem:s21], [sflag:$0x4] =	stream.indirect.gather [spmem:s0], $0x80, s4, s13, $0xb8;
	[tilespmem:$0x18600] =	vst v63  }
0x1cc: {  	_ =	swait.ge [sflag:s22], $0x4000  }
0x1cd: {  	s9 =	sld [smem:$0x7EB]  }
0x1ce: {  	[sflag:s22] =	ssyncset.done $0x0  }
0x1cf: {  	[sflag:s22] =	ssyncadd.s32 $0xFFFFC000  }
0x1d0: {  	[hbm4b:s9+s8] =	stream.linear.scatter [tilespmem:s18], [sflag:$0x7], $0x4000, $0x38;
	[tilespmem:$0x18600] =	vst v63  }
0x1d1: {  	_ =	swait.ge [sflag:s23], $0x4000  }
0x1d2: {  	[sflag:s23] =	ssyncset.done $0x0  }
0x1d3: {  	[sflag:s23] =	ssyncadd.s32 $0xFFFFC000  }
0x1d4: {  	_ =	swait.ge [sflag:s24], $0x4000  }
0x1d5: {  	s9 =	sld [smem:$0x7EC]  }
0x1d6: {  	[sflag:s24] =	ssyncset.done $0x0  }
0x1d7: {  	[sflag:s24] =	ssyncadd.s32 $0xFFFFC000  }
0x1d8: {  	[hbm4b:s9+s8] =	stream.linear.scatter [tilespmem:s21], [sflag:$0x8], $0x4000, $0x38;
	[tilespmem:$0x18600] =	vst v63  }
0x1d9: {  	_ =	swait.ge [sflag:s25], $0x4000  }
0x1da: {  	[sflag:s25] =	ssyncset.done $0x0  }
0x1db: {  	[sflag:s25] =	ssyncadd.s32 $0xFFFFC000  }
0x1dc: {  	_ =	swait.ge [sflag:s28], $0x4000  }
0x1dd: {  	[sflag:s28] =	ssyncset.done $0x0  }
0x1de: {  	[sflag:s28] =	ssyncadd.s32 $0xFFFFC000  }
0x1df: {  	_ =	swait.ge [sflag:s30], $0x4000  }
0x1e0: {  	[sflag:s30] =	ssyncset.done $0x0  }
0x1e1: {  	[sflag:s30] =	ssyncadd.s32 $0xFFFFC000  }
0x1e2: {  	[bflag:$0x0] =	sbarrier.arrive $0xFFFF  }
0x1e3: {  	s9 =	sld [smem:$0x7FC];
	_ =	sdelay $0x2  }
0x1e4: {  	[spmem:s7], [sflag:s5] =	dma.local [hbm:s9], $0x1000  }
0x1e5: {  	_ =	swait.ge [sflag:s10], $0x1000  }
0x1e6: {  	[sflag:s10] =	ssyncset.done $0x0  }
0x1e7: {  	[sflag:s10] =	ssyncadd.s32 $0xFFFFF000  }
0x1e8: {  	[bflag:$0x0] =	sbarrier.arrive $0xFFFF  }
0x1e9: {  	s9 =	rddreg [dreg:$0xf]  }
0x1ea: {  	[tilespmem:s8], [sflag:$0x9] =	stream.linear.gather [hbm4b:s9+s8], $0x200, $0x38;
	[tilespmem:$0x18600] =	vst v63  }
0x1eb: {  	_ =	swait.ge [sflag:s10], $0x200  }
0x1ec: {  	[sflag:s10] =	ssyncset.done $0x0  }
0x1ed: {  	s9 =	rddreg [dreg:$0x10];
	[sflag:s10] =	ssyncadd.s32 $0xFFFFFE00  }
0x1ee: {  	[tilespmem:s11], [sflag:$0x9] =	stream.linear.gather [hbm4b:s9+s8], $0x200, $0x38;
	[tilespmem:$0x18600] =	vst v63  }
0x1ef: {  	_ =	swait.ge [sflag:s10], $0x200  }
0x1f0: {  	[sflag:s10] =	ssyncset.done $0x0  }
0x1f1: {  	s9 =	rddreg [dreg:$0x11];
	[sflag:s10] =	ssyncadd.s32 $0xFFFFFE00  }
0x1f2: {  	[tilespmem:s12], [sflag:$0x9] =	stream.linear.gather [hbm4b:s9+s8], $0x200, $0x38;
	[tilespmem:$0x18600] =	vst v63  }
0x1f3: {  	_ =	swait.ge [sflag:s10], $0x200  }
0x1f4: {  	[sflag:s10] =	ssyncset.done $0x0  }
0x1f5: {  	s7 =	simm.s32 $0x0;
	s8 =	simm.s32 $0x40;
	[sflag:s10] =	ssyncadd.s32 $0xFFFFFE00  }
.LBB2_8:
0x1f6: {  	p0 =	sne.s32 s8, $0x17C0;
	v1 =	vld [tilespmem:s7+$0x0];
	_ =	sdelay $0x1  }
.Ltmp3:
0x1f7: {  	(pc) =	sbr.rel @p0 .LBB2_8-.Ltmp3, $3  }
0x1f8: {  	_ =	sdelay $0x1  }
0x1f9: {  	v1 =	vadd.s32 v0, v1  }
0x1fa: {  	[tilespmem:s7+$0x0] =	vst v1;
	s7 =	sshra.s32 s8, $0x2;
	s8 =	sadd.s32 $0x40, s8  }
0x1fb: {  	v1 =	vld [tilespmem:s7+$0x0];
	_ =	sdelay $0x4  }
0x1fc: {  	v1 =	vadd.s32 v0, v1  }
0x1fd: {  	[tilespmem:s7+$0x0] =	vst v1  }
0x1fe: {  	[tilespmem:s14], [sflag:$0x1] =	stream.indirect.gather [spmem:s0], $0x80, s1, s13, $0xb8;
	[tilespmem:$0x18600] =	vst v63  }
0x1ff: {  	_ = 	snop  }
0x200: {  	[tilespmem:s15], [sflag:$0x2] =	stream.indirect.gather [spmem:s0], $0x80, s13, s13, $0xb8;
	[tilespmem:$0x18600] =	vst v63  }
0x201: {  	_ =	swait.ge [sflag:s16], $0x4000  }
0x202: {  	s9 =	sld [smem:$0x7F1]  }
0x203: {  	[sflag:s16] =	ssyncset.done $0x0  }
0x204: {  	[sflag:s16] =	ssyncadd.s32 $0xFFFFC000  }
0x205: {  	[hbm4b:s9+s1] =	stream.linear.scatter [tilespmem:s14], [sflag:$0x5], $0x4000, $0x38;
	[tilespmem:$0x18600] =	vst v63  }
0x206: {  	_ = 	snop  }
0x207: {  	[tilespmem:s18], [sflag:$0x3] =	stream.indirect.gather [spmem:s0], $0x80, s17, s13, $0xb8;
	[tilespmem:$0x18600] =	vst v63  }
0x208: {  	_ =	swait.ge [sflag:s19], $0x4000  }
0x209: {  	s8 =	sld [smem:$0x7F2]  }
0x20a: {  	[sflag:s19] =	ssyncset.done $0x0  }
0x20b: {  	[sflag:s19] =	ssyncadd.s32 $0xFFFFC000  }
0x20c: {  	[hbm4b:s8+s1] =	stream.linear.scatter [tilespmem:s15], [sflag:$0x6], $0x4000, $0x38;
	[tilespmem:$0x18600] =	vst v63  }
0x20d: {  	_ = 	snop  }
0x20e: {  	[tilespmem:s21], [sflag:$0x4] =	stream.indirect.gather [spmem:s0], $0x80, s20, s13, $0xb8;
	[tilespmem:$0x18600] =	vst v63  }
0x20f: {  	_ =	swait.ge [sflag:s22], $0x4000  }
0x210: {  	s9 =	sld [smem:$0x7F3]  }
0x211: {  	[sflag:s22] =	ssyncset.done $0x0  }
0x212: {  	[sflag:s22] =	ssyncadd.s32 $0xFFFFC000  }
0x213: {  	[hbm4b:s9+s1] =	stream.linear.scatter [tilespmem:s18], [sflag:$0x7], $0x4000, $0x38;
	[tilespmem:$0x18600] =	vst v63  }
0x214: {  	_ =	swait.ge [sflag:s23], $0x4000  }
0x215: {  	[sflag:s23] =	ssyncset.done $0x0  }
0x216: {  	[sflag:s23] =	ssyncadd.s32 $0xFFFFC000  }
0x217: {  	[tilespmem:s14], [sflag:$0x1] =	stream.indirect.gather [spmem:s0], $0x80, s11, s13, $0xb8;
	[tilespmem:$0x18600] =	vst v63  }
0x218: {  	_ =	swait.ge [sflag:s24], $0x4000  }
0x219: {  	s8 =	sld [smem:$0x7F4]  }
0x21a: {  	[sflag:s24] =	ssyncset.done $0x0  }
0x21b: {  	[sflag:s24] =	ssyncadd.s32 $0xFFFFC000  }
0x21c: {  	[hbm4b:s8+s1] =	stream.linear.scatter [tilespmem:s21], [sflag:$0x8], $0x4000, $0x38;
	[tilespmem:$0x18600] =	vst v63  }
0x21d: {  	_ =	swait.ge [sflag:s25], $0x4000  }
0x21e: {  	[sflag:s25] =	ssyncset.done $0x0  }
0x21f: {  	[sflag:s25] =	ssyncadd.s32 $0xFFFFC000  }
0x220: {  	[tilespmem:s15], [sflag:$0x2] =	stream.indirect.gather [spmem:s0], $0x80, s26, s13, $0xb8;
	[tilespmem:$0x18600] =	vst v63  }
0x221: {  	_ =	swait.ge [sflag:s16], $0x4000  }
0x222: {  	s9 =	sld [smem:$0x7ED]  }
0x223: {  	[sflag:s16] =	ssyncset.done $0x0  }
0x224: {  	[sflag:s16] =	ssyncadd.s32 $0xFFFFC000  }
0x225: {  	[hbm4b:s9+s1] =	stream.linear.scatter [tilespmem:s14], [sflag:$0x5], $0x4000, $0x38;
	[tilespmem:$0x18600] =	vst v63  }
0x226: {  	_ =	swait.ge [sflag:s28], $0x4000  }
0x227: {  	[sflag:s28] =	ssyncset.done $0x0  }
0x228: {  	[sflag:s28] =	ssyncadd.s32 $0xFFFFC000  }
0x229: {  	[tilespmem:s18], [sflag:$0x3] =	stream.indirect.gather [spmem:s0], $0x80, s29, s13, $0xb8;
	[tilespmem:$0x18600] =	vst v63  }
0x22a: {  	_ =	swait.ge [sflag:s19], $0x4000  }
0x22b: {  	s8 =	sld [smem:$0x7EE]  }
0x22c: {  	[sflag:s19] =	ssyncset.done $0x0  }
0x22d: {  	[sflag:s19] =	ssyncadd.s32 $0xFFFFC000  }
0x22e: {  	[hbm4b:s8+s1] =	stream.linear.scatter [tilespmem:s15], [sflag:$0x6], $0x4000, $0x38;
	[tilespmem:$0x18600] =	vst v63  }
0x22f: {  	_ =	swait.ge [sflag:s30], $0x4000  }
0x230: {  	[sflag:s30] =	ssyncset.done $0x0  }
0x231: {  	[sflag:s30] =	ssyncadd.s32 $0xFFFFC000  }
0x232: {  	[tilespmem:s21], [sflag:$0x4] =	stream.indirect.gather [spmem:s0], $0x80, s31, s13, $0xb8;
	[tilespmem:$0x18600] =	vst v63  }
0x233: {  	_ =	swait.ge [sflag:s22], $0x4000  }
0x234: {  	s9 =	sld [smem:$0x7EF]  }
0x235: {  	[sflag:s22] =	ssyncset.done $0x0  }
0x236: {  	[sflag:s22] =	ssyncadd.s32 $0xFFFFC000  }
0x237: {  	[hbm4b:s9+s1] =	stream.linear.scatter [tilespmem:s18], [sflag:$0x7], $0x4000, $0x38;
	[tilespmem:$0x18600] =	vst v63  }
0x238: {  	_ =	swait.ge [sflag:s23], $0x4000  }
0x239: {  	[sflag:s23] =	ssyncset.done $0x0  }
0x23a: {  	[sflag:s23] =	ssyncadd.s32 $0xFFFFC000  }
0x23b: {  	[tilespmem:s14], [sflag:$0x1] =	stream.indirect.gather [spmem:s0], $0x80, s12, s13, $0xb8;
	[tilespmem:$0x18600] =	vst v63  }
0x23c: {  	_ =	swait.ge [sflag:s24], $0x4000  }
0x23d: {  	s8 =	sld [smem:$0x7F0]  }
0x23e: {  	[sflag:s24] =	ssyncset.done $0x0  }
0x23f: {  	[sflag:s24] =	ssyncadd.s32 $0xFFFFC000  }
0x240: {  	[hbm4b:s8+s1] =	stream.linear.scatter [tilespmem:s21], [sflag:$0x8], $0x4000, $0x38;
	[tilespmem:$0x18600] =	vst v63  }
0x241: {  	_ =	swait.ge [sflag:s25], $0x4000  }
0x242: {  	[sflag:s25] =	ssyncset.done $0x0  }
0x243: {  	[sflag:s25] =	ssyncadd.s32 $0xFFFFC000  }
0x244: {  	[tilespmem:s15], [sflag:$0x2] =	stream.indirect.gather [spmem:s0], $0x80, s2, s13, $0xb8;
	[tilespmem:$0x18600] =	vst v63  }
0x245: {  	_ =	swait.ge [sflag:s16], $0x4000  }
0x246: {  	s9 =	sld [smem:$0x7F5]  }
0x247: {  	[sflag:s16] =	ssyncset.done $0x0  }
0x248: {  	[sflag:s16] =	ssyncadd.s32 $0xFFFFC000  }
0x249: {  	[hbm4b:s9+s1] =	stream.linear.scatter [tilespmem:s14], [sflag:$0x5], $0x4000, $0x38;
	[tilespmem:$0x18600] =	vst v63  }
0x24a: {  	_ =	swait.ge [sflag:s28], $0x4000  }
0x24b: {  	[sflag:s28] =	ssyncset.done $0x0  }
0x24c: {  	[sflag:s28] =	ssyncadd.s32 $0xFFFFC000  }
0x24d: {  	[tilespmem:s18], [sflag:$0x3] =	stream.indirect.gather [spmem:s0], $0x80, s3, s13, $0xb8;
	[tilespmem:$0x18600] =	vst v63  }
0x24e: {  	_ =	swait.ge [sflag:s19], $0x4000  }
0x24f: {  	s8 =	sld [smem:$0x7F6]  }
0x250: {  	[sflag:s19] =	ssyncset.done $0x0  }
0x251: {  	[sflag:s19] =	ssyncadd.s32 $0xFFFFC000  }
0x252: {  	[hbm4b:s8+s1] =	stream.linear.scatter [tilespmem:s15], [sflag:$0x6], $0x4000, $0x38;
	[tilespmem:$0x18600] =	vst v63  }
0x253: {  	_ =	swait.ge [sflag:s30], $0x4000  }
0x254: {  	[sflag:s30] =	ssyncset.done $0x0  }
0x255: {  	[sflag:s30] =	ssyncadd.s32 $0xFFFFC000  }
0x256: {  	[tilespmem:s21], [sflag:$0x4] =	stream.indirect.gather [spmem:s0], $0x80, s4, s13, $0xb8;
	[tilespmem:$0x18600] =	vst v63  }
0x257: {  	_ =	swait.ge [sflag:s22], $0x4000  }
0x258: {  	s9 =	sld [smem:$0x7F7]  }
0x259: {  	[sflag:s22] =	ssyncset.done $0x0  }
0x25a: {  	[sflag:s22] =	ssyncadd.s32 $0xFFFFC000  }
0x25b: {  	[hbm4b:s9+s1] =	stream.linear.scatter [tilespmem:s18], [sflag:$0x7], $0x4000, $0x38;
	[tilespmem:$0x18600] =	vst v63  }
0x25c: {  	_ =	swait.ge [sflag:s23], $0x4000  }
0x25d: {  	[sflag:s23] =	ssyncset.done $0x0  }
0x25e: {  	[sflag:s23] =	ssyncadd.s32 $0xFFFFC000  }
0x25f: {  	_ =	swait.ge [sflag:s24], $0x4000  }
0x260: {  	s8 =	sld [smem:$0x7F8]  }
0x261: {  	[sflag:s24] =	ssyncset.done $0x0  }
0x262: {  	[sflag:s24] =	ssyncadd.s32 $0xFFFFC000  }
0x263: {  	[hbm4b:s8+s1] =	stream.linear.scatter [tilespmem:s21], [sflag:$0x8], $0x4000, $0x38;
	[tilespmem:$0x18600] =	vst v63  }
0x264: {  	_ =	swait.ge [sflag:s25], $0x4000  }
0x265: {  	[sflag:s25] =	ssyncset.done $0x0  }
0x266: {  	[sflag:s25] =	ssyncadd.s32 $0xFFFFC000  }
0x267: {  	_ =	swait.ge [sflag:s28], $0x4000  }
0x268: {  	[sflag:s28] =	ssyncset.done $0x0  }
0x269: {  	[sflag:s28] =	ssyncadd.s32 $0xFFFFC000  }
0x26a: {  	_ =	swait.ge [sflag:s30], $0x4000  }
0x26b: {  	s9 =	sld [smem:$0x7FD];
	_ =	sdelay $0x1  }
0x26c: {  	s6 =	sadd.s32 $0x1, s6  }
0x26d: {  	p0 =	sne.s32 s6, s9  }
.Ltmp4:
0x26e: {  	_ = 	snop;
	(pc) =	sbr.rel @p0 .LBB2_1-.Ltmp4, $3  }
0x26f: {  	[sflag:s30] =	ssyncset.done $0x0  }
0x270: {  	[sflag:s30] =	ssyncadd.s32 $0xFFFFC000  }
0x271: {  	[bflag:$0x0] =	sbarrier.arrive $0xFFFF;
	_ =	sdelay $0x1  }
0x272: {  	_ =	sfence.sel $0x180000  }
0x273: {  	[bflag:$0x0] =	sbarrier.arrive $0xFFFF  }
0x274: {  	_ =	strace $0x90000047  }
0x275: {  	s0 =	stileid.u32;
	[bflag:$0x2] =	sbarrier.arrive $0xFFFF  }
0x276: {  	p0 =	sne.s32 s0, $0x0;
	s0 =	rddreg [dreg:$0x4]  }
0x277: {  	s0 =	sadd.s32 @!p0 $0x100000, s0  }
0x278: {  	[sflag:s0] =	ssyncadd.tile.s32 @!p0 $0x1;
	_ =	shalt  }
.Lfunc_end2:
_tile_overlayer_lowered:
.L_overlay_start_2:
0x279: {  	(tag) =	ssettag $0x2  }
0x27a: {  	s0 =	rddreg [dreg:$0x0];
	s2 =	stileid.u32  }
0x27b: {  	s1 =	rddreg [dreg:$0x1];
	p0 =	sne.s32 s2, $0x0  }
0x27c: {  	s3 =	rddreg [dreg:$0x2];
	[bflag:$0x3] =	sbarrier.arrive $0xFFFF;
	s2 =	simm.s32 @!p0 $0x1C09  }
0x27d: {  	[timem:s3], [sflag:s2] =	dma.local @!p0 [hbm:s0], s1  }
0x27e: {  	s0 =	simm.s32 @!p0 $0x9  }
0x27f: {  	_ =	swait.ge @!p0 [sflag:s0], s1  }
0x280: {  	s1 =	ssub.s32 @!p0 $0x0, s1;
	[sflag:s0] =	ssyncset.done @!p0 $0x0  }
0x281: {  	[sflag:s0] =	ssyncadd.s32 @!p0 s1  }
0x282: {  	[bflag:$0x3] =	sbarrier.arrive $0xFFFF  }
0x283: {  	_ =	shalt  }

</sc_bundles>
